<compile_context>
chip_gen: v7x
topology: tpu7x:2x2x1
jax: 0.10.2.dev20260603
libtpu: 0.0.44.dev20260713+nightly
codegen_flags: <defaults>
</compile_context>

<pallas_src>
import functools

import jax
import jax.numpy as jnp
from jax import lax
from jax.experimental import pallas as pl
from jax.experimental.pallas import tpu as pltpu
from jax.experimental.pallas import tpu_sc as plsc

_LANES = 16


def _g_body(h_ref, w_ref, b_ref, g_ref):
    g = jnp.mean(h_ref[...], axis=1)
    g_ref[...] = (
        lax.dot_general(g, w_ref[...], (((1,), (1,)), ((), ())),
                        precision=lax.Precision.HIGHEST)
        + b_ref[...]
    )


def _compute_g(H_lr, W, b):
    Bsz, _, D = H_lr.shape
    return pl.pallas_call(
        _g_body,
        out_shape=jax.ShapeDtypeStruct((Bsz, D), jnp.float32),
    )(H_lr, W, b.reshape(1, D))


@functools.lru_cache(maxsize=None)
def _make_sc_add(hr_n, Bsz, D):
    info = plsc.get_sparse_core_info()
    nc, ns = info.num_cores, info.num_subcores
    nw = nc * ns
    max_r = max(8, (42 * 1024) // (D * 4))
    R = 8
    for cand in range(8, max_r + 1, 8):
        if hr_n % cand == 0:
            R = cand
    bpw = hr_n // (R * nw)
    main_rows = bpw * nw * R
    rem8 = (hr_n - main_rows) // 8
    npairs = bpw // 2
    nchunk = D // _LANES

    mesh = plsc.VectorSubcoreMesh(core_axis_name="c", subcore_axis_name="s")

    @functools.partial(
        pl.kernel,
        out_type=jax.ShapeDtypeStruct((Bsz, hr_n, D), jnp.float32),
        mesh=mesh,
        scratch_types=[
            pltpu.VMEM((Bsz, D), jnp.float32),
            pltpu.VMEM((2, R, D), jnp.float32),
            pltpu.VMEM((2, Bsz, R, D), jnp.float32),
            pltpu.SemaphoreType.DMA,
            pltpu.SemaphoreType.DMA,
            pltpu.SemaphoreType.DMA,
            pltpu.SemaphoreType.DMA,
        ],
    )
    def sc_add(table_hbm, g_hbm, out_hbm, g_v, in_v, out_v, si0, si1, so0, so1):
        wid = lax.axis_index("s") * nc + lax.axis_index("c")
        pltpu.sync_copy(g_hbm, g_v)
        sin = (si0, si1)
        sout = (so0, so1)

        def in_cp(t, slot):
            row0 = (wid + t * nw) * R
            return pltpu.make_async_copy(
                table_hbm.at[pl.ds(row0, R)], in_v.at[slot], sin[slot])

        def out_cp(t, slot):
            row0 = (wid + t * nw) * R
            return pltpu.make_async_copy(
                out_v.at[slot], out_hbm.at[:, pl.ds(row0, R)], sout[slot])

        gs = [[g_v[bb, pl.ds(_LANES * j, _LANES)] for j in range(nchunk)]
              for bb in range(Bsz)]

        def compute(slot, rows):
            def row_body(r, c, slot=slot):
                vin = [in_v[slot, r, pl.ds(_LANES * j, _LANES)]
                       for j in range(nchunk)]
                for bb in range(Bsz):
                    for j in range(nchunk):
                        sl = pl.ds(_LANES * j, _LANES)
                        out_v[slot, bb, r, sl] = vin[j] + gs[bb][j]
                return c

            lax.fori_loop(0, rows, row_body, 0)

        def step(t, slot, first):
            in_cp(t, slot).wait()
            if not first:
                out_cp(t, slot).wait()
            compute(slot, R)
            out_cp(t, slot).start()

            if isinstance(t, int):
                if t + 2 < bpw:
                    in_cp(t + 2, slot).start()
            else:
                @pl.when(t + 2 < bpw)
                def _():
                    in_cp(t + 2, slot).start()

        in_cp(0, 0).start()
        if bpw > 1:
            in_cp(1, 1).start()
        step(0, 0, True)
        if bpw > 1:
            step(1, 1, True)

        def pair_body(k, c):
            t = 2 * k
            step(t, 0, False)
            step(t + 1, 1, False)
            return c

        lax.fori_loop(1, npairs, pair_body, 0)

        if bpw % 2:
            step(bpw - 1, 0, bpw == 1)

        out_cp(0, 0).wait()
        if bpw > 1:
            out_cp(0, 1).wait()

        if rem8:
            @pl.when(wid < rem8)
            def _():
                row0 = main_rows + wid * 8
                pltpu.sync_copy(table_hbm.at[pl.ds(row0, 8)],
                                in_v.at[0, pl.ds(0, 8)])
                compute(0, 8)
                for bb in range(Bsz):
                    pltpu.sync_copy(out_v.at[0, bb, pl.ds(0, 8)],
                                    out_hbm.at[bb, pl.ds(row0, 8)])

    return sc_add


def kernel(H_lr, emb_table, W, b):
    hr_n, D = emb_table.shape
    Bsz = H_lr.shape[0]
    g = _compute_g(H_lr, W, b)
    return _make_sc_add(hr_n, Bsz, D)(emb_table, g)

# --- scband reference (transcript-rebuilt; emitter-appended) ---
"""Pipeline reference for scband-hrinitializer-41540923687650 (READ-ONLY COPY).

The authoritative reference and input builder live on the scoring server;
editing this copy changes nothing except your own understanding.
"""

import jax, jax.numpy as jnp
import numpy as np

HR_N = 100000
D_MODEL = 128
B = 4
LR_N = 1024

def setup_inputs(seed: int = 0) -> dict:
    key = jax.random.key(seed)
    k1, k2, k3, k4 = jax.random.split(key, 4)
    H_lr = jax.random.normal(k1, (B, LR_N, D_MODEL), dtype=jnp.float32)
    # nn.Embedding default init: N(0, 1)
    emb_table = jax.random.normal(k2, (HR_N, D_MODEL), dtype=jnp.float32)
    # nn.Linear default init: U(-1/sqrt(fan_in), 1/sqrt(fan_in))
    bound = 1.0 / np.sqrt(D_MODEL)
    W = jax.random.uniform(k3, (D_MODEL, D_MODEL), dtype=jnp.float32, minval=-bound, maxval=bound)
    b = jax.random.uniform(k4, (D_MODEL,), dtype=jnp.float32, minval=-bound, maxval=bound)
    return {"H_lr": H_lr, "emb_table": emb_table, "W": W, "b": b}

def reference(H_lr, emb_table, W, b):
    hr_n = emb_table.shape[0]
    Bsz = H_lr.shape[0]
    idx = jnp.arange(hr_n)
    # embedding lookup (gather)
    base = jnp.take(emb_table, idx, axis=0)  # (hr_n, d_model)
    base = jnp.broadcast_to(base[None, :, :], (Bsz, hr_n, base.shape[-1]))
    # global conditioning: pooled LR features projected
    g = jnp.mean(H_lr, axis=1)               # (B, d_model)
    g = g @ W.T + b                          # Linear
    return base + g[:, None, :]

if __name__ == "__main__":
    import jax
    _d = setup_inputs()
    print(jax.jit(kernel)(*tuple(_d.values())))

</pallas_src>

<mosaic_0001>
#map = affine_map<(d0, d1) -> (0, 0)>
#map1 = affine_map<(d0, d1) -> (0, 0, 0)>
module attributes {stable_mosaic.version = 14 : i64} {
  func.func @sc_add(%arg0: i32, %arg1: i32, %arg2: memref<100000x128xf32, #tpu.memory_space<hbm>>, %arg3: memref<4x128xf32, #tpu.memory_space<hbm>>, %arg4: memref<4x100000x128xf32, #tpu.memory_space<hbm>>, %arg5: memref<4x128xf32, #tpu.memory_space<vmem>>, %arg6: memref<2x80x128xf32, #tpu.memory_space<vmem>>, %arg7: memref<2x4x80x128xf32, #tpu.memory_space<vmem>>, %arg8: memref<!tpu.dma_semaphore, #tpu.memory_space<semaphore_mem>>, %arg9: memref<!tpu.dma_semaphore, #tpu.memory_space<semaphore_mem>>, %arg10: memref<!tpu.dma_semaphore, #tpu.memory_space<semaphore_mem>>, %arg11: memref<!tpu.dma_semaphore, #tpu.memory_space<semaphore_mem>>) attributes {dimension_semantics = [#tpu.dimension_semantics<core_parallel>, #tpu.dimension_semantics<subcore_parallel>], iteration_bounds = array<i64: 2, 16>, scalar_prefetch = 0 : i64, scratch_operands = 7 : i64, tpu.core_type = #tpu.core_type<sc_vector_subcore>, window_params = [{transform_indices = #map}, {transform_indices = #map}, {transform_indices = #map1}]} {
    %mul3A = arith.constant 2 : i32
    %mul3A_0 = arith.muli %arg1, %mul3A : i32
    %add3A = arith.addi %mul3A_0, %arg0 : i32
    "tpu.region"() ({
      %run_scoped3A = tpu.sem_alloc : memref<!tpu.dma_semaphore, #tpu.memory_space<semaphore_mem>>
      tpu.enqueue_dma source(%arg3 : memref<4x128xf32, #tpu.memory_space<hbm>>) target(%arg5 : memref<4x128xf32, #tpu.memory_space<vmem>>) target_semaphore(%run_scoped3A : memref<!tpu.dma_semaphore, #tpu.memory_space<semaphore_mem>>)
      tpu.wait_dma2 semaphore(%run_scoped3A : memref<!tpu.dma_semaphore, #tpu.memory_space<semaphore_mem>>) src(%arg3 : memref<4x128xf32, #tpu.memory_space<hbm>>) dst(%arg5 : memref<4x128xf32, #tpu.memory_space<vmem>>)
      tpu.yield
    }) : () -> ()
    %get3A = arith.constant 0 : i32
    %get3A_1 = arith.index_cast %get3A : i32 to index
    %get3A_2 = arith.constant 0 : index
    %get3A_3 = tpu.vector_load %arg5[%get3A_1, %get3A_2] {strides = array<i32>} : memref<4x128xf32, #tpu.memory_space<vmem>>, vector<1x16xf32>,
    %get3A_4 = vector.shape_cast %get3A_3 : vector<1x16xf32> to vector<16xf32>
    %get3A_5 = arith.constant 0 : i32
    %get3A_6 = arith.index_cast %get3A_5 : i32 to index
    %get3A_7 = arith.constant 16 : index
    %get3A_8 = tpu.vector_load %arg5[%get3A_6, %get3A_7] {strides = array<i32>} : memref<4x128xf32, #tpu.memory_space<vmem>>, vector<1x16xf32>,
    %get3A_9 = vector.shape_cast %get3A_8 : vector<1x16xf32> to vector<16xf32>
    %get3A_10 = arith.constant 0 : i32
    %get3A_11 = arith.index_cast %get3A_10 : i32 to index
    %get3A_12 = arith.constant 32 : index
    %get3A_13 = tpu.vector_load %arg5[%get3A_11, %get3A_12] {strides = array<i32>} : memref<4x128xf32, #tpu.memory_space<vmem>>, vector<1x16xf32>,
    %get3A_14 = vector.shape_cast %get3A_13 : vector<1x16xf32> to vector<16xf32>
    %get3A_15 = arith.constant 0 : i32
    %get3A_16 = arith.index_cast %get3A_15 : i32 to index
    %get3A_17 = arith.constant 48 : index
    %get3A_18 = tpu.vector_load %arg5[%get3A_16, %get3A_17] {strides = array<i32>} : memref<4x128xf32, #tpu.memory_space<vmem>>, vector<1x16xf32>,
    %get3A_19 = vector.shape_cast %get3A_18 : vector<1x16xf32> to vector<16xf32>
    %get3A_20 = arith.constant 0 : i32
    %get3A_21 = arith.index_cast %get3A_20 : i32 to index
    %get3A_22 = arith.constant 64 : index
    %get3A_23 = tpu.vector_load %arg5[%get3A_21, %get3A_22] {strides = array<i32>} : memref<4x128xf32, #tpu.memory_space<vmem>>, vector<1x16xf32>,
    %get3A_24 = vector.shape_cast %get3A_23 : vector<1x16xf32> to vector<16xf32>
    %get3A_25 = arith.constant 0 : i32
    %get3A_26 = arith.index_cast %get3A_25 : i32 to index
    %get3A_27 = arith.constant 80 : index
    %get3A_28 = tpu.vector_load %arg5[%get3A_26, %get3A_27] {strides = array<i32>} : memref<4x128xf32, #tpu.memory_space<vmem>>, vector<1x16xf32>,
    %get3A_29 = vector.shape_cast %get3A_28 : vector<1x16xf32> to vector<16xf32>
    %get3A_30 = arith.constant 0 : i32
    %get3A_31 = arith.index_cast %get3A_30 : i32 to index
    %get3A_32 = arith.constant 96 : index
    %get3A_33 = tpu.vector_load %arg5[%get3A_31, %get3A_32] {strides = array<i32>} : memref<4x128xf32, #tpu.memory_space<vmem>>, vector<1x16xf32>,
    %get3A_34 = vector.shape_cast %get3A_33 : vector<1x16xf32> to vector<16xf32>
    %get3A_35 = arith.constant 0 : i32
    %get3A_36 = arith.index_cast %get3A_35 : i32 to index
    %get3A_37 = arith.constant 112 : index
    %get3A_38 = tpu.vector_load %arg5[%get3A_36, %get3A_37] {strides = array<i32>} : memref<4x128xf32, #tpu.memory_space<vmem>>, vector<1x16xf32>,
    %get3A_39 = vector.shape_cast %get3A_38 : vector<1x16xf32> to vector<16xf32>
    %get3A_40 = arith.constant 1 : i32
    %get3A_41 = arith.index_cast %get3A_40 : i32 to index
    %get3A_42 = arith.constant 0 : index
    %get3A_43 = tpu.vector_load %arg5[%get3A_41, %get3A_42] {strides = array<i32>} : memref<4x128xf32, #tpu.memory_space<vmem>>, vector<1x16xf32>,
    %get3A_44 = vector.shape_cast %get3A_43 : vector<1x16xf32> to vector<16xf32>
    %get3A_45 = arith.constant 1 : i32
    %get3A_46 = arith.index_cast %get3A_45 : i32 to index
    %get3A_47 = arith.constant 16 : index
    %get3A_48 = tpu.vector_load %arg5[%get3A_46, %get3A_47] {strides = array<i32>} : memref<4x128xf32, #tpu.memory_space<vmem>>, vector<1x16xf32>,
    %get3A_49 = vector.shape_cast %get3A_48 : vector<1x16xf32> to vector<16xf32>
    %get3A_50 = arith.constant 1 : i32
    %get3A_51 = arith.index_cast %get3A_50 : i32 to index
    %get3A_52 = arith.constant 32 : index
    %get3A_53 = tpu.vector_load %arg5[%get3A_51, %get3A_52] {strides = array<i32>} : memref<4x128xf32, #tpu.memory_space<vmem>>, vector<1x16xf32>,
    %get3A_54 = vector.shape_cast %get3A_53 : vector<1x16xf32> to vector<16xf32>
    %get3A_55 = arith.constant 1 : i32
    %get3A_56 = arith.index_cast %get3A_55 : i32 to index
    %get3A_57 = arith.constant 48 : index
    %get3A_58 = tpu.vector_load %arg5[%get3A_56, %get3A_57] {strides = array<i32>} : memref<4x128xf32, #tpu.memory_space<vmem>>, vector<1x16xf32>,
    %get3A_59 = vector.shape_cast %get3A_58 : vector<1x16xf32> to vector<16xf32>
    %get3A_60 = arith.constant 1 : i32
    %get3A_61 = arith.index_cast %get3A_60 : i32 to index
    %get3A_62 = arith.constant 64 : index
    %get3A_63 = tpu.vector_load %arg5[%get3A_61, %get3A_62] {strides = array<i32>} : memref<4x128xf32, #tpu.memory_space<vmem>>, vector<1x16xf32>,
    %get3A_64 = vector.shape_cast %get3A_63 : vector<1x16xf32> to vector<16xf32>
    %get3A_65 = arith.constant 1 : i32
    %get3A_66 = arith.index_cast %get3A_65 : i32 to index
    %get3A_67 = arith.constant 80 : index
    %get3A_68 = tpu.vector_load %arg5[%get3A_66, %get3A_67] {strides = array<i32>} : memref<4x128xf32, #tpu.memory_space<vmem>>, vector<1x16xf32>,
    %get3A_69 = vector.shape_cast %get3A_68 : vector<1x16xf32> to vector<16xf32>
    %get3A_70 = arith.constant 1 : i32
    %get3A_71 = arith.index_cast %get3A_70 : i32 to index
    %get3A_72 = arith.constant 96 : index
    %get3A_73 = tpu.vector_load %arg5[%get3A_71, %get3A_72] {strides = array<i32>} : memref<4x128xf32, #tpu.memory_space<vmem>>, vector<1x16xf32>,
    %get3A_74 = vector.shape_cast %get3A_73 : vector<1x16xf32> to vector<16xf32>
    %get3A_75 = arith.constant 1 : i32
    %get3A_76 = arith.index_cast %get3A_75 : i32 to index
    %get3A_77 = arith.constant 112 : index
    %get3A_78 = tpu.vector_load %arg5[%get3A_76, %get3A_77] {strides = array<i32>} : memref<4x128xf32, #tpu.memory_space<vmem>>, vector<1x16xf32>,
    %get3A_79 = vector.shape_cast %get3A_78 : vector<1x16xf32> to vector<16xf32>
    %get3A_80 = arith.constant 2 : i32
    %get3A_81 = arith.index_cast %get3A_80 : i32 to index
    %get3A_82 = arith.constant 0 : index
    %get3A_83 = tpu.vector_load %arg5[%get3A_81, %get3A_82] {strides = array<i32>} : memref<4x128xf32, #tpu.memory_space<vmem>>, vector<1x16xf32>,
    %get3A_84 = vector.shape_cast %get3A_83 : vector<1x16xf32> to vector<16xf32>
    %get3A_85 = arith.constant 2 : i32
    %get3A_86 = arith.index_cast %get3A_85 : i32 to index
    %get3A_87 = arith.constant 16 : index
    %get3A_88 = tpu.vector_load %arg5[%get3A_86, %get3A_87] {strides = array<i32>} : memref<4x128xf32, #tpu.memory_space<vmem>>, vector<1x16xf32>,
    %get3A_89 = vector.shape_cast %get3A_88 : vector<1x16xf32> to vector<16xf32>
    %get3A_90 = arith.constant 2 : i32
    %get3A_91 = arith.index_cast %get3A_90 : i32 to index
    %get3A_92 = arith.constant 32 : index
    %get3A_93 = tpu.vector_load %arg5[%get3A_91, %get3A_92] {strides = array<i32>} : memref<4x128xf32, #tpu.memory_space<vmem>>, vector<1x16xf32>,
    %get3A_94 = vector.shape_cast %get3A_93 : vector<1x16xf32> to vector<16xf32>
    %get3A_95 = arith.constant 2 : i32
    %get3A_96 = arith.index_cast %get3A_95 : i32 to index
    %get3A_97 = arith.constant 48 : index
    %get3A_98 = tpu.vector_load %arg5[%get3A_96, %get3A_97] {strides = array<i32>} : memref<4x128xf32, #tpu.memory_space<vmem>>, vector<1x16xf32>,
    %get3A_99 = vector.shape_cast %get3A_98 : vector<1x16xf32> to vector<16xf32>
    %get3A_100 = arith.constant 2 : i32
    %get3A_101 = arith.index_cast %get3A_100 : i32 to index
    %get3A_102 = arith.constant 64 : index
    %get3A_103 = tpu.vector_load %arg5[%get3A_101, %get3A_102] {strides = array<i32>} : memref<4x128xf32, #tpu.memory_space<vmem>>, vector<1x16xf32>,
    %get3A_104 = vector.shape_cast %get3A_103 : vector<1x16xf32> to vector<16xf32>
    %get3A_105 = arith.constant 2 : i32
    %get3A_106 = arith.index_cast %get3A_105 : i32 to index
    %get3A_107 = arith.constant 80 : index
    %get3A_108 = tpu.vector_load %arg5[%get3A_106, %get3A_107] {strides = array<i32>} : memref<4x128xf32, #tpu.memory_space<vmem>>, vector<1x16xf32>,
    %get3A_109 = vector.shape_cast %get3A_108 : vector<1x16xf32> to vector<16xf32>
    %get3A_110 = arith.constant 2 : i32
    %get3A_111 = arith.index_cast %get3A_110 : i32 to index
    %get3A_112 = arith.constant 96 : index
    %get3A_113 = tpu.vector_load %arg5[%get3A_111, %get3A_112] {strides = array<i32>} : memref<4x128xf32, #tpu.memory_space<vmem>>, vector<1x16xf32>,
    %get3A_114 = vector.shape_cast %get3A_113 : vector<1x16xf32> to vector<16xf32>
    %get3A_115 = arith.constant 2 : i32
    %get3A_116 = arith.index_cast %get3A_115 : i32 to index
    %get3A_117 = arith.constant 112 : index
    %get3A_118 = tpu.vector_load %arg5[%get3A_116, %get3A_117] {strides = array<i32>} : memref<4x128xf32, #tpu.memory_space<vmem>>, vector<1x16xf32>,
    %get3A_119 = vector.shape_cast %get3A_118 : vector<1x16xf32> to vector<16xf32>
    %get3A_120 = arith.constant 3 : i32
    %get3A_121 = arith.index_cast %get3A_120 : i32 to index
    %get3A_122 = arith.constant 0 : index
    %get3A_123 = tpu.vector_load %arg5[%get3A_121, %get3A_122] {strides = array<i32>} : memref<4x128xf32, #tpu.memory_space<vmem>>, vector<1x16xf32>,
    %get3A_124 = vector.shape_cast %get3A_123 : vector<1x16xf32> to vector<16xf32>
    %get3A_125 = arith.constant 3 : i32
    %get3A_126 = arith.index_cast %get3A_125 : i32 to index
    %get3A_127 = arith.constant 16 : index
    %get3A_128 = tpu.vector_load %arg5[%get3A_126, %get3A_127] {strides = array<i32>} : memref<4x128xf32, #tpu.memory_space<vmem>>, vector<1x16xf32>,
    %get3A_129 = vector.shape_cast %get3A_128 : vector<1x16xf32> to vector<16xf32>
    %get3A_130 = arith.constant 3 : i32
    %get3A_131 = arith.index_cast %get3A_130 : i32 to index
    %get3A_132 = arith.constant 32 : index
    %get3A_133 = tpu.vector_load %arg5[%get3A_131, %get3A_132] {strides = array<i32>} : memref<4x128xf32, #tpu.memory_space<vmem>>, vector<1x16xf32>,
    %get3A_134 = vector.shape_cast %get3A_133 : vector<1x16xf32> to vector<16xf32>
    %get3A_135 = arith.constant 3 : i32
    %get3A_136 = arith.index_cast %get3A_135 : i32 to index
    %get3A_137 = arith.constant 48 : index
    %get3A_138 = tpu.vector_load %arg5[%get3A_136, %get3A_137] {strides = array<i32>} : memref<4x128xf32, #tpu.memory_space<vmem>>, vector<1x16xf32>,
    %get3A_139 = vector.shape_cast %get3A_138 : vector<1x16xf32> to vector<16xf32>
    %get3A_140 = arith.constant 3 : i32
    %get3A_141 = arith.index_cast %get3A_140 : i32 to index
    %get3A_142 = arith.constant 64 : index
    %get3A_143 = tpu.vector_load %arg5[%get3A_141, %get3A_142] {strides = array<i32>} : memref<4x128xf32, #tpu.memory_space<vmem>>, vector<1x16xf32>,
    %get3A_144 = vector.shape_cast %get3A_143 : vector<1x16xf32> to vector<16xf32>
    %get3A_145 = arith.constant 3 : i32
    %get3A_146 = arith.index_cast %get3A_145 : i32 to index
    %get3A_147 = arith.constant 80 : index
    %get3A_148 = tpu.vector_load %arg5[%get3A_146, %get3A_147] {strides = array<i32>} : memref<4x128xf32, #tpu.memory_space<vmem>>, vector<1x16xf32>,
    %get3A_149 = vector.shape_cast %get3A_148 : vector<1x16xf32> to vector<16xf32>
    %get3A_150 = arith.constant 3 : i32
    %get3A_151 = arith.index_cast %get3A_150 : i32 to index
    %get3A_152 = arith.constant 96 : index
    %get3A_153 = tpu.vector_load %arg5[%get3A_151, %get3A_152] {strides = array<i32>} : memref<4x128xf32, #tpu.memory_space<vmem>>, vector<1x16xf32>,
    %get3A_154 = vector.shape_cast %get3A_153 : vector<1x16xf32> to vector<16xf32>
    %get3A_155 = arith.constant 3 : i32
    %get3A_156 = arith.index_cast %get3A_155 : i32 to index
    %get3A_157 = arith.constant 112 : index
    %get3A_158 = tpu.vector_load %arg5[%get3A_156, %get3A_157] {strides = array<i32>} : memref<4x128xf32, #tpu.memory_space<vmem>>, vector<1x16xf32>,
    %get3A_159 = vector.shape_cast %get3A_158 : vector<1x16xf32> to vector<16xf32>
    %add3A_160 = arith.constant 0 : i32
    %add3A_161 = arith.addi %add3A, %add3A_160 : i32
    %mul3A_162 = arith.constant 80 : i32
    %mul3A_163 = arith.muli %add3A_161, %mul3A_162 : i32
    %dma_start3A = arith.constant 0 : i32
    %dma_start3A_164 = arith.constant 0 : i32
    %dma_start3A_165 = arith.constant 0 : i32
    %dma_start3A_166 = tpu.memref_slice %arg6[%dma_start3A, %dma_start3A_164, %dma_start3A_165] : memref<2x80x128xf32, #tpu.memory_space<vmem>> -> memref<1x80x128xf32, #tpu.memory_space<vmem>>
    %dma_start3A_167 = tpu.memref_squeeze %dma_start3A_166 : memref<1x80x128xf32, #tpu.memory_space<vmem>> -> memref<80x128xf32, #tpu.memory_space<vmem>>
    %dma_start3A_168 = arith.constant 0 : i32
    %dma_start3A_169 = tpu.memref_slice %arg2[%mul3A_163, %dma_start3A_168] : memref<100000x128xf32, #tpu.memory_space<hbm>> -> memref<80x128xf32, #tpu.memory_space<hbm>>
    %dma_start3A_170 = arith.constant 0 : i32
    %dma_start3A_171 = arith.constant 0 : i32
    %dma_start3A_172 = tpu.memref_slice %arg6[%dma_start3A, %dma_start3A_170, %dma_start3A_171] : memref<2x80x128xf32, #tpu.memory_space<vmem>> -> memref<1x80x128xf32, #tpu.memory_space<vmem>>
    %dma_start3A_173 = tpu.memref_squeeze %dma_start3A_172 : memref<1x80x128xf32, #tpu.memory_space<vmem>> -> memref<80x128xf32, #tpu.memory_space<vmem>>
    %dma_start3A_174 = arith.constant 0 : i32
    %dma_start3A_175 = tpu.memref_slice %arg2[%mul3A_163, %dma_start3A_174] : memref<100000x128xf32, #tpu.memory_space<hbm>> -> memref<80x128xf32, #tpu.memory_space<hbm>>
    tpu.enqueue_dma source(%dma_start3A_175 : memref<80x128xf32, #tpu.memory_space<hbm>>) target(%dma_start3A_173 : memref<80x128xf32, #tpu.memory_space<vmem>>) target_semaphore(%arg8 : memref<!tpu.dma_semaphore, #tpu.memory_space<semaphore_mem>>)
    %add3A_176 = arith.constant 32 : i32
    %add3A_177 = arith.addi %add3A, %add3A_176 : i32
    %mul3A_178 = arith.constant 80 : i32
    %mul3A_179 = arith.muli %add3A_177, %mul3A_178 : i32
    %dma_start3A_180 = arith.constant 1 : i32
    %dma_start3A_181 = arith.constant 0 : i32
    %dma_start3A_182 = arith.constant 0 : i32
    %dma_start3A_183 = tpu.memref_slice %arg6[%dma_start3A_180, %dma_start3A_181, %dma_start3A_182] : memref<2x80x128xf32, #tpu.memory_space<vmem>> -> memref<1x80x128xf32, #tpu.memory_space<vmem>>
    %dma_start3A_184 = tpu.memref_squeeze %dma_start3A_183 : memref<1x80x128xf32, #tpu.memory_space<vmem>> -> memref<80x128xf32, #tpu.memory_space<vmem>>
    %dma_start3A_185 = arith.constant 0 : i32
    %dma_start3A_186 = tpu.memref_slice %arg2[%mul3A_179, %dma_start3A_185] : memref<100000x128xf32, #tpu.memory_space<hbm>> -> memref<80x128xf32, #tpu.memory_space<hbm>>
    %dma_start3A_187 = arith.constant 0 : i32
    %dma_start3A_188 = arith.constant 0 : i32
    %dma_start3A_189 = tpu.memref_slice %arg6[%dma_start3A_180, %dma_start3A_187, %dma_start3A_188] : memref<2x80x128xf32, #tpu.memory_space<vmem>> -> memref<1x80x128xf32, #tpu.memory_space<vmem>>
    %dma_start3A_190 = tpu.memref_squeeze %dma_start3A_189 : memref<1x80x128xf32, #tpu.memory_space<vmem>> -> memref<80x128xf32, #tpu.memory_space<vmem>>
    %dma_start3A_191 = arith.constant 0 : i32
    %dma_start3A_192 = tpu.memref_slice %arg2[%mul3A_179, %dma_start3A_191] : memref<100000x128xf32, #tpu.memory_space<hbm>> -> memref<80x128xf32, #tpu.memory_space<hbm>>
    tpu.enqueue_dma source(%dma_start3A_192 : memref<80x128xf32, #tpu.memory_space<hbm>>) target(%dma_start3A_190 : memref<80x128xf32, #tpu.memory_space<vmem>>) target_semaphore(%arg9 : memref<!tpu.dma_semaphore, #tpu.memory_space<semaphore_mem>>)
    %add3A_193 = arith.constant 0 : i32
    %add3A_194 = arith.addi %add3A, %add3A_193 : i32
    %mul3A_195 = arith.constant 80 : i32
    %mul3A_196 = arith.muli %add3A_194, %mul3A_195 : i32
    %dma_wait3A = arith.constant 0 : i32
    %dma_wait3A_197 = arith.constant 0 : i32
    %dma_wait3A_198 = arith.constant 0 : i32
    %dma_wait3A_199 = tpu.memref_slice %arg6[%dma_wait3A, %dma_wait3A_197, %dma_wait3A_198] : memref<2x80x128xf32, #tpu.memory_space<vmem>> -> memref<1x80x128xf32, #tpu.memory_space<vmem>>
    %dma_wait3A_200 = tpu.memref_squeeze %dma_wait3A_199 : memref<1x80x128xf32, #tpu.memory_space<vmem>> -> memref<80x128xf32, #tpu.memory_space<vmem>>
    %dma_wait3A_201 = arith.constant 0 : i32
    %dma_wait3A_202 = tpu.memref_slice %arg2[%mul3A_196, %dma_wait3A_201] : memref<100000x128xf32, #tpu.memory_space<hbm>> -> memref<80x128xf32, #tpu.memory_space<hbm>>
    %dma_wait3A_203 = arith.constant 0 : i32
    %dma_wait3A_204 = arith.constant 0 : i32
    %dma_wait3A_205 = tpu.memref_slice %arg6[%dma_wait3A, %dma_wait3A_203, %dma_wait3A_204] : memref<2x80x128xf32, #tpu.memory_space<vmem>> -> memref<1x80x128xf32, #tpu.memory_space<vmem>>
    %dma_wait3A_206 = tpu.memref_squeeze %dma_wait3A_205 : memref<1x80x128xf32, #tpu.memory_space<vmem>> -> memref<80x128xf32, #tpu.memory_space<vmem>>
    %dma_wait3A_207 = arith.constant 0 : i32
    %dma_wait3A_208 = tpu.memref_slice %arg2[%mul3A_196, %dma_wait3A_207] : memref<100000x128xf32, #tpu.memory_space<hbm>> -> memref<80x128xf32, #tpu.memory_space<hbm>>
    tpu.wait_dma2 semaphore(%arg8 : memref<!tpu.dma_semaphore, #tpu.memory_space<semaphore_mem>>) src(%dma_wait3A_208 : memref<80x128xf32, #tpu.memory_space<hbm>>) dst(%dma_wait3A_206 : memref<80x128xf32, #tpu.memory_space<vmem>>)
    %scan3A = arith.constant 0 : i32
    %scan3A_209 = arith.constant 0 : i32
    %scan3A_210 = arith.constant 80 : i32
    %scan3A_211 = arith.addi %scan3A_209, %scan3A_210 : i32
    %scan3A_212 = arith.constant 1 : i32
    scf.for %scan3A_428 = %scan3A_209 to %scan3A_211 step %scan3A_212  : i32 {
      %get3A_429 = arith.constant 0 : i32
      %get3A_430 = arith.index_cast %get3A_429 : i32 to index
      %get3A_431 = arith.index_cast %scan3A_428 : i32 to index
      %get3A_432 = arith.constant 0 : index
      %get3A_433 = tpu.vector_load %arg6[%get3A_430, %get3A_431, %get3A_432] {strides = array<i32>} : memref<2x80x128xf32, #tpu.memory_space<vmem>>, vector<1x1x16xf32>,
      %get3A_434 = vector.shape_cast %get3A_433 : vector<1x1x16xf32> to vector<16xf32>
      %get3A_435 = arith.constant 0 : i32
      %get3A_436 = arith.index_cast %get3A_435 : i32 to index
      %get3A_437 = arith.index_cast %scan3A_428 : i32 to index
      %get3A_438 = arith.constant 16 : index
      %get3A_439 = tpu.vector_load %arg6[%get3A_436, %get3A_437, %get3A_438] {strides = array<i32>} : memref<2x80x128xf32, #tpu.memory_space<vmem>>, vector<1x1x16xf32>,
      %get3A_440 = vector.shape_cast %get3A_439 : vector<1x1x16xf32> to vector<16xf32>
      %get3A_441 = arith.constant 0 : i32
      %get3A_442 = arith.index_cast %get3A_441 : i32 to index
      %get3A_443 = arith.index_cast %scan3A_428 : i32 to index
      %get3A_444 = arith.constant 32 : index
      %get3A_445 = tpu.vector_load %arg6[%get3A_442, %get3A_443, %get3A_444] {strides = array<i32>} : memref<2x80x128xf32, #tpu.memory_space<vmem>>, vector<1x1x16xf32>,
      %get3A_446 = vector.shape_cast %get3A_445 : vector<1x1x16xf32> to vector<16xf32>
      %get3A_447 = arith.constant 0 : i32
      %get3A_448 = arith.index_cast %get3A_447 : i32 to index
      %get3A_449 = arith.index_cast %scan3A_428 : i32 to index
      %get3A_450 = arith.constant 48 : index
      %get3A_451 = tpu.vector_load %arg6[%get3A_448, %get3A_449, %get3A_450] {strides = array<i32>} : memref<2x80x128xf32, #tpu.memory_space<vmem>>, vector<1x1x16xf32>,
      %get3A_452 = vector.shape_cast %get3A_451 : vector<1x1x16xf32> to vector<16xf32>
      %get3A_453 = arith.constant 0 : i32
      %get3A_454 = arith.index_cast %get3A_453 : i32 to index
      %get3A_455 = arith.index_cast %scan3A_428 : i32 to index
      %get3A_456 = arith.constant 64 : index
      %get3A_457 = tpu.vector_load %arg6[%get3A_454, %get3A_455, %get3A_456] {strides = array<i32>} : memref<2x80x128xf32, #tpu.memory_space<vmem>>, vector<1x1x16xf32>,
      %get3A_458 = vector.shape_cast %get3A_457 : vector<1x1x16xf32> to vector<16xf32>
      %get3A_459 = arith.constant 0 : i32
      %get3A_460 = arith.index_cast %get3A_459 : i32 to index
      %get3A_461 = arith.index_cast %scan3A_428 : i32 to index
      %get3A_462 = arith.constant 80 : index
      %get3A_463 = tpu.vector_load %arg6[%get3A_460, %get3A_461, %get3A_462] {strides = array<i32>} : memref<2x80x128xf32, #tpu.memory_space<vmem>>, vector<1x1x16xf32>,
      %get3A_464 = vector.shape_cast %get3A_463 : vector<1x1x16xf32> to vector<16xf32>
      %get3A_465 = arith.constant 0 : i32
      %get3A_466 = arith.index_cast %get3A_465 : i32 to index
      %get3A_467 = arith.index_cast %scan3A_428 : i32 to index
      %get3A_468 = arith.constant 96 : index
      %get3A_469 = tpu.vector_load %arg6[%get3A_466, %get3A_467, %get3A_468] {strides = array<i32>} : memref<2x80x128xf32, #tpu.memory_space<vmem>>, vector<1x1x16xf32>,
      %get3A_470 = vector.shape_cast %get3A_469 : vector<1x1x16xf32> to vector<16xf32>
      %get3A_471 = arith.constant 0 : i32
      %get3A_472 = arith.index_cast %get3A_471 : i32 to index
      %get3A_473 = arith.index_cast %scan3A_428 : i32 to index
      %get3A_474 = arith.constant 112 : index
      %get3A_475 = tpu.vector_load %arg6[%get3A_472, %get3A_473, %get3A_474] {strides = array<i32>} : memref<2x80x128xf32, #tpu.memory_space<vmem>>, vector<1x1x16xf32>,
      %get3A_476 = vector.shape_cast %get3A_475 : vector<1x1x16xf32> to vector<16xf32>
      %add3A_477 = arith.addf %get3A_434, %get3A_4 : vector<16xf32>
      %swap3A = arith.constant 0 : i32
      %swap3A_478 = arith.constant 0 : i32
      %swap3A_479 = arith.index_cast %swap3A : i32 to index
      %swap3A_480 = arith.index_cast %swap3A_478 : i32 to index
      %swap3A_481 = arith.index_cast %scan3A_428 : i32 to index
      %swap3A_482 = arith.constant 0 : index
      %swap3A_483 = tpu.vector_load %arg7[%swap3A_479, %swap3A_480, %swap3A_481, %swap3A_482] {strides = array<i32>} : memref<2x4x80x128xf32, #tpu.memory_space<vmem>>, vector<1x1x1x16xf32>,
      %swap3A_484 = vector.shape_cast %swap3A_483 : vector<1x1x1x16xf32> to vector<16xf32>
      %swap3A_485 = vector.shape_cast %add3A_477 : vector<16xf32> to vector<1x1x1x16xf32>
      tpu.vector_store %arg7[%swap3A_479, %swap3A_480, %swap3A_481, %swap3A_482], %swap3A_485 {strides = array<i32>} : memref<2x4x80x128xf32, #tpu.memory_space<vmem>>, vector<1x1x1x16xf32>,
      %add3A_486 = arith.addf %get3A_440, %get3A_9 : vector<16xf32>
      %swap3A_487 = arith.constant 0 : i32
      %swap3A_488 = arith.constant 0 : i32
      %swap3A_489 = arith.index_cast %swap3A_487 : i32 to index
      %swap3A_490 = arith.index_cast %swap3A_488 : i32 to index
      %swap3A_491 = arith.index_cast %scan3A_428 : i32 to index
      %swap3A_492 = arith.constant 16 : index
      %swap3A_493 = tpu.vector_load %arg7[%swap3A_489, %swap3A_490, %swap3A_491, %swap3A_492] {strides = array<i32>} : memref<2x4x80x128xf32, #tpu.memory_space<vmem>>, vector<1x1x1x16xf32>,
      %swap3A_494 = vector.shape_cast %swap3A_493 : vector<1x1x1x16xf32> to vector<16xf32>
      %swap3A_495 = vector.shape_cast %add3A_486 : vector<16xf32> to vector<1x1x1x16xf32>
      tpu.vector_store %arg7[%swap3A_489, %swap3A_490, %swap3A_491, %swap3A_492], %swap3A_495 {strides = array<i32>} : memref<2x4x80x128xf32, #tpu.memory_space<vmem>>, vector<1x1x1x16xf32>,
      %add3A_496 = arith.addf %get3A_446, %get3A_14 : vector<16xf32>
      %swap3A_497 = arith.constant 0 : i32
      %swap3A_498 = arith.constant 0 : i32
      %swap3A_499 = arith.index_cast %swap3A_497 : i32 to index
      %swap3A_500 = arith.index_cast %swap3A_498 : i32 to index
      %swap3A_501 = arith.index_cast %scan3A_428 : i32 to index
      %swap3A_502 = arith.constant 32 : index
      %swap3A_503 = tpu.vector_load %arg7[%swap3A_499, %swap3A_500, %swap3A_501, %swap3A_502] {strides = array<i32>} : memref<2x4x80x128xf32, #tpu.memory_space<vmem>>, vector<1x1x1x16xf32>,
      %swap3A_504 = vector.shape_cast %swap3A_503 : vector<1x1x1x16xf32> to vector<16xf32>
      %swap3A_505 = vector.shape_cast %add3A_496 : vector<16xf32> to vector<1x1x1x16xf32>
      tpu.vector_store %arg7[%swap3A_499, %swap3A_500, %swap3A_501, %swap3A_502], %swap3A_505 {strides = array<i32>} : memref<2x4x80x128xf32, #tpu.memory_space<vmem>>, vector<1x1x1x16xf32>,
      %add3A_506 = arith.addf %get3A_452, %get3A_19 : vector<16xf32>
      %swap3A_507 = arith.constant 0 : i32
      %swap3A_508 = arith.constant 0 : i32
      %swap3A_509 = arith.index_cast %swap3A_507 : i32 to index
      %swap3A_510 = arith.index_cast %swap3A_508 : i32 to index
      %swap3A_511 = arith.index_cast %scan3A_428 : i32 to index
      %swap3A_512 = arith.constant 48 : index
      %swap3A_513 = tpu.vector_load %arg7[%swap3A_509, %swap3A_510, %swap3A_511, %swap3A_512] {strides = array<i32>} : memref<2x4x80x128xf32, #tpu.memory_space<vmem>>, vector<1x1x1x16xf32>,
      %swap3A_514 = vector.shape_cast %swap3A_513 : vector<1x1x1x16xf32> to vector<16xf32>
      %swap3A_515 = vector.shape_cast %add3A_506 : vector<16xf32> to vector<1x1x1x16xf32>
      tpu.vector_store %arg7[%swap3A_509, %swap3A_510, %swap3A_511, %swap3A_512], %swap3A_515 {strides = array<i32>} : memref<2x4x80x128xf32, #tpu.memory_space<vmem>>, vector<1x1x1x16xf32>,
      %add3A_516 = arith.addf %get3A_458, %get3A_24 : vector<16xf32>
      %swap3A_517 = arith.constant 0 : i32
      %swap3A_518 = arith.constant 0 : i32
      %swap3A_519 = arith.index_cast %swap3A_517 : i32 to index
      %swap3A_520 = arith.index_cast %swap3A_518 : i32 to index
      %swap3A_521 = arith.index_cast %scan3A_428 : i32 to index
      %swap3A_522 = arith.constant 64 : index
      %swap3A_523 = tpu.vector_load %arg7[%swap3A_519, %swap3A_520, %swap3A_521, %swap3A_522] {strides = array<i32>} : memref<2x4x80x128xf32, #tpu.memory_space<vmem>>, vector<1x1x1x16xf32>,
      %swap3A_524 = vector.shape_cast %swap3A_523 : vector<1x1x1x16xf32> to vector<16xf32>
      %swap3A_525 = vector.shape_cast %add3A_516 : vector<16xf32> to vector<1x1x1x16xf32>
      tpu.vector_store %arg7[%swap3A_519, %swap3A_520, %swap3A_521, %swap3A_522], %swap3A_525 {strides = array<i32>} : memref<2x4x80x128xf32, #tpu.memory_space<vmem>>, vector<1x1x1x16xf32>,
      %add3A_526 = arith.addf %get3A_464, %get3A_29 : vector<16xf32>
      %swap3A_527 = arith.constant 0 : i32
      %swap3A_528 = arith.constant 0 : i32
      %swap3A_529 = arith.index_cast %swap3A_527 : i32 to index
      %swap3A_530 = arith.index_cast %swap3A_528 : i32 to index
      %swap3A_531 = arith.index_cast %scan3A_428 : i32 to index
      %swap3A_532 = arith.constant 80 : index
      %swap3A_533 = tpu.vector_load %arg7[%swap3A_529, %swap3A_530, %swap3A_531, %swap3A_532] {strides = array<i32>} : memref<2x4x80x128xf32, #tpu.memory_space<vmem>>, vector<1x1x1x16xf32>,
      %swap3A_534 = vector.shape_cast %swap3A_533 : vector<1x1x1x16xf32> to vector<16xf32>
      %swap3A_535 = vector.shape_cast %add3A_526 : vector<16xf32> to vector<1x1x1x16xf32>
      tpu.vector_store %arg7[%swap3A_529, %swap3A_530, %swap3A_531, %swap3A_532], %swap3A_535 {strides = array<i32>} : memref<2x4x80x128xf32, #tpu.memory_space<vmem>>, vector<1x1x1x16xf32>,
      %add3A_536 = arith.addf %get3A_470, %get3A_34 : vector<16xf32>
      %swap3A_537 = arith.constant 0 : i32
      %swap3A_538 = arith.constant 0 : i32
      %swap3A_539 = arith.index_cast %swap3A_537 : i32 to index
      %swap3A_540 = arith.index_cast %swap3A_538 : i32 to index
      %swap3A_541 = arith.index_cast %scan3A_428 : i32 to index
      %swap3A_542 = arith.constant 96 : index
      %swap3A_543 = tpu.vector_load %arg7[%swap3A_539, %swap3A_540, %swap3A_541, %swap3A_542] {strides = array<i32>} : memref<2x4x80x128xf32, #tpu.memory_space<vmem>>, vector<1x1x1x16xf32>,
      %swap3A_544 = vector.shape_cast %swap3A_543 : vector<1x1x1x16xf32> to vector<16xf32>
      %swap3A_545 = vector.shape_cast %add3A_536 : vector<16xf32> to vector<1x1x1x16xf32>
      tpu.vector_store %arg7[%swap3A_539, %swap3A_540, %swap3A_541, %swap3A_542], %swap3A_545 {strides = array<i32>} : memref<2x4x80x128xf32, #tpu.memory_space<vmem>>, vector<1x1x1x16xf32>,
      %add3A_546 = arith.addf %get3A_476, %get3A_39 : vector<16xf32>
      %swap3A_547 = arith.constant 0 : i32
      %swap3A_548 = arith.constant 0 : i32
      %swap3A_549 = arith.index_cast %swap3A_547 : i32 to index
      %swap3A_550 = arith.index_cast %swap3A_548 : i32 to index
      %swap3A_551 = arith.index_cast %scan3A_428 : i32 to index
      %swap3A_552 = arith.constant 112 : index
      %swap3A_553 = tpu.vector_load %arg7[%swap3A_549, %swap3A_550, %swap3A_551, %swap3A_552] {strides = array<i32>} : memref<2x4x80x128xf32, #tpu.memory_space<vmem>>, vector<1x1x1x16xf32>,
      %swap3A_554 = vector.shape_cast %swap3A_553 : vector<1x1x1x16xf32> to vector<16xf32>
      %swap3A_555 = vector.shape_cast %add3A_546 : vector<16xf32> to vector<1x1x1x16xf32>
      tpu.vector_store %arg7[%swap3A_549, %swap3A_550, %swap3A_551, %swap3A_552], %swap3A_555 {strides = array<i32>} : memref<2x4x80x128xf32, #tpu.memory_space<vmem>>, vector<1x1x1x16xf32>,
      %add3A_556 = arith.addf %get3A_434, %get3A_44 : vector<16xf32>
      %swap3A_557 = arith.constant 0 : i32
      %swap3A_558 = arith.constant 1 : i32
      %swap3A_559 = arith.index_cast %swap3A_557 : i32 to index
      %swap3A_560 = arith.index_cast %swap3A_558 : i32 to index
      %swap3A_561 = arith.index_cast %scan3A_428 : i32 to index
      %swap3A_562 = arith.constant 0 : index
      %swap3A_563 = tpu.vector_load %arg7[%swap3A_559, %swap3A_560, %swap3A_561, %swap3A_562] {strides = array<i32>} : memref<2x4x80x128xf32, #tpu.memory_space<vmem>>, vector<1x1x1x16xf32>,
      %swap3A_564 = vector.shape_cast %swap3A_563 : vector<1x1x1x16xf32> to vector<16xf32>
      %swap3A_565 = vector.shape_cast %add3A_556 : vector<16xf32> to vector<1x1x1x16xf32>
      tpu.vector_store %arg7[%swap3A_559, %swap3A_560, %swap3A_561, %swap3A_562], %swap3A_565 {strides = array<i32>} : memref<2x4x80x128xf32, #tpu.memory_space<vmem>>, vector<1x1x1x16xf32>,
      %add3A_566 = arith.addf %get3A_440, %get3A_49 : vector<16xf32>
      %swap3A_567 = arith.constant 0 : i32
      %swap3A_568 = arith.constant 1 : i32
      %swap3A_569 = arith.index_cast %swap3A_567 : i32 to index
      %swap3A_570 = arith.index_cast %swap3A_568 : i32 to index
      %swap3A_571 = arith.index_cast %scan3A_428 : i32 to index
      %swap3A_572 = arith.constant 16 : index
      %swap3A_573 = tpu.vector_load %arg7[%swap3A_569, %swap3A_570, %swap3A_571, %swap3A_572] {strides = array<i32>} : memref<2x4x80x128xf32, #tpu.memory_space<vmem>>, vector<1x1x1x16xf32>,
      %swap3A_574 = vector.shape_cast %swap3A_573 : vector<1x1x1x16xf32> to vector<16xf32>
      %swap3A_575 = vector.shape_cast %add3A_566 : vector<16xf32> to vector<1x1x1x16xf32>
      tpu.vector_store %arg7[%swap3A_569, %swap3A_570, %swap3A_571, %swap3A_572], %swap3A_575 {strides = array<i32>} : memref<2x4x80x128xf32, #tpu.memory_space<vmem>>, vector<1x1x1x16xf32>,
      %add3A_576 = arith.addf %get3A_446, %get3A_54 : vector<16xf32>
      %swap3A_577 = arith.constant 0 : i32
      %swap3A_578 = arith.constant 1 : i32
      %swap3A_579 = arith.index_cast %swap3A_577 : i32 to index
      %swap3A_580 = arith.index_cast %swap3A_578 : i32 to index
      %swap3A_581 = arith.index_cast %scan3A_428 : i32 to index
      %swap3A_582 = arith.constant 32 : index
      %swap3A_583 = tpu.vector_load %arg7[%swap3A_579, %swap3A_580, %swap3A_581, %swap3A_582] {strides = array<i32>} : memref<2x4x80x128xf32, #tpu.memory_space<vmem>>, vector<1x1x1x16xf32>,
      %swap3A_584 = vector.shape_cast %swap3A_583 : vector<1x1x1x16xf32> to vector<16xf32>
      %swap3A_585 = vector.shape_cast %add3A_576 : vector<16xf32> to vector<1x1x1x16xf32>
      tpu.vector_store %arg7[%swap3A_579, %swap3A_580, %swap3A_581, %swap3A_582], %swap3A_585 {strides = array<i32>} : memref<2x4x80x128xf32, #tpu.memory_space<vmem>>, vector<1x1x1x16xf32>,
      %add3A_586 = arith.addf %get3A_452, %get3A_59 : vector<16xf32>
      %swap3A_587 = arith.constant 0 : i32
      %swap3A_588 = arith.constant 1 : i32
      %swap3A_589 = arith.index_cast %swap3A_587 : i32 to index
      %swap3A_590 = arith.index_cast %swap3A_588 : i32 to index
      %swap3A_591 = arith.index_cast %scan3A_428 : i32 to index
      %swap3A_592 = arith.constant 48 : index
      %swap3A_593 = tpu.vector_load %arg7[%swap3A_589, %swap3A_590, %swap3A_591, %swap3A_592] {strides = array<i32>} : memref<2x4x80x128xf32, #tpu.memory_space<vmem>>, vector<1x1x1x16xf32>,
      %swap3A_594 = vector.shape_cast %swap3A_593 : vector<1x1x1x16xf32> to vector<16xf32>
      %swap3A_595 = vector.shape_cast %add3A_586 : vector<16xf32> to vector<1x1x1x16xf32>
      tpu.vector_store %arg7[%swap3A_589, %swap3A_590, %swap3A_591, %swap3A_592], %swap3A_595 {strides = array<i32>} : memref<2x4x80x128xf32, #tpu.memory_space<vmem>>, vector<1x1x1x16xf32>,
      %add3A_596 = arith.addf %get3A_458, %get3A_64 : vector<16xf32>
      %swap3A_597 = arith.constant 0 : i32
      %swap3A_598 = arith.constant 1 : i32
      %swap3A_599 = arith.index_cast %swap3A_597 : i32 to index
      %swap3A_600 = arith.index_cast %swap3A_598 : i32 to index
      %swap3A_601 = arith.index_cast %scan3A_428 : i32 to index
      %swap3A_602 = arith.constant 64 : index
      %swap3A_603 = tpu.vector_load %arg7[%swap3A_599, %swap3A_600, %swap3A_601, %swap3A_602] {strides = array<i32>} : memref<2x4x80x128xf32, #tpu.memory_space<vmem>>, vector<1x1x1x16xf32>,
      %swap3A_604 = vector.shape_cast %swap3A_603 : vector<1x1x1x16xf32> to vector<16xf32>
      %swap3A_605 = vector.shape_cast %add3A_596 : vector<16xf32> to vector<1x1x1x16xf32>
      tpu.vector_store %arg7[%swap3A_599, %swap3A_600, %swap3A_601, %swap3A_602], %swap3A_605 {strides = array<i32>} : memref<2x4x80x128xf32, #tpu.memory_space<vmem>>, vector<1x1x1x16xf32>,
      %add3A_606 = arith.addf %get3A_464, %get3A_69 : vector<16xf32>
      %swap3A_607 = arith.constant 0 : i32
      %swap3A_608 = arith.constant 1 : i32
      %swap3A_609 = arith.index_cast %swap3A_607 : i32 to index
      %swap3A_610 = arith.index_cast %swap3A_608 : i32 to index
      %swap3A_611 = arith.index_cast %scan3A_428 : i32 to index
      %swap3A_612 = arith.constant 80 : index
      %swap3A_613 = tpu.vector_load %arg7[%swap3A_609, %swap3A_610, %swap3A_611, %swap3A_612] {strides = array<i32>} : memref<2x4x80x128xf32, #tpu.memory_space<vmem>>, vector<1x1x1x16xf32>,
      %swap3A_614 = vector.shape_cast %swap3A_613 : vector<1x1x1x16xf32> to vector<16xf32>
      %swap3A_615 = vector.shape_cast %add3A_606 : vector<16xf32> to vector<1x1x1x16xf32>
      tpu.vector_store %arg7[%swap3A_609, %swap3A_610, %swap3A_611, %swap3A_612], %swap3A_615 {strides = array<i32>} : memref<2x4x80x128xf32, #tpu.memory_space<vmem>>, vector<1x1x1x16xf32>,
      %add3A_616 = arith.addf %get3A_470, %get3A_74 : vector<16xf32>
      %swap3A_617 = arith.constant 0 : i32
      %swap3A_618 = arith.constant 1 : i32
      %swap3A_619 = arith.index_cast %swap3A_617 : i32 to index
      %swap3A_620 = arith.index_cast %swap3A_618 : i32 to index
      %swap3A_621 = arith.index_cast %scan3A_428 : i32 to index
      %swap3A_622 = arith.constant 96 : index
      %swap3A_623 = tpu.vector_load %arg7[%swap3A_619, %swap3A_620, %swap3A_621, %swap3A_622] {strides = array<i32>} : memref<2x4x80x128xf32, #tpu.memory_space<vmem>>, vector<1x1x1x16xf32>,
      %swap3A_624 = vector.shape_cast %swap3A_623 : vector<1x1x1x16xf32> to vector<16xf32>
      %swap3A_625 = vector.shape_cast %add3A_616 : vector<16xf32> to vector<1x1x1x16xf32>
      tpu.vector_store %arg7[%swap3A_619, %swap3A_620, %swap3A_621, %swap3A_622], %swap3A_625 {strides = array<i32>} : memref<2x4x80x128xf32, #tpu.memory_space<vmem>>, vector<1x1x1x16xf32>,
      %add3A_626 = arith.addf %get3A_476, %get3A_79 : vector<16xf32>
      %swap3A_627 = arith.constant 0 : i32
      %swap3A_628 = arith.constant 1 : i32
      %swap3A_629 = arith.index_cast %swap3A_627 : i32 to index
      %swap3A_630 = arith.index_cast %swap3A_628 : i32 to index
      %swap3A_631 = arith.index_cast %scan3A_428 : i32 to index
      %swap3A_632 = arith.constant 112 : index
      %swap3A_633 = tpu.vector_load %arg7[%swap3A_629, %swap3A_630, %swap3A_631, %swap3A_632] {strides = array<i32>} : memref<2x4x80x128xf32, #tpu.memory_space<vmem>>, vector<1x1x1x16xf32>,
      %swap3A_634 = vector.shape_cast %swap3A_633 : vector<1x1x1x16xf32> to vector<16xf32>
      %swap3A_635 = vector.shape_cast %add3A_626 : vector<16xf32> to vector<1x1x1x16xf32>
      tpu.vector_store %arg7[%swap3A_629, %swap3A_630, %swap3A_631, %swap3A_632], %swap3A_635 {strides = array<i32>} : memref<2x4x80x128xf32, #tpu.memory_space<vmem>>, vector<1x1x1x16xf32>,
      %add3A_636 = arith.addf %get3A_434, %get3A_84 : vector<16xf32>
      %swap3A_637 = arith.constant 0 : i32
      %swap3A_638 = arith.constant 2 : i32
      %swap3A_639 = arith.index_cast %swap3A_637 : i32 to index
      %swap3A_640 = arith.index_cast %swap3A_638 : i32 to index
      %swap3A_641 = arith.index_cast %scan3A_428 : i32 to index
      %swap3A_642 = arith.constant 0 : index
      %swap3A_643 = tpu.vector_load %arg7[%swap3A_639, %swap3A_640, %swap3A_641, %swap3A_642] {strides = array<i32>} : memref<2x4x80x128xf32, #tpu.memory_space<vmem>>, vector<1x1x1x16xf32>,
      %swap3A_644 = vector.shape_cast %swap3A_643 : vector<1x1x1x16xf32> to vector<16xf32>
      %swap3A_645 = vector.shape_cast %add3A_636 : vector<16xf32> to vector<1x1x1x16xf32>
      tpu.vector_store %arg7[%swap3A_639, %swap3A_640, %swap3A_641, %swap3A_642], %swap3A_645 {strides = array<i32>} : memref<2x4x80x128xf32, #tpu.memory_space<vmem>>, vector<1x1x1x16xf32>,
      %add3A_646 = arith.addf %get3A_440, %get3A_89 : vector<16xf32>
      %swap3A_647 = arith.constant 0 : i32
      %swap3A_648 = arith.constant 2 : i32
      %swap3A_649 = arith.index_cast %swap3A_647 : i32 to index
      %swap3A_650 = arith.index_cast %swap3A_648 : i32 to index
      %swap3A_651 = arith.index_cast %scan3A_428 : i32 to index
      %swap3A_652 = arith.constant 16 : index
      %swap3A_653 = tpu.vector_load %arg7[%swap3A_649, %swap3A_650, %swap3A_651, %swap3A_652] {strides = array<i32>} : memref<2x4x80x128xf32, #tpu.memory_space<vmem>>, vector<1x1x1x16xf32>,
      %swap3A_654 = vector.shape_cast %swap3A_653 : vector<1x1x1x16xf32> to vector<16xf32>
      %swap3A_655 = vector.shape_cast %add3A_646 : vector<16xf32> to vector<1x1x1x16xf32>
      tpu.vector_store %arg7[%swap3A_649, %swap3A_650, %swap3A_651, %swap3A_652], %swap3A_655 {strides = array<i32>} : memref<2x4x80x128xf32, #tpu.memory_space<vmem>>, vector<1x1x1x16xf32>,
      %add3A_656 = arith.addf %get3A_446, %get3A_94 : vector<16xf32>
      %swap3A_657 = arith.constant 0 : i32
      %swap3A_658 = arith.constant 2 : i32
      %swap3A_659 = arith.index_cast %swap3A_657 : i32 to index
      %swap3A_660 = arith.index_cast %swap3A_658 : i32 to index
      %swap3A_661 = arith.index_cast %scan3A_428 : i32 to index
      %swap3A_662 = arith.constant 32 : index
      %swap3A_663 = tpu.vector_load %arg7[%swap3A_659, %swap3A_660, %swap3A_661, %swap3A_662] {strides = array<i32>} : memref<2x4x80x128xf32, #tpu.memory_space<vmem>>, vector<1x1x1x16xf32>,
      %swap3A_664 = vector.shape_cast %swap3A_663 : vector<1x1x1x16xf32> to vector<16xf32>
      %swap3A_665 = vector.shape_cast %add3A_656 : vector<16xf32> to vector<1x1x1x16xf32>
      tpu.vector_store %arg7[%swap3A_659, %swap3A_660, %swap3A_661, %swap3A_662], %swap3A_665 {strides = array<i32>} : memref<2x4x80x128xf32, #tpu.memory_space<vmem>>, vector<1x1x1x16xf32>,
      %add3A_666 = arith.addf %get3A_452, %get3A_99 : vector<16xf32>
      %swap3A_667 = arith.constant 0 : i32
      %swap3A_668 = arith.constant 2 : i32
      %swap3A_669 = arith.index_cast %swap3A_667 : i32 to index
      %swap3A_670 = arith.index_cast %swap3A_668 : i32 to index
      %swap3A_671 = arith.index_cast %scan3A_428 : i32 to index
      %swap3A_672 = arith.constant 48 : index
      %swap3A_673 = tpu.vector_load %arg7[%swap3A_669, %swap3A_670, %swap3A_671, %swap3A_672] {strides = array<i32>} : memref<2x4x80x128xf32, #tpu.memory_space<vmem>>, vector<1x1x1x16xf32>,
      %swap3A_674 = vector.shape_cast %swap3A_673 : vector<1x1x1x16xf32> to vector<16xf32>
      %swap3A_675 = vector.shape_cast %add3A_666 : vector<16xf32> to vector<1x1x1x16xf32>
      tpu.vector_store %arg7[%swap3A_669, %swap3A_670, %swap3A_671, %swap3A_672], %swap3A_675 {strides = array<i32>} : memref<2x4x80x128xf32, #tpu.memory_space<vmem>>, vector<1x1x1x16xf32>,
      %add3A_676 = arith.addf %get3A_458, %get3A_104 : vector<16xf32>
      %swap3A_677 = arith.constant 0 : i32
      %swap3A_678 = arith.constant 2 : i32
      %swap3A_679 = arith.index_cast %swap3A_677 : i32 to index
      %swap3A_680 = arith.index_cast %swap3A_678 : i32 to index
      %swap3A_681 = arith.index_cast %scan3A_428 : i32 to index
      %swap3A_682 = arith.constant 64 : index
      %swap3A_683 = tpu.vector_load %arg7[%swap3A_679, %swap3A_680, %swap3A_681, %swap3A_682] {strides = array<i32>} : memref<2x4x80x128xf32, #tpu.memory_space<vmem>>, vector<1x1x1x16xf32>,
      %swap3A_684 = vector.shape_cast %swap3A_683 : vector<1x1x1x16xf32> to vector<16xf32>
      %swap3A_685 = vector.shape_cast %add3A_676 : vector<16xf32> to vector<1x1x1x16xf32>
      tpu.vector_store %arg7[%swap3A_679, %swap3A_680, %swap3A_681, %swap3A_682], %swap3A_685 {strides = array<i32>} : memref<2x4x80x128xf32, #tpu.memory_space<vmem>>, vector<1x1x1x16xf32>,
      %add3A_686 = arith.addf %get3A_464, %get3A_109 : vector<16xf32>
      %swap3A_687 = arith.constant 0 : i32
      %swap3A_688 = arith.constant 2 : i32
      %swap3A_689 = arith.index_cast %swap3A_687 : i32 to index
      %swap3A_690 = arith.index_cast %swap3A_688 : i32 to index
      %swap3A_691 = arith.index_cast %scan3A_428 : i32 to index
      %swap3A_692 = arith.constant 80 : index
      %swap3A_693 = tpu.vector_load %arg7[%swap3A_689, %swap3A_690, %swap3A_691, %swap3A_692] {strides = array<i32>} : memref<2x4x80x128xf32, #tpu.memory_space<vmem>>, vector<1x1x1x16xf32>,
      %swap3A_694 = vector.shape_cast %swap3A_693 : vector<1x1x1x16xf32> to vector<16xf32>
      %swap3A_695 = vector.shape_cast %add3A_686 : vector<16xf32> to vector<1x1x1x16xf32>
      tpu.vector_store %arg7[%swap3A_689, %swap3A_690, %swap3A_691, %swap3A_692], %swap3A_695 {strides = array<i32>} : memref<2x4x80x128xf32, #tpu.memory_space<vmem>>, vector<1x1x1x16xf32>,
      %add3A_696 = arith.addf %get3A_470, %get3A_114 : vector<16xf32>
      %swap3A_697 = arith.constant 0 : i32
      %swap3A_698 = arith.constant 2 : i32
      %swap3A_699 = arith.index_cast %swap3A_697 : i32 to index
      %swap3A_700 = arith.index_cast %swap3A_698 : i32 to index
      %swap3A_701 = arith.index_cast %scan3A_428 : i32 to index
      %swap3A_702 = arith.constant 96 : index
      %swap3A_703 = tpu.vector_load %arg7[%swap3A_699, %swap3A_700, %swap3A_701, %swap3A_702] {strides = array<i32>} : memref<2x4x80x128xf32, #tpu.memory_space<vmem>>, vector<1x1x1x16xf32>,
      %swap3A_704 = vector.shape_cast %swap3A_703 : vector<1x1x1x16xf32> to vector<16xf32>
      %swap3A_705 = vector.shape_cast %add3A_696 : vector<16xf32> to vector<1x1x1x16xf32>
      tpu.vector_store %arg7[%swap3A_699, %swap3A_700, %swap3A_701, %swap3A_702], %swap3A_705 {strides = array<i32>} : memref<2x4x80x128xf32, #tpu.memory_space<vmem>>, vector<1x1x1x16xf32>,
      %add3A_706 = arith.addf %get3A_476, %get3A_119 : vector<16xf32>
      %swap3A_707 = arith.constant 0 : i32
      %swap3A_708 = arith.constant 2 : i32
      %swap3A_709 = arith.index_cast %swap3A_707 : i32 to index
      %swap3A_710 = arith.index_cast %swap3A_708 : i32 to index
      %swap3A_711 = arith.index_cast %scan3A_428 : i32 to index
      %swap3A_712 = arith.constant 112 : index
      %swap3A_713 = tpu.vector_load %arg7[%swap3A_709, %swap3A_710, %swap3A_711, %swap3A_712] {strides = array<i32>} : memref<2x4x80x128xf32, #tpu.memory_space<vmem>>, vector<1x1x1x16xf32>,
      %swap3A_714 = vector.shape_cast %swap3A_713 : vector<1x1x1x16xf32> to vector<16xf32>
      %swap3A_715 = vector.shape_cast %add3A_706 : vector<16xf32> to vector<1x1x1x16xf32>
      tpu.vector_store %arg7[%swap3A_709, %swap3A_710, %swap3A_711, %swap3A_712], %swap3A_715 {strides = array<i32>} : memref<2x4x80x128xf32, #tpu.memory_space<vmem>>, vector<1x1x1x16xf32>,
      %add3A_716 = arith.addf %get3A_434, %get3A_124 : vector<16xf32>
      %swap3A_717 = arith.constant 0 : i32
      %swap3A_718 = arith.constant 3 : i32
      %swap3A_719 = arith.index_cast %swap3A_717 : i32 to index
      %swap3A_720 = arith.index_cast %swap3A_718 : i32 to index
      %swap3A_721 = arith.index_cast %scan3A_428 : i32 to index
      %swap3A_722 = arith.constant 0 : index
      %swap3A_723 = tpu.vector_load %arg7[%swap3A_719, %swap3A_720, %swap3A_721, %swap3A_722] {strides = array<i32>} : memref<2x4x80x128xf32, #tpu.memory_space<vmem>>, vector<1x1x1x16xf32>,
      %swap3A_724 = vector.shape_cast %swap3A_723 : vector<1x1x1x16xf32> to vector<16xf32>
      %swap3A_725 = vector.shape_cast %add3A_716 : vector<16xf32> to vector<1x1x1x16xf32>
      tpu.vector_store %arg7[%swap3A_719, %swap3A_720, %swap3A_721, %swap3A_722], %swap3A_725 {strides = array<i32>} : memref<2x4x80x128xf32, #tpu.memory_space<vmem>>, vector<1x1x1x16xf32>,
      %add3A_726 = arith.addf %get3A_440, %get3A_129 : vector<16xf32>
      %swap3A_727 = arith.constant 0 : i32
      %swap3A_728 = arith.constant 3 : i32
      %swap3A_729 = arith.index_cast %swap3A_727 : i32 to index
      %swap3A_730 = arith.index_cast %swap3A_728 : i32 to index
      %swap3A_731 = arith.index_cast %scan3A_428 : i32 to index
      %swap3A_732 = arith.constant 16 : index
      %swap3A_733 = tpu.vector_load %arg7[%swap3A_729, %swap3A_730, %swap3A_731, %swap3A_732] {strides = array<i32>} : memref<2x4x80x128xf32, #tpu.memory_space<vmem>>, vector<1x1x1x16xf32>,
      %swap3A_734 = vector.shape_cast %swap3A_733 : vector<1x1x1x16xf32> to vector<16xf32>
      %swap3A_735 = vector.shape_cast %add3A_726 : vector<16xf32> to vector<1x1x1x16xf32>
      tpu.vector_store %arg7[%swap3A_729, %swap3A_730, %swap3A_731, %swap3A_732], %swap3A_735 {strides = array<i32>} : memref<2x4x80x128xf32, #tpu.memory_space<vmem>>, vector<1x1x1x16xf32>,
      %add3A_736 = arith.addf %get3A_446, %get3A_134 : vector<16xf32>
      %swap3A_737 = arith.constant 0 : i32
      %swap3A_738 = arith.constant 3 : i32
      %swap3A_739 = arith.index_cast %swap3A_737 : i32 to index
      %swap3A_740 = arith.index_cast %swap3A_738 : i32 to index
      %swap3A_741 = arith.index_cast %scan3A_428 : i32 to index
      %swap3A_742 = arith.constant 32 : index
      %swap3A_743 = tpu.vector_load %arg7[%swap3A_739, %swap3A_740, %swap3A_741, %swap3A_742] {strides = array<i32>} : memref<2x4x80x128xf32, #tpu.memory_space<vmem>>, vector<1x1x1x16xf32>,
      %swap3A_744 = vector.shape_cast %swap3A_743 : vector<1x1x1x16xf32> to vector<16xf32>
      %swap3A_745 = vector.shape_cast %add3A_736 : vector<16xf32> to vector<1x1x1x16xf32>
      tpu.vector_store %arg7[%swap3A_739, %swap3A_740, %swap3A_741, %swap3A_742], %swap3A_745 {strides = array<i32>} : memref<2x4x80x128xf32, #tpu.memory_space<vmem>>, vector<1x1x1x16xf32>,
      %add3A_746 = arith.addf %get3A_452, %get3A_139 : vector<16xf32>
      %swap3A_747 = arith.constant 0 : i32
      %swap3A_748 = arith.constant 3 : i32
      %swap3A_749 = arith.index_cast %swap3A_747 : i32 to index
      %swap3A_750 = arith.index_cast %swap3A_748 : i32 to index
      %swap3A_751 = arith.index_cast %scan3A_428 : i32 to index
      %swap3A_752 = arith.constant 48 : index
      %swap3A_753 = tpu.vector_load %arg7[%swap3A_749, %swap3A_750, %swap3A_751, %swap3A_752] {strides = array<i32>} : memref<2x4x80x128xf32, #tpu.memory_space<vmem>>, vector<1x1x1x16xf32>,
      %swap3A_754 = vector.shape_cast %swap3A_753 : vector<1x1x1x16xf32> to vector<16xf32>
      %swap3A_755 = vector.shape_cast %add3A_746 : vector<16xf32> to vector<1x1x1x16xf32>
      tpu.vector_store %arg7[%swap3A_749, %swap3A_750, %swap3A_751, %swap3A_752], %swap3A_755 {strides = array<i32>} : memref<2x4x80x128xf32, #tpu.memory_space<vmem>>, vector<1x1x1x16xf32>,
      %add3A_756 = arith.addf %get3A_458, %get3A_144 : vector<16xf32>
      %swap3A_757 = arith.constant 0 : i32
      %swap3A_758 = arith.constant 3 : i32
      %swap3A_759 = arith.index_cast %swap3A_757 : i32 to index
      %swap3A_760 = arith.index_cast %swap3A_758 : i32 to index
      %swap3A_761 = arith.index_cast %scan3A_428 : i32 to index
      %swap3A_762 = arith.constant 64 : index
      %swap3A_763 = tpu.vector_load %arg7[%swap3A_759, %swap3A_760, %swap3A_761, %swap3A_762] {strides = array<i32>} : memref<2x4x80x128xf32, #tpu.memory_space<vmem>>, vector<1x1x1x16xf32>,
      %swap3A_764 = vector.shape_cast %swap3A_763 : vector<1x1x1x16xf32> to vector<16xf32>
      %swap3A_765 = vector.shape_cast %add3A_756 : vector<16xf32> to vector<1x1x1x16xf32>
      tpu.vector_store %arg7[%swap3A_759, %swap3A_760, %swap3A_761, %swap3A_762], %swap3A_765 {strides = array<i32>} : memref<2x4x80x128xf32, #tpu.memory_space<vmem>>, vector<1x1x1x16xf32>,
      %add3A_766 = arith.addf %get3A_464, %get3A_149 : vector<16xf32>
      %swap3A_767 = arith.constant 0 : i32
      %swap3A_768 = arith.constant 3 : i32
      %swap3A_769 = arith.index_cast %swap3A_767 : i32 to index
      %swap3A_770 = arith.index_cast %swap3A_768 : i32 to index
      %swap3A_771 = arith.index_cast %scan3A_428 : i32 to index
      %swap3A_772 = arith.constant 80 : index
      %swap3A_773 = tpu.vector_load %arg7[%swap3A_769, %swap3A_770, %swap3A_771, %swap3A_772] {strides = array<i32>} : memref<2x4x80x128xf32, #tpu.memory_space<vmem>>, vector<1x1x1x16xf32>,
      %swap3A_774 = vector.shape_cast %swap3A_773 : vector<1x1x1x16xf32> to vector<16xf32>
      %swap3A_775 = vector.shape_cast %add3A_766 : vector<16xf32> to vector<1x1x1x16xf32>
      tpu.vector_store %arg7[%swap3A_769, %swap3A_770, %swap3A_771, %swap3A_772], %swap3A_775 {strides = array<i32>} : memref<2x4x80x128xf32, #tpu.memory_space<vmem>>, vector<1x1x1x16xf32>,
      %add3A_776 = arith.addf %get3A_470, %get3A_154 : vector<16xf32>
      %swap3A_777 = arith.constant 0 : i32
      %swap3A_778 = arith.constant 3 : i32
      %swap3A_779 = arith.index_cast %swap3A_777 : i32 to index
      %swap3A_780 = arith.index_cast %swap3A_778 : i32 to index
      %swap3A_781 = arith.index_cast %scan3A_428 : i32 to index
      %swap3A_782 = arith.constant 96 : index
      %swap3A_783 = tpu.vector_load %arg7[%swap3A_779, %swap3A_780, %swap3A_781, %swap3A_782] {strides = array<i32>} : memref<2x4x80x128xf32, #tpu.memory_space<vmem>>, vector<1x1x1x16xf32>,
      %swap3A_784 = vector.shape_cast %swap3A_783 : vector<1x1x1x16xf32> to vector<16xf32>
      %swap3A_785 = vector.shape_cast %add3A_776 : vector<16xf32> to vector<1x1x1x16xf32>
      tpu.vector_store %arg7[%swap3A_779, %swap3A_780, %swap3A_781, %swap3A_782], %swap3A_785 {strides = array<i32>} : memref<2x4x80x128xf32, #tpu.memory_space<vmem>>, vector<1x1x1x16xf32>,
      %add3A_786 = arith.addf %get3A_476, %get3A_159 : vector<16xf32>
      %swap3A_787 = arith.constant 0 : i32
      %swap3A_788 = arith.constant 3 : i32
      %swap3A_789 = arith.index_cast %swap3A_787 : i32 to index
      %swap3A_790 = arith.index_cast %swap3A_788 : i32 to index
      %swap3A_791 = arith.index_cast %scan3A_428 : i32 to index
      %swap3A_792 = arith.constant 112 : index
      %swap3A_793 = tpu.vector_load %arg7[%swap3A_789, %swap3A_790, %swap3A_791, %swap3A_792] {strides = array<i32>} : memref<2x4x80x128xf32, #tpu.memory_space<vmem>>, vector<1x1x1x16xf32>,
      %swap3A_794 = vector.shape_cast %swap3A_793 : vector<1x1x1x16xf32> to vector<16xf32>
      %swap3A_795 = vector.shape_cast %add3A_786 : vector<16xf32> to vector<1x1x1x16xf32>
      tpu.vector_store %arg7[%swap3A_789, %swap3A_790, %swap3A_791, %swap3A_792], %swap3A_795 {strides = array<i32>} : memref<2x4x80x128xf32, #tpu.memory_space<vmem>>, vector<1x1x1x16xf32>,
    }
    %scan3A_213 = arith.constant 80 : i32
    %add3A_214 = arith.constant 0 : i32
    %add3A_215 = arith.addi %add3A, %add3A_214 : i32
    %mul3A_216 = arith.constant 80 : i32
    %mul3A_217 = arith.muli %add3A_215, %mul3A_216 : i32
    %dma_start3A_218 = arith.constant 0 : i32
    %dma_start3A_219 = arith.constant 0 : i32
    %dma_start3A_220 = arith.constant 0 : i32
    %dma_start3A_221 = arith.constant 0 : i32
    %dma_start3A_222 = tpu.memref_slice %arg7[%dma_start3A_218, %dma_start3A_219, %dma_start3A_220, %dma_start3A_221] : memref<2x4x80x128xf32, #tpu.memory_space<vmem>> -> memref<1x4x80x128xf32, #tpu.memory_space<vmem>>
    %dma_start3A_223 = tpu.memref_squeeze %dma_start3A_222 : memref<1x4x80x128xf32, #tpu.memory_space<vmem>> -> memref<4x80x128xf32, #tpu.memory_space<vmem>>
    %dma_start3A_224 = arith.constant 0 : i32
    %dma_start3A_225 = arith.constant 0 : i32
    %dma_start3A_226 = tpu.memref_slice %arg4[%dma_start3A_224, %mul3A_217, %dma_start3A_225] : memref<4x100000x128xf32, #tpu.memory_space<hbm>> -> memref<4x80x128xf32, #tpu.memory_space<hbm>>
    %dma_start3A_227 = arith.constant 0 : i32
    %dma_start3A_228 = arith.constant 0 : i32
    %dma_start3A_229 = tpu.memref_slice %arg4[%dma_start3A_227, %mul3A_217, %dma_start3A_228] : memref<4x100000x128xf32, #tpu.memory_space<hbm>> -> memref<4x80x128xf32, #tpu.memory_space<hbm>>
    %dma_start3A_230 = arith.constant 0 : i32
    %dma_start3A_231 = arith.constant 0 : i32
    %dma_start3A_232 = arith.constant 0 : i32
    %dma_start3A_233 = tpu.memref_slice %arg7[%dma_start3A_218, %dma_start3A_230, %dma_start3A_231, %dma_start3A_232] : memref<2x4x80x128xf32, #tpu.memory_space<vmem>> -> memref<1x4x80x128xf32, #tpu.memory_space<vmem>>
    %dma_start3A_234 = tpu.memref_squeeze %dma_start3A_233 : memref<1x4x80x128xf32, #tpu.memory_space<vmem>> -> memref<4x80x128xf32, #tpu.memory_space<vmem>>
    tpu.enqueue_dma source(%dma_start3A_234 : memref<4x80x128xf32, #tpu.memory_space<vmem>>) target(%dma_start3A_229 : memref<4x80x128xf32, #tpu.memory_space<hbm>>) target_semaphore(%arg10 : memref<!tpu.dma_semaphore, #tpu.memory_space<semaphore_mem>>)
    %add3A_235 = arith.constant 64 : i32
    %add3A_236 = arith.addi %add3A, %add3A_235 : i32
    %mul3A_237 = arith.constant 80 : i32
    %mul3A_238 = arith.muli %add3A_236, %mul3A_237 : i32
    %dma_start3A_239 = arith.constant 0 : i32
    %dma_start3A_240 = arith.constant 0 : i32
    %dma_start3A_241 = arith.constant 0 : i32
    %dma_start3A_242 = tpu.memref_slice %arg6[%dma_start3A_239, %dma_start3A_240, %dma_start3A_241] : memref<2x80x128xf32, #tpu.memory_space<vmem>> -> memref<1x80x128xf32, #tpu.memory_space<vmem>>
    %dma_start3A_243 = tpu.memref_squeeze %dma_start3A_242 : memref<1x80x128xf32, #tpu.memory_space<vmem>> -> memref<80x128xf32, #tpu.memory_space<vmem>>
    %dma_start3A_244 = arith.constant 0 : i32
    %dma_start3A_245 = tpu.memref_slice %arg2[%mul3A_238, %dma_start3A_244] : memref<100000x128xf32, #tpu.memory_space<hbm>> -> memref<80x128xf32, #tpu.memory_space<hbm>>
    %dma_start3A_246 = arith.constant 0 : i32
    %dma_start3A_247 = arith.constant 0 : i32
    %dma_start3A_248 = tpu.memref_slice %arg6[%dma_start3A_239, %dma_start3A_246, %dma_start3A_247] : memref<2x80x128xf32, #tpu.memory_space<vmem>> -> memref<1x80x128xf32, #tpu.memory_space<vmem>>
    %dma_start3A_249 = tpu.memref_squeeze %dma_start3A_248 : memref<1x80x128xf32, #tpu.memory_space<vmem>> -> memref<80x128xf32, #tpu.memory_space<vmem>>
    %dma_start3A_250 = arith.constant 0 : i32
    %dma_start3A_251 = tpu.memref_slice %arg2[%mul3A_238, %dma_start3A_250] : memref<100000x128xf32, #tpu.memory_space<hbm>> -> memref<80x128xf32, #tpu.memory_space<hbm>>
    tpu.enqueue_dma source(%dma_start3A_251 : memref<80x128xf32, #tpu.memory_space<hbm>>) target(%dma_start3A_249 : memref<80x128xf32, #tpu.memory_space<vmem>>) target_semaphore(%arg8 : memref<!tpu.dma_semaphore, #tpu.memory_space<semaphore_mem>>)
    %add3A_252 = arith.constant 32 : i32
    %add3A_253 = arith.addi %add3A, %add3A_252 : i32
    %mul3A_254 = arith.constant 80 : i32
    %mul3A_255 = arith.muli %add3A_253, %mul3A_254 : i32
    %dma_wait3A_256 = arith.constant 1 : i32
    %dma_wait3A_257 = arith.constant 0 : i32
    %dma_wait3A_258 = arith.constant 0 : i32
    %dma_wait3A_259 = tpu.memref_slice %arg6[%dma_wait3A_256, %dma_wait3A_257, %dma_wait3A_258] : memref<2x80x128xf32, #tpu.memory_space<vmem>> -> memref<1x80x128xf32, #tpu.memory_space<vmem>>
    %dma_wait3A_260 = tpu.memref_squeeze %dma_wait3A_259 : memref<1x80x128xf32, #tpu.memory_space<vmem>> -> memref<80x128xf32, #tpu.memory_space<vmem>>
    %dma_wait3A_261 = arith.constant 0 : i32
    %dma_wait3A_262 = tpu.memref_slice %arg2[%mul3A_255, %dma_wait3A_261] : memref<100000x128xf32, #tpu.memory_space<hbm>> -> memref<80x128xf32, #tpu.memory_space<hbm>>
    %dma_wait3A_263 = arith.constant 0 : i32
    %dma_wait3A_264 = arith.constant 0 : i32
    %dma_wait3A_265 = tpu.memref_slice %arg6[%dma_wait3A_256, %dma_wait3A_263, %dma_wait3A_264] : memref<2x80x128xf32, #tpu.memory_space<vmem>> -> memref<1x80x128xf32, #tpu.memory_space<vmem>>
    %dma_wait3A_266 = tpu.memref_squeeze %dma_wait3A_265 : memref<1x80x128xf32, #tpu.memory_space<vmem>> -> memref<80x128xf32, #tpu.memory_space<vmem>>
    %dma_wait3A_267 = arith.constant 0 : i32
    %dma_wait3A_268 = tpu.memref_slice %arg2[%mul3A_255, %dma_wait3A_267] : memref<100000x128xf32, #tpu.memory_space<hbm>> -> memref<80x128xf32, #tpu.memory_space<hbm>>
    tpu.wait_dma2 semaphore(%arg9 : memref<!tpu.dma_semaphore, #tpu.memory_space<semaphore_mem>>) src(%dma_wait3A_268 : memref<80x128xf32, #tpu.memory_space<hbm>>) dst(%dma_wait3A_266 : memref<80x128xf32, #tpu.memory_space<vmem>>)
    %scan3A_269 = arith.constant 0 : i32
    %scan3A_270 = arith.constant 0 : i32
    %scan3A_271 = arith.constant 80 : i32
    %scan3A_272 = arith.addi %scan3A_270, %scan3A_271 : i32
    %scan3A_273 = arith.constant 1 : i32
    scf.for %scan3A_428 = %scan3A_270 to %scan3A_272 step %scan3A_273  : i32 {
      %get3A_429 = arith.constant 1 : i32
      %get3A_430 = arith.index_cast %get3A_429 : i32 to index
      %get3A_431 = arith.index_cast %scan3A_428 : i32 to index
      %get3A_432 = arith.constant 0 : index
      %get3A_433 = tpu.vector_load %arg6[%get3A_430, %get3A_431, %get3A_432] {strides = array<i32>} : memref<2x80x128xf32, #tpu.memory_space<vmem>>, vector<1x1x16xf32>,
      %get3A_434 = vector.shape_cast %get3A_433 : vector<1x1x16xf32> to vector<16xf32>
      %get3A_435 = arith.constant 1 : i32
      %get3A_436 = arith.index_cast %get3A_435 : i32 to index
      %get3A_437 = arith.index_cast %scan3A_428 : i32 to index
      %get3A_438 = arith.constant 16 : index
      %get3A_439 = tpu.vector_load %arg6[%get3A_436, %get3A_437, %get3A_438] {strides = array<i32>} : memref<2x80x128xf32, #tpu.memory_space<vmem>>, vector<1x1x16xf32>,
      %get3A_440 = vector.shape_cast %get3A_439 : vector<1x1x16xf32> to vector<16xf32>
      %get3A_441 = arith.constant 1 : i32
      %get3A_442 = arith.index_cast %get3A_441 : i32 to index
      %get3A_443 = arith.index_cast %scan3A_428 : i32 to index
      %get3A_444 = arith.constant 32 : index
      %get3A_445 = tpu.vector_load %arg6[%get3A_442, %get3A_443, %get3A_444] {strides = array<i32>} : memref<2x80x128xf32, #tpu.memory_space<vmem>>, vector<1x1x16xf32>,
      %get3A_446 = vector.shape_cast %get3A_445 : vector<1x1x16xf32> to vector<16xf32>
      %get3A_447 = arith.constant 1 : i32
      %get3A_448 = arith.index_cast %get3A_447 : i32 to index
      %get3A_449 = arith.index_cast %scan3A_428 : i32 to index
      %get3A_450 = arith.constant 48 : index
      %get3A_451 = tpu.vector_load %arg6[%get3A_448, %get3A_449, %get3A_450] {strides = array<i32>} : memref<2x80x128xf32, #tpu.memory_space<vmem>>, vector<1x1x16xf32>,
      %get3A_452 = vector.shape_cast %get3A_451 : vector<1x1x16xf32> to vector<16xf32>
      %get3A_453 = arith.constant 1 : i32
      %get3A_454 = arith.index_cast %get3A_453 : i32 to index
      %get3A_455 = arith.index_cast %scan3A_428 : i32 to index
      %get3A_456 = arith.constant 64 : index
      %get3A_457 = tpu.vector_load %arg6[%get3A_454, %get3A_455, %get3A_456] {strides = array<i32>} : memref<2x80x128xf32, #tpu.memory_space<vmem>>, vector<1x1x16xf32>,
      %get3A_458 = vector.shape_cast %get3A_457 : vector<1x1x16xf32> to vector<16xf32>
      %get3A_459 = arith.constant 1 : i32
      %get3A_460 = arith.index_cast %get3A_459 : i32 to index
      %get3A_461 = arith.index_cast %scan3A_428 : i32 to index
      %get3A_462 = arith.constant 80 : index
      %get3A_463 = tpu.vector_load %arg6[%get3A_460, %get3A_461, %get3A_462] {strides = array<i32>} : memref<2x80x128xf32, #tpu.memory_space<vmem>>, vector<1x1x16xf32>,
      %get3A_464 = vector.shape_cast %get3A_463 : vector<1x1x16xf32> to vector<16xf32>
      %get3A_465 = arith.constant 1 : i32
      %get3A_466 = arith.index_cast %get3A_465 : i32 to index
      %get3A_467 = arith.index_cast %scan3A_428 : i32 to index
      %get3A_468 = arith.constant 96 : index
      %get3A_469 = tpu.vector_load %arg6[%get3A_466, %get3A_467, %get3A_468] {strides = array<i32>} : memref<2x80x128xf32, #tpu.memory_space<vmem>>, vector<1x1x16xf32>,
      %get3A_470 = vector.shape_cast %get3A_469 : vector<1x1x16xf32> to vector<16xf32>
      %get3A_471 = arith.constant 1 : i32
      %get3A_472 = arith.index_cast %get3A_471 : i32 to index
      %get3A_473 = arith.index_cast %scan3A_428 : i32 to index
      %get3A_474 = arith.constant 112 : index
      %get3A_475 = tpu.vector_load %arg6[%get3A_472, %get3A_473, %get3A_474] {strides = array<i32>} : memref<2x80x128xf32, #tpu.memory_space<vmem>>, vector<1x1x16xf32>,
      %get3A_476 = vector.shape_cast %get3A_475 : vector<1x1x16xf32> to vector<16xf32>
      %add3A_477 = arith.addf %get3A_434, %get3A_4 : vector<16xf32>
      %swap3A = arith.constant 1 : i32
      %swap3A_478 = arith.constant 0 : i32
      %swap3A_479 = arith.index_cast %swap3A : i32 to index
      %swap3A_480 = arith.index_cast %swap3A_478 : i32 to index
      %swap3A_481 = arith.index_cast %scan3A_428 : i32 to index
      %swap3A_482 = arith.constant 0 : index
      %swap3A_483 = tpu.vector_load %arg7[%swap3A_479, %swap3A_480, %swap3A_481, %swap3A_482] {strides = array<i32>} : memref<2x4x80x128xf32, #tpu.memory_space<vmem>>, vector<1x1x1x16xf32>,
      %swap3A_484 = vector.shape_cast %swap3A_483 : vector<1x1x1x16xf32> to vector<16xf32>
      %swap3A_485 = vector.shape_cast %add3A_477 : vector<16xf32> to vector<1x1x1x16xf32>
      tpu.vector_store %arg7[%swap3A_479, %swap3A_480, %swap3A_481, %swap3A_482], %swap3A_485 {strides = array<i32>} : memref<2x4x80x128xf32, #tpu.memory_space<vmem>>, vector<1x1x1x16xf32>,
      %add3A_486 = arith.addf %get3A_440, %get3A_9 : vector<16xf32>
      %swap3A_487 = arith.constant 1 : i32
      %swap3A_488 = arith.constant 0 : i32
      %swap3A_489 = arith.index_cast %swap3A_487 : i32 to index
      %swap3A_490 = arith.index_cast %swap3A_488 : i32 to index
      %swap3A_491 = arith.index_cast %scan3A_428 : i32 to index
      %swap3A_492 = arith.constant 16 : index
      %swap3A_493 = tpu.vector_load %arg7[%swap3A_489, %swap3A_490, %swap3A_491, %swap3A_492] {strides = array<i32>} : memref<2x4x80x128xf32, #tpu.memory_space<vmem>>, vector<1x1x1x16xf32>,
      %swap3A_494 = vector.shape_cast %swap3A_493 : vector<1x1x1x16xf32> to vector<16xf32>
      %swap3A_495 = vector.shape_cast %add3A_486 : vector<16xf32> to vector<1x1x1x16xf32>
      tpu.vector_store %arg7[%swap3A_489, %swap3A_490, %swap3A_491, %swap3A_492], %swap3A_495 {strides = array<i32>} : memref<2x4x80x128xf32, #tpu.memory_space<vmem>>, vector<1x1x1x16xf32>,
      %add3A_496 = arith.addf %get3A_446, %get3A_14 : vector<16xf32>
      %swap3A_497 = arith.constant 1 : i32
      %swap3A_498 = arith.constant 0 : i32
      %swap3A_499 = arith.index_cast %swap3A_497 : i32 to index
      %swap3A_500 = arith.index_cast %swap3A_498 : i32 to index
      %swap3A_501 = arith.index_cast %scan3A_428 : i32 to index
      %swap3A_502 = arith.constant 32 : index
      %swap3A_503 = tpu.vector_load %arg7[%swap3A_499, %swap3A_500, %swap3A_501, %swap3A_502] {strides = array<i32>} : memref<2x4x80x128xf32, #tpu.memory_space<vmem>>, vector<1x1x1x16xf32>,
      %swap3A_504 = vector.shape_cast %swap3A_503 : vector<1x1x1x16xf32> to vector<16xf32>
      %swap3A_505 = vector.shape_cast %add3A_496 : vector<16xf32> to vector<1x1x1x16xf32>
      tpu.vector_store %arg7[%swap3A_499, %swap3A_500, %swap3A_501, %swap3A_502], %swap3A_505 {strides = array<i32>} : memref<2x4x80x128xf32, #tpu.memory_space<vmem>>, vector<1x1x1x16xf32>,
      %add3A_506 = arith.addf %get3A_452, %get3A_19 : vector<16xf32>
      %swap3A_507 = arith.constant 1 : i32
      %swap3A_508 = arith.constant 0 : i32
      %swap3A_509 = arith.index_cast %swap3A_507 : i32 to index
      %swap3A_510 = arith.index_cast %swap3A_508 : i32 to index
      %swap3A_511 = arith.index_cast %scan3A_428 : i32 to index
      %swap3A_512 = arith.constant 48 : index
      %swap3A_513 = tpu.vector_load %arg7[%swap3A_509, %swap3A_510, %swap3A_511, %swap3A_512] {strides = array<i32>} : memref<2x4x80x128xf32, #tpu.memory_space<vmem>>, vector<1x1x1x16xf32>,
      %swap3A_514 = vector.shape_cast %swap3A_513 : vector<1x1x1x16xf32> to vector<16xf32>
      %swap3A_515 = vector.shape_cast %add3A_506 : vector<16xf32> to vector<1x1x1x16xf32>
      tpu.vector_store %arg7[%swap3A_509, %swap3A_510, %swap3A_511, %swap3A_512], %swap3A_515 {strides = array<i32>} : memref<2x4x80x128xf32, #tpu.memory_space<vmem>>, vector<1x1x1x16xf32>,
      %add3A_516 = arith.addf %get3A_458, %get3A_24 : vector<16xf32>
      %swap3A_517 = arith.constant 1 : i32
      %swap3A_518 = arith.constant 0 : i32
      %swap3A_519 = arith.index_cast %swap3A_517 : i32 to index
      %swap3A_520 = arith.index_cast %swap3A_518 : i32 to index
      %swap3A_521 = arith.index_cast %scan3A_428 : i32 to index
      %swap3A_522 = arith.constant 64 : index
      %swap3A_523 = tpu.vector_load %arg7[%swap3A_519, %swap3A_520, %swap3A_521, %swap3A_522] {strides = array<i32>} : memref<2x4x80x128xf32, #tpu.memory_space<vmem>>, vector<1x1x1x16xf32>,
      %swap3A_524 = vector.shape_cast %swap3A_523 : vector<1x1x1x16xf32> to vector<16xf32>
      %swap3A_525 = vector.shape_cast %add3A_516 : vector<16xf32> to vector<1x1x1x16xf32>
      tpu.vector_store %arg7[%swap3A_519, %swap3A_520, %swap3A_521, %swap3A_522], %swap3A_525 {strides = array<i32>} : memref<2x4x80x128xf32, #tpu.memory_space<vmem>>, vector<1x1x1x16xf32>,
      %add3A_526 = arith.addf %get3A_464, %get3A_29 : vector<16xf32>
      %swap3A_527 = arith.constant 1 : i32
      %swap3A_528 = arith.constant 0 : i32
      %swap3A_529 = arith.index_cast %swap3A_527 : i32 to index
      %swap3A_530 = arith.index_cast %swap3A_528 : i32 to index
      %swap3A_531 = arith.index_cast %scan3A_428 : i32 to index
      %swap3A_532 = arith.constant 80 : index
      %swap3A_533 = tpu.vector_load %arg7[%swap3A_529, %swap3A_530, %swap3A_531, %swap3A_532] {strides = array<i32>} : memref<2x4x80x128xf32, #tpu.memory_space<vmem>>, vector<1x1x1x16xf32>,
      %swap3A_534 = vector.shape_cast %swap3A_533 : vector<1x1x1x16xf32> to vector<16xf32>
      %swap3A_535 = vector.shape_cast %add3A_526 : vector<16xf32> to vector<1x1x1x16xf32>
      tpu.vector_store %arg7[%swap3A_529, %swap3A_530, %swap3A_531, %swap3A_532], %swap3A_535 {strides = array<i32>} : memref<2x4x80x128xf32, #tpu.memory_space<vmem>>, vector<1x1x1x16xf32>,
      %add3A_536 = arith.addf %get3A_470, %get3A_34 : vector<16xf32>
      %swap3A_537 = arith.constant 1 : i32
      %swap3A_538 = arith.constant 0 : i32
      %swap3A_539 = arith.index_cast %swap3A_537 : i32 to index
      %swap3A_540 = arith.index_cast %swap3A_538 : i32 to index
      %swap3A_541 = arith.index_cast %scan3A_428 : i32 to index
      %swap3A_542 = arith.constant 96 : index
      %swap3A_543 = tpu.vector_load %arg7[%swap3A_539, %swap3A_540, %swap3A_541, %swap3A_542] {strides = array<i32>} : memref<2x4x80x128xf32, #tpu.memory_space<vmem>>, vector<1x1x1x16xf32>,
      %swap3A_544 = vector.shape_cast %swap3A_543 : vector<1x1x1x16xf32> to vector<16xf32>
      %swap3A_545 = vector.shape_cast %add3A_536 : vector<16xf32> to vector<1x1x1x16xf32>
      tpu.vector_store %arg7[%swap3A_539, %swap3A_540, %swap3A_541, %swap3A_542], %swap3A_545 {strides = array<i32>} : memref<2x4x80x128xf32, #tpu.memory_space<vmem>>, vector<1x1x1x16xf32>,
      %add3A_546 = arith.addf %get3A_476, %get3A_39 : vector<16xf32>
      %swap3A_547 = arith.constant 1 : i32
      %swap3A_548 = arith.constant 0 : i32
      %swap3A_549 = arith.index_cast %swap3A_547 : i32 to index
      %swap3A_550 = arith.index_cast %swap3A_548 : i32 to index
      %swap3A_551 = arith.index_cast %scan3A_428 : i32 to index
      %swap3A_552 = arith.constant 112 : index
      %swap3A_553 = tpu.vector_load %arg7[%swap3A_549, %swap3A_550, %swap3A_551, %swap3A_552] {strides = array<i32>} : memref<2x4x80x128xf32, #tpu.memory_space<vmem>>, vector<1x1x1x16xf32>,
      %swap3A_554 = vector.shape_cast %swap3A_553 : vector<1x1x1x16xf32> to vector<16xf32>
      %swap3A_555 = vector.shape_cast %add3A_546 : vector<16xf32> to vector<1x1x1x16xf32>
      tpu.vector_store %arg7[%swap3A_549, %swap3A_550, %swap3A_551, %swap3A_552], %swap3A_555 {strides = array<i32>} : memref<2x4x80x128xf32, #tpu.memory_space<vmem>>, vector<1x1x1x16xf32>,
      %add3A_556 = arith.addf %get3A_434, %get3A_44 : vector<16xf32>
      %swap3A_557 = arith.constant 1 : i32
      %swap3A_558 = arith.constant 1 : i32
      %swap3A_559 = arith.index_cast %swap3A_557 : i32 to index
      %swap3A_560 = arith.index_cast %swap3A_558 : i32 to index
      %swap3A_561 = arith.index_cast %scan3A_428 : i32 to index
      %swap3A_562 = arith.constant 0 : index
      %swap3A_563 = tpu.vector_load %arg7[%swap3A_559, %swap3A_560, %swap3A_561, %swap3A_562] {strides = array<i32>} : memref<2x4x80x128xf32, #tpu.memory_space<vmem>>, vector<1x1x1x16xf32>,
      %swap3A_564 = vector.shape_cast %swap3A_563 : vector<1x1x1x16xf32> to vector<16xf32>
      %swap3A_565 = vector.shape_cast %add3A_556 : vector<16xf32> to vector<1x1x1x16xf32>
      tpu.vector_store %arg7[%swap3A_559, %swap3A_560, %swap3A_561, %swap3A_562], %swap3A_565 {strides = array<i32>} : memref<2x4x80x128xf32, #tpu.memory_space<vmem>>, vector<1x1x1x16xf32>,
      %add3A_566 = arith.addf %get3A_440, %get3A_49 : vector<16xf32>
      %swap3A_567 = arith.constant 1 : i32
      %swap3A_568 = arith.constant 1 : i32
      %swap3A_569 = arith.index_cast %swap3A_567 : i32 to index
      %swap3A_570 = arith.index_cast %swap3A_568 : i32 to index
      %swap3A_571 = arith.index_cast %scan3A_428 : i32 to index
      %swap3A_572 = arith.constant 16 : index
      %swap3A_573 = tpu.vector_load %arg7[%swap3A_569, %swap3A_570, %swap3A_571, %swap3A_572] {strides = array<i32>} : memref<2x4x80x128xf32, #tpu.memory_space<vmem>>, vector<1x1x1x16xf32>,
      %swap3A_574 = vector.shape_cast %swap3A_573 : vector<1x1x1x16xf32> to vector<16xf32>
      %swap3A_575 = vector.shape_cast %add3A_566 : vector<16xf32> to vector<1x1x1x16xf32>
      tpu.vector_store %arg7[%swap3A_569, %swap3A_570, %swap3A_571, %swap3A_572], %swap3A_575 {strides = array<i32>} : memref<2x4x80x128xf32, #tpu.memory_space<vmem>>, vector<1x1x1x16xf32>,
      %add3A_576 = arith.addf %get3A_446, %get3A_54 : vector<16xf32>
      %swap3A_577 = arith.constant 1 : i32
      %swap3A_578 = arith.constant 1 : i32
      %swap3A_579 = arith.index_cast %swap3A_577 : i32 to index
      %swap3A_580 = arith.index_cast %swap3A_578 : i32 to index
      %swap3A_581 = arith.index_cast %scan3A_428 : i32 to index
      %swap3A_582 = arith.constant 32 : index
      %swap3A_583 = tpu.vector_load %arg7[%swap3A_579, %swap3A_580, %swap3A_581, %swap3A_582] {strides = array<i32>} : memref<2x4x80x128xf32, #tpu.memory_space<vmem>>, vector<1x1x1x16xf32>,
      %swap3A_584 = vector.shape_cast %swap3A_583 : vector<1x1x1x16xf32> to vector<16xf32>
      %swap3A_585 = vector.shape_cast %add3A_576 : vector<16xf32> to vector<1x1x1x16xf32>
      tpu.vector_store %arg7[%swap3A_579, %swap3A_580, %swap3A_581, %swap3A_582], %swap3A_585 {strides = array<i32>} : memref<2x4x80x128xf32, #tpu.memory_space<vmem>>, vector<1x1x1x16xf32>,
      %add3A_586 = arith.addf %get3A_452, %get3A_59 : vector<16xf32>
      %swap3A_587 = arith.constant 1 : i32
      %swap3A_588 = arith.constant 1 : i32
      %swap3A_589 = arith.index_cast %swap3A_587 : i32 to index
      %swap3A_590 = arith.index_cast %swap3A_588 : i32 to index
      %swap3A_591 = arith.index_cast %scan3A_428 : i32 to index
      %swap3A_592 = arith.constant 48 : index
      %swap3A_593 = tpu.vector_load %arg7[%swap3A_589, %swap3A_590, %swap3A_591, %swap3A_592] {strides = array<i32>} : memref<2x4x80x128xf32, #tpu.memory_space<vmem>>, vector<1x1x1x16xf32>,
      %swap3A_594 = vector.shape_cast %swap3A_593 : vector<1x1x1x16xf32> to vector<16xf32>
      %swap3A_595 = vector.shape_cast %add3A_586 : vector<16xf32> to vector<1x1x1x16xf32>
      tpu.vector_store %arg7[%swap3A_589, %swap3A_590, %swap3A_591, %swap3A_592], %swap3A_595 {strides = array<i32>} : memref<2x4x80x128xf32, #tpu.memory_space<vmem>>, vector<1x1x1x16xf32>,
      %add3A_596 = arith.addf %get3A_458, %get3A_64 : vector<16xf32>
      %swap3A_597 = arith.constant 1 : i32
      %swap3A_598 = arith.constant 1 : i32
      %swap3A_599 = arith.index_cast %swap3A_597 : i32 to index
      %swap3A_600 = arith.index_cast %swap3A_598 : i32 to index
      %swap3A_601 = arith.index_cast %scan3A_428 : i32 to index
      %swap3A_602 = arith.constant 64 : index
      %swap3A_603 = tpu.vector_load %arg7[%swap3A_599, %swap3A_600, %swap3A_601, %swap3A_602] {strides = array<i32>} : memref<2x4x80x128xf32, #tpu.memory_space<vmem>>, vector<1x1x1x16xf32>,
      %swap3A_604 = vector.shape_cast %swap3A_603 : vector<1x1x1x16xf32> to vector<16xf32>
      %swap3A_605 = vector.shape_cast %add3A_596 : vector<16xf32> to vector<1x1x1x16xf32>
      tpu.vector_store %arg7[%swap3A_599, %swap3A_600, %swap3A_601, %swap3A_602], %swap3A_605 {strides = array<i32>} : memref<2x4x80x128xf32, #tpu.memory_space<vmem>>, vector<1x1x1x16xf32>,
      %add3A_606 = arith.addf %get3A_464, %get3A_69 : vector<16xf32>
      %swap3A_607 = arith.constant 1 : i32
      %swap3A_608 = arith.constant 1 : i32
      %swap3A_609 = arith.index_cast %swap3A_607 : i32 to index
      %swap3A_610 = arith.index_cast %swap3A_608 : i32 to index
      %swap3A_611 = arith.index_cast %scan3A_428 : i32 to index
      %swap3A_612 = arith.constant 80 : index
      %swap3A_613 = tpu.vector_load %arg7[%swap3A_609, %swap3A_610, %swap3A_611, %swap3A_612] {strides = array<i32>} : memref<2x4x80x128xf32, #tpu.memory_space<vmem>>, vector<1x1x1x16xf32>,
      %swap3A_614 = vector.shape_cast %swap3A_613 : vector<1x1x1x16xf32> to vector<16xf32>
      %swap3A_615 = vector.shape_cast %add3A_606 : vector<16xf32> to vector<1x1x1x16xf32>
      tpu.vector_store %arg7[%swap3A_609, %swap3A_610, %swap3A_611, %swap3A_612], %swap3A_615 {strides = array<i32>} : memref<2x4x80x128xf32, #tpu.memory_space<vmem>>, vector<1x1x1x16xf32>,
      %add3A_616 = arith.addf %get3A_470, %get3A_74 : vector<16xf32>
      %swap3A_617 = arith.constant 1 : i32
      %swap3A_618 = arith.constant 1 : i32
      %swap3A_619 = arith.index_cast %swap3A_617 : i32 to index
      %swap3A_620 = arith.index_cast %swap3A_618 : i32 to index
      %swap3A_621 = arith.index_cast %scan3A_428 : i32 to index
      %swap3A_622 = arith.constant 96 : index
      %swap3A_623 = tpu.vector_load %arg7[%swap3A_619, %swap3A_620, %swap3A_621, %swap3A_622] {strides = array<i32>} : memref<2x4x80x128xf32, #tpu.memory_space<vmem>>, vector<1x1x1x16xf32>,
      %swap3A_624 = vector.shape_cast %swap3A_623 : vector<1x1x1x16xf32> to vector<16xf32>
      %swap3A_625 = vector.shape_cast %add3A_616 : vector<16xf32> to vector<1x1x1x16xf32>
      tpu.vector_store %arg7[%swap3A_619, %swap3A_620, %swap3A_621, %swap3A_622], %swap3A_625 {strides = array<i32>} : memref<2x4x80x128xf32, #tpu.memory_space<vmem>>, vector<1x1x1x16xf32>,
      %add3A_626 = arith.addf %get3A_476, %get3A_79 : vector<16xf32>
      %swap3A_627 = arith.constant 1 : i32
      %swap3A_628 = arith.constant 1 : i32
      %swap3A_629 = arith.index_cast %swap3A_627 : i32 to index
      %swap3A_630 = arith.index_cast %swap3A_628 : i32 to index
      %swap3A_631 = arith.index_cast %scan3A_428 : i32 to index
      %swap3A_632 = arith.constant 112 : index
      %swap3A_633 = tpu.vector_load %arg7[%swap3A_629, %swap3A_630, %swap3A_631, %swap3A_632] {strides = array<i32>} : memref<2x4x80x128xf32, #tpu.memory_space<vmem>>, vector<1x1x1x16xf32>,
      %swap3A_634 = vector.shape_cast %swap3A_633 : vector<1x1x1x16xf32> to vector<16xf32>
      %swap3A_635 = vector.shape_cast %add3A_626 : vector<16xf32> to vector<1x1x1x16xf32>
      tpu.vector_store %arg7[%swap3A_629, %swap3A_630, %swap3A_631, %swap3A_632], %swap3A_635 {strides = array<i32>} : memref<2x4x80x128xf32, #tpu.memory_space<vmem>>, vector<1x1x1x16xf32>,
      %add3A_636 = arith.addf %get3A_434, %get3A_84 : vector<16xf32>
      %swap3A_637 = arith.constant 1 : i32
      %swap3A_638 = arith.constant 2 : i32
      %swap3A_639 = arith.index_cast %swap3A_637 : i32 to index
      %swap3A_640 = arith.index_cast %swap3A_638 : i32 to index
      %swap3A_641 = arith.index_cast %scan3A_428 : i32 to index
      %swap3A_642 = arith.constant 0 : index
      %swap3A_643 = tpu.vector_load %arg7[%swap3A_639, %swap3A_640, %swap3A_641, %swap3A_642] {strides = array<i32>} : memref<2x4x80x128xf32, #tpu.memory_space<vmem>>, vector<1x1x1x16xf32>,
      %swap3A_644 = vector.shape_cast %swap3A_643 : vector<1x1x1x16xf32> to vector<16xf32>
      %swap3A_645 = vector.shape_cast %add3A_636 : vector<16xf32> to vector<1x1x1x16xf32>
      tpu.vector_store %arg7[%swap3A_639, %swap3A_640, %swap3A_641, %swap3A_642], %swap3A_645 {strides = array<i32>} : memref<2x4x80x128xf32, #tpu.memory_space<vmem>>, vector<1x1x1x16xf32>,
      %add3A_646 = arith.addf %get3A_440, %get3A_89 : vector<16xf32>
      %swap3A_647 = arith.constant 1 : i32
      %swap3A_648 = arith.constant 2 : i32
      %swap3A_649 = arith.index_cast %swap3A_647 : i32 to index
      %swap3A_650 = arith.index_cast %swap3A_648 : i32 to index
      %swap3A_651 = arith.index_cast %scan3A_428 : i32 to index
      %swap3A_652 = arith.constant 16 : index
      %swap3A_653 = tpu.vector_load %arg7[%swap3A_649, %swap3A_650, %swap3A_651, %swap3A_652] {strides = array<i32>} : memref<2x4x80x128xf32, #tpu.memory_space<vmem>>, vector<1x1x1x16xf32>,
      %swap3A_654 = vector.shape_cast %swap3A_653 : vector<1x1x1x16xf32> to vector<16xf32>
      %swap3A_655 = vector.shape_cast %add3A_646 : vector<16xf32> to vector<1x1x1x16xf32>
      tpu.vector_store %arg7[%swap3A_649, %swap3A_650, %swap3A_651, %swap3A_652], %swap3A_655 {strides = array<i32>} : memref<2x4x80x128xf32, #tpu.memory_space<vmem>>, vector<1x1x1x16xf32>,
      %add3A_656 = arith.addf %get3A_446, %get3A_94 : vector<16xf32>
      %swap3A_657 = arith.constant 1 : i32
      %swap3A_658 = arith.constant 2 : i32
      %swap3A_659 = arith.index_cast %swap3A_657 : i32 to index
      %swap3A_660 = arith.index_cast %swap3A_658 : i32 to index
      %swap3A_661 = arith.index_cast %scan3A_428 : i32 to index
      %swap3A_662 = arith.constant 32 : index
      %swap3A_663 = tpu.vector_load %arg7[%swap3A_659, %swap3A_660, %swap3A_661, %swap3A_662] {strides = array<i32>} : memref<2x4x80x128xf32, #tpu.memory_space<vmem>>, vector<1x1x1x16xf32>,
      %swap3A_664 = vector.shape_cast %swap3A_663 : vector<1x1x1x16xf32> to vector<16xf32>
      %swap3A_665 = vector.shape_cast %add3A_656 : vector<16xf32> to vector<1x1x1x16xf32>
      tpu.vector_store %arg7[%swap3A_659, %swap3A_660, %swap3A_661, %swap3A_662], %swap3A_665 {strides = array<i32>} : memref<2x4x80x128xf32, #tpu.memory_space<vmem>>, vector<1x1x1x16xf32>,
      %add3A_666 = arith.addf %get3A_452, %get3A_99 : vector<16xf32>
      %swap3A_667 = arith.constant 1 : i32
      %swap3A_668 = arith.constant 2 : i32
      %swap3A_669 = arith.index_cast %swap3A_667 : i32 to index
      %swap3A_670 = arith.index_cast %swap3A_668 : i32 to index
      %swap3A_671 = arith.index_cast %scan3A_428 : i32 to index
      %swap3A_672 = arith.constant 48 : index
      %swap3A_673 = tpu.vector_load %arg7[%swap3A_669, %swap3A_670, %swap3A_671, %swap3A_672] {strides = array<i32>} : memref<2x4x80x128xf32, #tpu.memory_space<vmem>>, vector<1x1x1x16xf32>,
      %swap3A_674 = vector.shape_cast %swap3A_673 : vector<1x1x1x16xf32> to vector<16xf32>
      %swap3A_675 = vector.shape_cast %add3A_666 : vector<16xf32> to vector<1x1x1x16xf32>
      tpu.vector_store %arg7[%swap3A_669, %swap3A_670, %swap3A_671, %swap3A_672], %swap3A_675 {strides = array<i32>} : memref<2x4x80x128xf32, #tpu.memory_space<vmem>>, vector<1x1x1x16xf32>,
      %add3A_676 = arith.addf %get3A_458, %get3A_104 : vector<16xf32>
      %swap3A_677 = arith.constant 1 : i32
      %swap3A_678 = arith.constant 2 : i32
      %swap3A_679 = arith.index_cast %swap3A_677 : i32 to index
      %swap3A_680 = arith.index_cast %swap3A_678 : i32 to index
      %swap3A_681 = arith.index_cast %scan3A_428 : i32 to index
      %swap3A_682 = arith.constant 64 : index
      %swap3A_683 = tpu.vector_load %arg7[%swap3A_679, %swap3A_680, %swap3A_681, %swap3A_682] {strides = array<i32>} : memref<2x4x80x128xf32, #tpu.memory_space<vmem>>, vector<1x1x1x16xf32>,
      %swap3A_684 = vector.shape_cast %swap3A_683 : vector<1x1x1x16xf32> to vector<16xf32>
      %swap3A_685 = vector.shape_cast %add3A_676 : vector<16xf32> to vector<1x1x1x16xf32>
      tpu.vector_store %arg7[%swap3A_679, %swap3A_680, %swap3A_681, %swap3A_682], %swap3A_685 {strides = array<i32>} : memref<2x4x80x128xf32, #tpu.memory_space<vmem>>, vector<1x1x1x16xf32>,
      %add3A_686 = arith.addf %get3A_464, %get3A_109 : vector<16xf32>
      %swap3A_687 = arith.constant 1 : i32
      %swap3A_688 = arith.constant 2 : i32
      %swap3A_689 = arith.index_cast %swap3A_687 : i32 to index
      %swap3A_690 = arith.index_cast %swap3A_688 : i32 to index
      %swap3A_691 = arith.index_cast %scan3A_428 : i32 to index
      %swap3A_692 = arith.constant 80 : index
      %swap3A_693 = tpu.vector_load %arg7[%swap3A_689, %swap3A_690, %swap3A_691, %swap3A_692] {strides = array<i32>} : memref<2x4x80x128xf32, #tpu.memory_space<vmem>>, vector<1x1x1x16xf32>,
      %swap3A_694 = vector.shape_cast %swap3A_693 : vector<1x1x1x16xf32> to vector<16xf32>
      %swap3A_695 = vector.shape_cast %add3A_686 : vector<16xf32> to vector<1x1x1x16xf32>
      tpu.vector_store %arg7[%swap3A_689, %swap3A_690, %swap3A_691, %swap3A_692], %swap3A_695 {strides = array<i32>} : memref<2x4x80x128xf32, #tpu.memory_space<vmem>>, vector<1x1x1x16xf32>,
      %add3A_696 = arith.addf %get3A_470, %get3A_114 : vector<16xf32>
      %swap3A_697 = arith.constant 1 : i32
      %swap3A_698 = arith.constant 2 : i32
      %swap3A_699 = arith.index_cast %swap3A_697 : i32 to index
      %swap3A_700 = arith.index_cast %swap3A_698 : i32 to index
      %swap3A_701 = arith.index_cast %scan3A_428 : i32 to index
      %swap3A_702 = arith.constant 96 : index
      %swap3A_703 = tpu.vector_load %arg7[%swap3A_699, %swap3A_700, %swap3A_701, %swap3A_702] {strides = array<i32>} : memref<2x4x80x128xf32, #tpu.memory_space<vmem>>, vector<1x1x1x16xf32>,
      %swap3A_704 = vector.shape_cast %swap3A_703 : vector<1x1x1x16xf32> to vector<16xf32>
      %swap3A_705 = vector.shape_cast %add3A_696 : vector<16xf32> to vector<1x1x1x16xf32>
      tpu.vector_store %arg7[%swap3A_699, %swap3A_700, %swap3A_701, %swap3A_702], %swap3A_705 {strides = array<i32>} : memref<2x4x80x128xf32, #tpu.memory_space<vmem>>, vector<1x1x1x16xf32>,
      %add3A_706 = arith.addf %get3A_476, %get3A_119 : vector<16xf32>
      %swap3A_707 = arith.constant 1 : i32
      %swap3A_708 = arith.constant 2 : i32
      %swap3A_709 = arith.index_cast %swap3A_707 : i32 to index
      %swap3A_710 = arith.index_cast %swap3A_708 : i32 to index
      %swap3A_711 = arith.index_cast %scan3A_428 : i32 to index
      %swap3A_712 = arith.constant 112 : index
      %swap3A_713 = tpu.vector_load %arg7[%swap3A_709, %swap3A_710, %swap3A_711, %swap3A_712] {strides = array<i32>} : memref<2x4x80x128xf32, #tpu.memory_space<vmem>>, vector<1x1x1x16xf32>,
      %swap3A_714 = vector.shape_cast %swap3A_713 : vector<1x1x1x16xf32> to vector<16xf32>
      %swap3A_715 = vector.shape_cast %add3A_706 : vector<16xf32> to vector<1x1x1x16xf32>
      tpu.vector_store %arg7[%swap3A_709, %swap3A_710, %swap3A_711, %swap3A_712], %swap3A_715 {strides = array<i32>} : memref<2x4x80x128xf32, #tpu.memory_space<vmem>>, vector<1x1x1x16xf32>,
      %add3A_716 = arith.addf %get3A_434, %get3A_124 : vector<16xf32>
      %swap3A_717 = arith.constant 1 : i32
      %swap3A_718 = arith.constant 3 : i32
      %swap3A_719 = arith.index_cast %swap3A_717 : i32 to index
      %swap3A_720 = arith.index_cast %swap3A_718 : i32 to index
      %swap3A_721 = arith.index_cast %scan3A_428 : i32 to index
      %swap3A_722 = arith.constant 0 : index
      %swap3A_723 = tpu.vector_load %arg7[%swap3A_719, %swap3A_720, %swap3A_721, %swap3A_722] {strides = array<i32>} : memref<2x4x80x128xf32, #tpu.memory_space<vmem>>, vector<1x1x1x16xf32>,
      %swap3A_724 = vector.shape_cast %swap3A_723 : vector<1x1x1x16xf32> to vector<16xf32>
      %swap3A_725 = vector.shape_cast %add3A_716 : vector<16xf32> to vector<1x1x1x16xf32>
      tpu.vector_store %arg7[%swap3A_719, %swap3A_720, %swap3A_721, %swap3A_722], %swap3A_725 {strides = array<i32>} : memref<2x4x80x128xf32, #tpu.memory_space<vmem>>, vector<1x1x1x16xf32>,
      %add3A_726 = arith.addf %get3A_440, %get3A_129 : vector<16xf32>
      %swap3A_727 = arith.constant 1 : i32
      %swap3A_728 = arith.constant 3 : i32
      %swap3A_729 = arith.index_cast %swap3A_727 : i32 to index
      %swap3A_730 = arith.index_cast %swap3A_728 : i32 to index
      %swap3A_731 = arith.index_cast %scan3A_428 : i32 to index
      %swap3A_732 = arith.constant 16 : index
      %swap3A_733 = tpu.vector_load %arg7[%swap3A_729, %swap3A_730, %swap3A_731, %swap3A_732] {strides = array<i32>} : memref<2x4x80x128xf32, #tpu.memory_space<vmem>>, vector<1x1x1x16xf32>,
      %swap3A_734 = vector.shape_cast %swap3A_733 : vector<1x1x1x16xf32> to vector<16xf32>
      %swap3A_735 = vector.shape_cast %add3A_726 : vector<16xf32> to vector<1x1x1x16xf32>
      tpu.vector_store %arg7[%swap3A_729, %swap3A_730, %swap3A_731, %swap3A_732], %swap3A_735 {strides = array<i32>} : memref<2x4x80x128xf32, #tpu.memory_space<vmem>>, vector<1x1x1x16xf32>,
      %add3A_736 = arith.addf %get3A_446, %get3A_134 : vector<16xf32>
      %swap3A_737 = arith.constant 1 : i32
      %swap3A_738 = arith.constant 3 : i32
      %swap3A_739 = arith.index_cast %swap3A_737 : i32 to index
      %swap3A_740 = arith.index_cast %swap3A_738 : i32 to index
      %swap3A_741 = arith.index_cast %scan3A_428 : i32 to index
      %swap3A_742 = arith.constant 32 : index
      %swap3A_743 = tpu.vector_load %arg7[%swap3A_739, %swap3A_740, %swap3A_741, %swap3A_742] {strides = array<i32>} : memref<2x4x80x128xf32, #tpu.memory_space<vmem>>, vector<1x1x1x16xf32>,
      %swap3A_744 = vector.shape_cast %swap3A_743 : vector<1x1x1x16xf32> to vector<16xf32>
      %swap3A_745 = vector.shape_cast %add3A_736 : vector<16xf32> to vector<1x1x1x16xf32>
      tpu.vector_store %arg7[%swap3A_739, %swap3A_740, %swap3A_741, %swap3A_742], %swap3A_745 {strides = array<i32>} : memref<2x4x80x128xf32, #tpu.memory_space<vmem>>, vector<1x1x1x16xf32>,
      %add3A_746 = arith.addf %get3A_452, %get3A_139 : vector<16xf32>
      %swap3A_747 = arith.constant 1 : i32
      %swap3A_748 = arith.constant 3 : i32
      %swap3A_749 = arith.index_cast %swap3A_747 : i32 to index
      %swap3A_750 = arith.index_cast %swap3A_748 : i32 to index
      %swap3A_751 = arith.index_cast %scan3A_428 : i32 to index
      %swap3A_752 = arith.constant 48 : index
      %swap3A_753 = tpu.vector_load %arg7[%swap3A_749, %swap3A_750, %swap3A_751, %swap3A_752] {strides = array<i32>} : memref<2x4x80x128xf32, #tpu.memory_space<vmem>>, vector<1x1x1x16xf32>,
      %swap3A_754 = vector.shape_cast %swap3A_753 : vector<1x1x1x16xf32> to vector<16xf32>
      %swap3A_755 = vector.shape_cast %add3A_746 : vector<16xf32> to vector<1x1x1x16xf32>
      tpu.vector_store %arg7[%swap3A_749, %swap3A_750, %swap3A_751, %swap3A_752], %swap3A_755 {strides = array<i32>} : memref<2x4x80x128xf32, #tpu.memory_space<vmem>>, vector<1x1x1x16xf32>,
      %add3A_756 = arith.addf %get3A_458, %get3A_144 : vector<16xf32>
      %swap3A_757 = arith.constant 1 : i32
      %swap3A_758 = arith.constant 3 : i32
      %swap3A_759 = arith.index_cast %swap3A_757 : i32 to index
      %swap3A_760 = arith.index_cast %swap3A_758 : i32 to index
      %swap3A_761 = arith.index_cast %scan3A_428 : i32 to index
      %swap3A_762 = arith.constant 64 : index
      %swap3A_763 = tpu.vector_load %arg7[%swap3A_759, %swap3A_760, %swap3A_761, %swap3A_762] {strides = array<i32>} : memref<2x4x80x128xf32, #tpu.memory_space<vmem>>, vector<1x1x1x16xf32>,
      %swap3A_764 = vector.shape_cast %swap3A_763 : vector<1x1x1x16xf32> to vector<16xf32>
      %swap3A_765 = vector.shape_cast %add3A_756 : vector<16xf32> to vector<1x1x1x16xf32>
      tpu.vector_store %arg7[%swap3A_759, %swap3A_760, %swap3A_761, %swap3A_762], %swap3A_765 {strides = array<i32>} : memref<2x4x80x128xf32, #tpu.memory_space<vmem>>, vector<1x1x1x16xf32>,
      %add3A_766 = arith.addf %get3A_464, %get3A_149 : vector<16xf32>
      %swap3A_767 = arith.constant 1 : i32
      %swap3A_768 = arith.constant 3 : i32
      %swap3A_769 = arith.index_cast %swap3A_767 : i32 to index
      %swap3A_770 = arith.index_cast %swap3A_768 : i32 to index
      %swap3A_771 = arith.index_cast %scan3A_428 : i32 to index
      %swap3A_772 = arith.constant 80 : index
      %swap3A_773 = tpu.vector_load %arg7[%swap3A_769, %swap3A_770, %swap3A_771, %swap3A_772] {strides = array<i32>} : memref<2x4x80x128xf32, #tpu.memory_space<vmem>>, vector<1x1x1x16xf32>,
      %swap3A_774 = vector.shape_cast %swap3A_773 : vector<1x1x1x16xf32> to vector<16xf32>
      %swap3A_775 = vector.shape_cast %add3A_766 : vector<16xf32> to vector<1x1x1x16xf32>
      tpu.vector_store %arg7[%swap3A_769, %swap3A_770, %swap3A_771, %swap3A_772], %swap3A_775 {strides = array<i32>} : memref<2x4x80x128xf32, #tpu.memory_space<vmem>>, vector<1x1x1x16xf32>,
      %add3A_776 = arith.addf %get3A_470, %get3A_154 : vector<16xf32>
      %swap3A_777 = arith.constant 1 : i32
      %swap3A_778 = arith.constant 3 : i32
      %swap3A_779 = arith.index_cast %swap3A_777 : i32 to index
      %swap3A_780 = arith.index_cast %swap3A_778 : i32 to index
      %swap3A_781 = arith.index_cast %scan3A_428 : i32 to index
      %swap3A_782 = arith.constant 96 : index
      %swap3A_783 = tpu.vector_load %arg7[%swap3A_779, %swap3A_780, %swap3A_781, %swap3A_782] {strides = array<i32>} : memref<2x4x80x128xf32, #tpu.memory_space<vmem>>, vector<1x1x1x16xf32>,
      %swap3A_784 = vector.shape_cast %swap3A_783 : vector<1x1x1x16xf32> to vector<16xf32>
      %swap3A_785 = vector.shape_cast %add3A_776 : vector<16xf32> to vector<1x1x1x16xf32>
      tpu.vector_store %arg7[%swap3A_779, %swap3A_780, %swap3A_781, %swap3A_782], %swap3A_785 {strides = array<i32>} : memref<2x4x80x128xf32, #tpu.memory_space<vmem>>, vector<1x1x1x16xf32>,
      %add3A_786 = arith.addf %get3A_476, %get3A_159 : vector<16xf32>
      %swap3A_787 = arith.constant 1 : i32
      %swap3A_788 = arith.constant 3 : i32
      %swap3A_789 = arith.index_cast %swap3A_787 : i32 to index
      %swap3A_790 = arith.index_cast %swap3A_788 : i32 to index
      %swap3A_791 = arith.index_cast %scan3A_428 : i32 to index
      %swap3A_792 = arith.constant 112 : index
      %swap3A_793 = tpu.vector_load %arg7[%swap3A_789, %swap3A_790, %swap3A_791, %swap3A_792] {strides = array<i32>} : memref<2x4x80x128xf32, #tpu.memory_space<vmem>>, vector<1x1x1x16xf32>,
      %swap3A_794 = vector.shape_cast %swap3A_793 : vector<1x1x1x16xf32> to vector<16xf32>
      %swap3A_795 = vector.shape_cast %add3A_786 : vector<16xf32> to vector<1x1x1x16xf32>
      tpu.vector_store %arg7[%swap3A_789, %swap3A_790, %swap3A_791, %swap3A_792], %swap3A_795 {strides = array<i32>} : memref<2x4x80x128xf32, #tpu.memory_space<vmem>>, vector<1x1x1x16xf32>,
    }
    %scan3A_274 = arith.constant 80 : i32
    %add3A_275 = arith.constant 32 : i32
    %add3A_276 = arith.addi %add3A, %add3A_275 : i32
    %mul3A_277 = arith.constant 80 : i32
    %mul3A_278 = arith.muli %add3A_276, %mul3A_277 : i32
    %dma_start3A_279 = arith.constant 1 : i32
    %dma_start3A_280 = arith.constant 0 : i32
    %dma_start3A_281 = arith.constant 0 : i32
    %dma_start3A_282 = arith.constant 0 : i32
    %dma_start3A_283 = tpu.memref_slice %arg7[%dma_start3A_279, %dma_start3A_280, %dma_start3A_281, %dma_start3A_282] : memref<2x4x80x128xf32, #tpu.memory_space<vmem>> -> memref<1x4x80x128xf32, #tpu.memory_space<vmem>>
    %dma_start3A_284 = tpu.memref_squeeze %dma_start3A_283 : memref<1x4x80x128xf32, #tpu.memory_space<vmem>> -> memref<4x80x128xf32, #tpu.memory_space<vmem>>
    %dma_start3A_285 = arith.constant 0 : i32
    %dma_start3A_286 = arith.constant 0 : i32
    %dma_start3A_287 = tpu.memref_slice %arg4[%dma_start3A_285, %mul3A_278, %dma_start3A_286] : memref<4x100000x128xf32, #tpu.memory_space<hbm>> -> memref<4x80x128xf32, #tpu.memory_space<hbm>>
    %dma_start3A_288 = arith.constant 0 : i32
    %dma_start3A_289 = arith.constant 0 : i32
    %dma_start3A_290 = tpu.memref_slice %arg4[%dma_start3A_288, %mul3A_278, %dma_start3A_289] : memref<4x100000x128xf32, #tpu.memory_space<hbm>> -> memref<4x80x128xf32, #tpu.memory_space<hbm>>
    %dma_start3A_291 = arith.constant 0 : i32
    %dma_start3A_292 = arith.constant 0 : i32
    %dma_start3A_293 = arith.constant 0 : i32
    %dma_start3A_294 = tpu.memref_slice %arg7[%dma_start3A_279, %dma_start3A_291, %dma_start3A_292, %dma_start3A_293] : memref<2x4x80x128xf32, #tpu.memory_space<vmem>> -> memref<1x4x80x128xf32, #tpu.memory_space<vmem>>
    %dma_start3A_295 = tpu.memref_squeeze %dma_start3A_294 : memref<1x4x80x128xf32, #tpu.memory_space<vmem>> -> memref<4x80x128xf32, #tpu.memory_space<vmem>>
    tpu.enqueue_dma source(%dma_start3A_295 : memref<4x80x128xf32, #tpu.memory_space<vmem>>) target(%dma_start3A_290 : memref<4x80x128xf32, #tpu.memory_space<hbm>>) target_semaphore(%arg11 : memref<!tpu.dma_semaphore, #tpu.memory_space<semaphore_mem>>)
    %add3A_296 = arith.constant 96 : i32
    %add3A_297 = arith.addi %add3A, %add3A_296 : i32
    %mul3A_298 = arith.constant 80 : i32
    %mul3A_299 = arith.muli %add3A_297, %mul3A_298 : i32
    %dma_start3A_300 = arith.constant 1 : i32
    %dma_start3A_301 = arith.constant 0 : i32
    %dma_start3A_302 = arith.constant 0 : i32
    %dma_start3A_303 = tpu.memref_slice %arg6[%dma_start3A_300, %dma_start3A_301, %dma_start3A_302] : memref<2x80x128xf32, #tpu.memory_space<vmem>> -> memref<1x80x128xf32, #tpu.memory_space<vmem>>
    %dma_start3A_304 = tpu.memref_squeeze %dma_start3A_303 : memref<1x80x128xf32, #tpu.memory_space<vmem>> -> memref<80x128xf32, #tpu.memory_space<vmem>>
    %dma_start3A_305 = arith.constant 0 : i32
    %dma_start3A_306 = tpu.memref_slice %arg2[%mul3A_299, %dma_start3A_305] : memref<100000x128xf32, #tpu.memory_space<hbm>> -> memref<80x128xf32, #tpu.memory_space<hbm>>
    %dma_start3A_307 = arith.constant 0 : i32
    %dma_start3A_308 = arith.constant 0 : i32
    %dma_start3A_309 = tpu.memref_slice %arg6[%dma_start3A_300, %dma_start3A_307, %dma_start3A_308] : memref<2x80x128xf32, #tpu.memory_space<vmem>> -> memref<1x80x128xf32, #tpu.memory_space<vmem>>
    %dma_start3A_310 = tpu.memref_squeeze %dma_start3A_309 : memref<1x80x128xf32, #tpu.memory_space<vmem>> -> memref<80x128xf32, #tpu.memory_space<vmem>>
    %dma_start3A_311 = arith.constant 0 : i32
    %dma_start3A_312 = tpu.memref_slice %arg2[%mul3A_299, %dma_start3A_311] : memref<100000x128xf32, #tpu.memory_space<hbm>> -> memref<80x128xf32, #tpu.memory_space<hbm>>
    tpu.enqueue_dma source(%dma_start3A_312 : memref<80x128xf32, #tpu.memory_space<hbm>>) target(%dma_start3A_310 : memref<80x128xf32, #tpu.memory_space<vmem>>) target_semaphore(%arg9 : memref<!tpu.dma_semaphore, #tpu.memory_space<semaphore_mem>>)
    %scan3A_313 = arith.constant 0 : i32
    %scan3A_314 = arith.constant 1 : i32
    %scan3A_315 = arith.constant 18 : i32
    %scan3A_316 = arith.addi %scan3A_314, %scan3A_315 : i32
    %scan3A_317 = arith.constant 1 : i32
    scf.for %scan3A_428 = %scan3A_314 to %scan3A_316 step %scan3A_317  : i32 {
      %mul3A_429 = arith.constant 2 : i32
      %mul3A_430 = arith.muli %mul3A_429, %scan3A_428 : i32
      %mul3A_431 = arith.constant 32 : i32
      %mul3A_432 = arith.muli %mul3A_430, %mul3A_431 : i32
      %add3A_433 = arith.addi %add3A, %mul3A_432 : i32
      %mul3A_434 = arith.constant 80 : i32
      %mul3A_435 = arith.muli %add3A_433, %mul3A_434 : i32
      %dma_wait3A_436 = arith.constant 0 : i32
      %dma_wait3A_437 = arith.constant 0 : i32
      %dma_wait3A_438 = arith.constant 0 : i32
      %dma_wait3A_439 = tpu.memref_slice %arg6[%dma_wait3A_436, %dma_wait3A_437, %dma_wait3A_438] : memref<2x80x128xf32, #tpu.memory_space<vmem>> -> memref<1x80x128xf32, #tpu.memory_space<vmem>>
      %dma_wait3A_440 = tpu.memref_squeeze %dma_wait3A_439 : memref<1x80x128xf32, #tpu.memory_space<vmem>> -> memref<80x128xf32, #tpu.memory_space<vmem>>
      %dma_wait3A_441 = arith.constant 0 : i32
      %dma_wait3A_442 = tpu.memref_slice %arg2[%mul3A_435, %dma_wait3A_441] : memref<100000x128xf32, #tpu.memory_space<hbm>> -> memref<80x128xf32, #tpu.memory_space<hbm>>
      %dma_wait3A_443 = arith.constant 0 : i32
      %dma_wait3A_444 = arith.constant 0 : i32
      %dma_wait3A_445 = tpu.memref_slice %arg6[%dma_wait3A_436, %dma_wait3A_443, %dma_wait3A_444] : memref<2x80x128xf32, #tpu.memory_space<vmem>> -> memref<1x80x128xf32, #tpu.memory_space<vmem>>
      %dma_wait3A_446 = tpu.memref_squeeze %dma_wait3A_445 : memref<1x80x128xf32, #tpu.memory_space<vmem>> -> memref<80x128xf32, #tpu.memory_space<vmem>>
      %dma_wait3A_447 = arith.constant 0 : i32
      %dma_wait3A_448 = tpu.memref_slice %arg2[%mul3A_435, %dma_wait3A_447] : memref<100000x128xf32, #tpu.memory_space<hbm>> -> memref<80x128xf32, #tpu.memory_space<hbm>>
      tpu.wait_dma2 semaphore(%arg8 : memref<!tpu.dma_semaphore, #tpu.memory_space<semaphore_mem>>) src(%dma_wait3A_448 : memref<80x128xf32, #tpu.memory_space<hbm>>) dst(%dma_wait3A_446 : memref<80x128xf32, #tpu.memory_space<vmem>>)
      %mul3A_449 = arith.constant 32 : i32
      %mul3A_450 = arith.muli %mul3A_430, %mul3A_449 : i32
      %add3A_451 = arith.addi %add3A, %mul3A_450 : i32
      %mul3A_452 = arith.constant 80 : i32
      %mul3A_453 = arith.muli %add3A_451, %mul3A_452 : i32
      %dma_wait3A_454 = arith.constant 0 : i32
      %dma_wait3A_455 = arith.constant 0 : i32
      %dma_wait3A_456 = arith.constant 0 : i32
      %dma_wait3A_457 = arith.constant 0 : i32
      %dma_wait3A_458 = tpu.memref_slice %arg7[%dma_wait3A_454, %dma_wait3A_455, %dma_wait3A_456, %dma_wait3A_457] : memref<2x4x80x128xf32, #tpu.memory_space<vmem>> -> memref<1x4x80x128xf32, #tpu.memory_space<vmem>>
      %dma_wait3A_459 = tpu.memref_squeeze %dma_wait3A_458 : memref<1x4x80x128xf32, #tpu.memory_space<vmem>> -> memref<4x80x128xf32, #tpu.memory_space<vmem>>
      %dma_wait3A_460 = arith.constant 0 : i32
      %dma_wait3A_461 = arith.constant 0 : i32
      %dma_wait3A_462 = tpu.memref_slice %arg4[%dma_wait3A_460, %mul3A_453, %dma_wait3A_461] : memref<4x100000x128xf32, #tpu.memory_space<hbm>> -> memref<4x80x128xf32, #tpu.memory_space<hbm>>
      %dma_wait3A_463 = arith.constant 0 : i32
      %dma_wait3A_464 = arith.constant 0 : i32
      %dma_wait3A_465 = tpu.memref_slice %arg4[%dma_wait3A_463, %mul3A_453, %dma_wait3A_464] : memref<4x100000x128xf32, #tpu.memory_space<hbm>> -> memref<4x80x128xf32, #tpu.memory_space<hbm>>
      %dma_wait3A_466 = arith.constant 0 : i32
      %dma_wait3A_467 = arith.constant 0 : i32
      %dma_wait3A_468 = arith.constant 0 : i32
      %dma_wait3A_469 = tpu.memref_slice %arg7[%dma_wait3A_454, %dma_wait3A_466, %dma_wait3A_467, %dma_wait3A_468] : memref<2x4x80x128xf32, #tpu.memory_space<vmem>> -> memref<1x4x80x128xf32, #tpu.memory_space<vmem>>
      %dma_wait3A_470 = tpu.memref_squeeze %dma_wait3A_469 : memref<1x4x80x128xf32, #tpu.memory_space<vmem>> -> memref<4x80x128xf32, #tpu.memory_space<vmem>>
      tpu.wait_dma2 semaphore(%arg10 : memref<!tpu.dma_semaphore, #tpu.memory_space<semaphore_mem>>) src(%dma_wait3A_470 : memref<4x80x128xf32, #tpu.memory_space<vmem>>) dst(%dma_wait3A_465 : memref<4x80x128xf32, #tpu.memory_space<hbm>>)
      %scan3A_471 = arith.constant 0 : i32
      %scan3A_472 = arith.constant 0 : i32
      %scan3A_473 = arith.constant 80 : i32
      %scan3A_474 = arith.addi %scan3A_472, %scan3A_473 : i32
      %scan3A_475 = arith.constant 1 : i32
      scf.for %scan3A_583 = %scan3A_472 to %scan3A_474 step %scan3A_475  : i32 {
        %get3A_584 = arith.constant 0 : i32
        %get3A_585 = arith.index_cast %get3A_584 : i32 to index
        %get3A_586 = arith.index_cast %scan3A_583 : i32 to index
        %get3A_587 = arith.constant 0 : index
        %get3A_588 = tpu.vector_load %arg6[%get3A_585, %get3A_586, %get3A_587] {strides = array<i32>} : memref<2x80x128xf32, #tpu.memory_space<vmem>>, vector<1x1x16xf32>,
        %get3A_589 = vector.shape_cast %get3A_588 : vector<1x1x16xf32> to vector<16xf32>
        %get3A_590 = arith.constant 0 : i32
        %get3A_591 = arith.index_cast %get3A_590 : i32 to index
        %get3A_592 = arith.index_cast %scan3A_583 : i32 to index
        %get3A_593 = arith.constant 16 : index
        %get3A_594 = tpu.vector_load %arg6[%get3A_591, %get3A_592, %get3A_593] {strides = array<i32>} : memref<2x80x128xf32, #tpu.memory_space<vmem>>, vector<1x1x16xf32>,
        %get3A_595 = vector.shape_cast %get3A_594 : vector<1x1x16xf32> to vector<16xf32>
        %get3A_596 = arith.constant 0 : i32
        %get3A_597 = arith.index_cast %get3A_596 : i32 to index
        %get3A_598 = arith.index_cast %scan3A_583 : i32 to index
        %get3A_599 = arith.constant 32 : index
        %get3A_600 = tpu.vector_load %arg6[%get3A_597, %get3A_598, %get3A_599] {strides = array<i32>} : memref<2x80x128xf32, #tpu.memory_space<vmem>>, vector<1x1x16xf32>,
        %get3A_601 = vector.shape_cast %get3A_600 : vector<1x1x16xf32> to vector<16xf32>
        %get3A_602 = arith.constant 0 : i32
        %get3A_603 = arith.index_cast %get3A_602 : i32 to index
        %get3A_604 = arith.index_cast %scan3A_583 : i32 to index
        %get3A_605 = arith.constant 48 : index
        %get3A_606 = tpu.vector_load %arg6[%get3A_603, %get3A_604, %get3A_605] {strides = array<i32>} : memref<2x80x128xf32, #tpu.memory_space<vmem>>, vector<1x1x16xf32>,
        %get3A_607 = vector.shape_cast %get3A_606 : vector<1x1x16xf32> to vector<16xf32>
        %get3A_608 = arith.constant 0 : i32
        %get3A_609 = arith.index_cast %get3A_608 : i32 to index
        %get3A_610 = arith.index_cast %scan3A_583 : i32 to index
        %get3A_611 = arith.constant 64 : index
        %get3A_612 = tpu.vector_load %arg6[%get3A_609, %get3A_610, %get3A_611] {strides = array<i32>} : memref<2x80x128xf32, #tpu.memory_space<vmem>>, vector<1x1x16xf32>,
        %get3A_613 = vector.shape_cast %get3A_612 : vector<1x1x16xf32> to vector<16xf32>
        %get3A_614 = arith.constant 0 : i32
        %get3A_615 = arith.index_cast %get3A_614 : i32 to index
        %get3A_616 = arith.index_cast %scan3A_583 : i32 to index
        %get3A_617 = arith.constant 80 : index
        %get3A_618 = tpu.vector_load %arg6[%get3A_615, %get3A_616, %get3A_617] {strides = array<i32>} : memref<2x80x128xf32, #tpu.memory_space<vmem>>, vector<1x1x16xf32>,
        %get3A_619 = vector.shape_cast %get3A_618 : vector<1x1x16xf32> to vector<16xf32>
        %get3A_620 = arith.constant 0 : i32
        %get3A_621 = arith.index_cast %get3A_620 : i32 to index
        %get3A_622 = arith.index_cast %scan3A_583 : i32 to index
        %get3A_623 = arith.constant 96 : index
        %get3A_624 = tpu.vector_load %arg6[%get3A_621, %get3A_622, %get3A_623] {strides = array<i32>} : memref<2x80x128xf32, #tpu.memory_space<vmem>>, vector<1x1x16xf32>,
        %get3A_625 = vector.shape_cast %get3A_624 : vector<1x1x16xf32> to vector<16xf32>
        %get3A_626 = arith.constant 0 : i32
        %get3A_627 = arith.index_cast %get3A_626 : i32 to index
        %get3A_628 = arith.index_cast %scan3A_583 : i32 to index
        %get3A_629 = arith.constant 112 : index
        %get3A_630 = tpu.vector_load %arg6[%get3A_627, %get3A_628, %get3A_629] {strides = array<i32>} : memref<2x80x128xf32, #tpu.memory_space<vmem>>, vector<1x1x16xf32>,
        %get3A_631 = vector.shape_cast %get3A_630 : vector<1x1x16xf32> to vector<16xf32>
        %add3A_632 = arith.addf %get3A_589, %get3A_4 : vector<16xf32>
        %swap3A = arith.constant 0 : i32
        %swap3A_633 = arith.constant 0 : i32
        %swap3A_634 = arith.index_cast %swap3A : i32 to index
        %swap3A_635 = arith.index_cast %swap3A_633 : i32 to index
        %swap3A_636 = arith.index_cast %scan3A_583 : i32 to index
        %swap3A_637 = arith.constant 0 : index
        %swap3A_638 = tpu.vector_load %arg7[%swap3A_634, %swap3A_635, %swap3A_636, %swap3A_637] {strides = array<i32>} : memref<2x4x80x128xf32, #tpu.memory_space<vmem>>, vector<1x1x1x16xf32>,
        %swap3A_639 = vector.shape_cast %swap3A_638 : vector<1x1x1x16xf32> to vector<16xf32>
        %swap3A_640 = vector.shape_cast %add3A_632 : vector<16xf32> to vector<1x1x1x16xf32>
        tpu.vector_store %arg7[%swap3A_634, %swap3A_635, %swap3A_636, %swap3A_637], %swap3A_640 {strides = array<i32>} : memref<2x4x80x128xf32, #tpu.memory_space<vmem>>, vector<1x1x1x16xf32>,
        %add3A_641 = arith.addf %get3A_595, %get3A_9 : vector<16xf32>
        %swap3A_642 = arith.constant 0 : i32
        %swap3A_643 = arith.constant 0 : i32
        %swap3A_644 = arith.index_cast %swap3A_642 : i32 to index
        %swap3A_645 = arith.index_cast %swap3A_643 : i32 to index
        %swap3A_646 = arith.index_cast %scan3A_583 : i32 to index
        %swap3A_647 = arith.constant 16 : index
        %swap3A_648 = tpu.vector_load %arg7[%swap3A_644, %swap3A_645, %swap3A_646, %swap3A_647] {strides = array<i32>} : memref<2x4x80x128xf32, #tpu.memory_space<vmem>>, vector<1x1x1x16xf32>,
        %swap3A_649 = vector.shape_cast %swap3A_648 : vector<1x1x1x16xf32> to vector<16xf32>
        %swap3A_650 = vector.shape_cast %add3A_641 : vector<16xf32> to vector<1x1x1x16xf32>
        tpu.vector_store %arg7[%swap3A_644, %swap3A_645, %swap3A_646, %swap3A_647], %swap3A_650 {strides = array<i32>} : memref<2x4x80x128xf32, #tpu.memory_space<vmem>>, vector<1x1x1x16xf32>,
        %add3A_651 = arith.addf %get3A_601, %get3A_14 : vector<16xf32>
        %swap3A_652 = arith.constant 0 : i32
        %swap3A_653 = arith.constant 0 : i32
        %swap3A_654 = arith.index_cast %swap3A_652 : i32 to index
        %swap3A_655 = arith.index_cast %swap3A_653 : i32 to index
        %swap3A_656 = arith.index_cast %scan3A_583 : i32 to index
        %swap3A_657 = arith.constant 32 : index
        %swap3A_658 = tpu.vector_load %arg7[%swap3A_654, %swap3A_655, %swap3A_656, %swap3A_657] {strides = array<i32>} : memref<2x4x80x128xf32, #tpu.memory_space<vmem>>, vector<1x1x1x16xf32>,
        %swap3A_659 = vector.shape_cast %swap3A_658 : vector<1x1x1x16xf32> to vector<16xf32>
        %swap3A_660 = vector.shape_cast %add3A_651 : vector<16xf32> to vector<1x1x1x16xf32>
        tpu.vector_store %arg7[%swap3A_654, %swap3A_655, %swap3A_656, %swap3A_657], %swap3A_660 {strides = array<i32>} : memref<2x4x80x128xf32, #tpu.memory_space<vmem>>, vector<1x1x1x16xf32>,
        %add3A_661 = arith.addf %get3A_607, %get3A_19 : vector<16xf32>
        %swap3A_662 = arith.constant 0 : i32
        %swap3A_663 = arith.constant 0 : i32
        %swap3A_664 = arith.index_cast %swap3A_662 : i32 to index
        %swap3A_665 = arith.index_cast %swap3A_663 : i32 to index
        %swap3A_666 = arith.index_cast %scan3A_583 : i32 to index
        %swap3A_667 = arith.constant 48 : index
        %swap3A_668 = tpu.vector_load %arg7[%swap3A_664, %swap3A_665, %swap3A_666, %swap3A_667] {strides = array<i32>} : memref<2x4x80x128xf32, #tpu.memory_space<vmem>>, vector<1x1x1x16xf32>,
        %swap3A_669 = vector.shape_cast %swap3A_668 : vector<1x1x1x16xf32> to vector<16xf32>
        %swap3A_670 = vector.shape_cast %add3A_661 : vector<16xf32> to vector<1x1x1x16xf32>
        tpu.vector_store %arg7[%swap3A_664, %swap3A_665, %swap3A_666, %swap3A_667], %swap3A_670 {strides = array<i32>} : memref<2x4x80x128xf32, #tpu.memory_space<vmem>>, vector<1x1x1x16xf32>,
        %add3A_671 = arith.addf %get3A_613, %get3A_24 : vector<16xf32>
        %swap3A_672 = arith.constant 0 : i32
        %swap3A_673 = arith.constant 0 : i32
        %swap3A_674 = arith.index_cast %swap3A_672 : i32 to index
        %swap3A_675 = arith.index_cast %swap3A_673 : i32 to index
        %swap3A_676 = arith.index_cast %scan3A_583 : i32 to index
        %swap3A_677 = arith.constant 64 : index
        %swap3A_678 = tpu.vector_load %arg7[%swap3A_674, %swap3A_675, %swap3A_676, %swap3A_677] {strides = array<i32>} : memref<2x4x80x128xf32, #tpu.memory_space<vmem>>, vector<1x1x1x16xf32>,
        %swap3A_679 = vector.shape_cast %swap3A_678 : vector<1x1x1x16xf32> to vector<16xf32>
        %swap3A_680 = vector.shape_cast %add3A_671 : vector<16xf32> to vector<1x1x1x16xf32>
        tpu.vector_store %arg7[%swap3A_674, %swap3A_675, %swap3A_676, %swap3A_677], %swap3A_680 {strides = array<i32>} : memref<2x4x80x128xf32, #tpu.memory_space<vmem>>, vector<1x1x1x16xf32>,
        %add3A_681 = arith.addf %get3A_619, %get3A_29 : vector<16xf32>
        %swap3A_682 = arith.constant 0 : i32
        %swap3A_683 = arith.constant 0 : i32
        %swap3A_684 = arith.index_cast %swap3A_682 : i32 to index
        %swap3A_685 = arith.index_cast %swap3A_683 : i32 to index
        %swap3A_686 = arith.index_cast %scan3A_583 : i32 to index
        %swap3A_687 = arith.constant 80 : index
        %swap3A_688 = tpu.vector_load %arg7[%swap3A_684, %swap3A_685, %swap3A_686, %swap3A_687] {strides = array<i32>} : memref<2x4x80x128xf32, #tpu.memory_space<vmem>>, vector<1x1x1x16xf32>,
        %swap3A_689 = vector.shape_cast %swap3A_688 : vector<1x1x1x16xf32> to vector<16xf32>
        %swap3A_690 = vector.shape_cast %add3A_681 : vector<16xf32> to vector<1x1x1x16xf32>
        tpu.vector_store %arg7[%swap3A_684, %swap3A_685, %swap3A_686, %swap3A_687], %swap3A_690 {strides = array<i32>} : memref<2x4x80x128xf32, #tpu.memory_space<vmem>>, vector<1x1x1x16xf32>,
        %add3A_691 = arith.addf %get3A_625, %get3A_34 : vector<16xf32>
        %swap3A_692 = arith.constant 0 : i32
        %swap3A_693 = arith.constant 0 : i32
        %swap3A_694 = arith.index_cast %swap3A_692 : i32 to index
        %swap3A_695 = arith.index_cast %swap3A_693 : i32 to index
        %swap3A_696 = arith.index_cast %scan3A_583 : i32 to index
        %swap3A_697 = arith.constant 96 : index
        %swap3A_698 = tpu.vector_load %arg7[%swap3A_694, %swap3A_695, %swap3A_696, %swap3A_697] {strides = array<i32>} : memref<2x4x80x128xf32, #tpu.memory_space<vmem>>, vector<1x1x1x16xf32>,
        %swap3A_699 = vector.shape_cast %swap3A_698 : vector<1x1x1x16xf32> to vector<16xf32>
        %swap3A_700 = vector.shape_cast %add3A_691 : vector<16xf32> to vector<1x1x1x16xf32>
        tpu.vector_store %arg7[%swap3A_694, %swap3A_695, %swap3A_696, %swap3A_697], %swap3A_700 {strides = array<i32>} : memref<2x4x80x128xf32, #tpu.memory_space<vmem>>, vector<1x1x1x16xf32>,
        %add3A_701 = arith.addf %get3A_631, %get3A_39 : vector<16xf32>
        %swap3A_702 = arith.constant 0 : i32
        %swap3A_703 = arith.constant 0 : i32
        %swap3A_704 = arith.index_cast %swap3A_702 : i32 to index
        %swap3A_705 = arith.index_cast %swap3A_703 : i32 to index
        %swap3A_706 = arith.index_cast %scan3A_583 : i32 to index
        %swap3A_707 = arith.constant 112 : index
        %swap3A_708 = tpu.vector_load %arg7[%swap3A_704, %swap3A_705, %swap3A_706, %swap3A_707] {strides = array<i32>} : memref<2x4x80x128xf32, #tpu.memory_space<vmem>>, vector<1x1x1x16xf32>,
        %swap3A_709 = vector.shape_cast %swap3A_708 : vector<1x1x1x16xf32> to vector<16xf32>
        %swap3A_710 = vector.shape_cast %add3A_701 : vector<16xf32> to vector<1x1x1x16xf32>
        tpu.vector_store %arg7[%swap3A_704, %swap3A_705, %swap3A_706, %swap3A_707], %swap3A_710 {strides = array<i32>} : memref<2x4x80x128xf32, #tpu.memory_space<vmem>>, vector<1x1x1x16xf32>,
        %add3A_711 = arith.addf %get3A_589, %get3A_44 : vector<16xf32>
        %swap3A_712 = arith.constant 0 : i32
        %swap3A_713 = arith.constant 1 : i32
        %swap3A_714 = arith.index_cast %swap3A_712 : i32 to index
        %swap3A_715 = arith.index_cast %swap3A_713 : i32 to index
        %swap3A_716 = arith.index_cast %scan3A_583 : i32 to index
        %swap3A_717 = arith.constant 0 : index
        %swap3A_718 = tpu.vector_load %arg7[%swap3A_714, %swap3A_715, %swap3A_716, %swap3A_717] {strides = array<i32>} : memref<2x4x80x128xf32, #tpu.memory_space<vmem>>, vector<1x1x1x16xf32>,
        %swap3A_719 = vector.shape_cast %swap3A_718 : vector<1x1x1x16xf32> to vector<16xf32>
        %swap3A_720 = vector.shape_cast %add3A_711 : vector<16xf32> to vector<1x1x1x16xf32>
        tpu.vector_store %arg7[%swap3A_714, %swap3A_715, %swap3A_716, %swap3A_717], %swap3A_720 {strides = array<i32>} : memref<2x4x80x128xf32, #tpu.memory_space<vmem>>, vector<1x1x1x16xf32>,
        %add3A_721 = arith.addf %get3A_595, %get3A_49 : vector<16xf32>
        %swap3A_722 = arith.constant 0 : i32
        %swap3A_723 = arith.constant 1 : i32
        %swap3A_724 = arith.index_cast %swap3A_722 : i32 to index
        %swap3A_725 = arith.index_cast %swap3A_723 : i32 to index
        %swap3A_726 = arith.index_cast %scan3A_583 : i32 to index
        %swap3A_727 = arith.constant 16 : index
        %swap3A_728 = tpu.vector_load %arg7[%swap3A_724, %swap3A_725, %swap3A_726, %swap3A_727] {strides = array<i32>} : memref<2x4x80x128xf32, #tpu.memory_space<vmem>>, vector<1x1x1x16xf32>,
        %swap3A_729 = vector.shape_cast %swap3A_728 : vector<1x1x1x16xf32> to vector<16xf32>
        %swap3A_730 = vector.shape_cast %add3A_721 : vector<16xf32> to vector<1x1x1x16xf32>
        tpu.vector_store %arg7[%swap3A_724, %swap3A_725, %swap3A_726, %swap3A_727], %swap3A_730 {strides = array<i32>} : memref<2x4x80x128xf32, #tpu.memory_space<vmem>>, vector<1x1x1x16xf32>,
        %add3A_731 = arith.addf %get3A_601, %get3A_54 : vector<16xf32>
        %swap3A_732 = arith.constant 0 : i32
        %swap3A_733 = arith.constant 1 : i32
        %swap3A_734 = arith.index_cast %swap3A_732 : i32 to index
        %swap3A_735 = arith.index_cast %swap3A_733 : i32 to index
        %swap3A_736 = arith.index_cast %scan3A_583 : i32 to index
        %swap3A_737 = arith.constant 32 : index
        %swap3A_738 = tpu.vector_load %arg7[%swap3A_734, %swap3A_735, %swap3A_736, %swap3A_737] {strides = array<i32>} : memref<2x4x80x128xf32, #tpu.memory_space<vmem>>, vector<1x1x1x16xf32>,
        %swap3A_739 = vector.shape_cast %swap3A_738 : vector<1x1x1x16xf32> to vector<16xf32>
        %swap3A_740 = vector.shape_cast %add3A_731 : vector<16xf32> to vector<1x1x1x16xf32>
        tpu.vector_store %arg7[%swap3A_734, %swap3A_735, %swap3A_736, %swap3A_737], %swap3A_740 {strides = array<i32>} : memref<2x4x80x128xf32, #tpu.memory_space<vmem>>, vector<1x1x1x16xf32>,
        %add3A_741 = arith.addf %get3A_607, %get3A_59 : vector<16xf32>
        %swap3A_742 = arith.constant 0 : i32
        %swap3A_743 = arith.constant 1 : i32
        %swap3A_744 = arith.index_cast %swap3A_742 : i32 to index
        %swap3A_745 = arith.index_cast %swap3A_743 : i32 to index
        %swap3A_746 = arith.index_cast %scan3A_583 : i32 to index
        %swap3A_747 = arith.constant 48 : index
        %swap3A_748 = tpu.vector_load %arg7[%swap3A_744, %swap3A_745, %swap3A_746, %swap3A_747] {strides = array<i32>} : memref<2x4x80x128xf32, #tpu.memory_space<vmem>>, vector<1x1x1x16xf32>,
        %swap3A_749 = vector.shape_cast %swap3A_748 : vector<1x1x1x16xf32> to vector<16xf32>
        %swap3A_750 = vector.shape_cast %add3A_741 : vector<16xf32> to vector<1x1x1x16xf32>
        tpu.vector_store %arg7[%swap3A_744, %swap3A_745, %swap3A_746, %swap3A_747], %swap3A_750 {strides = array<i32>} : memref<2x4x80x128xf32, #tpu.memory_space<vmem>>, vector<1x1x1x16xf32>,
        %add3A_751 = arith.addf %get3A_613, %get3A_64 : vector<16xf32>
        %swap3A_752 = arith.constant 0 : i32
        %swap3A_753 = arith.constant 1 : i32
        %swap3A_754 = arith.index_cast %swap3A_752 : i32 to index
        %swap3A_755 = arith.index_cast %swap3A_753 : i32 to index
        %swap3A_756 = arith.index_cast %scan3A_583 : i32 to index
        %swap3A_757 = arith.constant 64 : index
        %swap3A_758 = tpu.vector_load %arg7[%swap3A_754, %swap3A_755, %swap3A_756, %swap3A_757] {strides = array<i32>} : memref<2x4x80x128xf32, #tpu.memory_space<vmem>>, vector<1x1x1x16xf32>,
        %swap3A_759 = vector.shape_cast %swap3A_758 : vector<1x1x1x16xf32> to vector<16xf32>
        %swap3A_760 = vector.shape_cast %add3A_751 : vector<16xf32> to vector<1x1x1x16xf32>
        tpu.vector_store %arg7[%swap3A_754, %swap3A_755, %swap3A_756, %swap3A_757], %swap3A_760 {strides = array<i32>} : memref<2x4x80x128xf32, #tpu.memory_space<vmem>>, vector<1x1x1x16xf32>,
        %add3A_761 = arith.addf %get3A_619, %get3A_69 : vector<16xf32>
        %swap3A_762 = arith.constant 0 : i32
        %swap3A_763 = arith.constant 1 : i32
        %swap3A_764 = arith.index_cast %swap3A_762 : i32 to index
        %swap3A_765 = arith.index_cast %swap3A_763 : i32 to index
        %swap3A_766 = arith.index_cast %scan3A_583 : i32 to index
        %swap3A_767 = arith.constant 80 : index
        %swap3A_768 = tpu.vector_load %arg7[%swap3A_764, %swap3A_765, %swap3A_766, %swap3A_767] {strides = array<i32>} : memref<2x4x80x128xf32, #tpu.memory_space<vmem>>, vector<1x1x1x16xf32>,
        %swap3A_769 = vector.shape_cast %swap3A_768 : vector<1x1x1x16xf32> to vector<16xf32>
        %swap3A_770 = vector.shape_cast %add3A_761 : vector<16xf32> to vector<1x1x1x16xf32>
        tpu.vector_store %arg7[%swap3A_764, %swap3A_765, %swap3A_766, %swap3A_767], %swap3A_770 {strides = array<i32>} : memref<2x4x80x128xf32, #tpu.memory_space<vmem>>, vector<1x1x1x16xf32>,
        %add3A_771 = arith.addf %get3A_625, %get3A_74 : vector<16xf32>
        %swap3A_772 = arith.constant 0 : i32
        %swap3A_773 = arith.constant 1 : i32
        %swap3A_774 = arith.index_cast %swap3A_772 : i32 to index
        %swap3A_775 = arith.index_cast %swap3A_773 : i32 to index
        %swap3A_776 = arith.index_cast %scan3A_583 : i32 to index
        %swap3A_777 = arith.constant 96 : index
        %swap3A_778 = tpu.vector_load %arg7[%swap3A_774, %swap3A_775, %swap3A_776, %swap3A_777] {strides = array<i32>} : memref<2x4x80x128xf32, #tpu.memory_space<vmem>>, vector<1x1x1x16xf32>,
        %swap3A_779 = vector.shape_cast %swap3A_778 : vector<1x1x1x16xf32> to vector<16xf32>
        %swap3A_780 = vector.shape_cast %add3A_771 : vector<16xf32> to vector<1x1x1x16xf32>
        tpu.vector_store %arg7[%swap3A_774, %swap3A_775, %swap3A_776, %swap3A_777], %swap3A_780 {strides = array<i32>} : memref<2x4x80x128xf32, #tpu.memory_space<vmem>>, vector<1x1x1x16xf32>,
        %add3A_781 = arith.addf %get3A_631, %get3A_79 : vector<16xf32>
        %swap3A_782 = arith.constant 0 : i32
        %swap3A_783 = arith.constant 1 : i32
        %swap3A_784 = arith.index_cast %swap3A_782 : i32 to index
        %swap3A_785 = arith.index_cast %swap3A_783 : i32 to index
        %swap3A_786 = arith.index_cast %scan3A_583 : i32 to index
        %swap3A_787 = arith.constant 112 : index
        %swap3A_788 = tpu.vector_load %arg7[%swap3A_784, %swap3A_785, %swap3A_786, %swap3A_787] {strides = array<i32>} : memref<2x4x80x128xf32, #tpu.memory_space<vmem>>, vector<1x1x1x16xf32>,
        %swap3A_789 = vector.shape_cast %swap3A_788 : vector<1x1x1x16xf32> to vector<16xf32>
        %swap3A_790 = vector.shape_cast %add3A_781 : vector<16xf32> to vector<1x1x1x16xf32>
        tpu.vector_store %arg7[%swap3A_784, %swap3A_785, %swap3A_786, %swap3A_787], %swap3A_790 {strides = array<i32>} : memref<2x4x80x128xf32, #tpu.memory_space<vmem>>, vector<1x1x1x16xf32>,
        %add3A_791 = arith.addf %get3A_589, %get3A_84 : vector<16xf32>
        %swap3A_792 = arith.constant 0 : i32
        %swap3A_793 = arith.constant 2 : i32
        %swap3A_794 = arith.index_cast %swap3A_792 : i32 to index
        %swap3A_795 = arith.index_cast %swap3A_793 : i32 to index
        %swap3A_796 = arith.index_cast %scan3A_583 : i32 to index
        %swap3A_797 = arith.constant 0 : index
        %swap3A_798 = tpu.vector_load %arg7[%swap3A_794, %swap3A_795, %swap3A_796, %swap3A_797] {strides = array<i32>} : memref<2x4x80x128xf32, #tpu.memory_space<vmem>>, vector<1x1x1x16xf32>,
        %swap3A_799 = vector.shape_cast %swap3A_798 : vector<1x1x1x16xf32> to vector<16xf32>
        %swap3A_800 = vector.shape_cast %add3A_791 : vector<16xf32> to vector<1x1x1x16xf32>
        tpu.vector_store %arg7[%swap3A_794, %swap3A_795, %swap3A_796, %swap3A_797], %swap3A_800 {strides = array<i32>} : memref<2x4x80x128xf32, #tpu.memory_space<vmem>>, vector<1x1x1x16xf32>,
        %add3A_801 = arith.addf %get3A_595, %get3A_89 : vector<16xf32>
        %swap3A_802 = arith.constant 0 : i32
        %swap3A_803 = arith.constant 2 : i32
        %swap3A_804 = arith.index_cast %swap3A_802 : i32 to index
        %swap3A_805 = arith.index_cast %swap3A_803 : i32 to index
        %swap3A_806 = arith.index_cast %scan3A_583 : i32 to index
        %swap3A_807 = arith.constant 16 : index
        %swap3A_808 = tpu.vector_load %arg7[%swap3A_804, %swap3A_805, %swap3A_806, %swap3A_807] {strides = array<i32>} : memref<2x4x80x128xf32, #tpu.memory_space<vmem>>, vector<1x1x1x16xf32>,
        %swap3A_809 = vector.shape_cast %swap3A_808 : vector<1x1x1x16xf32> to vector<16xf32>
        %swap3A_810 = vector.shape_cast %add3A_801 : vector<16xf32> to vector<1x1x1x16xf32>
        tpu.vector_store %arg7[%swap3A_804, %swap3A_805, %swap3A_806, %swap3A_807], %swap3A_810 {strides = array<i32>} : memref<2x4x80x128xf32, #tpu.memory_space<vmem>>, vector<1x1x1x16xf32>,
        %add3A_811 = arith.addf %get3A_601, %get3A_94 : vector<16xf32>
        %swap3A_812 = arith.constant 0 : i32
        %swap3A_813 = arith.constant 2 : i32
        %swap3A_814 = arith.index_cast %swap3A_812 : i32 to index
        %swap3A_815 = arith.index_cast %swap3A_813 : i32 to index
        %swap3A_816 = arith.index_cast %scan3A_583 : i32 to index
        %swap3A_817 = arith.constant 32 : index
        %swap3A_818 = tpu.vector_load %arg7[%swap3A_814, %swap3A_815, %swap3A_816, %swap3A_817] {strides = array<i32>} : memref<2x4x80x128xf32, #tpu.memory_space<vmem>>, vector<1x1x1x16xf32>,
        %swap3A_819 = vector.shape_cast %swap3A_818 : vector<1x1x1x16xf32> to vector<16xf32>
        %swap3A_820 = vector.shape_cast %add3A_811 : vector<16xf32> to vector<1x1x1x16xf32>
        tpu.vector_store %arg7[%swap3A_814, %swap3A_815, %swap3A_816, %swap3A_817], %swap3A_820 {strides = array<i32>} : memref<2x4x80x128xf32, #tpu.memory_space<vmem>>, vector<1x1x1x16xf32>,
        %add3A_821 = arith.addf %get3A_607, %get3A_99 : vector<16xf32>
        %swap3A_822 = arith.constant 0 : i32
        %swap3A_823 = arith.constant 2 : i32
        %swap3A_824 = arith.index_cast %swap3A_822 : i32 to index
        %swap3A_825 = arith.index_cast %swap3A_823 : i32 to index
        %swap3A_826 = arith.index_cast %scan3A_583 : i32 to index
        %swap3A_827 = arith.constant 48 : index
        %swap3A_828 = tpu.vector_load %arg7[%swap3A_824, %swap3A_825, %swap3A_826, %swap3A_827] {strides = array<i32>} : memref<2x4x80x128xf32, #tpu.memory_space<vmem>>, vector<1x1x1x16xf32>,
        %swap3A_829 = vector.shape_cast %swap3A_828 : vector<1x1x1x16xf32> to vector<16xf32>
        %swap3A_830 = vector.shape_cast %add3A_821 : vector<16xf32> to vector<1x1x1x16xf32>
        tpu.vector_store %arg7[%swap3A_824, %swap3A_825, %swap3A_826, %swap3A_827], %swap3A_830 {strides = array<i32>} : memref<2x4x80x128xf32, #tpu.memory_space<vmem>>, vector<1x1x1x16xf32>,
        %add3A_831 = arith.addf %get3A_613, %get3A_104 : vector<16xf32>
        %swap3A_832 = arith.constant 0 : i32
        %swap3A_833 = arith.constant 2 : i32
        %swap3A_834 = arith.index_cast %swap3A_832 : i32 to index
        %swap3A_835 = arith.index_cast %swap3A_833 : i32 to index
        %swap3A_836 = arith.index_cast %scan3A_583 : i32 to index
        %swap3A_837 = arith.constant 64 : index
        %swap3A_838 = tpu.vector_load %arg7[%swap3A_834, %swap3A_835, %swap3A_836, %swap3A_837] {strides = array<i32>} : memref<2x4x80x128xf32, #tpu.memory_space<vmem>>, vector<1x1x1x16xf32>,
        %swap3A_839 = vector.shape_cast %swap3A_838 : vector<1x1x1x16xf32> to vector<16xf32>
        %swap3A_840 = vector.shape_cast %add3A_831 : vector<16xf32> to vector<1x1x1x16xf32>
        tpu.vector_store %arg7[%swap3A_834, %swap3A_835, %swap3A_836, %swap3A_837], %swap3A_840 {strides = array<i32>} : memref<2x4x80x128xf32, #tpu.memory_space<vmem>>, vector<1x1x1x16xf32>,
        %add3A_841 = arith.addf %get3A_619, %get3A_109 : vector<16xf32>
        %swap3A_842 = arith.constant 0 : i32
        %swap3A_843 = arith.constant 2 : i32
        %swap3A_844 = arith.index_cast %swap3A_842 : i32 to index
        %swap3A_845 = arith.index_cast %swap3A_843 : i32 to index
        %swap3A_846 = arith.index_cast %scan3A_583 : i32 to index
        %swap3A_847 = arith.constant 80 : index
        %swap3A_848 = tpu.vector_load %arg7[%swap3A_844, %swap3A_845, %swap3A_846, %swap3A_847] {strides = array<i32>} : memref<2x4x80x128xf32, #tpu.memory_space<vmem>>, vector<1x1x1x16xf32>,
        %swap3A_849 = vector.shape_cast %swap3A_848 : vector<1x1x1x16xf32> to vector<16xf32>
        %swap3A_850 = vector.shape_cast %add3A_841 : vector<16xf32> to vector<1x1x1x16xf32>
        tpu.vector_store %arg7[%swap3A_844, %swap3A_845, %swap3A_846, %swap3A_847], %swap3A_850 {strides = array<i32>} : memref<2x4x80x128xf32, #tpu.memory_space<vmem>>, vector<1x1x1x16xf32>,
        %add3A_851 = arith.addf %get3A_625, %get3A_114 : vector<16xf32>
        %swap3A_852 = arith.constant 0 : i32
        %swap3A_853 = arith.constant 2 : i32
        %swap3A_854 = arith.index_cast %swap3A_852 : i32 to index
        %swap3A_855 = arith.index_cast %swap3A_853 : i32 to index
        %swap3A_856 = arith.index_cast %scan3A_583 : i32 to index
        %swap3A_857 = arith.constant 96 : index
        %swap3A_858 = tpu.vector_load %arg7[%swap3A_854, %swap3A_855, %swap3A_856, %swap3A_857] {strides = array<i32>} : memref<2x4x80x128xf32, #tpu.memory_space<vmem>>, vector<1x1x1x16xf32>,
        %swap3A_859 = vector.shape_cast %swap3A_858 : vector<1x1x1x16xf32> to vector<16xf32>
        %swap3A_860 = vector.shape_cast %add3A_851 : vector<16xf32> to vector<1x1x1x16xf32>
        tpu.vector_store %arg7[%swap3A_854, %swap3A_855, %swap3A_856, %swap3A_857], %swap3A_860 {strides = array<i32>} : memref<2x4x80x128xf32, #tpu.memory_space<vmem>>, vector<1x1x1x16xf32>,
        %add3A_861 = arith.addf %get3A_631, %get3A_119 : vector<16xf32>
        %swap3A_862 = arith.constant 0 : i32
        %swap3A_863 = arith.constant 2 : i32
        %swap3A_864 = arith.index_cast %swap3A_862 : i32 to index
        %swap3A_865 = arith.index_cast %swap3A_863 : i32 to index
        %swap3A_866 = arith.index_cast %scan3A_583 : i32 to index
        %swap3A_867 = arith.constant 112 : index
        %swap3A_868 = tpu.vector_load %arg7[%swap3A_864, %swap3A_865, %swap3A_866, %swap3A_867] {strides = array<i32>} : memref<2x4x80x128xf32, #tpu.memory_space<vmem>>, vector<1x1x1x16xf32>,
        %swap3A_869 = vector.shape_cast %swap3A_868 : vector<1x1x1x16xf32> to vector<16xf32>
        %swap3A_870 = vector.shape_cast %add3A_861 : vector<16xf32> to vector<1x1x1x16xf32>
        tpu.vector_store %arg7[%swap3A_864, %swap3A_865, %swap3A_866, %swap3A_867], %swap3A_870 {strides = array<i32>} : memref<2x4x80x128xf32, #tpu.memory_space<vmem>>, vector<1x1x1x16xf32>,
        %add3A_871 = arith.addf %get3A_589, %get3A_124 : vector<16xf32>
        %swap3A_872 = arith.constant 0 : i32
        %swap3A_873 = arith.constant 3 : i32
        %swap3A_874 = arith.index_cast %swap3A_872 : i32 to index
        %swap3A_875 = arith.index_cast %swap3A_873 : i32 to index
        %swap3A_876 = arith.index_cast %scan3A_583 : i32 to index
        %swap3A_877 = arith.constant 0 : index
        %swap3A_878 = tpu.vector_load %arg7[%swap3A_874, %swap3A_875, %swap3A_876, %swap3A_877] {strides = array<i32>} : memref<2x4x80x128xf32, #tpu.memory_space<vmem>>, vector<1x1x1x16xf32>,
        %swap3A_879 = vector.shape_cast %swap3A_878 : vector<1x1x1x16xf32> to vector<16xf32>
        %swap3A_880 = vector.shape_cast %add3A_871 : vector<16xf32> to vector<1x1x1x16xf32>
        tpu.vector_store %arg7[%swap3A_874, %swap3A_875, %swap3A_876, %swap3A_877], %swap3A_880 {strides = array<i32>} : memref<2x4x80x128xf32, #tpu.memory_space<vmem>>, vector<1x1x1x16xf32>,
        %add3A_881 = arith.addf %get3A_595, %get3A_129 : vector<16xf32>
        %swap3A_882 = arith.constant 0 : i32
        %swap3A_883 = arith.constant 3 : i32
        %swap3A_884 = arith.index_cast %swap3A_882 : i32 to index
        %swap3A_885 = arith.index_cast %swap3A_883 : i32 to index
        %swap3A_886 = arith.index_cast %scan3A_583 : i32 to index
        %swap3A_887 = arith.constant 16 : index
        %swap3A_888 = tpu.vector_load %arg7[%swap3A_884, %swap3A_885, %swap3A_886, %swap3A_887] {strides = array<i32>} : memref<2x4x80x128xf32, #tpu.memory_space<vmem>>, vector<1x1x1x16xf32>,
        %swap3A_889 = vector.shape_cast %swap3A_888 : vector<1x1x1x16xf32> to vector<16xf32>
        %swap3A_890 = vector.shape_cast %add3A_881 : vector<16xf32> to vector<1x1x1x16xf32>
        tpu.vector_store %arg7[%swap3A_884, %swap3A_885, %swap3A_886, %swap3A_887], %swap3A_890 {strides = array<i32>} : memref<2x4x80x128xf32, #tpu.memory_space<vmem>>, vector<1x1x1x16xf32>,
        %add3A_891 = arith.addf %get3A_601, %get3A_134 : vector<16xf32>
        %swap3A_892 = arith.constant 0 : i32
        %swap3A_893 = arith.constant 3 : i32
        %swap3A_894 = arith.index_cast %swap3A_892 : i32 to index
        %swap3A_895 = arith.index_cast %swap3A_893 : i32 to index
        %swap3A_896 = arith.index_cast %scan3A_583 : i32 to index
        %swap3A_897 = arith.constant 32 : index
        %swap3A_898 = tpu.vector_load %arg7[%swap3A_894, %swap3A_895, %swap3A_896, %swap3A_897] {strides = array<i32>} : memref<2x4x80x128xf32, #tpu.memory_space<vmem>>, vector<1x1x1x16xf32>,
        %swap3A_899 = vector.shape_cast %swap3A_898 : vector<1x1x1x16xf32> to vector<16xf32>
        %swap3A_900 = vector.shape_cast %add3A_891 : vector<16xf32> to vector<1x1x1x16xf32>
        tpu.vector_store %arg7[%swap3A_894, %swap3A_895, %swap3A_896, %swap3A_897], %swap3A_900 {strides = array<i32>} : memref<2x4x80x128xf32, #tpu.memory_space<vmem>>, vector<1x1x1x16xf32>,
        %add3A_901 = arith.addf %get3A_607, %get3A_139 : vector<16xf32>
        %swap3A_902 = arith.constant 0 : i32
        %swap3A_903 = arith.constant 3 : i32
        %swap3A_904 = arith.index_cast %swap3A_902 : i32 to index
        %swap3A_905 = arith.index_cast %swap3A_903 : i32 to index
        %swap3A_906 = arith.index_cast %scan3A_583 : i32 to index
        %swap3A_907 = arith.constant 48 : index
        %swap3A_908 = tpu.vector_load %arg7[%swap3A_904, %swap3A_905, %swap3A_906, %swap3A_907] {strides = array<i32>} : memref<2x4x80x128xf32, #tpu.memory_space<vmem>>, vector<1x1x1x16xf32>,
        %swap3A_909 = vector.shape_cast %swap3A_908 : vector<1x1x1x16xf32> to vector<16xf32>
        %swap3A_910 = vector.shape_cast %add3A_901 : vector<16xf32> to vector<1x1x1x16xf32>
        tpu.vector_store %arg7[%swap3A_904, %swap3A_905, %swap3A_906, %swap3A_907], %swap3A_910 {strides = array<i32>} : memref<2x4x80x128xf32, #tpu.memory_space<vmem>>, vector<1x1x1x16xf32>,
        %add3A_911 = arith.addf %get3A_613, %get3A_144 : vector<16xf32>
        %swap3A_912 = arith.constant 0 : i32
        %swap3A_913 = arith.constant 3 : i32
        %swap3A_914 = arith.index_cast %swap3A_912 : i32 to index
        %swap3A_915 = arith.index_cast %swap3A_913 : i32 to index
        %swap3A_916 = arith.index_cast %scan3A_583 : i32 to index
        %swap3A_917 = arith.constant 64 : index
        %swap3A_918 = tpu.vector_load %arg7[%swap3A_914, %swap3A_915, %swap3A_916, %swap3A_917] {strides = array<i32>} : memref<2x4x80x128xf32, #tpu.memory_space<vmem>>, vector<1x1x1x16xf32>,
        %swap3A_919 = vector.shape_cast %swap3A_918 : vector<1x1x1x16xf32> to vector<16xf32>
        %swap3A_920 = vector.shape_cast %add3A_911 : vector<16xf32> to vector<1x1x1x16xf32>
        tpu.vector_store %arg7[%swap3A_914, %swap3A_915, %swap3A_916, %swap3A_917], %swap3A_920 {strides = array<i32>} : memref<2x4x80x128xf32, #tpu.memory_space<vmem>>, vector<1x1x1x16xf32>,
        %add3A_921 = arith.addf %get3A_619, %get3A_149 : vector<16xf32>
        %swap3A_922 = arith.constant 0 : i32
        %swap3A_923 = arith.constant 3 : i32
        %swap3A_924 = arith.index_cast %swap3A_922 : i32 to index
        %swap3A_925 = arith.index_cast %swap3A_923 : i32 to index
        %swap3A_926 = arith.index_cast %scan3A_583 : i32 to index
        %swap3A_927 = arith.constant 80 : index
        %swap3A_928 = tpu.vector_load %arg7[%swap3A_924, %swap3A_925, %swap3A_926, %swap3A_927] {strides = array<i32>} : memref<2x4x80x128xf32, #tpu.memory_space<vmem>>, vector<1x1x1x16xf32>,
        %swap3A_929 = vector.shape_cast %swap3A_928 : vector<1x1x1x16xf32> to vector<16xf32>
        %swap3A_930 = vector.shape_cast %add3A_921 : vector<16xf32> to vector<1x1x1x16xf32>
        tpu.vector_store %arg7[%swap3A_924, %swap3A_925, %swap3A_926, %swap3A_927], %swap3A_930 {strides = array<i32>} : memref<2x4x80x128xf32, #tpu.memory_space<vmem>>, vector<1x1x1x16xf32>,
        %add3A_931 = arith.addf %get3A_625, %get3A_154 : vector<16xf32>
        %swap3A_932 = arith.constant 0 : i32
        %swap3A_933 = arith.constant 3 : i32
        %swap3A_934 = arith.index_cast %swap3A_932 : i32 to index
        %swap3A_935 = arith.index_cast %swap3A_933 : i32 to index
        %swap3A_936 = arith.index_cast %scan3A_583 : i32 to index
        %swap3A_937 = arith.constant 96 : index
        %swap3A_938 = tpu.vector_load %arg7[%swap3A_934, %swap3A_935, %swap3A_936, %swap3A_937] {strides = array<i32>} : memref<2x4x80x128xf32, #tpu.memory_space<vmem>>, vector<1x1x1x16xf32>,
        %swap3A_939 = vector.shape_cast %swap3A_938 : vector<1x1x1x16xf32> to vector<16xf32>
        %swap3A_940 = vector.shape_cast %add3A_931 : vector<16xf32> to vector<1x1x1x16xf32>
        tpu.vector_store %arg7[%swap3A_934, %swap3A_935, %swap3A_936, %swap3A_937], %swap3A_940 {strides = array<i32>} : memref<2x4x80x128xf32, #tpu.memory_space<vmem>>, vector<1x1x1x16xf32>,
        %add3A_941 = arith.addf %get3A_631, %get3A_159 : vector<16xf32>
        %swap3A_942 = arith.constant 0 : i32
        %swap3A_943 = arith.constant 3 : i32
        %swap3A_944 = arith.index_cast %swap3A_942 : i32 to index
        %swap3A_945 = arith.index_cast %swap3A_943 : i32 to index
        %swap3A_946 = arith.index_cast %scan3A_583 : i32 to index
        %swap3A_947 = arith.constant 112 : index
        %swap3A_948 = tpu.vector_load %arg7[%swap3A_944, %swap3A_945, %swap3A_946, %swap3A_947] {strides = array<i32>} : memref<2x4x80x128xf32, #tpu.memory_space<vmem>>, vector<1x1x1x16xf32>,
        %swap3A_949 = vector.shape_cast %swap3A_948 : vector<1x1x1x16xf32> to vector<16xf32>
        %swap3A_950 = vector.shape_cast %add3A_941 : vector<16xf32> to vector<1x1x1x16xf32>
        tpu.vector_store %arg7[%swap3A_944, %swap3A_945, %swap3A_946, %swap3A_947], %swap3A_950 {strides = array<i32>} : memref<2x4x80x128xf32, #tpu.memory_space<vmem>>, vector<1x1x1x16xf32>,
      }
      %scan3A_476 = arith.constant 80 : i32
      %mul3A_477 = arith.constant 32 : i32
      %mul3A_478 = arith.muli %mul3A_430, %mul3A_477 : i32
      %add3A_479 = arith.addi %add3A, %mul3A_478 : i32
      %mul3A_480 = arith.constant 80 : i32
      %mul3A_481 = arith.muli %add3A_479, %mul3A_480 : i32
      %dma_start3A_482 = arith.constant 0 : i32
      %dma_start3A_483 = arith.constant 0 : i32
      %dma_start3A_484 = arith.constant 0 : i32
      %dma_start3A_485 = arith.constant 0 : i32
      %dma_start3A_486 = tpu.memref_slice %arg7[%dma_start3A_482, %dma_start3A_483, %dma_start3A_484, %dma_start3A_485] : memref<2x4x80x128xf32, #tpu.memory_space<vmem>> -> memref<1x4x80x128xf32, #tpu.memory_space<vmem>>
      %dma_start3A_487 = tpu.memref_squeeze %dma_start3A_486 : memref<1x4x80x128xf32, #tpu.memory_space<vmem>> -> memref<4x80x128xf32, #tpu.memory_space<vmem>>
      %dma_start3A_488 = arith.constant 0 : i32
      %dma_start3A_489 = arith.constant 0 : i32
      %dma_start3A_490 = tpu.memref_slice %arg4[%dma_start3A_488, %mul3A_481, %dma_start3A_489] : memref<4x100000x128xf32, #tpu.memory_space<hbm>> -> memref<4x80x128xf32, #tpu.memory_space<hbm>>
      %dma_start3A_491 = arith.constant 0 : i32
      %dma_start3A_492 = arith.constant 0 : i32
      %dma_start3A_493 = tpu.memref_slice %arg4[%dma_start3A_491, %mul3A_481, %dma_start3A_492] : memref<4x100000x128xf32, #tpu.memory_space<hbm>> -> memref<4x80x128xf32, #tpu.memory_space<hbm>>
      %dma_start3A_494 = arith.constant 0 : i32
      %dma_start3A_495 = arith.constant 0 : i32
      %dma_start3A_496 = arith.constant 0 : i32
      %dma_start3A_497 = tpu.memref_slice %arg7[%dma_start3A_482, %dma_start3A_494, %dma_start3A_495, %dma_start3A_496] : memref<2x4x80x128xf32, #tpu.memory_space<vmem>> -> memref<1x4x80x128xf32, #tpu.memory_space<vmem>>
      %dma_start3A_498 = tpu.memref_squeeze %dma_start3A_497 : memref<1x4x80x128xf32, #tpu.memory_space<vmem>> -> memref<4x80x128xf32, #tpu.memory_space<vmem>>
      tpu.enqueue_dma source(%dma_start3A_498 : memref<4x80x128xf32, #tpu.memory_space<vmem>>) target(%dma_start3A_493 : memref<4x80x128xf32, #tpu.memory_space<hbm>>) target_semaphore(%arg10 : memref<!tpu.dma_semaphore, #tpu.memory_space<semaphore_mem>>)
      %add3A_499 = arith.constant 2 : i32
      %add3A_500 = arith.addi %mul3A_430, %add3A_499 : i32
      %lt3A_501 = arith.constant 39 : i32
      %lt3A_502 = arith.cmpi slt, %add3A_500, %lt3A_501 : i32
      %convert_element_type3A_503 = arith.extui %lt3A_502 : i1 to i32
      %cond3A_504 = arith.constant 0 : i32
      %cond3A_505 = arith.cmpi ne, %convert_element_type3A_503, %cond3A_504 : i32
      scf.if %cond3A_505 {
        %add3A_583 = arith.constant 2 : i32
        %add3A_584 = arith.addi %mul3A_430, %add3A_583 : i32
        %mul3A_585 = arith.constant 32 : i32
        %mul3A_586 = arith.muli %add3A_584, %mul3A_585 : i32
        %add3A_587 = arith.addi %add3A, %mul3A_586 : i32
        %mul3A_588 = arith.constant 80 : i32
        %mul3A_589 = arith.muli %add3A_587, %mul3A_588 : i32
        %dma_start3A_590 = arith.constant 0 : i32
        %dma_start3A_591 = arith.constant 0 : i32
        %dma_start3A_592 = arith.constant 0 : i32
        %dma_start3A_593 = tpu.memref_slice %arg6[%dma_start3A_590, %dma_start3A_591, %dma_start3A_592] : memref<2x80x128xf32, #tpu.memory_space<vmem>> -> memref<1x80x128xf32, #tpu.memory_space<vmem>>
        %dma_start3A_594 = tpu.memref_squeeze %dma_start3A_593 : memref<1x80x128xf32, #tpu.memory_space<vmem>> -> memref<80x128xf32, #tpu.memory_space<vmem>>
        %dma_start3A_595 = arith.constant 0 : i32
        %dma_start3A_596 = tpu.memref_slice %arg2[%mul3A_589, %dma_start3A_595] : memref<100000x128xf32, #tpu.memory_space<hbm>> -> memref<80x128xf32, #tpu.memory_space<hbm>>
        %dma_start3A_597 = arith.constant 0 : i32
        %dma_start3A_598 = arith.constant 0 : i32
        %dma_start3A_599 = tpu.memref_slice %arg6[%dma_start3A_590, %dma_start3A_597, %dma_start3A_598] : memref<2x80x128xf32, #tpu.memory_space<vmem>> -> memref<1x80x128xf32, #tpu.memory_space<vmem>>
        %dma_start3A_600 = tpu.memref_squeeze %dma_start3A_599 : memref<1x80x128xf32, #tpu.memory_space<vmem>> -> memref<80x128xf32, #tpu.memory_space<vmem>>
        %dma_start3A_601 = arith.constant 0 : i32
        %dma_start3A_602 = tpu.memref_slice %arg2[%mul3A_589, %dma_start3A_601] : memref<100000x128xf32, #tpu.memory_space<hbm>> -> memref<80x128xf32, #tpu.memory_space<hbm>>
        tpu.enqueue_dma source(%dma_start3A_602 : memref<80x128xf32, #tpu.memory_space<hbm>>) target(%dma_start3A_600 : memref<80x128xf32, #tpu.memory_space<vmem>>) target_semaphore(%arg8 : memref<!tpu.dma_semaphore, #tpu.memory_space<semaphore_mem>>)
      } else {
      }
      %add3A_506 = arith.constant 1 : i32
      %add3A_507 = arith.addi %mul3A_430, %add3A_506 : i32
      %mul3A_508 = arith.constant 32 : i32
      %mul3A_509 = arith.muli %add3A_507, %mul3A_508 : i32
      %add3A_510 = arith.addi %add3A, %mul3A_509 : i32
      %mul3A_511 = arith.constant 80 : i32
      %mul3A_512 = arith.muli %add3A_510, %mul3A_511 : i32
      %dma_wait3A_513 = arith.constant 1 : i32
      %dma_wait3A_514 = arith.constant 0 : i32
      %dma_wait3A_515 = arith.constant 0 : i32
      %dma_wait3A_516 = tpu.memref_slice %arg6[%dma_wait3A_513, %dma_wait3A_514, %dma_wait3A_515] : memref<2x80x128xf32, #tpu.memory_space<vmem>> -> memref<1x80x128xf32, #tpu.memory_space<vmem>>
      %dma_wait3A_517 = tpu.memref_squeeze %dma_wait3A_516 : memref<1x80x128xf32, #tpu.memory_space<vmem>> -> memref<80x128xf32, #tpu.memory_space<vmem>>
      %dma_wait3A_518 = arith.constant 0 : i32
      %dma_wait3A_519 = tpu.memref_slice %arg2[%mul3A_512, %dma_wait3A_518] : memref<100000x128xf32, #tpu.memory_space<hbm>> -> memref<80x128xf32, #tpu.memory_space<hbm>>
      %dma_wait3A_520 = arith.constant 0 : i32
      %dma_wait3A_521 = arith.constant 0 : i32
      %dma_wait3A_522 = tpu.memref_slice %arg6[%dma_wait3A_513, %dma_wait3A_520, %dma_wait3A_521] : memref<2x80x128xf32, #tpu.memory_space<vmem>> -> memref<1x80x128xf32, #tpu.memory_space<vmem>>
      %dma_wait3A_523 = tpu.memref_squeeze %dma_wait3A_522 : memref<1x80x128xf32, #tpu.memory_space<vmem>> -> memref<80x128xf32, #tpu.memory_space<vmem>>
      %dma_wait3A_524 = arith.constant 0 : i32
      %dma_wait3A_525 = tpu.memref_slice %arg2[%mul3A_512, %dma_wait3A_524] : memref<100000x128xf32, #tpu.memory_space<hbm>> -> memref<80x128xf32, #tpu.memory_space<hbm>>
      tpu.wait_dma2 semaphore(%arg9 : memref<!tpu.dma_semaphore, #tpu.memory_space<semaphore_mem>>) src(%dma_wait3A_525 : memref<80x128xf32, #tpu.memory_space<hbm>>) dst(%dma_wait3A_523 : memref<80x128xf32, #tpu.memory_space<vmem>>)
      %mul3A_526 = arith.constant 32 : i32
      %mul3A_527 = arith.muli %add3A_507, %mul3A_526 : i32
      %add3A_528 = arith.addi %add3A, %mul3A_527 : i32
      %mul3A_529 = arith.constant 80 : i32
      %mul3A_530 = arith.muli %add3A_528, %mul3A_529 : i32
      %dma_wait3A_531 = arith.constant 1 : i32
      %dma_wait3A_532 = arith.constant 0 : i32
      %dma_wait3A_533 = arith.constant 0 : i32
      %dma_wait3A_534 = arith.constant 0 : i32
      %dma_wait3A_535 = tpu.memref_slice %arg7[%dma_wait3A_531, %dma_wait3A_532, %dma_wait3A_533, %dma_wait3A_534] : memref<2x4x80x128xf32, #tpu.memory_space<vmem>> -> memref<1x4x80x128xf32, #tpu.memory_space<vmem>>
      %dma_wait3A_536 = tpu.memref_squeeze %dma_wait3A_535 : memref<1x4x80x128xf32, #tpu.memory_space<vmem>> -> memref<4x80x128xf32, #tpu.memory_space<vmem>>
      %dma_wait3A_537 = arith.constant 0 : i32
      %dma_wait3A_538 = arith.constant 0 : i32
      %dma_wait3A_539 = tpu.memref_slice %arg4[%dma_wait3A_537, %mul3A_530, %dma_wait3A_538] : memref<4x100000x128xf32, #tpu.memory_space<hbm>> -> memref<4x80x128xf32, #tpu.memory_space<hbm>>
      %dma_wait3A_540 = arith.constant 0 : i32
      %dma_wait3A_541 = arith.constant 0 : i32
      %dma_wait3A_542 = tpu.memref_slice %arg4[%dma_wait3A_540, %mul3A_530, %dma_wait3A_541] : memref<4x100000x128xf32, #tpu.memory_space<hbm>> -> memref<4x80x128xf32, #tpu.memory_space<hbm>>
      %dma_wait3A_543 = arith.constant 0 : i32
      %dma_wait3A_544 = arith.constant 0 : i32
      %dma_wait3A_545 = arith.constant 0 : i32
      %dma_wait3A_546 = tpu.memref_slice %arg7[%dma_wait3A_531, %dma_wait3A_543, %dma_wait3A_544, %dma_wait3A_545] : memref<2x4x80x128xf32, #tpu.memory_space<vmem>> -> memref<1x4x80x128xf32, #tpu.memory_space<vmem>>
      %dma_wait3A_547 = tpu.memref_squeeze %dma_wait3A_546 : memref<1x4x80x128xf32, #tpu.memory_space<vmem>> -> memref<4x80x128xf32, #tpu.memory_space<vmem>>
      tpu.wait_dma2 semaphore(%arg11 : memref<!tpu.dma_semaphore, #tpu.memory_space<semaphore_mem>>) src(%dma_wait3A_547 : memref<4x80x128xf32, #tpu.memory_space<vmem>>) dst(%dma_wait3A_542 : memref<4x80x128xf32, #tpu.memory_space<hbm>>)
      %scan3A_548 = arith.constant 0 : i32
      %scan3A_549 = arith.constant 0 : i32
      %scan3A_550 = arith.constant 80 : i32
      %scan3A_551 = arith.addi %scan3A_549, %scan3A_550 : i32
      %scan3A_552 = arith.constant 1 : i32
      scf.for %scan3A_583 = %scan3A_549 to %scan3A_551 step %scan3A_552  : i32 {
        %get3A_584 = arith.constant 1 : i32
        %get3A_585 = arith.index_cast %get3A_584 : i32 to index
        %get3A_586 = arith.index_cast %scan3A_583 : i32 to index
        %get3A_587 = arith.constant 0 : index
        %get3A_588 = tpu.vector_load %arg6[%get3A_585, %get3A_586, %get3A_587] {strides = array<i32>} : memref<2x80x128xf32, #tpu.memory_space<vmem>>, vector<1x1x16xf32>,
        %get3A_589 = vector.shape_cast %get3A_588 : vector<1x1x16xf32> to vector<16xf32>
        %get3A_590 = arith.constant 1 : i32
        %get3A_591 = arith.index_cast %get3A_590 : i32 to index
        %get3A_592 = arith.index_cast %scan3A_583 : i32 to index
        %get3A_593 = arith.constant 16 : index
        %get3A_594 = tpu.vector_load %arg6[%get3A_591, %get3A_592, %get3A_593] {strides = array<i32>} : memref<2x80x128xf32, #tpu.memory_space<vmem>>, vector<1x1x16xf32>,
        %get3A_595 = vector.shape_cast %get3A_594 : vector<1x1x16xf32> to vector<16xf32>
        %get3A_596 = arith.constant 1 : i32
        %get3A_597 = arith.index_cast %get3A_596 : i32 to index
        %get3A_598 = arith.index_cast %scan3A_583 : i32 to index
        %get3A_599 = arith.constant 32 : index
        %get3A_600 = tpu.vector_load %arg6[%get3A_597, %get3A_598, %get3A_599] {strides = array<i32>} : memref<2x80x128xf32, #tpu.memory_space<vmem>>, vector<1x1x16xf32>,
        %get3A_601 = vector.shape_cast %get3A_600 : vector<1x1x16xf32> to vector<16xf32>
        %get3A_602 = arith.constant 1 : i32
        %get3A_603 = arith.index_cast %get3A_602 : i32 to index
        %get3A_604 = arith.index_cast %scan3A_583 : i32 to index
        %get3A_605 = arith.constant 48 : index
        %get3A_606 = tpu.vector_load %arg6[%get3A_603, %get3A_604, %get3A_605] {strides = array<i32>} : memref<2x80x128xf32, #tpu.memory_space<vmem>>, vector<1x1x16xf32>,
        %get3A_607 = vector.shape_cast %get3A_606 : vector<1x1x16xf32> to vector<16xf32>
        %get3A_608 = arith.constant 1 : i32
        %get3A_609 = arith.index_cast %get3A_608 : i32 to index
        %get3A_610 = arith.index_cast %scan3A_583 : i32 to index
        %get3A_611 = arith.constant 64 : index
        %get3A_612 = tpu.vector_load %arg6[%get3A_609, %get3A_610, %get3A_611] {strides = array<i32>} : memref<2x80x128xf32, #tpu.memory_space<vmem>>, vector<1x1x16xf32>,
        %get3A_613 = vector.shape_cast %get3A_612 : vector<1x1x16xf32> to vector<16xf32>
        %get3A_614 = arith.constant 1 : i32
        %get3A_615 = arith.index_cast %get3A_614 : i32 to index
        %get3A_616 = arith.index_cast %scan3A_583 : i32 to index
        %get3A_617 = arith.constant 80 : index
        %get3A_618 = tpu.vector_load %arg6[%get3A_615, %get3A_616, %get3A_617] {strides = array<i32>} : memref<2x80x128xf32, #tpu.memory_space<vmem>>, vector<1x1x16xf32>,
        %get3A_619 = vector.shape_cast %get3A_618 : vector<1x1x16xf32> to vector<16xf32>
        %get3A_620 = arith.constant 1 : i32
        %get3A_621 = arith.index_cast %get3A_620 : i32 to index
        %get3A_622 = arith.index_cast %scan3A_583 : i32 to index
        %get3A_623 = arith.constant 96 : index
        %get3A_624 = tpu.vector_load %arg6[%get3A_621, %get3A_622, %get3A_623] {strides = array<i32>} : memref<2x80x128xf32, #tpu.memory_space<vmem>>, vector<1x1x16xf32>,
        %get3A_625 = vector.shape_cast %get3A_624 : vector<1x1x16xf32> to vector<16xf32>
        %get3A_626 = arith.constant 1 : i32
        %get3A_627 = arith.index_cast %get3A_626 : i32 to index
        %get3A_628 = arith.index_cast %scan3A_583 : i32 to index
        %get3A_629 = arith.constant 112 : index
        %get3A_630 = tpu.vector_load %arg6[%get3A_627, %get3A_628, %get3A_629] {strides = array<i32>} : memref<2x80x128xf32, #tpu.memory_space<vmem>>, vector<1x1x16xf32>,
        %get3A_631 = vector.shape_cast %get3A_630 : vector<1x1x16xf32> to vector<16xf32>
        %add3A_632 = arith.addf %get3A_589, %get3A_4 : vector<16xf32>
        %swap3A = arith.constant 1 : i32
        %swap3A_633 = arith.constant 0 : i32
        %swap3A_634 = arith.index_cast %swap3A : i32 to index
        %swap3A_635 = arith.index_cast %swap3A_633 : i32 to index
        %swap3A_636 = arith.index_cast %scan3A_583 : i32 to index
        %swap3A_637 = arith.constant 0 : index
        %swap3A_638 = tpu.vector_load %arg7[%swap3A_634, %swap3A_635, %swap3A_636, %swap3A_637] {strides = array<i32>} : memref<2x4x80x128xf32, #tpu.memory_space<vmem>>, vector<1x1x1x16xf32>,
        %swap3A_639 = vector.shape_cast %swap3A_638 : vector<1x1x1x16xf32> to vector<16xf32>
        %swap3A_640 = vector.shape_cast %add3A_632 : vector<16xf32> to vector<1x1x1x16xf32>
        tpu.vector_store %arg7[%swap3A_634, %swap3A_635, %swap3A_636, %swap3A_637], %swap3A_640 {strides = array<i32>} : memref<2x4x80x128xf32, #tpu.memory_space<vmem>>, vector<1x1x1x16xf32>,
        %add3A_641 = arith.addf %get3A_595, %get3A_9 : vector<16xf32>
        %swap3A_642 = arith.constant 1 : i32
        %swap3A_643 = arith.constant 0 : i32
        %swap3A_644 = arith.index_cast %swap3A_642 : i32 to index
        %swap3A_645 = arith.index_cast %swap3A_643 : i32 to index
        %swap3A_646 = arith.index_cast %scan3A_583 : i32 to index
        %swap3A_647 = arith.constant 16 : index
        %swap3A_648 = tpu.vector_load %arg7[%swap3A_644, %swap3A_645, %swap3A_646, %swap3A_647] {strides = array<i32>} : memref<2x4x80x128xf32, #tpu.memory_space<vmem>>, vector<1x1x1x16xf32>,
        %swap3A_649 = vector.shape_cast %swap3A_648 : vector<1x1x1x16xf32> to vector<16xf32>
        %swap3A_650 = vector.shape_cast %add3A_641 : vector<16xf32> to vector<1x1x1x16xf32>
        tpu.vector_store %arg7[%swap3A_644, %swap3A_645, %swap3A_646, %swap3A_647], %swap3A_650 {strides = array<i32>} : memref<2x4x80x128xf32, #tpu.memory_space<vmem>>, vector<1x1x1x16xf32>,
        %add3A_651 = arith.addf %get3A_601, %get3A_14 : vector<16xf32>
        %swap3A_652 = arith.constant 1 : i32
        %swap3A_653 = arith.constant 0 : i32
        %swap3A_654 = arith.index_cast %swap3A_652 : i32 to index
        %swap3A_655 = arith.index_cast %swap3A_653 : i32 to index
        %swap3A_656 = arith.index_cast %scan3A_583 : i32 to index
        %swap3A_657 = arith.constant 32 : index
        %swap3A_658 = tpu.vector_load %arg7[%swap3A_654, %swap3A_655, %swap3A_656, %swap3A_657] {strides = array<i32>} : memref<2x4x80x128xf32, #tpu.memory_space<vmem>>, vector<1x1x1x16xf32>,
        %swap3A_659 = vector.shape_cast %swap3A_658 : vector<1x1x1x16xf32> to vector<16xf32>
        %swap3A_660 = vector.shape_cast %add3A_651 : vector<16xf32> to vector<1x1x1x16xf32>
        tpu.vector_store %arg7[%swap3A_654, %swap3A_655, %swap3A_656, %swap3A_657], %swap3A_660 {strides = array<i32>} : memref<2x4x80x128xf32, #tpu.memory_space<vmem>>, vector<1x1x1x16xf32>,
        %add3A_661 = arith.addf %get3A_607, %get3A_19 : vector<16xf32>
        %swap3A_662 = arith.constant 1 : i32
        %swap3A_663 = arith.constant 0 : i32
        %swap3A_664 = arith.index_cast %swap3A_662 : i32 to index
        %swap3A_665 = arith.index_cast %swap3A_663 : i32 to index
        %swap3A_666 = arith.index_cast %scan3A_583 : i32 to index
        %swap3A_667 = arith.constant 48 : index
        %swap3A_668 = tpu.vector_load %arg7[%swap3A_664, %swap3A_665, %swap3A_666, %swap3A_667] {strides = array<i32>} : memref<2x4x80x128xf32, #tpu.memory_space<vmem>>, vector<1x1x1x16xf32>,
        %swap3A_669 = vector.shape_cast %swap3A_668 : vector<1x1x1x16xf32> to vector<16xf32>
        %swap3A_670 = vector.shape_cast %add3A_661 : vector<16xf32> to vector<1x1x1x16xf32>
        tpu.vector_store %arg7[%swap3A_664, %swap3A_665, %swap3A_666, %swap3A_667], %swap3A_670 {strides = array<i32>} : memref<2x4x80x128xf32, #tpu.memory_space<vmem>>, vector<1x1x1x16xf32>,
        %add3A_671 = arith.addf %get3A_613, %get3A_24 : vector<16xf32>
        %swap3A_672 = arith.constant 1 : i32
        %swap3A_673 = arith.constant 0 : i32
        %swap3A_674 = arith.index_cast %swap3A_672 : i32 to index
        %swap3A_675 = arith.index_cast %swap3A_673 : i32 to index
        %swap3A_676 = arith.index_cast %scan3A_583 : i32 to index
        %swap3A_677 = arith.constant 64 : index
        %swap3A_678 = tpu.vector_load %arg7[%swap3A_674, %swap3A_675, %swap3A_676, %swap3A_677] {strides = array<i32>} : memref<2x4x80x128xf32, #tpu.memory_space<vmem>>, vector<1x1x1x16xf32>,
        %swap3A_679 = vector.shape_cast %swap3A_678 : vector<1x1x1x16xf32> to vector<16xf32>
        %swap3A_680 = vector.shape_cast %add3A_671 : vector<16xf32> to vector<1x1x1x16xf32>
        tpu.vector_store %arg7[%swap3A_674, %swap3A_675, %swap3A_676, %swap3A_677], %swap3A_680 {strides = array<i32>} : memref<2x4x80x128xf32, #tpu.memory_space<vmem>>, vector<1x1x1x16xf32>,
        %add3A_681 = arith.addf %get3A_619, %get3A_29 : vector<16xf32>
        %swap3A_682 = arith.constant 1 : i32
        %swap3A_683 = arith.constant 0 : i32
        %swap3A_684 = arith.index_cast %swap3A_682 : i32 to index
        %swap3A_685 = arith.index_cast %swap3A_683 : i32 to index
        %swap3A_686 = arith.index_cast %scan3A_583 : i32 to index
        %swap3A_687 = arith.constant 80 : index
        %swap3A_688 = tpu.vector_load %arg7[%swap3A_684, %swap3A_685, %swap3A_686, %swap3A_687] {strides = array<i32>} : memref<2x4x80x128xf32, #tpu.memory_space<vmem>>, vector<1x1x1x16xf32>,
        %swap3A_689 = vector.shape_cast %swap3A_688 : vector<1x1x1x16xf32> to vector<16xf32>
        %swap3A_690 = vector.shape_cast %add3A_681 : vector<16xf32> to vector<1x1x1x16xf32>
        tpu.vector_store %arg7[%swap3A_684, %swap3A_685, %swap3A_686, %swap3A_687], %swap3A_690 {strides = array<i32>} : memref<2x4x80x128xf32, #tpu.memory_space<vmem>>, vector<1x1x1x16xf32>,
        %add3A_691 = arith.addf %get3A_625, %get3A_34 : vector<16xf32>
        %swap3A_692 = arith.constant 1 : i32
        %swap3A_693 = arith.constant 0 : i32
        %swap3A_694 = arith.index_cast %swap3A_692 : i32 to index
        %swap3A_695 = arith.index_cast %swap3A_693 : i32 to index
        %swap3A_696 = arith.index_cast %scan3A_583 : i32 to index
        %swap3A_697 = arith.constant 96 : index
        %swap3A_698 = tpu.vector_load %arg7[%swap3A_694, %swap3A_695, %swap3A_696, %swap3A_697] {strides = array<i32>} : memref<2x4x80x128xf32, #tpu.memory_space<vmem>>, vector<1x1x1x16xf32>,
        %swap3A_699 = vector.shape_cast %swap3A_698 : vector<1x1x1x16xf32> to vector<16xf32>
        %swap3A_700 = vector.shape_cast %add3A_691 : vector<16xf32> to vector<1x1x1x16xf32>
        tpu.vector_store %arg7[%swap3A_694, %swap3A_695, %swap3A_696, %swap3A_697], %swap3A_700 {strides = array<i32>} : memref<2x4x80x128xf32, #tpu.memory_space<vmem>>, vector<1x1x1x16xf32>,
        %add3A_701 = arith.addf %get3A_631, %get3A_39 : vector<16xf32>
        %swap3A_702 = arith.constant 1 : i32
        %swap3A_703 = arith.constant 0 : i32
        %swap3A_704 = arith.index_cast %swap3A_702 : i32 to index
        %swap3A_705 = arith.index_cast %swap3A_703 : i32 to index
        %swap3A_706 = arith.index_cast %scan3A_583 : i32 to index
        %swap3A_707 = arith.constant 112 : index
        %swap3A_708 = tpu.vector_load %arg7[%swap3A_704, %swap3A_705, %swap3A_706, %swap3A_707] {strides = array<i32>} : memref<2x4x80x128xf32, #tpu.memory_space<vmem>>, vector<1x1x1x16xf32>,
        %swap3A_709 = vector.shape_cast %swap3A_708 : vector<1x1x1x16xf32> to vector<16xf32>
        %swap3A_710 = vector.shape_cast %add3A_701 : vector<16xf32> to vector<1x1x1x16xf32>
        tpu.vector_store %arg7[%swap3A_704, %swap3A_705, %swap3A_706, %swap3A_707], %swap3A_710 {strides = array<i32>} : memref<2x4x80x128xf32, #tpu.memory_space<vmem>>, vector<1x1x1x16xf32>,
        %add3A_711 = arith.addf %get3A_589, %get3A_44 : vector<16xf32>
        %swap3A_712 = arith.constant 1 : i32
        %swap3A_713 = arith.constant 1 : i32
        %swap3A_714 = arith.index_cast %swap3A_712 : i32 to index
        %swap3A_715 = arith.index_cast %swap3A_713 : i32 to index
        %swap3A_716 = arith.index_cast %scan3A_583 : i32 to index
        %swap3A_717 = arith.constant 0 : index
        %swap3A_718 = tpu.vector_load %arg7[%swap3A_714, %swap3A_715, %swap3A_716, %swap3A_717] {strides = array<i32>} : memref<2x4x80x128xf32, #tpu.memory_space<vmem>>, vector<1x1x1x16xf32>,
        %swap3A_719 = vector.shape_cast %swap3A_718 : vector<1x1x1x16xf32> to vector<16xf32>
        %swap3A_720 = vector.shape_cast %add3A_711 : vector<16xf32> to vector<1x1x1x16xf32>
        tpu.vector_store %arg7[%swap3A_714, %swap3A_715, %swap3A_716, %swap3A_717], %swap3A_720 {strides = array<i32>} : memref<2x4x80x128xf32, #tpu.memory_space<vmem>>, vector<1x1x1x16xf32>,
        %add3A_721 = arith.addf %get3A_595, %get3A_49 : vector<16xf32>
        %swap3A_722 = arith.constant 1 : i32
        %swap3A_723 = arith.constant 1 : i32
        %swap3A_724 = arith.index_cast %swap3A_722 : i32 to index
        %swap3A_725 = arith.index_cast %swap3A_723 : i32 to index
        %swap3A_726 = arith.index_cast %scan3A_583 : i32 to index
        %swap3A_727 = arith.constant 16 : index
        %swap3A_728 = tpu.vector_load %arg7[%swap3A_724, %swap3A_725, %swap3A_726, %swap3A_727] {strides = array<i32>} : memref<2x4x80x128xf32, #tpu.memory_space<vmem>>, vector<1x1x1x16xf32>,
        %swap3A_729 = vector.shape_cast %swap3A_728 : vector<1x1x1x16xf32> to vector<16xf32>
        %swap3A_730 = vector.shape_cast %add3A_721 : vector<16xf32> to vector<1x1x1x16xf32>
        tpu.vector_store %arg7[%swap3A_724, %swap3A_725, %swap3A_726, %swap3A_727], %swap3A_730 {strides = array<i32>} : memref<2x4x80x128xf32, #tpu.memory_space<vmem>>, vector<1x1x1x16xf32>,
        %add3A_731 = arith.addf %get3A_601, %get3A_54 : vector<16xf32>
        %swap3A_732 = arith.constant 1 : i32
        %swap3A_733 = arith.constant 1 : i32
        %swap3A_734 = arith.index_cast %swap3A_732 : i32 to index
        %swap3A_735 = arith.index_cast %swap3A_733 : i32 to index
        %swap3A_736 = arith.index_cast %scan3A_583 : i32 to index
        %swap3A_737 = arith.constant 32 : index
        %swap3A_738 = tpu.vector_load %arg7[%swap3A_734, %swap3A_735, %swap3A_736, %swap3A_737] {strides = array<i32>} : memref<2x4x80x128xf32, #tpu.memory_space<vmem>>, vector<1x1x1x16xf32>,
        %swap3A_739 = vector.shape_cast %swap3A_738 : vector<1x1x1x16xf32> to vector<16xf32>
        %swap3A_740 = vector.shape_cast %add3A_731 : vector<16xf32> to vector<1x1x1x16xf32>
        tpu.vector_store %arg7[%swap3A_734, %swap3A_735, %swap3A_736, %swap3A_737], %swap3A_740 {strides = array<i32>} : memref<2x4x80x128xf32, #tpu.memory_space<vmem>>, vector<1x1x1x16xf32>,
        %add3A_741 = arith.addf %get3A_607, %get3A_59 : vector<16xf32>
        %swap3A_742 = arith.constant 1 : i32
        %swap3A_743 = arith.constant 1 : i32
        %swap3A_744 = arith.index_cast %swap3A_742 : i32 to index
        %swap3A_745 = arith.index_cast %swap3A_743 : i32 to index
        %swap3A_746 = arith.index_cast %scan3A_583 : i32 to index
        %swap3A_747 = arith.constant 48 : index
        %swap3A_748 = tpu.vector_load %arg7[%swap3A_744, %swap3A_745, %swap3A_746, %swap3A_747] {strides = array<i32>} : memref<2x4x80x128xf32, #tpu.memory_space<vmem>>, vector<1x1x1x16xf32>,
        %swap3A_749 = vector.shape_cast %swap3A_748 : vector<1x1x1x16xf32> to vector<16xf32>
        %swap3A_750 = vector.shape_cast %add3A_741 : vector<16xf32> to vector<1x1x1x16xf32>
        tpu.vector_store %arg7[%swap3A_744, %swap3A_745, %swap3A_746, %swap3A_747], %swap3A_750 {strides = array<i32>} : memref<2x4x80x128xf32, #tpu.memory_space<vmem>>, vector<1x1x1x16xf32>,
        %add3A_751 = arith.addf %get3A_613, %get3A_64 : vector<16xf32>
        %swap3A_752 = arith.constant 1 : i32
        %swap3A_753 = arith.constant 1 : i32
        %swap3A_754 = arith.index_cast %swap3A_752 : i32 to index
        %swap3A_755 = arith.index_cast %swap3A_753 : i32 to index
        %swap3A_756 = arith.index_cast %scan3A_583 : i32 to index
        %swap3A_757 = arith.constant 64 : index
        %swap3A_758 = tpu.vector_load %arg7[%swap3A_754, %swap3A_755, %swap3A_756, %swap3A_757] {strides = array<i32>} : memref<2x4x80x128xf32, #tpu.memory_space<vmem>>, vector<1x1x1x16xf32>,
        %swap3A_759 = vector.shape_cast %swap3A_758 : vector<1x1x1x16xf32> to vector<16xf32>
        %swap3A_760 = vector.shape_cast %add3A_751 : vector<16xf32> to vector<1x1x1x16xf32>
        tpu.vector_store %arg7[%swap3A_754, %swap3A_755, %swap3A_756, %swap3A_757], %swap3A_760 {strides = array<i32>} : memref<2x4x80x128xf32, #tpu.memory_space<vmem>>, vector<1x1x1x16xf32>,
        %add3A_761 = arith.addf %get3A_619, %get3A_69 : vector<16xf32>
        %swap3A_762 = arith.constant 1 : i32
        %swap3A_763 = arith.constant 1 : i32
        %swap3A_764 = arith.index_cast %swap3A_762 : i32 to index
        %swap3A_765 = arith.index_cast %swap3A_763 : i32 to index
        %swap3A_766 = arith.index_cast %scan3A_583 : i32 to index
        %swap3A_767 = arith.constant 80 : index
        %swap3A_768 = tpu.vector_load %arg7[%swap3A_764, %swap3A_765, %swap3A_766, %swap3A_767] {strides = array<i32>} : memref<2x4x80x128xf32, #tpu.memory_space<vmem>>, vector<1x1x1x16xf32>,
        %swap3A_769 = vector.shape_cast %swap3A_768 : vector<1x1x1x16xf32> to vector<16xf32>
        %swap3A_770 = vector.shape_cast %add3A_761 : vector<16xf32> to vector<1x1x1x16xf32>
        tpu.vector_store %arg7[%swap3A_764, %swap3A_765, %swap3A_766, %swap3A_767], %swap3A_770 {strides = array<i32>} : memref<2x4x80x128xf32, #tpu.memory_space<vmem>>, vector<1x1x1x16xf32>,
        %add3A_771 = arith.addf %get3A_625, %get3A_74 : vector<16xf32>
        %swap3A_772 = arith.constant 1 : i32
        %swap3A_773 = arith.constant 1 : i32
        %swap3A_774 = arith.index_cast %swap3A_772 : i32 to index
        %swap3A_775 = arith.index_cast %swap3A_773 : i32 to index
        %swap3A_776 = arith.index_cast %scan3A_583 : i32 to index
        %swap3A_777 = arith.constant 96 : index
        %swap3A_778 = tpu.vector_load %arg7[%swap3A_774, %swap3A_775, %swap3A_776, %swap3A_777] {strides = array<i32>} : memref<2x4x80x128xf32, #tpu.memory_space<vmem>>, vector<1x1x1x16xf32>,
        %swap3A_779 = vector.shape_cast %swap3A_778 : vector<1x1x1x16xf32> to vector<16xf32>
        %swap3A_780 = vector.shape_cast %add3A_771 : vector<16xf32> to vector<1x1x1x16xf32>
        tpu.vector_store %arg7[%swap3A_774, %swap3A_775, %swap3A_776, %swap3A_777], %swap3A_780 {strides = array<i32>} : memref<2x4x80x128xf32, #tpu.memory_space<vmem>>, vector<1x1x1x16xf32>,
        %add3A_781 = arith.addf %get3A_631, %get3A_79 : vector<16xf32>
        %swap3A_782 = arith.constant 1 : i32
        %swap3A_783 = arith.constant 1 : i32
        %swap3A_784 = arith.index_cast %swap3A_782 : i32 to index
        %swap3A_785 = arith.index_cast %swap3A_783 : i32 to index
        %swap3A_786 = arith.index_cast %scan3A_583 : i32 to index
        %swap3A_787 = arith.constant 112 : index
        %swap3A_788 = tpu.vector_load %arg7[%swap3A_784, %swap3A_785, %swap3A_786, %swap3A_787] {strides = array<i32>} : memref<2x4x80x128xf32, #tpu.memory_space<vmem>>, vector<1x1x1x16xf32>,
        %swap3A_789 = vector.shape_cast %swap3A_788 : vector<1x1x1x16xf32> to vector<16xf32>
        %swap3A_790 = vector.shape_cast %add3A_781 : vector<16xf32> to vector<1x1x1x16xf32>
        tpu.vector_store %arg7[%swap3A_784, %swap3A_785, %swap3A_786, %swap3A_787], %swap3A_790 {strides = array<i32>} : memref<2x4x80x128xf32, #tpu.memory_space<vmem>>, vector<1x1x1x16xf32>,
        %add3A_791 = arith.addf %get3A_589, %get3A_84 : vector<16xf32>
        %swap3A_792 = arith.constant 1 : i32
        %swap3A_793 = arith.constant 2 : i32
        %swap3A_794 = arith.index_cast %swap3A_792 : i32 to index
        %swap3A_795 = arith.index_cast %swap3A_793 : i32 to index
        %swap3A_796 = arith.index_cast %scan3A_583 : i32 to index
        %swap3A_797 = arith.constant 0 : index
        %swap3A_798 = tpu.vector_load %arg7[%swap3A_794, %swap3A_795, %swap3A_796, %swap3A_797] {strides = array<i32>} : memref<2x4x80x128xf32, #tpu.memory_space<vmem>>, vector<1x1x1x16xf32>,
        %swap3A_799 = vector.shape_cast %swap3A_798 : vector<1x1x1x16xf32> to vector<16xf32>
        %swap3A_800 = vector.shape_cast %add3A_791 : vector<16xf32> to vector<1x1x1x16xf32>
        tpu.vector_store %arg7[%swap3A_794, %swap3A_795, %swap3A_796, %swap3A_797], %swap3A_800 {strides = array<i32>} : memref<2x4x80x128xf32, #tpu.memory_space<vmem>>, vector<1x1x1x16xf32>,
        %add3A_801 = arith.addf %get3A_595, %get3A_89 : vector<16xf32>
        %swap3A_802 = arith.constant 1 : i32
        %swap3A_803 = arith.constant 2 : i32
        %swap3A_804 = arith.index_cast %swap3A_802 : i32 to index
        %swap3A_805 = arith.index_cast %swap3A_803 : i32 to index
        %swap3A_806 = arith.index_cast %scan3A_583 : i32 to index
        %swap3A_807 = arith.constant 16 : index
        %swap3A_808 = tpu.vector_load %arg7[%swap3A_804, %swap3A_805, %swap3A_806, %swap3A_807] {strides = array<i32>} : memref<2x4x80x128xf32, #tpu.memory_space<vmem>>, vector<1x1x1x16xf32>,
        %swap3A_809 = vector.shape_cast %swap3A_808 : vector<1x1x1x16xf32> to vector<16xf32>
        %swap3A_810 = vector.shape_cast %add3A_801 : vector<16xf32> to vector<1x1x1x16xf32>
        tpu.vector_store %arg7[%swap3A_804, %swap3A_805, %swap3A_806, %swap3A_807], %swap3A_810 {strides = array<i32>} : memref<2x4x80x128xf32, #tpu.memory_space<vmem>>, vector<1x1x1x16xf32>,
        %add3A_811 = arith.addf %get3A_601, %get3A_94 : vector<16xf32>
        %swap3A_812 = arith.constant 1 : i32
        %swap3A_813 = arith.constant 2 : i32
        %swap3A_814 = arith.index_cast %swap3A_812 : i32 to index
        %swap3A_815 = arith.index_cast %swap3A_813 : i32 to index
        %swap3A_816 = arith.index_cast %scan3A_583 : i32 to index
        %swap3A_817 = arith.constant 32 : index
        %swap3A_818 = tpu.vector_load %arg7[%swap3A_814, %swap3A_815, %swap3A_816, %swap3A_817] {strides = array<i32>} : memref<2x4x80x128xf32, #tpu.memory_space<vmem>>, vector<1x1x1x16xf32>,
        %swap3A_819 = vector.shape_cast %swap3A_818 : vector<1x1x1x16xf32> to vector<16xf32>
        %swap3A_820 = vector.shape_cast %add3A_811 : vector<16xf32> to vector<1x1x1x16xf32>
        tpu.vector_store %arg7[%swap3A_814, %swap3A_815, %swap3A_816, %swap3A_817], %swap3A_820 {strides = array<i32>} : memref<2x4x80x128xf32, #tpu.memory_space<vmem>>, vector<1x1x1x16xf32>,
        %add3A_821 = arith.addf %get3A_607, %get3A_99 : vector<16xf32>
        %swap3A_822 = arith.constant 1 : i32
        %swap3A_823 = arith.constant 2 : i32
        %swap3A_824 = arith.index_cast %swap3A_822 : i32 to index
        %swap3A_825 = arith.index_cast %swap3A_823 : i32 to index
        %swap3A_826 = arith.index_cast %scan3A_583 : i32 to index
        %swap3A_827 = arith.constant 48 : index
        %swap3A_828 = tpu.vector_load %arg7[%swap3A_824, %swap3A_825, %swap3A_826, %swap3A_827] {strides = array<i32>} : memref<2x4x80x128xf32, #tpu.memory_space<vmem>>, vector<1x1x1x16xf32>,
        %swap3A_829 = vector.shape_cast %swap3A_828 : vector<1x1x1x16xf32> to vector<16xf32>
        %swap3A_830 = vector.shape_cast %add3A_821 : vector<16xf32> to vector<1x1x1x16xf32>
        tpu.vector_store %arg7[%swap3A_824, %swap3A_825, %swap3A_826, %swap3A_827], %swap3A_830 {strides = array<i32>} : memref<2x4x80x128xf32, #tpu.memory_space<vmem>>, vector<1x1x1x16xf32>,
        %add3A_831 = arith.addf %get3A_613, %get3A_104 : vector<16xf32>
        %swap3A_832 = arith.constant 1 : i32
        %swap3A_833 = arith.constant 2 : i32
        %swap3A_834 = arith.index_cast %swap3A_832 : i32 to index
        %swap3A_835 = arith.index_cast %swap3A_833 : i32 to index
        %swap3A_836 = arith.index_cast %scan3A_583 : i32 to index
        %swap3A_837 = arith.constant 64 : index
        %swap3A_838 = tpu.vector_load %arg7[%swap3A_834, %swap3A_835, %swap3A_836, %swap3A_837] {strides = array<i32>} : memref<2x4x80x128xf32, #tpu.memory_space<vmem>>, vector<1x1x1x16xf32>,
        %swap3A_839 = vector.shape_cast %swap3A_838 : vector<1x1x1x16xf32> to vector<16xf32>
        %swap3A_840 = vector.shape_cast %add3A_831 : vector<16xf32> to vector<1x1x1x16xf32>
        tpu.vector_store %arg7[%swap3A_834, %swap3A_835, %swap3A_836, %swap3A_837], %swap3A_840 {strides = array<i32>} : memref<2x4x80x128xf32, #tpu.memory_space<vmem>>, vector<1x1x1x16xf32>,
        %add3A_841 = arith.addf %get3A_619, %get3A_109 : vector<16xf32>
        %swap3A_842 = arith.constant 1 : i32
        %swap3A_843 = arith.constant 2 : i32
        %swap3A_844 = arith.index_cast %swap3A_842 : i32 to index
        %swap3A_845 = arith.index_cast %swap3A_843 : i32 to index
        %swap3A_846 = arith.index_cast %scan3A_583 : i32 to index
        %swap3A_847 = arith.constant 80 : index
        %swap3A_848 = tpu.vector_load %arg7[%swap3A_844, %swap3A_845, %swap3A_846, %swap3A_847] {strides = array<i32>} : memref<2x4x80x128xf32, #tpu.memory_space<vmem>>, vector<1x1x1x16xf32>,
        %swap3A_849 = vector.shape_cast %swap3A_848 : vector<1x1x1x16xf32> to vector<16xf32>
        %swap3A_850 = vector.shape_cast %add3A_841 : vector<16xf32> to vector<1x1x1x16xf32>
        tpu.vector_store %arg7[%swap3A_844, %swap3A_845, %swap3A_846, %swap3A_847], %swap3A_850 {strides = array<i32>} : memref<2x4x80x128xf32, #tpu.memory_space<vmem>>, vector<1x1x1x16xf32>,
        %add3A_851 = arith.addf %get3A_625, %get3A_114 : vector<16xf32>
        %swap3A_852 = arith.constant 1 : i32
        %swap3A_853 = arith.constant 2 : i32
        %swap3A_854 = arith.index_cast %swap3A_852 : i32 to index
        %swap3A_855 = arith.index_cast %swap3A_853 : i32 to index
        %swap3A_856 = arith.index_cast %scan3A_583 : i32 to index
        %swap3A_857 = arith.constant 96 : index
        %swap3A_858 = tpu.vector_load %arg7[%swap3A_854, %swap3A_855, %swap3A_856, %swap3A_857] {strides = array<i32>} : memref<2x4x80x128xf32, #tpu.memory_space<vmem>>, vector<1x1x1x16xf32>,
        %swap3A_859 = vector.shape_cast %swap3A_858 : vector<1x1x1x16xf32> to vector<16xf32>
        %swap3A_860 = vector.shape_cast %add3A_851 : vector<16xf32> to vector<1x1x1x16xf32>
        tpu.vector_store %arg7[%swap3A_854, %swap3A_855, %swap3A_856, %swap3A_857], %swap3A_860 {strides = array<i32>} : memref<2x4x80x128xf32, #tpu.memory_space<vmem>>, vector<1x1x1x16xf32>,
        %add3A_861 = arith.addf %get3A_631, %get3A_119 : vector<16xf32>
        %swap3A_862 = arith.constant 1 : i32
        %swap3A_863 = arith.constant 2 : i32
        %swap3A_864 = arith.index_cast %swap3A_862 : i32 to index
        %swap3A_865 = arith.index_cast %swap3A_863 : i32 to index
        %swap3A_866 = arith.index_cast %scan3A_583 : i32 to index
        %swap3A_867 = arith.constant 112 : index
        %swap3A_868 = tpu.vector_load %arg7[%swap3A_864, %swap3A_865, %swap3A_866, %swap3A_867] {strides = array<i32>} : memref<2x4x80x128xf32, #tpu.memory_space<vmem>>, vector<1x1x1x16xf32>,
        %swap3A_869 = vector.shape_cast %swap3A_868 : vector<1x1x1x16xf32> to vector<16xf32>
        %swap3A_870 = vector.shape_cast %add3A_861 : vector<16xf32> to vector<1x1x1x16xf32>
        tpu.vector_store %arg7[%swap3A_864, %swap3A_865, %swap3A_866, %swap3A_867], %swap3A_870 {strides = array<i32>} : memref<2x4x80x128xf32, #tpu.memory_space<vmem>>, vector<1x1x1x16xf32>,
        %add3A_871 = arith.addf %get3A_589, %get3A_124 : vector<16xf32>
        %swap3A_872 = arith.constant 1 : i32
        %swap3A_873 = arith.constant 3 : i32
        %swap3A_874 = arith.index_cast %swap3A_872 : i32 to index
        %swap3A_875 = arith.index_cast %swap3A_873 : i32 to index
        %swap3A_876 = arith.index_cast %scan3A_583 : i32 to index
        %swap3A_877 = arith.constant 0 : index
        %swap3A_878 = tpu.vector_load %arg7[%swap3A_874, %swap3A_875, %swap3A_876, %swap3A_877] {strides = array<i32>} : memref<2x4x80x128xf32, #tpu.memory_space<vmem>>, vector<1x1x1x16xf32>,
        %swap3A_879 = vector.shape_cast %swap3A_878 : vector<1x1x1x16xf32> to vector<16xf32>
        %swap3A_880 = vector.shape_cast %add3A_871 : vector<16xf32> to vector<1x1x1x16xf32>
        tpu.vector_store %arg7[%swap3A_874, %swap3A_875, %swap3A_876, %swap3A_877], %swap3A_880 {strides = array<i32>} : memref<2x4x80x128xf32, #tpu.memory_space<vmem>>, vector<1x1x1x16xf32>,
        %add3A_881 = arith.addf %get3A_595, %get3A_129 : vector<16xf32>
        %swap3A_882 = arith.constant 1 : i32
        %swap3A_883 = arith.constant 3 : i32
        %swap3A_884 = arith.index_cast %swap3A_882 : i32 to index
        %swap3A_885 = arith.index_cast %swap3A_883 : i32 to index
        %swap3A_886 = arith.index_cast %scan3A_583 : i32 to index
        %swap3A_887 = arith.constant 16 : index
        %swap3A_888 = tpu.vector_load %arg7[%swap3A_884, %swap3A_885, %swap3A_886, %swap3A_887] {strides = array<i32>} : memref<2x4x80x128xf32, #tpu.memory_space<vmem>>, vector<1x1x1x16xf32>,
        %swap3A_889 = vector.shape_cast %swap3A_888 : vector<1x1x1x16xf32> to vector<16xf32>
        %swap3A_890 = vector.shape_cast %add3A_881 : vector<16xf32> to vector<1x1x1x16xf32>
        tpu.vector_store %arg7[%swap3A_884, %swap3A_885, %swap3A_886, %swap3A_887], %swap3A_890 {strides = array<i32>} : memref<2x4x80x128xf32, #tpu.memory_space<vmem>>, vector<1x1x1x16xf32>,
        %add3A_891 = arith.addf %get3A_601, %get3A_134 : vector<16xf32>
        %swap3A_892 = arith.constant 1 : i32
        %swap3A_893 = arith.constant 3 : i32
        %swap3A_894 = arith.index_cast %swap3A_892 : i32 to index
        %swap3A_895 = arith.index_cast %swap3A_893 : i32 to index
        %swap3A_896 = arith.index_cast %scan3A_583 : i32 to index
        %swap3A_897 = arith.constant 32 : index
        %swap3A_898 = tpu.vector_load %arg7[%swap3A_894, %swap3A_895, %swap3A_896, %swap3A_897] {strides = array<i32>} : memref<2x4x80x128xf32, #tpu.memory_space<vmem>>, vector<1x1x1x16xf32>,
        %swap3A_899 = vector.shape_cast %swap3A_898 : vector<1x1x1x16xf32> to vector<16xf32>
        %swap3A_900 = vector.shape_cast %add3A_891 : vector<16xf32> to vector<1x1x1x16xf32>
        tpu.vector_store %arg7[%swap3A_894, %swap3A_895, %swap3A_896, %swap3A_897], %swap3A_900 {strides = array<i32>} : memref<2x4x80x128xf32, #tpu.memory_space<vmem>>, vector<1x1x1x16xf32>,
        %add3A_901 = arith.addf %get3A_607, %get3A_139 : vector<16xf32>
        %swap3A_902 = arith.constant 1 : i32
        %swap3A_903 = arith.constant 3 : i32
        %swap3A_904 = arith.index_cast %swap3A_902 : i32 to index
        %swap3A_905 = arith.index_cast %swap3A_903 : i32 to index
        %swap3A_906 = arith.index_cast %scan3A_583 : i32 to index
        %swap3A_907 = arith.constant 48 : index
        %swap3A_908 = tpu.vector_load %arg7[%swap3A_904, %swap3A_905, %swap3A_906, %swap3A_907] {strides = array<i32>} : memref<2x4x80x128xf32, #tpu.memory_space<vmem>>, vector<1x1x1x16xf32>,
        %swap3A_909 = vector.shape_cast %swap3A_908 : vector<1x1x1x16xf32> to vector<16xf32>
        %swap3A_910 = vector.shape_cast %add3A_901 : vector<16xf32> to vector<1x1x1x16xf32>
        tpu.vector_store %arg7[%swap3A_904, %swap3A_905, %swap3A_906, %swap3A_907], %swap3A_910 {strides = array<i32>} : memref<2x4x80x128xf32, #tpu.memory_space<vmem>>, vector<1x1x1x16xf32>,
        %add3A_911 = arith.addf %get3A_613, %get3A_144 : vector<16xf32>
        %swap3A_912 = arith.constant 1 : i32
        %swap3A_913 = arith.constant 3 : i32
        %swap3A_914 = arith.index_cast %swap3A_912 : i32 to index
        %swap3A_915 = arith.index_cast %swap3A_913 : i32 to index
        %swap3A_916 = arith.index_cast %scan3A_583 : i32 to index
        %swap3A_917 = arith.constant 64 : index
        %swap3A_918 = tpu.vector_load %arg7[%swap3A_914, %swap3A_915, %swap3A_916, %swap3A_917] {strides = array<i32>} : memref<2x4x80x128xf32, #tpu.memory_space<vmem>>, vector<1x1x1x16xf32>,
        %swap3A_919 = vector.shape_cast %swap3A_918 : vector<1x1x1x16xf32> to vector<16xf32>
        %swap3A_920 = vector.shape_cast %add3A_911 : vector<16xf32> to vector<1x1x1x16xf32>
        tpu.vector_store %arg7[%swap3A_914, %swap3A_915, %swap3A_916, %swap3A_917], %swap3A_920 {strides = array<i32>} : memref<2x4x80x128xf32, #tpu.memory_space<vmem>>, vector<1x1x1x16xf32>,
        %add3A_921 = arith.addf %get3A_619, %get3A_149 : vector<16xf32>
        %swap3A_922 = arith.constant 1 : i32
        %swap3A_923 = arith.constant 3 : i32
        %swap3A_924 = arith.index_cast %swap3A_922 : i32 to index
        %swap3A_925 = arith.index_cast %swap3A_923 : i32 to index
        %swap3A_926 = arith.index_cast %scan3A_583 : i32 to index
        %swap3A_927 = arith.constant 80 : index
        %swap3A_928 = tpu.vector_load %arg7[%swap3A_924, %swap3A_925, %swap3A_926, %swap3A_927] {strides = array<i32>} : memref<2x4x80x128xf32, #tpu.memory_space<vmem>>, vector<1x1x1x16xf32>,
        %swap3A_929 = vector.shape_cast %swap3A_928 : vector<1x1x1x16xf32> to vector<16xf32>
        %swap3A_930 = vector.shape_cast %add3A_921 : vector<16xf32> to vector<1x1x1x16xf32>
        tpu.vector_store %arg7[%swap3A_924, %swap3A_925, %swap3A_926, %swap3A_927], %swap3A_930 {strides = array<i32>} : memref<2x4x80x128xf32, #tpu.memory_space<vmem>>, vector<1x1x1x16xf32>,
        %add3A_931 = arith.addf %get3A_625, %get3A_154 : vector<16xf32>
        %swap3A_932 = arith.constant 1 : i32
        %swap3A_933 = arith.constant 3 : i32
        %swap3A_934 = arith.index_cast %swap3A_932 : i32 to index
        %swap3A_935 = arith.index_cast %swap3A_933 : i32 to index
        %swap3A_936 = arith.index_cast %scan3A_583 : i32 to index
        %swap3A_937 = arith.constant 96 : index
        %swap3A_938 = tpu.vector_load %arg7[%swap3A_934, %swap3A_935, %swap3A_936, %swap3A_937] {strides = array<i32>} : memref<2x4x80x128xf32, #tpu.memory_space<vmem>>, vector<1x1x1x16xf32>,
        %swap3A_939 = vector.shape_cast %swap3A_938 : vector<1x1x1x16xf32> to vector<16xf32>
        %swap3A_940 = vector.shape_cast %add3A_931 : vector<16xf32> to vector<1x1x1x16xf32>
        tpu.vector_store %arg7[%swap3A_934, %swap3A_935, %swap3A_936, %swap3A_937], %swap3A_940 {strides = array<i32>} : memref<2x4x80x128xf32, #tpu.memory_space<vmem>>, vector<1x1x1x16xf32>,
        %add3A_941 = arith.addf %get3A_631, %get3A_159 : vector<16xf32>
        %swap3A_942 = arith.constant 1 : i32
        %swap3A_943 = arith.constant 3 : i32
        %swap3A_944 = arith.index_cast %swap3A_942 : i32 to index
        %swap3A_945 = arith.index_cast %swap3A_943 : i32 to index
        %swap3A_946 = arith.index_cast %scan3A_583 : i32 to index
        %swap3A_947 = arith.constant 112 : index
        %swap3A_948 = tpu.vector_load %arg7[%swap3A_944, %swap3A_945, %swap3A_946, %swap3A_947] {strides = array<i32>} : memref<2x4x80x128xf32, #tpu.memory_space<vmem>>, vector<1x1x1x16xf32>,
        %swap3A_949 = vector.shape_cast %swap3A_948 : vector<1x1x1x16xf32> to vector<16xf32>
        %swap3A_950 = vector.shape_cast %add3A_941 : vector<16xf32> to vector<1x1x1x16xf32>
        tpu.vector_store %arg7[%swap3A_944, %swap3A_945, %swap3A_946, %swap3A_947], %swap3A_950 {strides = array<i32>} : memref<2x4x80x128xf32, #tpu.memory_space<vmem>>, vector<1x1x1x16xf32>,
      }
      %scan3A_553 = arith.constant 80 : i32
      %mul3A_554 = arith.constant 32 : i32
      %mul3A_555 = arith.muli %add3A_507, %mul3A_554 : i32
      %add3A_556 = arith.addi %add3A, %mul3A_555 : i32
      %mul3A_557 = arith.constant 80 : i32
      %mul3A_558 = arith.muli %add3A_556, %mul3A_557 : i32
      %dma_start3A_559 = arith.constant 1 : i32
      %dma_start3A_560 = arith.constant 0 : i32
      %dma_start3A_561 = arith.constant 0 : i32
      %dma_start3A_562 = arith.constant 0 : i32
      %dma_start3A_563 = tpu.memref_slice %arg7[%dma_start3A_559, %dma_start3A_560, %dma_start3A_561, %dma_start3A_562] : memref<2x4x80x128xf32, #tpu.memory_space<vmem>> -> memref<1x4x80x128xf32, #tpu.memory_space<vmem>>
      %dma_start3A_564 = tpu.memref_squeeze %dma_start3A_563 : memref<1x4x80x128xf32, #tpu.memory_space<vmem>> -> memref<4x80x128xf32, #tpu.memory_space<vmem>>
      %dma_start3A_565 = arith.constant 0 : i32
      %dma_start3A_566 = arith.constant 0 : i32
      %dma_start3A_567 = tpu.memref_slice %arg4[%dma_start3A_565, %mul3A_558, %dma_start3A_566] : memref<4x100000x128xf32, #tpu.memory_space<hbm>> -> memref<4x80x128xf32, #tpu.memory_space<hbm>>
      %dma_start3A_568 = arith.constant 0 : i32
      %dma_start3A_569 = arith.constant 0 : i32
      %dma_start3A_570 = tpu.memref_slice %arg4[%dma_start3A_568, %mul3A_558, %dma_start3A_569] : memref<4x100000x128xf32, #tpu.memory_space<hbm>> -> memref<4x80x128xf32, #tpu.memory_space<hbm>>
      %dma_start3A_571 = arith.constant 0 : i32
      %dma_start3A_572 = arith.constant 0 : i32
      %dma_start3A_573 = arith.constant 0 : i32
      %dma_start3A_574 = tpu.memref_slice %arg7[%dma_start3A_559, %dma_start3A_571, %dma_start3A_572, %dma_start3A_573] : memref<2x4x80x128xf32, #tpu.memory_space<vmem>> -> memref<1x4x80x128xf32, #tpu.memory_space<vmem>>
      %dma_start3A_575 = tpu.memref_squeeze %dma_start3A_574 : memref<1x4x80x128xf32, #tpu.memory_space<vmem>> -> memref<4x80x128xf32, #tpu.memory_space<vmem>>
      tpu.enqueue_dma source(%dma_start3A_575 : memref<4x80x128xf32, #tpu.memory_space<vmem>>) target(%dma_start3A_570 : memref<4x80x128xf32, #tpu.memory_space<hbm>>) target_semaphore(%arg11 : memref<!tpu.dma_semaphore, #tpu.memory_space<semaphore_mem>>)
      %add3A_576 = arith.constant 2 : i32
      %add3A_577 = arith.addi %add3A_507, %add3A_576 : i32
      %lt3A_578 = arith.constant 39 : i32
      %lt3A_579 = arith.cmpi slt, %add3A_577, %lt3A_578 : i32
      %convert_element_type3A_580 = arith.extui %lt3A_579 : i1 to i32
      %cond3A_581 = arith.constant 0 : i32
      %cond3A_582 = arith.cmpi ne, %convert_element_type3A_580, %cond3A_581 : i32
      scf.if %cond3A_582 {
        %add3A_583 = arith.constant 2 : i32
        %add3A_584 = arith.addi %add3A_507, %add3A_583 : i32
        %mul3A_585 = arith.constant 32 : i32
        %mul3A_586 = arith.muli %add3A_584, %mul3A_585 : i32
        %add3A_587 = arith.addi %add3A, %mul3A_586 : i32
        %mul3A_588 = arith.constant 80 : i32
        %mul3A_589 = arith.muli %add3A_587, %mul3A_588 : i32
        %dma_start3A_590 = arith.constant 1 : i32
        %dma_start3A_591 = arith.constant 0 : i32
        %dma_start3A_592 = arith.constant 0 : i32
        %dma_start3A_593 = tpu.memref_slice %arg6[%dma_start3A_590, %dma_start3A_591, %dma_start3A_592] : memref<2x80x128xf32, #tpu.memory_space<vmem>> -> memref<1x80x128xf32, #tpu.memory_space<vmem>>
        %dma_start3A_594 = tpu.memref_squeeze %dma_start3A_593 : memref<1x80x128xf32, #tpu.memory_space<vmem>> -> memref<80x128xf32, #tpu.memory_space<vmem>>
        %dma_start3A_595 = arith.constant 0 : i32
        %dma_start3A_596 = tpu.memref_slice %arg2[%mul3A_589, %dma_start3A_595] : memref<100000x128xf32, #tpu.memory_space<hbm>> -> memref<80x128xf32, #tpu.memory_space<hbm>>
        %dma_start3A_597 = arith.constant 0 : i32
        %dma_start3A_598 = arith.constant 0 : i32
        %dma_start3A_599 = tpu.memref_slice %arg6[%dma_start3A_590, %dma_start3A_597, %dma_start3A_598] : memref<2x80x128xf32, #tpu.memory_space<vmem>> -> memref<1x80x128xf32, #tpu.memory_space<vmem>>
        %dma_start3A_600 = tpu.memref_squeeze %dma_start3A_599 : memref<1x80x128xf32, #tpu.memory_space<vmem>> -> memref<80x128xf32, #tpu.memory_space<vmem>>
        %dma_start3A_601 = arith.constant 0 : i32
        %dma_start3A_602 = tpu.memref_slice %arg2[%mul3A_589, %dma_start3A_601] : memref<100000x128xf32, #tpu.memory_space<hbm>> -> memref<80x128xf32, #tpu.memory_space<hbm>>
        tpu.enqueue_dma source(%dma_start3A_602 : memref<80x128xf32, #tpu.memory_space<hbm>>) target(%dma_start3A_600 : memref<80x128xf32, #tpu.memory_space<vmem>>) target_semaphore(%arg9 : memref<!tpu.dma_semaphore, #tpu.memory_space<semaphore_mem>>)
      } else {
      }
    }
    %scan3A_318 = arith.constant 18 : i32
    %add3A_319 = arith.constant 1216 : i32
    %add3A_320 = arith.addi %add3A, %add3A_319 : i32
    %mul3A_321 = arith.constant 80 : i32
    %mul3A_322 = arith.muli %add3A_320, %mul3A_321 : i32
    %dma_wait3A_323 = arith.constant 0 : i32
    %dma_wait3A_324 = arith.constant 0 : i32
    %dma_wait3A_325 = arith.constant 0 : i32
    %dma_wait3A_326 = tpu.memref_slice %arg6[%dma_wait3A_323, %dma_wait3A_324, %dma_wait3A_325] : memref<2x80x128xf32, #tpu.memory_space<vmem>> -> memref<1x80x128xf32, #tpu.memory_space<vmem>>
    %dma_wait3A_327 = tpu.memref_squeeze %dma_wait3A_326 : memref<1x80x128xf32, #tpu.memory_space<vmem>> -> memref<80x128xf32, #tpu.memory_space<vmem>>
    %dma_wait3A_328 = arith.constant 0 : i32
    %dma_wait3A_329 = tpu.memref_slice %arg2[%mul3A_322, %dma_wait3A_328] : memref<100000x128xf32, #tpu.memory_space<hbm>> -> memref<80x128xf32, #tpu.memory_space<hbm>>
    %dma_wait3A_330 = arith.constant 0 : i32
    %dma_wait3A_331 = arith.constant 0 : i32
    %dma_wait3A_332 = tpu.memref_slice %arg6[%dma_wait3A_323, %dma_wait3A_330, %dma_wait3A_331] : memref<2x80x128xf32, #tpu.memory_space<vmem>> -> memref<1x80x128xf32, #tpu.memory_space<vmem>>
    %dma_wait3A_333 = tpu.memref_squeeze %dma_wait3A_332 : memref<1x80x128xf32, #tpu.memory_space<vmem>> -> memref<80x128xf32, #tpu.memory_space<vmem>>
    %dma_wait3A_334 = arith.constant 0 : i32
    %dma_wait3A_335 = tpu.memref_slice %arg2[%mul3A_322, %dma_wait3A_334] : memref<100000x128xf32, #tpu.memory_space<hbm>> -> memref<80x128xf32, #tpu.memory_space<hbm>>
    tpu.wait_dma2 semaphore(%arg8 : memref<!tpu.dma_semaphore, #tpu.memory_space<semaphore_mem>>) src(%dma_wait3A_335 : memref<80x128xf32, #tpu.memory_space<hbm>>) dst(%dma_wait3A_333 : memref<80x128xf32, #tpu.memory_space<vmem>>)
    %add3A_336 = arith.constant 1216 : i32
    %add3A_337 = arith.addi %add3A, %add3A_336 : i32
    %mul3A_338 = arith.constant 80 : i32
    %mul3A_339 = arith.muli %add3A_337, %mul3A_338 : i32
    %dma_wait3A_340 = arith.constant 0 : i32
    %dma_wait3A_341 = arith.constant 0 : i32
    %dma_wait3A_342 = arith.constant 0 : i32
    %dma_wait3A_343 = arith.constant 0 : i32
    %dma_wait3A_344 = tpu.memref_slice %arg7[%dma_wait3A_340, %dma_wait3A_341, %dma_wait3A_342, %dma_wait3A_343] : memref<2x4x80x128xf32, #tpu.memory_space<vmem>> -> memref<1x4x80x128xf32, #tpu.memory_space<vmem>>
    %dma_wait3A_345 = tpu.memref_squeeze %dma_wait3A_344 : memref<1x4x80x128xf32, #tpu.memory_space<vmem>> -> memref<4x80x128xf32, #tpu.memory_space<vmem>>
    %dma_wait3A_346 = arith.constant 0 : i32
    %dma_wait3A_347 = arith.constant 0 : i32
    %dma_wait3A_348 = tpu.memref_slice %arg4[%dma_wait3A_346, %mul3A_339, %dma_wait3A_347] : memref<4x100000x128xf32, #tpu.memory_space<hbm>> -> memref<4x80x128xf32, #tpu.memory_space<hbm>>
    %dma_wait3A_349 = arith.constant 0 : i32
    %dma_wait3A_350 = arith.constant 0 : i32
    %dma_wait3A_351 = tpu.memref_slice %arg4[%dma_wait3A_349, %mul3A_339, %dma_wait3A_350] : memref<4x100000x128xf32, #tpu.memory_space<hbm>> -> memref<4x80x128xf32, #tpu.memory_space<hbm>>
    %dma_wait3A_352 = arith.constant 0 : i32
    %dma_wait3A_353 = arith.constant 0 : i32
    %dma_wait3A_354 = arith.constant 0 : i32
    %dma_wait3A_355 = tpu.memref_slice %arg7[%dma_wait3A_340, %dma_wait3A_352, %dma_wait3A_353, %dma_wait3A_354] : memref<2x4x80x128xf32, #tpu.memory_space<vmem>> -> memref<1x4x80x128xf32, #tpu.memory_space<vmem>>
    %dma_wait3A_356 = tpu.memref_squeeze %dma_wait3A_355 : memref<1x4x80x128xf32, #tpu.memory_space<vmem>> -> memref<4x80x128xf32, #tpu.memory_space<vmem>>
    tpu.wait_dma2 semaphore(%arg10 : memref<!tpu.dma_semaphore, #tpu.memory_space<semaphore_mem>>) src(%dma_wait3A_356 : memref<4x80x128xf32, #tpu.memory_space<vmem>>) dst(%dma_wait3A_351 : memref<4x80x128xf32, #tpu.memory_space<hbm>>)
    %scan3A_357 = arith.constant 0 : i32
    %scan3A_358 = arith.constant 0 : i32
    %scan3A_359 = arith.constant 80 : i32
    %scan3A_360 = arith.addi %scan3A_358, %scan3A_359 : i32
    %scan3A_361 = arith.constant 1 : i32
    scf.for %scan3A_428 = %scan3A_358 to %scan3A_360 step %scan3A_361  : i32 {
      %get3A_429 = arith.constant 0 : i32
      %get3A_430 = arith.index_cast %get3A_429 : i32 to index
      %get3A_431 = arith.index_cast %scan3A_428 : i32 to index
      %get3A_432 = arith.constant 0 : index
      %get3A_433 = tpu.vector_load %arg6[%get3A_430, %get3A_431, %get3A_432] {strides = array<i32>} : memref<2x80x128xf32, #tpu.memory_space<vmem>>, vector<1x1x16xf32>,
      %get3A_434 = vector.shape_cast %get3A_433 : vector<1x1x16xf32> to vector<16xf32>
      %get3A_435 = arith.constant 0 : i32
      %get3A_436 = arith.index_cast %get3A_435 : i32 to index
      %get3A_437 = arith.index_cast %scan3A_428 : i32 to index
      %get3A_438 = arith.constant 16 : index
      %get3A_439 = tpu.vector_load %arg6[%get3A_436, %get3A_437, %get3A_438] {strides = array<i32>} : memref<2x80x128xf32, #tpu.memory_space<vmem>>, vector<1x1x16xf32>,
      %get3A_440 = vector.shape_cast %get3A_439 : vector<1x1x16xf32> to vector<16xf32>
      %get3A_441 = arith.constant 0 : i32
      %get3A_442 = arith.index_cast %get3A_441 : i32 to index
      %get3A_443 = arith.index_cast %scan3A_428 : i32 to index
      %get3A_444 = arith.constant 32 : index
      %get3A_445 = tpu.vector_load %arg6[%get3A_442, %get3A_443, %get3A_444] {strides = array<i32>} : memref<2x80x128xf32, #tpu.memory_space<vmem>>, vector<1x1x16xf32>,
      %get3A_446 = vector.shape_cast %get3A_445 : vector<1x1x16xf32> to vector<16xf32>
      %get3A_447 = arith.constant 0 : i32
      %get3A_448 = arith.index_cast %get3A_447 : i32 to index
      %get3A_449 = arith.index_cast %scan3A_428 : i32 to index
      %get3A_450 = arith.constant 48 : index
      %get3A_451 = tpu.vector_load %arg6[%get3A_448, %get3A_449, %get3A_450] {strides = array<i32>} : memref<2x80x128xf32, #tpu.memory_space<vmem>>, vector<1x1x16xf32>,
      %get3A_452 = vector.shape_cast %get3A_451 : vector<1x1x16xf32> to vector<16xf32>
      %get3A_453 = arith.constant 0 : i32
      %get3A_454 = arith.index_cast %get3A_453 : i32 to index
      %get3A_455 = arith.index_cast %scan3A_428 : i32 to index
      %get3A_456 = arith.constant 64 : index
      %get3A_457 = tpu.vector_load %arg6[%get3A_454, %get3A_455, %get3A_456] {strides = array<i32>} : memref<2x80x128xf32, #tpu.memory_space<vmem>>, vector<1x1x16xf32>,
      %get3A_458 = vector.shape_cast %get3A_457 : vector<1x1x16xf32> to vector<16xf32>
      %get3A_459 = arith.constant 0 : i32
      %get3A_460 = arith.index_cast %get3A_459 : i32 to index
      %get3A_461 = arith.index_cast %scan3A_428 : i32 to index
      %get3A_462 = arith.constant 80 : index
      %get3A_463 = tpu.vector_load %arg6[%get3A_460, %get3A_461, %get3A_462] {strides = array<i32>} : memref<2x80x128xf32, #tpu.memory_space<vmem>>, vector<1x1x16xf32>,
      %get3A_464 = vector.shape_cast %get3A_463 : vector<1x1x16xf32> to vector<16xf32>
      %get3A_465 = arith.constant 0 : i32
      %get3A_466 = arith.index_cast %get3A_465 : i32 to index
      %get3A_467 = arith.index_cast %scan3A_428 : i32 to index
      %get3A_468 = arith.constant 96 : index
      %get3A_469 = tpu.vector_load %arg6[%get3A_466, %get3A_467, %get3A_468] {strides = array<i32>} : memref<2x80x128xf32, #tpu.memory_space<vmem>>, vector<1x1x16xf32>,
      %get3A_470 = vector.shape_cast %get3A_469 : vector<1x1x16xf32> to vector<16xf32>
      %get3A_471 = arith.constant 0 : i32
      %get3A_472 = arith.index_cast %get3A_471 : i32 to index
      %get3A_473 = arith.index_cast %scan3A_428 : i32 to index
      %get3A_474 = arith.constant 112 : index
      %get3A_475 = tpu.vector_load %arg6[%get3A_472, %get3A_473, %get3A_474] {strides = array<i32>} : memref<2x80x128xf32, #tpu.memory_space<vmem>>, vector<1x1x16xf32>,
      %get3A_476 = vector.shape_cast %get3A_475 : vector<1x1x16xf32> to vector<16xf32>
      %add3A_477 = arith.addf %get3A_434, %get3A_4 : vector<16xf32>
      %swap3A = arith.constant 0 : i32
      %swap3A_478 = arith.constant 0 : i32
      %swap3A_479 = arith.index_cast %swap3A : i32 to index
      %swap3A_480 = arith.index_cast %swap3A_478 : i32 to index
      %swap3A_481 = arith.index_cast %scan3A_428 : i32 to index
      %swap3A_482 = arith.constant 0 : index
      %swap3A_483 = tpu.vector_load %arg7[%swap3A_479, %swap3A_480, %swap3A_481, %swap3A_482] {strides = array<i32>} : memref<2x4x80x128xf32, #tpu.memory_space<vmem>>, vector<1x1x1x16xf32>,
      %swap3A_484 = vector.shape_cast %swap3A_483 : vector<1x1x1x16xf32> to vector<16xf32>
      %swap3A_485 = vector.shape_cast %add3A_477 : vector<16xf32> to vector<1x1x1x16xf32>
      tpu.vector_store %arg7[%swap3A_479, %swap3A_480, %swap3A_481, %swap3A_482], %swap3A_485 {strides = array<i32>} : memref<2x4x80x128xf32, #tpu.memory_space<vmem>>, vector<1x1x1x16xf32>,
      %add3A_486 = arith.addf %get3A_440, %get3A_9 : vector<16xf32>
      %swap3A_487 = arith.constant 0 : i32
      %swap3A_488 = arith.constant 0 : i32
      %swap3A_489 = arith.index_cast %swap3A_487 : i32 to index
      %swap3A_490 = arith.index_cast %swap3A_488 : i32 to index
      %swap3A_491 = arith.index_cast %scan3A_428 : i32 to index
      %swap3A_492 = arith.constant 16 : index
      %swap3A_493 = tpu.vector_load %arg7[%swap3A_489, %swap3A_490, %swap3A_491, %swap3A_492] {strides = array<i32>} : memref<2x4x80x128xf32, #tpu.memory_space<vmem>>, vector<1x1x1x16xf32>,
      %swap3A_494 = vector.shape_cast %swap3A_493 : vector<1x1x1x16xf32> to vector<16xf32>
      %swap3A_495 = vector.shape_cast %add3A_486 : vector<16xf32> to vector<1x1x1x16xf32>
      tpu.vector_store %arg7[%swap3A_489, %swap3A_490, %swap3A_491, %swap3A_492], %swap3A_495 {strides = array<i32>} : memref<2x4x80x128xf32, #tpu.memory_space<vmem>>, vector<1x1x1x16xf32>,
      %add3A_496 = arith.addf %get3A_446, %get3A_14 : vector<16xf32>
      %swap3A_497 = arith.constant 0 : i32
      %swap3A_498 = arith.constant 0 : i32
      %swap3A_499 = arith.index_cast %swap3A_497 : i32 to index
      %swap3A_500 = arith.index_cast %swap3A_498 : i32 to index
      %swap3A_501 = arith.index_cast %scan3A_428 : i32 to index
      %swap3A_502 = arith.constant 32 : index
      %swap3A_503 = tpu.vector_load %arg7[%swap3A_499, %swap3A_500, %swap3A_501, %swap3A_502] {strides = array<i32>} : memref<2x4x80x128xf32, #tpu.memory_space<vmem>>, vector<1x1x1x16xf32>,
      %swap3A_504 = vector.shape_cast %swap3A_503 : vector<1x1x1x16xf32> to vector<16xf32>
      %swap3A_505 = vector.shape_cast %add3A_496 : vector<16xf32> to vector<1x1x1x16xf32>
      tpu.vector_store %arg7[%swap3A_499, %swap3A_500, %swap3A_501, %swap3A_502], %swap3A_505 {strides = array<i32>} : memref<2x4x80x128xf32, #tpu.memory_space<vmem>>, vector<1x1x1x16xf32>,
      %add3A_506 = arith.addf %get3A_452, %get3A_19 : vector<16xf32>
      %swap3A_507 = arith.constant 0 : i32
      %swap3A_508 = arith.constant 0 : i32
      %swap3A_509 = arith.index_cast %swap3A_507 : i32 to index
      %swap3A_510 = arith.index_cast %swap3A_508 : i32 to index
      %swap3A_511 = arith.index_cast %scan3A_428 : i32 to index
      %swap3A_512 = arith.constant 48 : index
      %swap3A_513 = tpu.vector_load %arg7[%swap3A_509, %swap3A_510, %swap3A_511, %swap3A_512] {strides = array<i32>} : memref<2x4x80x128xf32, #tpu.memory_space<vmem>>, vector<1x1x1x16xf32>,
      %swap3A_514 = vector.shape_cast %swap3A_513 : vector<1x1x1x16xf32> to vector<16xf32>
      %swap3A_515 = vector.shape_cast %add3A_506 : vector<16xf32> to vector<1x1x1x16xf32>
      tpu.vector_store %arg7[%swap3A_509, %swap3A_510, %swap3A_511, %swap3A_512], %swap3A_515 {strides = array<i32>} : memref<2x4x80x128xf32, #tpu.memory_space<vmem>>, vector<1x1x1x16xf32>,
      %add3A_516 = arith.addf %get3A_458, %get3A_24 : vector<16xf32>
      %swap3A_517 = arith.constant 0 : i32
      %swap3A_518 = arith.constant 0 : i32
      %swap3A_519 = arith.index_cast %swap3A_517 : i32 to index
      %swap3A_520 = arith.index_cast %swap3A_518 : i32 to index
      %swap3A_521 = arith.index_cast %scan3A_428 : i32 to index
      %swap3A_522 = arith.constant 64 : index
      %swap3A_523 = tpu.vector_load %arg7[%swap3A_519, %swap3A_520, %swap3A_521, %swap3A_522] {strides = array<i32>} : memref<2x4x80x128xf32, #tpu.memory_space<vmem>>, vector<1x1x1x16xf32>,
      %swap3A_524 = vector.shape_cast %swap3A_523 : vector<1x1x1x16xf32> to vector<16xf32>
      %swap3A_525 = vector.shape_cast %add3A_516 : vector<16xf32> to vector<1x1x1x16xf32>
      tpu.vector_store %arg7[%swap3A_519, %swap3A_520, %swap3A_521, %swap3A_522], %swap3A_525 {strides = array<i32>} : memref<2x4x80x128xf32, #tpu.memory_space<vmem>>, vector<1x1x1x16xf32>,
      %add3A_526 = arith.addf %get3A_464, %get3A_29 : vector<16xf32>
      %swap3A_527 = arith.constant 0 : i32
      %swap3A_528 = arith.constant 0 : i32
      %swap3A_529 = arith.index_cast %swap3A_527 : i32 to index
      %swap3A_530 = arith.index_cast %swap3A_528 : i32 to index
      %swap3A_531 = arith.index_cast %scan3A_428 : i32 to index
      %swap3A_532 = arith.constant 80 : index
      %swap3A_533 = tpu.vector_load %arg7[%swap3A_529, %swap3A_530, %swap3A_531, %swap3A_532] {strides = array<i32>} : memref<2x4x80x128xf32, #tpu.memory_space<vmem>>, vector<1x1x1x16xf32>,
      %swap3A_534 = vector.shape_cast %swap3A_533 : vector<1x1x1x16xf32> to vector<16xf32>
      %swap3A_535 = vector.shape_cast %add3A_526 : vector<16xf32> to vector<1x1x1x16xf32>
      tpu.vector_store %arg7[%swap3A_529, %swap3A_530, %swap3A_531, %swap3A_532], %swap3A_535 {strides = array<i32>} : memref<2x4x80x128xf32, #tpu.memory_space<vmem>>, vector<1x1x1x16xf32>,
      %add3A_536 = arith.addf %get3A_470, %get3A_34 : vector<16xf32>
      %swap3A_537 = arith.constant 0 : i32
      %swap3A_538 = arith.constant 0 : i32
      %swap3A_539 = arith.index_cast %swap3A_537 : i32 to index
      %swap3A_540 = arith.index_cast %swap3A_538 : i32 to index
      %swap3A_541 = arith.index_cast %scan3A_428 : i32 to index
      %swap3A_542 = arith.constant 96 : index
      %swap3A_543 = tpu.vector_load %arg7[%swap3A_539, %swap3A_540, %swap3A_541, %swap3A_542] {strides = array<i32>} : memref<2x4x80x128xf32, #tpu.memory_space<vmem>>, vector<1x1x1x16xf32>,
      %swap3A_544 = vector.shape_cast %swap3A_543 : vector<1x1x1x16xf32> to vector<16xf32>
      %swap3A_545 = vector.shape_cast %add3A_536 : vector<16xf32> to vector<1x1x1x16xf32>
      tpu.vector_store %arg7[%swap3A_539, %swap3A_540, %swap3A_541, %swap3A_542], %swap3A_545 {strides = array<i32>} : memref<2x4x80x128xf32, #tpu.memory_space<vmem>>, vector<1x1x1x16xf32>,
      %add3A_546 = arith.addf %get3A_476, %get3A_39 : vector<16xf32>
      %swap3A_547 = arith.constant 0 : i32
      %swap3A_548 = arith.constant 0 : i32
      %swap3A_549 = arith.index_cast %swap3A_547 : i32 to index
      %swap3A_550 = arith.index_cast %swap3A_548 : i32 to index
      %swap3A_551 = arith.index_cast %scan3A_428 : i32 to index
      %swap3A_552 = arith.constant 112 : index
      %swap3A_553 = tpu.vector_load %arg7[%swap3A_549, %swap3A_550, %swap3A_551, %swap3A_552] {strides = array<i32>} : memref<2x4x80x128xf32, #tpu.memory_space<vmem>>, vector<1x1x1x16xf32>,
      %swap3A_554 = vector.shape_cast %swap3A_553 : vector<1x1x1x16xf32> to vector<16xf32>
      %swap3A_555 = vector.shape_cast %add3A_546 : vector<16xf32> to vector<1x1x1x16xf32>
      tpu.vector_store %arg7[%swap3A_549, %swap3A_550, %swap3A_551, %swap3A_552], %swap3A_555 {strides = array<i32>} : memref<2x4x80x128xf32, #tpu.memory_space<vmem>>, vector<1x1x1x16xf32>,
      %add3A_556 = arith.addf %get3A_434, %get3A_44 : vector<16xf32>
      %swap3A_557 = arith.constant 0 : i32
      %swap3A_558 = arith.constant 1 : i32
      %swap3A_559 = arith.index_cast %swap3A_557 : i32 to index
      %swap3A_560 = arith.index_cast %swap3A_558 : i32 to index
      %swap3A_561 = arith.index_cast %scan3A_428 : i32 to index
      %swap3A_562 = arith.constant 0 : index
      %swap3A_563 = tpu.vector_load %arg7[%swap3A_559, %swap3A_560, %swap3A_561, %swap3A_562] {strides = array<i32>} : memref<2x4x80x128xf32, #tpu.memory_space<vmem>>, vector<1x1x1x16xf32>,
      %swap3A_564 = vector.shape_cast %swap3A_563 : vector<1x1x1x16xf32> to vector<16xf32>
      %swap3A_565 = vector.shape_cast %add3A_556 : vector<16xf32> to vector<1x1x1x16xf32>
      tpu.vector_store %arg7[%swap3A_559, %swap3A_560, %swap3A_561, %swap3A_562], %swap3A_565 {strides = array<i32>} : memref<2x4x80x128xf32, #tpu.memory_space<vmem>>, vector<1x1x1x16xf32>,
      %add3A_566 = arith.addf %get3A_440, %get3A_49 : vector<16xf32>
      %swap3A_567 = arith.constant 0 : i32
      %swap3A_568 = arith.constant 1 : i32
      %swap3A_569 = arith.index_cast %swap3A_567 : i32 to index
      %swap3A_570 = arith.index_cast %swap3A_568 : i32 to index
      %swap3A_571 = arith.index_cast %scan3A_428 : i32 to index
      %swap3A_572 = arith.constant 16 : index
      %swap3A_573 = tpu.vector_load %arg7[%swap3A_569, %swap3A_570, %swap3A_571, %swap3A_572] {strides = array<i32>} : memref<2x4x80x128xf32, #tpu.memory_space<vmem>>, vector<1x1x1x16xf32>,
      %swap3A_574 = vector.shape_cast %swap3A_573 : vector<1x1x1x16xf32> to vector<16xf32>
      %swap3A_575 = vector.shape_cast %add3A_566 : vector<16xf32> to vector<1x1x1x16xf32>
      tpu.vector_store %arg7[%swap3A_569, %swap3A_570, %swap3A_571, %swap3A_572], %swap3A_575 {strides = array<i32>} : memref<2x4x80x128xf32, #tpu.memory_space<vmem>>, vector<1x1x1x16xf32>,
      %add3A_576 = arith.addf %get3A_446, %get3A_54 : vector<16xf32>
      %swap3A_577 = arith.constant 0 : i32
      %swap3A_578 = arith.constant 1 : i32
      %swap3A_579 = arith.index_cast %swap3A_577 : i32 to index
      %swap3A_580 = arith.index_cast %swap3A_578 : i32 to index
      %swap3A_581 = arith.index_cast %scan3A_428 : i32 to index
      %swap3A_582 = arith.constant 32 : index
      %swap3A_583 = tpu.vector_load %arg7[%swap3A_579, %swap3A_580, %swap3A_581, %swap3A_582] {strides = array<i32>} : memref<2x4x80x128xf32, #tpu.memory_space<vmem>>, vector<1x1x1x16xf32>,
      %swap3A_584 = vector.shape_cast %swap3A_583 : vector<1x1x1x16xf32> to vector<16xf32>
      %swap3A_585 = vector.shape_cast %add3A_576 : vector<16xf32> to vector<1x1x1x16xf32>
      tpu.vector_store %arg7[%swap3A_579, %swap3A_580, %swap3A_581, %swap3A_582], %swap3A_585 {strides = array<i32>} : memref<2x4x80x128xf32, #tpu.memory_space<vmem>>, vector<1x1x1x16xf32>,
      %add3A_586 = arith.addf %get3A_452, %get3A_59 : vector<16xf32>
      %swap3A_587 = arith.constant 0 : i32
      %swap3A_588 = arith.constant 1 : i32
      %swap3A_589 = arith.index_cast %swap3A_587 : i32 to index
      %swap3A_590 = arith.index_cast %swap3A_588 : i32 to index
      %swap3A_591 = arith.index_cast %scan3A_428 : i32 to index
      %swap3A_592 = arith.constant 48 : index
      %swap3A_593 = tpu.vector_load %arg7[%swap3A_589, %swap3A_590, %swap3A_591, %swap3A_592] {strides = array<i32>} : memref<2x4x80x128xf32, #tpu.memory_space<vmem>>, vector<1x1x1x16xf32>,
      %swap3A_594 = vector.shape_cast %swap3A_593 : vector<1x1x1x16xf32> to vector<16xf32>
      %swap3A_595 = vector.shape_cast %add3A_586 : vector<16xf32> to vector<1x1x1x16xf32>
      tpu.vector_store %arg7[%swap3A_589, %swap3A_590, %swap3A_591, %swap3A_592], %swap3A_595 {strides = array<i32>} : memref<2x4x80x128xf32, #tpu.memory_space<vmem>>, vector<1x1x1x16xf32>,
      %add3A_596 = arith.addf %get3A_458, %get3A_64 : vector<16xf32>
      %swap3A_597 = arith.constant 0 : i32
      %swap3A_598 = arith.constant 1 : i32
      %swap3A_599 = arith.index_cast %swap3A_597 : i32 to index
      %swap3A_600 = arith.index_cast %swap3A_598 : i32 to index
      %swap3A_601 = arith.index_cast %scan3A_428 : i32 to index
      %swap3A_602 = arith.constant 64 : index
      %swap3A_603 = tpu.vector_load %arg7[%swap3A_599, %swap3A_600, %swap3A_601, %swap3A_602] {strides = array<i32>} : memref<2x4x80x128xf32, #tpu.memory_space<vmem>>, vector<1x1x1x16xf32>,
      %swap3A_604 = vector.shape_cast %swap3A_603 : vector<1x1x1x16xf32> to vector<16xf32>
      %swap3A_605 = vector.shape_cast %add3A_596 : vector<16xf32> to vector<1x1x1x16xf32>
      tpu.vector_store %arg7[%swap3A_599, %swap3A_600, %swap3A_601, %swap3A_602], %swap3A_605 {strides = array<i32>} : memref<2x4x80x128xf32, #tpu.memory_space<vmem>>, vector<1x1x1x16xf32>,
      %add3A_606 = arith.addf %get3A_464, %get3A_69 : vector<16xf32>
      %swap3A_607 = arith.constant 0 : i32
      %swap3A_608 = arith.constant 1 : i32
      %swap3A_609 = arith.index_cast %swap3A_607 : i32 to index
      %swap3A_610 = arith.index_cast %swap3A_608 : i32 to index
      %swap3A_611 = arith.index_cast %scan3A_428 : i32 to index
      %swap3A_612 = arith.constant 80 : index
      %swap3A_613 = tpu.vector_load %arg7[%swap3A_609, %swap3A_610, %swap3A_611, %swap3A_612] {strides = array<i32>} : memref<2x4x80x128xf32, #tpu.memory_space<vmem>>, vector<1x1x1x16xf32>,
      %swap3A_614 = vector.shape_cast %swap3A_613 : vector<1x1x1x16xf32> to vector<16xf32>
      %swap3A_615 = vector.shape_cast %add3A_606 : vector<16xf32> to vector<1x1x1x16xf32>
      tpu.vector_store %arg7[%swap3A_609, %swap3A_610, %swap3A_611, %swap3A_612], %swap3A_615 {strides = array<i32>} : memref<2x4x80x128xf32, #tpu.memory_space<vmem>>, vector<1x1x1x16xf32>,
      %add3A_616 = arith.addf %get3A_470, %get3A_74 : vector<16xf32>
      %swap3A_617 = arith.constant 0 : i32
      %swap3A_618 = arith.constant 1 : i32
      %swap3A_619 = arith.index_cast %swap3A_617 : i32 to index
      %swap3A_620 = arith.index_cast %swap3A_618 : i32 to index
      %swap3A_621 = arith.index_cast %scan3A_428 : i32 to index
      %swap3A_622 = arith.constant 96 : index
      %swap3A_623 = tpu.vector_load %arg7[%swap3A_619, %swap3A_620, %swap3A_621, %swap3A_622] {strides = array<i32>} : memref<2x4x80x128xf32, #tpu.memory_space<vmem>>, vector<1x1x1x16xf32>,
      %swap3A_624 = vector.shape_cast %swap3A_623 : vector<1x1x1x16xf32> to vector<16xf32>
      %swap3A_625 = vector.shape_cast %add3A_616 : vector<16xf32> to vector<1x1x1x16xf32>
      tpu.vector_store %arg7[%swap3A_619, %swap3A_620, %swap3A_621, %swap3A_622], %swap3A_625 {strides = array<i32>} : memref<2x4x80x128xf32, #tpu.memory_space<vmem>>, vector<1x1x1x16xf32>,
      %add3A_626 = arith.addf %get3A_476, %get3A_79 : vector<16xf32>
      %swap3A_627 = arith.constant 0 : i32
      %swap3A_628 = arith.constant 1 : i32
      %swap3A_629 = arith.index_cast %swap3A_627 : i32 to index
      %swap3A_630 = arith.index_cast %swap3A_628 : i32 to index
      %swap3A_631 = arith.index_cast %scan3A_428 : i32 to index
      %swap3A_632 = arith.constant 112 : index
      %swap3A_633 = tpu.vector_load %arg7[%swap3A_629, %swap3A_630, %swap3A_631, %swap3A_632] {strides = array<i32>} : memref<2x4x80x128xf32, #tpu.memory_space<vmem>>, vector<1x1x1x16xf32>,
      %swap3A_634 = vector.shape_cast %swap3A_633 : vector<1x1x1x16xf32> to vector<16xf32>
      %swap3A_635 = vector.shape_cast %add3A_626 : vector<16xf32> to vector<1x1x1x16xf32>
      tpu.vector_store %arg7[%swap3A_629, %swap3A_630, %swap3A_631, %swap3A_632], %swap3A_635 {strides = array<i32>} : memref<2x4x80x128xf32, #tpu.memory_space<vmem>>, vector<1x1x1x16xf32>,
      %add3A_636 = arith.addf %get3A_434, %get3A_84 : vector<16xf32>
      %swap3A_637 = arith.constant 0 : i32
      %swap3A_638 = arith.constant 2 : i32
      %swap3A_639 = arith.index_cast %swap3A_637 : i32 to index
      %swap3A_640 = arith.index_cast %swap3A_638 : i32 to index
      %swap3A_641 = arith.index_cast %scan3A_428 : i32 to index
      %swap3A_642 = arith.constant 0 : index
      %swap3A_643 = tpu.vector_load %arg7[%swap3A_639, %swap3A_640, %swap3A_641, %swap3A_642] {strides = array<i32>} : memref<2x4x80x128xf32, #tpu.memory_space<vmem>>, vector<1x1x1x16xf32>,
      %swap3A_644 = vector.shape_cast %swap3A_643 : vector<1x1x1x16xf32> to vector<16xf32>
      %swap3A_645 = vector.shape_cast %add3A_636 : vector<16xf32> to vector<1x1x1x16xf32>
      tpu.vector_store %arg7[%swap3A_639, %swap3A_640, %swap3A_641, %swap3A_642], %swap3A_645 {strides = array<i32>} : memref<2x4x80x128xf32, #tpu.memory_space<vmem>>, vector<1x1x1x16xf32>,
      %add3A_646 = arith.addf %get3A_440, %get3A_89 : vector<16xf32>
      %swap3A_647 = arith.constant 0 : i32
      %swap3A_648 = arith.constant 2 : i32
      %swap3A_649 = arith.index_cast %swap3A_647 : i32 to index
      %swap3A_650 = arith.index_cast %swap3A_648 : i32 to index
      %swap3A_651 = arith.index_cast %scan3A_428 : i32 to index
      %swap3A_652 = arith.constant 16 : index
      %swap3A_653 = tpu.vector_load %arg7[%swap3A_649, %swap3A_650, %swap3A_651, %swap3A_652] {strides = array<i32>} : memref<2x4x80x128xf32, #tpu.memory_space<vmem>>, vector<1x1x1x16xf32>,
      %swap3A_654 = vector.shape_cast %swap3A_653 : vector<1x1x1x16xf32> to vector<16xf32>
      %swap3A_655 = vector.shape_cast %add3A_646 : vector<16xf32> to vector<1x1x1x16xf32>
      tpu.vector_store %arg7[%swap3A_649, %swap3A_650, %swap3A_651, %swap3A_652], %swap3A_655 {strides = array<i32>} : memref<2x4x80x128xf32, #tpu.memory_space<vmem>>, vector<1x1x1x16xf32>,
      %add3A_656 = arith.addf %get3A_446, %get3A_94 : vector<16xf32>
      %swap3A_657 = arith.constant 0 : i32
      %swap3A_658 = arith.constant 2 : i32
      %swap3A_659 = arith.index_cast %swap3A_657 : i32 to index
      %swap3A_660 = arith.index_cast %swap3A_658 : i32 to index
      %swap3A_661 = arith.index_cast %scan3A_428 : i32 to index
      %swap3A_662 = arith.constant 32 : index
      %swap3A_663 = tpu.vector_load %arg7[%swap3A_659, %swap3A_660, %swap3A_661, %swap3A_662] {strides = array<i32>} : memref<2x4x80x128xf32, #tpu.memory_space<vmem>>, vector<1x1x1x16xf32>,
      %swap3A_664 = vector.shape_cast %swap3A_663 : vector<1x1x1x16xf32> to vector<16xf32>
      %swap3A_665 = vector.shape_cast %add3A_656 : vector<16xf32> to vector<1x1x1x16xf32>
      tpu.vector_store %arg7[%swap3A_659, %swap3A_660, %swap3A_661, %swap3A_662], %swap3A_665 {strides = array<i32>} : memref<2x4x80x128xf32, #tpu.memory_space<vmem>>, vector<1x1x1x16xf32>,
      %add3A_666 = arith.addf %get3A_452, %get3A_99 : vector<16xf32>
      %swap3A_667 = arith.constant 0 : i32
      %swap3A_668 = arith.constant 2 : i32
      %swap3A_669 = arith.index_cast %swap3A_667 : i32 to index
      %swap3A_670 = arith.index_cast %swap3A_668 : i32 to index
      %swap3A_671 = arith.index_cast %scan3A_428 : i32 to index
      %swap3A_672 = arith.constant 48 : index
      %swap3A_673 = tpu.vector_load %arg7[%swap3A_669, %swap3A_670, %swap3A_671, %swap3A_672] {strides = array<i32>} : memref<2x4x80x128xf32, #tpu.memory_space<vmem>>, vector<1x1x1x16xf32>,
      %swap3A_674 = vector.shape_cast %swap3A_673 : vector<1x1x1x16xf32> to vector<16xf32>
      %swap3A_675 = vector.shape_cast %add3A_666 : vector<16xf32> to vector<1x1x1x16xf32>
      tpu.vector_store %arg7[%swap3A_669, %swap3A_670, %swap3A_671, %swap3A_672], %swap3A_675 {strides = array<i32>} : memref<2x4x80x128xf32, #tpu.memory_space<vmem>>, vector<1x1x1x16xf32>,
      %add3A_676 = arith.addf %get3A_458, %get3A_104 : vector<16xf32>
      %swap3A_677 = arith.constant 0 : i32
      %swap3A_678 = arith.constant 2 : i32
      %swap3A_679 = arith.index_cast %swap3A_677 : i32 to index
      %swap3A_680 = arith.index_cast %swap3A_678 : i32 to index
      %swap3A_681 = arith.index_cast %scan3A_428 : i32 to index
      %swap3A_682 = arith.constant 64 : index
      %swap3A_683 = tpu.vector_load %arg7[%swap3A_679, %swap3A_680, %swap3A_681, %swap3A_682] {strides = array<i32>} : memref<2x4x80x128xf32, #tpu.memory_space<vmem>>, vector<1x1x1x16xf32>,
      %swap3A_684 = vector.shape_cast %swap3A_683 : vector<1x1x1x16xf32> to vector<16xf32>
      %swap3A_685 = vector.shape_cast %add3A_676 : vector<16xf32> to vector<1x1x1x16xf32>
      tpu.vector_store %arg7[%swap3A_679, %swap3A_680, %swap3A_681, %swap3A_682], %swap3A_685 {strides = array<i32>} : memref<2x4x80x128xf32, #tpu.memory_space<vmem>>, vector<1x1x1x16xf32>,
      %add3A_686 = arith.addf %get3A_464, %get3A_109 : vector<16xf32>
      %swap3A_687 = arith.constant 0 : i32
      %swap3A_688 = arith.constant 2 : i32
      %swap3A_689 = arith.index_cast %swap3A_687 : i32 to index
      %swap3A_690 = arith.index_cast %swap3A_688 : i32 to index
      %swap3A_691 = arith.index_cast %scan3A_428 : i32 to index
      %swap3A_692 = arith.constant 80 : index
      %swap3A_693 = tpu.vector_load %arg7[%swap3A_689, %swap3A_690, %swap3A_691, %swap3A_692] {strides = array<i32>} : memref<2x4x80x128xf32, #tpu.memory_space<vmem>>, vector<1x1x1x16xf32>,
      %swap3A_694 = vector.shape_cast %swap3A_693 : vector<1x1x1x16xf32> to vector<16xf32>
      %swap3A_695 = vector.shape_cast %add3A_686 : vector<16xf32> to vector<1x1x1x16xf32>
      tpu.vector_store %arg7[%swap3A_689, %swap3A_690, %swap3A_691, %swap3A_692], %swap3A_695 {strides = array<i32>} : memref<2x4x80x128xf32, #tpu.memory_space<vmem>>, vector<1x1x1x16xf32>,
      %add3A_696 = arith.addf %get3A_470, %get3A_114 : vector<16xf32>
      %swap3A_697 = arith.constant 0 : i32
      %swap3A_698 = arith.constant 2 : i32
      %swap3A_699 = arith.index_cast %swap3A_697 : i32 to index
      %swap3A_700 = arith.index_cast %swap3A_698 : i32 to index
      %swap3A_701 = arith.index_cast %scan3A_428 : i32 to index
      %swap3A_702 = arith.constant 96 : index
      %swap3A_703 = tpu.vector_load %arg7[%swap3A_699, %swap3A_700, %swap3A_701, %swap3A_702] {strides = array<i32>} : memref<2x4x80x128xf32, #tpu.memory_space<vmem>>, vector<1x1x1x16xf32>,
      %swap3A_704 = vector.shape_cast %swap3A_703 : vector<1x1x1x16xf32> to vector<16xf32>
      %swap3A_705 = vector.shape_cast %add3A_696 : vector<16xf32> to vector<1x1x1x16xf32>
      tpu.vector_store %arg7[%swap3A_699, %swap3A_700, %swap3A_701, %swap3A_702], %swap3A_705 {strides = array<i32>} : memref<2x4x80x128xf32, #tpu.memory_space<vmem>>, vector<1x1x1x16xf32>,
      %add3A_706 = arith.addf %get3A_476, %get3A_119 : vector<16xf32>
      %swap3A_707 = arith.constant 0 : i32
      %swap3A_708 = arith.constant 2 : i32
      %swap3A_709 = arith.index_cast %swap3A_707 : i32 to index
      %swap3A_710 = arith.index_cast %swap3A_708 : i32 to index
      %swap3A_711 = arith.index_cast %scan3A_428 : i32 to index
      %swap3A_712 = arith.constant 112 : index
      %swap3A_713 = tpu.vector_load %arg7[%swap3A_709, %swap3A_710, %swap3A_711, %swap3A_712] {strides = array<i32>} : memref<2x4x80x128xf32, #tpu.memory_space<vmem>>, vector<1x1x1x16xf32>,
      %swap3A_714 = vector.shape_cast %swap3A_713 : vector<1x1x1x16xf32> to vector<16xf32>
      %swap3A_715 = vector.shape_cast %add3A_706 : vector<16xf32> to vector<1x1x1x16xf32>
      tpu.vector_store %arg7[%swap3A_709, %swap3A_710, %swap3A_711, %swap3A_712], %swap3A_715 {strides = array<i32>} : memref<2x4x80x128xf32, #tpu.memory_space<vmem>>, vector<1x1x1x16xf32>,
      %add3A_716 = arith.addf %get3A_434, %get3A_124 : vector<16xf32>
      %swap3A_717 = arith.constant 0 : i32
      %swap3A_718 = arith.constant 3 : i32
      %swap3A_719 = arith.index_cast %swap3A_717 : i32 to index
      %swap3A_720 = arith.index_cast %swap3A_718 : i32 to index
      %swap3A_721 = arith.index_cast %scan3A_428 : i32 to index
      %swap3A_722 = arith.constant 0 : index
      %swap3A_723 = tpu.vector_load %arg7[%swap3A_719, %swap3A_720, %swap3A_721, %swap3A_722] {strides = array<i32>} : memref<2x4x80x128xf32, #tpu.memory_space<vmem>>, vector<1x1x1x16xf32>,
      %swap3A_724 = vector.shape_cast %swap3A_723 : vector<1x1x1x16xf32> to vector<16xf32>
      %swap3A_725 = vector.shape_cast %add3A_716 : vector<16xf32> to vector<1x1x1x16xf32>
      tpu.vector_store %arg7[%swap3A_719, %swap3A_720, %swap3A_721, %swap3A_722], %swap3A_725 {strides = array<i32>} : memref<2x4x80x128xf32, #tpu.memory_space<vmem>>, vector<1x1x1x16xf32>,
      %add3A_726 = arith.addf %get3A_440, %get3A_129 : vector<16xf32>
      %swap3A_727 = arith.constant 0 : i32
      %swap3A_728 = arith.constant 3 : i32
      %swap3A_729 = arith.index_cast %swap3A_727 : i32 to index
      %swap3A_730 = arith.index_cast %swap3A_728 : i32 to index
      %swap3A_731 = arith.index_cast %scan3A_428 : i32 to index
      %swap3A_732 = arith.constant 16 : index
      %swap3A_733 = tpu.vector_load %arg7[%swap3A_729, %swap3A_730, %swap3A_731, %swap3A_732] {strides = array<i32>} : memref<2x4x80x128xf32, #tpu.memory_space<vmem>>, vector<1x1x1x16xf32>,
      %swap3A_734 = vector.shape_cast %swap3A_733 : vector<1x1x1x16xf32> to vector<16xf32>
      %swap3A_735 = vector.shape_cast %add3A_726 : vector<16xf32> to vector<1x1x1x16xf32>
      tpu.vector_store %arg7[%swap3A_729, %swap3A_730, %swap3A_731, %swap3A_732], %swap3A_735 {strides = array<i32>} : memref<2x4x80x128xf32, #tpu.memory_space<vmem>>, vector<1x1x1x16xf32>,
      %add3A_736 = arith.addf %get3A_446, %get3A_134 : vector<16xf32>
      %swap3A_737 = arith.constant 0 : i32
      %swap3A_738 = arith.constant 3 : i32
      %swap3A_739 = arith.index_cast %swap3A_737 : i32 to index
      %swap3A_740 = arith.index_cast %swap3A_738 : i32 to index
      %swap3A_741 = arith.index_cast %scan3A_428 : i32 to index
      %swap3A_742 = arith.constant 32 : index
      %swap3A_743 = tpu.vector_load %arg7[%swap3A_739, %swap3A_740, %swap3A_741, %swap3A_742] {strides = array<i32>} : memref<2x4x80x128xf32, #tpu.memory_space<vmem>>, vector<1x1x1x16xf32>,
      %swap3A_744 = vector.shape_cast %swap3A_743 : vector<1x1x1x16xf32> to vector<16xf32>
      %swap3A_745 = vector.shape_cast %add3A_736 : vector<16xf32> to vector<1x1x1x16xf32>
      tpu.vector_store %arg7[%swap3A_739, %swap3A_740, %swap3A_741, %swap3A_742], %swap3A_745 {strides = array<i32>} : memref<2x4x80x128xf32, #tpu.memory_space<vmem>>, vector<1x1x1x16xf32>,
      %add3A_746 = arith.addf %get3A_452, %get3A_139 : vector<16xf32>
      %swap3A_747 = arith.constant 0 : i32
      %swap3A_748 = arith.constant 3 : i32
      %swap3A_749 = arith.index_cast %swap3A_747 : i32 to index
      %swap3A_750 = arith.index_cast %swap3A_748 : i32 to index
      %swap3A_751 = arith.index_cast %scan3A_428 : i32 to index
      %swap3A_752 = arith.constant 48 : index
      %swap3A_753 = tpu.vector_load %arg7[%swap3A_749, %swap3A_750, %swap3A_751, %swap3A_752] {strides = array<i32>} : memref<2x4x80x128xf32, #tpu.memory_space<vmem>>, vector<1x1x1x16xf32>,
      %swap3A_754 = vector.shape_cast %swap3A_753 : vector<1x1x1x16xf32> to vector<16xf32>
      %swap3A_755 = vector.shape_cast %add3A_746 : vector<16xf32> to vector<1x1x1x16xf32>
      tpu.vector_store %arg7[%swap3A_749, %swap3A_750, %swap3A_751, %swap3A_752], %swap3A_755 {strides = array<i32>} : memref<2x4x80x128xf32, #tpu.memory_space<vmem>>, vector<1x1x1x16xf32>,
      %add3A_756 = arith.addf %get3A_458, %get3A_144 : vector<16xf32>
      %swap3A_757 = arith.constant 0 : i32
      %swap3A_758 = arith.constant 3 : i32
      %swap3A_759 = arith.index_cast %swap3A_757 : i32 to index
      %swap3A_760 = arith.index_cast %swap3A_758 : i32 to index
      %swap3A_761 = arith.index_cast %scan3A_428 : i32 to index
      %swap3A_762 = arith.constant 64 : index
      %swap3A_763 = tpu.vector_load %arg7[%swap3A_759, %swap3A_760, %swap3A_761, %swap3A_762] {strides = array<i32>} : memref<2x4x80x128xf32, #tpu.memory_space<vmem>>, vector<1x1x1x16xf32>,
      %swap3A_764 = vector.shape_cast %swap3A_763 : vector<1x1x1x16xf32> to vector<16xf32>
      %swap3A_765 = vector.shape_cast %add3A_756 : vector<16xf32> to vector<1x1x1x16xf32>
      tpu.vector_store %arg7[%swap3A_759, %swap3A_760, %swap3A_761, %swap3A_762], %swap3A_765 {strides = array<i32>} : memref<2x4x80x128xf32, #tpu.memory_space<vmem>>, vector<1x1x1x16xf32>,
      %add3A_766 = arith.addf %get3A_464, %get3A_149 : vector<16xf32>
      %swap3A_767 = arith.constant 0 : i32
      %swap3A_768 = arith.constant 3 : i32
      %swap3A_769 = arith.index_cast %swap3A_767 : i32 to index
      %swap3A_770 = arith.index_cast %swap3A_768 : i32 to index
      %swap3A_771 = arith.index_cast %scan3A_428 : i32 to index
      %swap3A_772 = arith.constant 80 : index
      %swap3A_773 = tpu.vector_load %arg7[%swap3A_769, %swap3A_770, %swap3A_771, %swap3A_772] {strides = array<i32>} : memref<2x4x80x128xf32, #tpu.memory_space<vmem>>, vector<1x1x1x16xf32>,
      %swap3A_774 = vector.shape_cast %swap3A_773 : vector<1x1x1x16xf32> to vector<16xf32>
      %swap3A_775 = vector.shape_cast %add3A_766 : vector<16xf32> to vector<1x1x1x16xf32>
      tpu.vector_store %arg7[%swap3A_769, %swap3A_770, %swap3A_771, %swap3A_772], %swap3A_775 {strides = array<i32>} : memref<2x4x80x128xf32, #tpu.memory_space<vmem>>, vector<1x1x1x16xf32>,
      %add3A_776 = arith.addf %get3A_470, %get3A_154 : vector<16xf32>
      %swap3A_777 = arith.constant 0 : i32
      %swap3A_778 = arith.constant 3 : i32
      %swap3A_779 = arith.index_cast %swap3A_777 : i32 to index
      %swap3A_780 = arith.index_cast %swap3A_778 : i32 to index
      %swap3A_781 = arith.index_cast %scan3A_428 : i32 to index
      %swap3A_782 = arith.constant 96 : index
      %swap3A_783 = tpu.vector_load %arg7[%swap3A_779, %swap3A_780, %swap3A_781, %swap3A_782] {strides = array<i32>} : memref<2x4x80x128xf32, #tpu.memory_space<vmem>>, vector<1x1x1x16xf32>,
      %swap3A_784 = vector.shape_cast %swap3A_783 : vector<1x1x1x16xf32> to vector<16xf32>
      %swap3A_785 = vector.shape_cast %add3A_776 : vector<16xf32> to vector<1x1x1x16xf32>
      tpu.vector_store %arg7[%swap3A_779, %swap3A_780, %swap3A_781, %swap3A_782], %swap3A_785 {strides = array<i32>} : memref<2x4x80x128xf32, #tpu.memory_space<vmem>>, vector<1x1x1x16xf32>,
      %add3A_786 = arith.addf %get3A_476, %get3A_159 : vector<16xf32>
      %swap3A_787 = arith.constant 0 : i32
      %swap3A_788 = arith.constant 3 : i32
      %swap3A_789 = arith.index_cast %swap3A_787 : i32 to index
      %swap3A_790 = arith.index_cast %swap3A_788 : i32 to index
      %swap3A_791 = arith.index_cast %scan3A_428 : i32 to index
      %swap3A_792 = arith.constant 112 : index
      %swap3A_793 = tpu.vector_load %arg7[%swap3A_789, %swap3A_790, %swap3A_791, %swap3A_792] {strides = array<i32>} : memref<2x4x80x128xf32, #tpu.memory_space<vmem>>, vector<1x1x1x16xf32>,
      %swap3A_794 = vector.shape_cast %swap3A_793 : vector<1x1x1x16xf32> to vector<16xf32>
      %swap3A_795 = vector.shape_cast %add3A_786 : vector<16xf32> to vector<1x1x1x16xf32>
      tpu.vector_store %arg7[%swap3A_789, %swap3A_790, %swap3A_791, %swap3A_792], %swap3A_795 {strides = array<i32>} : memref<2x4x80x128xf32, #tpu.memory_space<vmem>>, vector<1x1x1x16xf32>,
    }
    %scan3A_362 = arith.constant 80 : i32
    %add3A_363 = arith.constant 1216 : i32
    %add3A_364 = arith.addi %add3A, %add3A_363 : i32
    %mul3A_365 = arith.constant 80 : i32
    %mul3A_366 = arith.muli %add3A_364, %mul3A_365 : i32
    %dma_start3A_367 = arith.constant 0 : i32
    %dma_start3A_368 = arith.constant 0 : i32
    %dma_start3A_369 = arith.constant 0 : i32
    %dma_start3A_370 = arith.constant 0 : i32
    %dma_start3A_371 = tpu.memref_slice %arg7[%dma_start3A_367, %dma_start3A_368, %dma_start3A_369, %dma_start3A_370] : memref<2x4x80x128xf32, #tpu.memory_space<vmem>> -> memref<1x4x80x128xf32, #tpu.memory_space<vmem>>
    %dma_start3A_372 = tpu.memref_squeeze %dma_start3A_371 : memref<1x4x80x128xf32, #tpu.memory_space<vmem>> -> memref<4x80x128xf32, #tpu.memory_space<vmem>>
    %dma_start3A_373 = arith.constant 0 : i32
    %dma_start3A_374 = arith.constant 0 : i32
    %dma_start3A_375 = tpu.memref_slice %arg4[%dma_start3A_373, %mul3A_366, %dma_start3A_374] : memref<4x100000x128xf32, #tpu.memory_space<hbm>> -> memref<4x80x128xf32, #tpu.memory_space<hbm>>
    %dma_start3A_376 = arith.constant 0 : i32
    %dma_start3A_377 = arith.constant 0 : i32
    %dma_start3A_378 = tpu.memref_slice %arg4[%dma_start3A_376, %mul3A_366, %dma_start3A_377] : memref<4x100000x128xf32, #tpu.memory_space<hbm>> -> memref<4x80x128xf32, #tpu.memory_space<hbm>>
    %dma_start3A_379 = arith.constant 0 : i32
    %dma_start3A_380 = arith.constant 0 : i32
    %dma_start3A_381 = arith.constant 0 : i32
    %dma_start3A_382 = tpu.memref_slice %arg7[%dma_start3A_367, %dma_start3A_379, %dma_start3A_380, %dma_start3A_381] : memref<2x4x80x128xf32, #tpu.memory_space<vmem>> -> memref<1x4x80x128xf32, #tpu.memory_space<vmem>>
    %dma_start3A_383 = tpu.memref_squeeze %dma_start3A_382 : memref<1x4x80x128xf32, #tpu.memory_space<vmem>> -> memref<4x80x128xf32, #tpu.memory_space<vmem>>
    tpu.enqueue_dma source(%dma_start3A_383 : memref<4x80x128xf32, #tpu.memory_space<vmem>>) target(%dma_start3A_378 : memref<4x80x128xf32, #tpu.memory_space<hbm>>) target_semaphore(%arg10 : memref<!tpu.dma_semaphore, #tpu.memory_space<semaphore_mem>>)
    %add3A_384 = arith.constant 0 : i32
    %add3A_385 = arith.addi %add3A, %add3A_384 : i32
    %mul3A_386 = arith.constant 80 : i32
    %mul3A_387 = arith.muli %add3A_385, %mul3A_386 : i32
    %dma_wait3A_388 = arith.constant 0 : i32
    %dma_wait3A_389 = arith.constant 0 : i32
    %dma_wait3A_390 = arith.constant 0 : i32
    %dma_wait3A_391 = arith.constant 0 : i32
    %dma_wait3A_392 = tpu.memref_slice %arg7[%dma_wait3A_388, %dma_wait3A_389, %dma_wait3A_390, %dma_wait3A_391] : memref<2x4x80x128xf32, #tpu.memory_space<vmem>> -> memref<1x4x80x128xf32, #tpu.memory_space<vmem>>
    %dma_wait3A_393 = tpu.memref_squeeze %dma_wait3A_392 : memref<1x4x80x128xf32, #tpu.memory_space<vmem>> -> memref<4x80x128xf32, #tpu.memory_space<vmem>>
    %dma_wait3A_394 = arith.constant 0 : i32
    %dma_wait3A_395 = arith.constant 0 : i32
    %dma_wait3A_396 = tpu.memref_slice %arg4[%dma_wait3A_394, %mul3A_387, %dma_wait3A_395] : memref<4x100000x128xf32, #tpu.memory_space<hbm>> -> memref<4x80x128xf32, #tpu.memory_space<hbm>>
    %dma_wait3A_397 = arith.constant 0 : i32
    %dma_wait3A_398 = arith.constant 0 : i32
    %dma_wait3A_399 = tpu.memref_slice %arg4[%dma_wait3A_397, %mul3A_387, %dma_wait3A_398] : memref<4x100000x128xf32, #tpu.memory_space<hbm>> -> memref<4x80x128xf32, #tpu.memory_space<hbm>>
    %dma_wait3A_400 = arith.constant 0 : i32
    %dma_wait3A_401 = arith.constant 0 : i32
    %dma_wait3A_402 = arith.constant 0 : i32
    %dma_wait3A_403 = tpu.memref_slice %arg7[%dma_wait3A_388, %dma_wait3A_400, %dma_wait3A_401, %dma_wait3A_402] : memref<2x4x80x128xf32, #tpu.memory_space<vmem>> -> memref<1x4x80x128xf32, #tpu.memory_space<vmem>>
    %dma_wait3A_404 = tpu.memref_squeeze %dma_wait3A_403 : memref<1x4x80x128xf32, #tpu.memory_space<vmem>> -> memref<4x80x128xf32, #tpu.memory_space<vmem>>
    tpu.wait_dma2 semaphore(%arg10 : memref<!tpu.dma_semaphore, #tpu.memory_space<semaphore_mem>>) src(%dma_wait3A_404 : memref<4x80x128xf32, #tpu.memory_space<vmem>>) dst(%dma_wait3A_399 : memref<4x80x128xf32, #tpu.memory_space<hbm>>)
    %add3A_405 = arith.constant 0 : i32
    %add3A_406 = arith.addi %add3A, %add3A_405 : i32
    %mul3A_407 = arith.constant 80 : i32
    %mul3A_408 = arith.muli %add3A_406, %mul3A_407 : i32
    %dma_wait3A_409 = arith.constant 1 : i32
    %dma_wait3A_410 = arith.constant 0 : i32
    %dma_wait3A_411 = arith.constant 0 : i32
    %dma_wait3A_412 = arith.constant 0 : i32
    %dma_wait3A_413 = tpu.memref_slice %arg7[%dma_wait3A_409, %dma_wait3A_410, %dma_wait3A_411, %dma_wait3A_412] : memref<2x4x80x128xf32, #tpu.memory_space<vmem>> -> memref<1x4x80x128xf32, #tpu.memory_space<vmem>>
    %dma_wait3A_414 = tpu.memref_squeeze %dma_wait3A_413 : memref<1x4x80x128xf32, #tpu.memory_space<vmem>> -> memref<4x80x128xf32, #tpu.memory_space<vmem>>
    %dma_wait3A_415 = arith.constant 0 : i32
    %dma_wait3A_416 = arith.constant 0 : i32
    %dma_wait3A_417 = tpu.memref_slice %arg4[%dma_wait3A_415, %mul3A_408, %dma_wait3A_416] : memref<4x100000x128xf32, #tpu.memory_space<hbm>> -> memref<4x80x128xf32, #tpu.memory_space<hbm>>
    %dma_wait3A_418 = arith.constant 0 : i32
    %dma_wait3A_419 = arith.constant 0 : i32
    %dma_wait3A_420 = tpu.memref_slice %arg4[%dma_wait3A_418, %mul3A_408, %dma_wait3A_419] : memref<4x100000x128xf32, #tpu.memory_space<hbm>> -> memref<4x80x128xf32, #tpu.memory_space<hbm>>
    %dma_wait3A_421 = arith.constant 0 : i32
    %dma_wait3A_422 = arith.constant 0 : i32
    %dma_wait3A_423 = arith.constant 0 : i32
    %dma_wait3A_424 = tpu.memref_slice %arg7[%dma_wait3A_409, %dma_wait3A_421, %dma_wait3A_422, %dma_wait3A_423] : memref<2x4x80x128xf32, #tpu.memory_space<vmem>> -> memref<1x4x80x128xf32, #tpu.memory_space<vmem>>
    %dma_wait3A_425 = tpu.memref_squeeze %dma_wait3A_424 : memref<1x4x80x128xf32, #tpu.memory_space<vmem>> -> memref<4x80x128xf32, #tpu.memory_space<vmem>>
    tpu.wait_dma2 semaphore(%arg11 : memref<!tpu.dma_semaphore, #tpu.memory_space<semaphore_mem>>) src(%dma_wait3A_425 : memref<4x80x128xf32, #tpu.memory_space<vmem>>) dst(%dma_wait3A_420 : memref<4x80x128xf32, #tpu.memory_space<hbm>>)
    %lt3A = arith.constant 20 : i32
    %lt3A_426 = arith.cmpi slt, %add3A, %lt3A : i32
    %convert_element_type3A = arith.extui %lt3A_426 : i1 to i32
    %cond3A = arith.constant 0 : i32
    %cond3A_427 = arith.cmpi ne, %convert_element_type3A, %cond3A : i32
    scf.if %cond3A_427 {
      %mul3A_428 = arith.constant 8 : i32
      %mul3A_429 = arith.muli %add3A, %mul3A_428 : i32
      %add3A_430 = arith.constant 99840 : i32
      %add3A_431 = arith.addi %add3A_430, %mul3A_429 : i32
      %run_scoped3A = arith.constant 0 : i32
      "tpu.region"() ({
        %run_scoped3A_450 = tpu.sem_alloc : memref<!tpu.dma_semaphore, #tpu.memory_space<semaphore_mem>>
        %dma_start3A_451 = arith.constant 0 : i32
        %dma_start3A_452 = arith.constant 0 : i32
        %dma_start3A_453 = tpu.memref_slice %arg6[%run_scoped3A, %dma_start3A_451, %dma_start3A_452] : memref<2x80x128xf32, #tpu.memory_space<vmem>> -> memref<1x8x128xf32, #tpu.memory_space<vmem>>
        %dma_start3A_454 = tpu.memref_squeeze %dma_start3A_453 : memref<1x8x128xf32, #tpu.memory_space<vmem>> -> memref<8x128xf32, #tpu.memory_space<vmem>>
        %dma_start3A_455 = arith.constant 0 : i32
        %dma_start3A_456 = tpu.memref_slice %arg2[%add3A_431, %dma_start3A_455] : memref<100000x128xf32, #tpu.memory_space<hbm>> -> memref<8x128xf32, #tpu.memory_space<hbm>>
        %dma_start3A_457 = arith.constant 0 : i32
        %dma_start3A_458 = arith.constant 0 : i32
        %dma_start3A_459 = tpu.memref_slice %arg6[%run_scoped3A, %dma_start3A_457, %dma_start3A_458] : memref<2x80x128xf32, #tpu.memory_space<vmem>> -> memref<1x8x128xf32, #tpu.memory_space<vmem>>
        %dma_start3A_460 = tpu.memref_squeeze %dma_start3A_459 : memref<1x8x128xf32, #tpu.memory_space<vmem>> -> memref<8x128xf32, #tpu.memory_space<vmem>>
        %dma_start3A_461 = arith.constant 0 : i32
        %dma_start3A_462 = tpu.memref_slice %arg2[%add3A_431, %dma_start3A_461] : memref<100000x128xf32, #tpu.memory_space<hbm>> -> memref<8x128xf32, #tpu.memory_space<hbm>>
        tpu.enqueue_dma source(%dma_start3A_462 : memref<8x128xf32, #tpu.memory_space<hbm>>) target(%dma_start3A_460 : memref<8x128xf32, #tpu.memory_space<vmem>>) target_semaphore(%run_scoped3A_450 : memref<!tpu.dma_semaphore, #tpu.memory_space<semaphore_mem>>)
        %dma_wait3A_463 = arith.constant 0 : i32
        %dma_wait3A_464 = arith.constant 0 : i32
        %dma_wait3A_465 = tpu.memref_slice %arg6[%run_scoped3A, %dma_wait3A_463, %dma_wait3A_464] : memref<2x80x128xf32, #tpu.memory_space<vmem>> -> memref<1x8x128xf32, #tpu.memory_space<vmem>>
        %dma_wait3A_466 = tpu.memref_squeeze %dma_wait3A_465 : memref<1x8x128xf32, #tpu.memory_space<vmem>> -> memref<8x128xf32, #tpu.memory_space<vmem>>
        %dma_wait3A_467 = arith.constant 0 : i32
        %dma_wait3A_468 = tpu.memref_slice %arg2[%add3A_431, %dma_wait3A_467] : memref<100000x128xf32, #tpu.memory_space<hbm>> -> memref<8x128xf32, #tpu.memory_space<hbm>>
        %dma_wait3A_469 = arith.constant 0 : i32
        %dma_wait3A_470 = arith.constant 0 : i32
        %dma_wait3A_471 = tpu.memref_slice %arg6[%run_scoped3A, %dma_wait3A_469, %dma_wait3A_470] : memref<2x80x128xf32, #tpu.memory_space<vmem>> -> memref<1x8x128xf32, #tpu.memory_space<vmem>>
        %dma_wait3A_472 = tpu.memref_squeeze %dma_wait3A_471 : memref<1x8x128xf32, #tpu.memory_space<vmem>> -> memref<8x128xf32, #tpu.memory_space<vmem>>
        %dma_wait3A_473 = arith.constant 0 : i32
        %dma_wait3A_474 = tpu.memref_slice %arg2[%add3A_431, %dma_wait3A_473] : memref<100000x128xf32, #tpu.memory_space<hbm>> -> memref<8x128xf32, #tpu.memory_space<hbm>>
        tpu.wait_dma2 semaphore(%run_scoped3A_450 : memref<!tpu.dma_semaphore, #tpu.memory_space<semaphore_mem>>) src(%dma_wait3A_474 : memref<8x128xf32, #tpu.memory_space<hbm>>) dst(%dma_wait3A_472 : memref<8x128xf32, #tpu.memory_space<vmem>>)
        tpu.yield
      }) : () -> ()
      %scan3A_432 = arith.constant 0 : i32
      %scan3A_433 = arith.constant 0 : i32
      %scan3A_434 = arith.constant 8 : i32
      %scan3A_435 = arith.addi %scan3A_433, %scan3A_434 : i32
      %scan3A_436 = arith.constant 1 : i32
      scf.for %scan3A_450 = %scan3A_433 to %scan3A_435 step %scan3A_436  : i32 {
        %get3A_451 = arith.constant 0 : i32
        %get3A_452 = arith.index_cast %get3A_451 : i32 to index
        %get3A_453 = arith.index_cast %scan3A_450 : i32 to index
        %get3A_454 = arith.constant 0 : index
        %get3A_455 = tpu.vector_load %arg6[%get3A_452, %get3A_453, %get3A_454] {strides = array<i32>} : memref<2x80x128xf32, #tpu.memory_space<vmem>>, vector<1x1x16xf32>,
        %get3A_456 = vector.shape_cast %get3A_455 : vector<1x1x16xf32> to vector<16xf32>
        %get3A_457 = arith.constant 0 : i32
        %get3A_458 = arith.index_cast %get3A_457 : i32 to index
        %get3A_459 = arith.index_cast %scan3A_450 : i32 to index
        %get3A_460 = arith.constant 16 : index
        %get3A_461 = tpu.vector_load %arg6[%get3A_458, %get3A_459, %get3A_460] {strides = array<i32>} : memref<2x80x128xf32, #tpu.memory_space<vmem>>, vector<1x1x16xf32>,
        %get3A_462 = vector.shape_cast %get3A_461 : vector<1x1x16xf32> to vector<16xf32>
        %get3A_463 = arith.constant 0 : i32
        %get3A_464 = arith.index_cast %get3A_463 : i32 to index
        %get3A_465 = arith.index_cast %scan3A_450 : i32 to index
        %get3A_466 = arith.constant 32 : index
        %get3A_467 = tpu.vector_load %arg6[%get3A_464, %get3A_465, %get3A_466] {strides = array<i32>} : memref<2x80x128xf32, #tpu.memory_space<vmem>>, vector<1x1x16xf32>,
        %get3A_468 = vector.shape_cast %get3A_467 : vector<1x1x16xf32> to vector<16xf32>
        %get3A_469 = arith.constant 0 : i32
        %get3A_470 = arith.index_cast %get3A_469 : i32 to index
        %get3A_471 = arith.index_cast %scan3A_450 : i32 to index
        %get3A_472 = arith.constant 48 : index
        %get3A_473 = tpu.vector_load %arg6[%get3A_470, %get3A_471, %get3A_472] {strides = array<i32>} : memref<2x80x128xf32, #tpu.memory_space<vmem>>, vector<1x1x16xf32>,
        %get3A_474 = vector.shape_cast %get3A_473 : vector<1x1x16xf32> to vector<16xf32>
        %get3A_475 = arith.constant 0 : i32
        %get3A_476 = arith.index_cast %get3A_475 : i32 to index
        %get3A_477 = arith.index_cast %scan3A_450 : i32 to index
        %get3A_478 = arith.constant 64 : index
        %get3A_479 = tpu.vector_load %arg6[%get3A_476, %get3A_477, %get3A_478] {strides = array<i32>} : memref<2x80x128xf32, #tpu.memory_space<vmem>>, vector<1x1x16xf32>,
        %get3A_480 = vector.shape_cast %get3A_479 : vector<1x1x16xf32> to vector<16xf32>
        %get3A_481 = arith.constant 0 : i32
        %get3A_482 = arith.index_cast %get3A_481 : i32 to index
        %get3A_483 = arith.index_cast %scan3A_450 : i32 to index
        %get3A_484 = arith.constant 80 : index
        %get3A_485 = tpu.vector_load %arg6[%get3A_482, %get3A_483, %get3A_484] {strides = array<i32>} : memref<2x80x128xf32, #tpu.memory_space<vmem>>, vector<1x1x16xf32>,
        %get3A_486 = vector.shape_cast %get3A_485 : vector<1x1x16xf32> to vector<16xf32>
        %get3A_487 = arith.constant 0 : i32
        %get3A_488 = arith.index_cast %get3A_487 : i32 to index
        %get3A_489 = arith.index_cast %scan3A_450 : i32 to index
        %get3A_490 = arith.constant 96 : index
        %get3A_491 = tpu.vector_load %arg6[%get3A_488, %get3A_489, %get3A_490] {strides = array<i32>} : memref<2x80x128xf32, #tpu.memory_space<vmem>>, vector<1x1x16xf32>,
        %get3A_492 = vector.shape_cast %get3A_491 : vector<1x1x16xf32> to vector<16xf32>
        %get3A_493 = arith.constant 0 : i32
        %get3A_494 = arith.index_cast %get3A_493 : i32 to index
        %get3A_495 = arith.index_cast %scan3A_450 : i32 to index
        %get3A_496 = arith.constant 112 : index
        %get3A_497 = tpu.vector_load %arg6[%get3A_494, %get3A_495, %get3A_496] {strides = array<i32>} : memref<2x80x128xf32, #tpu.memory_space<vmem>>, vector<1x1x16xf32>,
        %get3A_498 = vector.shape_cast %get3A_497 : vector<1x1x16xf32> to vector<16xf32>
        %add3A_499 = arith.addf %get3A_456, %get3A_4 : vector<16xf32>
        %swap3A = arith.constant 0 : i32
        %swap3A_500 = arith.constant 0 : i32
        %swap3A_501 = arith.index_cast %swap3A : i32 to index
        %swap3A_502 = arith.index_cast %swap3A_500 : i32 to index
        %swap3A_503 = arith.index_cast %scan3A_450 : i32 to index
        %swap3A_504 = arith.constant 0 : index
        %swap3A_505 = tpu.vector_load %arg7[%swap3A_501, %swap3A_502, %swap3A_503, %swap3A_504] {strides = array<i32>} : memref<2x4x80x128xf32, #tpu.memory_space<vmem>>, vector<1x1x1x16xf32>,
        %swap3A_506 = vector.shape_cast %swap3A_505 : vector<1x1x1x16xf32> to vector<16xf32>
        %swap3A_507 = vector.shape_cast %add3A_499 : vector<16xf32> to vector<1x1x1x16xf32>
        tpu.vector_store %arg7[%swap3A_501, %swap3A_502, %swap3A_503, %swap3A_504], %swap3A_507 {strides = array<i32>} : memref<2x4x80x128xf32, #tpu.memory_space<vmem>>, vector<1x1x1x16xf32>,
        %add3A_508 = arith.addf %get3A_462, %get3A_9 : vector<16xf32>
        %swap3A_509 = arith.constant 0 : i32
        %swap3A_510 = arith.constant 0 : i32
        %swap3A_511 = arith.index_cast %swap3A_509 : i32 to index
        %swap3A_512 = arith.index_cast %swap3A_510 : i32 to index
        %swap3A_513 = arith.index_cast %scan3A_450 : i32 to index
        %swap3A_514 = arith.constant 16 : index
        %swap3A_515 = tpu.vector_load %arg7[%swap3A_511, %swap3A_512, %swap3A_513, %swap3A_514] {strides = array<i32>} : memref<2x4x80x128xf32, #tpu.memory_space<vmem>>, vector<1x1x1x16xf32>,
        %swap3A_516 = vector.shape_cast %swap3A_515 : vector<1x1x1x16xf32> to vector<16xf32>
        %swap3A_517 = vector.shape_cast %add3A_508 : vector<16xf32> to vector<1x1x1x16xf32>
        tpu.vector_store %arg7[%swap3A_511, %swap3A_512, %swap3A_513, %swap3A_514], %swap3A_517 {strides = array<i32>} : memref<2x4x80x128xf32, #tpu.memory_space<vmem>>, vector<1x1x1x16xf32>,
        %add3A_518 = arith.addf %get3A_468, %get3A_14 : vector<16xf32>
        %swap3A_519 = arith.constant 0 : i32
        %swap3A_520 = arith.constant 0 : i32
        %swap3A_521 = arith.index_cast %swap3A_519 : i32 to index
        %swap3A_522 = arith.index_cast %swap3A_520 : i32 to index
        %swap3A_523 = arith.index_cast %scan3A_450 : i32 to index
        %swap3A_524 = arith.constant 32 : index
        %swap3A_525 = tpu.vector_load %arg7[%swap3A_521, %swap3A_522, %swap3A_523, %swap3A_524] {strides = array<i32>} : memref<2x4x80x128xf32, #tpu.memory_space<vmem>>, vector<1x1x1x16xf32>,
        %swap3A_526 = vector.shape_cast %swap3A_525 : vector<1x1x1x16xf32> to vector<16xf32>
        %swap3A_527 = vector.shape_cast %add3A_518 : vector<16xf32> to vector<1x1x1x16xf32>
        tpu.vector_store %arg7[%swap3A_521, %swap3A_522, %swap3A_523, %swap3A_524], %swap3A_527 {strides = array<i32>} : memref<2x4x80x128xf32, #tpu.memory_space<vmem>>, vector<1x1x1x16xf32>,
        %add3A_528 = arith.addf %get3A_474, %get3A_19 : vector<16xf32>
        %swap3A_529 = arith.constant 0 : i32
        %swap3A_530 = arith.constant 0 : i32
        %swap3A_531 = arith.index_cast %swap3A_529 : i32 to index
        %swap3A_532 = arith.index_cast %swap3A_530 : i32 to index
        %swap3A_533 = arith.index_cast %scan3A_450 : i32 to index
        %swap3A_534 = arith.constant 48 : index
        %swap3A_535 = tpu.vector_load %arg7[%swap3A_531, %swap3A_532, %swap3A_533, %swap3A_534] {strides = array<i32>} : memref<2x4x80x128xf32, #tpu.memory_space<vmem>>, vector<1x1x1x16xf32>,
        %swap3A_536 = vector.shape_cast %swap3A_535 : vector<1x1x1x16xf32> to vector<16xf32>
        %swap3A_537 = vector.shape_cast %add3A_528 : vector<16xf32> to vector<1x1x1x16xf32>
        tpu.vector_store %arg7[%swap3A_531, %swap3A_532, %swap3A_533, %swap3A_534], %swap3A_537 {strides = array<i32>} : memref<2x4x80x128xf32, #tpu.memory_space<vmem>>, vector<1x1x1x16xf32>,
        %add3A_538 = arith.addf %get3A_480, %get3A_24 : vector<16xf32>
        %swap3A_539 = arith.constant 0 : i32
        %swap3A_540 = arith.constant 0 : i32
        %swap3A_541 = arith.index_cast %swap3A_539 : i32 to index
        %swap3A_542 = arith.index_cast %swap3A_540 : i32 to index
        %swap3A_543 = arith.index_cast %scan3A_450 : i32 to index
        %swap3A_544 = arith.constant 64 : index
        %swap3A_545 = tpu.vector_load %arg7[%swap3A_541, %swap3A_542, %swap3A_543, %swap3A_544] {strides = array<i32>} : memref<2x4x80x128xf32, #tpu.memory_space<vmem>>, vector<1x1x1x16xf32>,
        %swap3A_546 = vector.shape_cast %swap3A_545 : vector<1x1x1x16xf32> to vector<16xf32>
        %swap3A_547 = vector.shape_cast %add3A_538 : vector<16xf32> to vector<1x1x1x16xf32>
        tpu.vector_store %arg7[%swap3A_541, %swap3A_542, %swap3A_543, %swap3A_544], %swap3A_547 {strides = array<i32>} : memref<2x4x80x128xf32, #tpu.memory_space<vmem>>, vector<1x1x1x16xf32>,
        %add3A_548 = arith.addf %get3A_486, %get3A_29 : vector<16xf32>
        %swap3A_549 = arith.constant 0 : i32
        %swap3A_550 = arith.constant 0 : i32
        %swap3A_551 = arith.index_cast %swap3A_549 : i32 to index
        %swap3A_552 = arith.index_cast %swap3A_550 : i32 to index
        %swap3A_553 = arith.index_cast %scan3A_450 : i32 to index
        %swap3A_554 = arith.constant 80 : index
        %swap3A_555 = tpu.vector_load %arg7[%swap3A_551, %swap3A_552, %swap3A_553, %swap3A_554] {strides = array<i32>} : memref<2x4x80x128xf32, #tpu.memory_space<vmem>>, vector<1x1x1x16xf32>,
        %swap3A_556 = vector.shape_cast %swap3A_555 : vector<1x1x1x16xf32> to vector<16xf32>
        %swap3A_557 = vector.shape_cast %add3A_548 : vector<16xf32> to vector<1x1x1x16xf32>
        tpu.vector_store %arg7[%swap3A_551, %swap3A_552, %swap3A_553, %swap3A_554], %swap3A_557 {strides = array<i32>} : memref<2x4x80x128xf32, #tpu.memory_space<vmem>>, vector<1x1x1x16xf32>,
        %add3A_558 = arith.addf %get3A_492, %get3A_34 : vector<16xf32>
        %swap3A_559 = arith.constant 0 : i32
        %swap3A_560 = arith.constant 0 : i32
        %swap3A_561 = arith.index_cast %swap3A_559 : i32 to index
        %swap3A_562 = arith.index_cast %swap3A_560 : i32 to index
        %swap3A_563 = arith.index_cast %scan3A_450 : i32 to index
        %swap3A_564 = arith.constant 96 : index
        %swap3A_565 = tpu.vector_load %arg7[%swap3A_561, %swap3A_562, %swap3A_563, %swap3A_564] {strides = array<i32>} : memref<2x4x80x128xf32, #tpu.memory_space<vmem>>, vector<1x1x1x16xf32>,
        %swap3A_566 = vector.shape_cast %swap3A_565 : vector<1x1x1x16xf32> to vector<16xf32>
        %swap3A_567 = vector.shape_cast %add3A_558 : vector<16xf32> to vector<1x1x1x16xf32>
        tpu.vector_store %arg7[%swap3A_561, %swap3A_562, %swap3A_563, %swap3A_564], %swap3A_567 {strides = array<i32>} : memref<2x4x80x128xf32, #tpu.memory_space<vmem>>, vector<1x1x1x16xf32>,
        %add3A_568 = arith.addf %get3A_498, %get3A_39 : vector<16xf32>
        %swap3A_569 = arith.constant 0 : i32
        %swap3A_570 = arith.constant 0 : i32
        %swap3A_571 = arith.index_cast %swap3A_569 : i32 to index
        %swap3A_572 = arith.index_cast %swap3A_570 : i32 to index
        %swap3A_573 = arith.index_cast %scan3A_450 : i32 to index
        %swap3A_574 = arith.constant 112 : index
        %swap3A_575 = tpu.vector_load %arg7[%swap3A_571, %swap3A_572, %swap3A_573, %swap3A_574] {strides = array<i32>} : memref<2x4x80x128xf32, #tpu.memory_space<vmem>>, vector<1x1x1x16xf32>,
        %swap3A_576 = vector.shape_cast %swap3A_575 : vector<1x1x1x16xf32> to vector<16xf32>
        %swap3A_577 = vector.shape_cast %add3A_568 : vector<16xf32> to vector<1x1x1x16xf32>
        tpu.vector_store %arg7[%swap3A_571, %swap3A_572, %swap3A_573, %swap3A_574], %swap3A_577 {strides = array<i32>} : memref<2x4x80x128xf32, #tpu.memory_space<vmem>>, vector<1x1x1x16xf32>,
        %add3A_578 = arith.addf %get3A_456, %get3A_44 : vector<16xf32>
        %swap3A_579 = arith.constant 0 : i32
        %swap3A_580 = arith.constant 1 : i32
        %swap3A_581 = arith.index_cast %swap3A_579 : i32 to index
        %swap3A_582 = arith.index_cast %swap3A_580 : i32 to index
        %swap3A_583 = arith.index_cast %scan3A_450 : i32 to index
        %swap3A_584 = arith.constant 0 : index
        %swap3A_585 = tpu.vector_load %arg7[%swap3A_581, %swap3A_582, %swap3A_583, %swap3A_584] {strides = array<i32>} : memref<2x4x80x128xf32, #tpu.memory_space<vmem>>, vector<1x1x1x16xf32>,
        %swap3A_586 = vector.shape_cast %swap3A_585 : vector<1x1x1x16xf32> to vector<16xf32>
        %swap3A_587 = vector.shape_cast %add3A_578 : vector<16xf32> to vector<1x1x1x16xf32>
        tpu.vector_store %arg7[%swap3A_581, %swap3A_582, %swap3A_583, %swap3A_584], %swap3A_587 {strides = array<i32>} : memref<2x4x80x128xf32, #tpu.memory_space<vmem>>, vector<1x1x1x16xf32>,
        %add3A_588 = arith.addf %get3A_462, %get3A_49 : vector<16xf32>
        %swap3A_589 = arith.constant 0 : i32
        %swap3A_590 = arith.constant 1 : i32
        %swap3A_591 = arith.index_cast %swap3A_589 : i32 to index
        %swap3A_592 = arith.index_cast %swap3A_590 : i32 to index
        %swap3A_593 = arith.index_cast %scan3A_450 : i32 to index
        %swap3A_594 = arith.constant 16 : index
        %swap3A_595 = tpu.vector_load %arg7[%swap3A_591, %swap3A_592, %swap3A_593, %swap3A_594] {strides = array<i32>} : memref<2x4x80x128xf32, #tpu.memory_space<vmem>>, vector<1x1x1x16xf32>,
        %swap3A_596 = vector.shape_cast %swap3A_595 : vector<1x1x1x16xf32> to vector<16xf32>
        %swap3A_597 = vector.shape_cast %add3A_588 : vector<16xf32> to vector<1x1x1x16xf32>
        tpu.vector_store %arg7[%swap3A_591, %swap3A_592, %swap3A_593, %swap3A_594], %swap3A_597 {strides = array<i32>} : memref<2x4x80x128xf32, #tpu.memory_space<vmem>>, vector<1x1x1x16xf32>,
        %add3A_598 = arith.addf %get3A_468, %get3A_54 : vector<16xf32>
        %swap3A_599 = arith.constant 0 : i32
        %swap3A_600 = arith.constant 1 : i32
        %swap3A_601 = arith.index_cast %swap3A_599 : i32 to index
        %swap3A_602 = arith.index_cast %swap3A_600 : i32 to index
        %swap3A_603 = arith.index_cast %scan3A_450 : i32 to index
        %swap3A_604 = arith.constant 32 : index
        %swap3A_605 = tpu.vector_load %arg7[%swap3A_601, %swap3A_602, %swap3A_603, %swap3A_604] {strides = array<i32>} : memref<2x4x80x128xf32, #tpu.memory_space<vmem>>, vector<1x1x1x16xf32>,
        %swap3A_606 = vector.shape_cast %swap3A_605 : vector<1x1x1x16xf32> to vector<16xf32>
        %swap3A_607 = vector.shape_cast %add3A_598 : vector<16xf32> to vector<1x1x1x16xf32>
        tpu.vector_store %arg7[%swap3A_601, %swap3A_602, %swap3A_603, %swap3A_604], %swap3A_607 {strides = array<i32>} : memref<2x4x80x128xf32, #tpu.memory_space<vmem>>, vector<1x1x1x16xf32>,
        %add3A_608 = arith.addf %get3A_474, %get3A_59 : vector<16xf32>
        %swap3A_609 = arith.constant 0 : i32
        %swap3A_610 = arith.constant 1 : i32
        %swap3A_611 = arith.index_cast %swap3A_609 : i32 to index
        %swap3A_612 = arith.index_cast %swap3A_610 : i32 to index
        %swap3A_613 = arith.index_cast %scan3A_450 : i32 to index
        %swap3A_614 = arith.constant 48 : index
        %swap3A_615 = tpu.vector_load %arg7[%swap3A_611, %swap3A_612, %swap3A_613, %swap3A_614] {strides = array<i32>} : memref<2x4x80x128xf32, #tpu.memory_space<vmem>>, vector<1x1x1x16xf32>,
        %swap3A_616 = vector.shape_cast %swap3A_615 : vector<1x1x1x16xf32> to vector<16xf32>
        %swap3A_617 = vector.shape_cast %add3A_608 : vector<16xf32> to vector<1x1x1x16xf32>
        tpu.vector_store %arg7[%swap3A_611, %swap3A_612, %swap3A_613, %swap3A_614], %swap3A_617 {strides = array<i32>} : memref<2x4x80x128xf32, #tpu.memory_space<vmem>>, vector<1x1x1x16xf32>,
        %add3A_618 = arith.addf %get3A_480, %get3A_64 : vector<16xf32>
        %swap3A_619 = arith.constant 0 : i32
        %swap3A_620 = arith.constant 1 : i32
        %swap3A_621 = arith.index_cast %swap3A_619 : i32 to index
        %swap3A_622 = arith.index_cast %swap3A_620 : i32 to index
        %swap3A_623 = arith.index_cast %scan3A_450 : i32 to index
        %swap3A_624 = arith.constant 64 : index
        %swap3A_625 = tpu.vector_load %arg7[%swap3A_621, %swap3A_622, %swap3A_623, %swap3A_624] {strides = array<i32>} : memref<2x4x80x128xf32, #tpu.memory_space<vmem>>, vector<1x1x1x16xf32>,
        %swap3A_626 = vector.shape_cast %swap3A_625 : vector<1x1x1x16xf32> to vector<16xf32>
        %swap3A_627 = vector.shape_cast %add3A_618 : vector<16xf32> to vector<1x1x1x16xf32>
        tpu.vector_store %arg7[%swap3A_621, %swap3A_622, %swap3A_623, %swap3A_624], %swap3A_627 {strides = array<i32>} : memref<2x4x80x128xf32, #tpu.memory_space<vmem>>, vector<1x1x1x16xf32>,
        %add3A_628 = arith.addf %get3A_486, %get3A_69 : vector<16xf32>
        %swap3A_629 = arith.constant 0 : i32
        %swap3A_630 = arith.constant 1 : i32
        %swap3A_631 = arith.index_cast %swap3A_629 : i32 to index
        %swap3A_632 = arith.index_cast %swap3A_630 : i32 to index
        %swap3A_633 = arith.index_cast %scan3A_450 : i32 to index
        %swap3A_634 = arith.constant 80 : index
        %swap3A_635 = tpu.vector_load %arg7[%swap3A_631, %swap3A_632, %swap3A_633, %swap3A_634] {strides = array<i32>} : memref<2x4x80x128xf32, #tpu.memory_space<vmem>>, vector<1x1x1x16xf32>,
        %swap3A_636 = vector.shape_cast %swap3A_635 : vector<1x1x1x16xf32> to vector<16xf32>
        %swap3A_637 = vector.shape_cast %add3A_628 : vector<16xf32> to vector<1x1x1x16xf32>
        tpu.vector_store %arg7[%swap3A_631, %swap3A_632, %swap3A_633, %swap3A_634], %swap3A_637 {strides = array<i32>} : memref<2x4x80x128xf32, #tpu.memory_space<vmem>>, vector<1x1x1x16xf32>,
        %add3A_638 = arith.addf %get3A_492, %get3A_74 : vector<16xf32>
        %swap3A_639 = arith.constant 0 : i32
        %swap3A_640 = arith.constant 1 : i32
        %swap3A_641 = arith.index_cast %swap3A_639 : i32 to index
        %swap3A_642 = arith.index_cast %swap3A_640 : i32 to index
        %swap3A_643 = arith.index_cast %scan3A_450 : i32 to index
        %swap3A_644 = arith.constant 96 : index
        %swap3A_645 = tpu.vector_load %arg7[%swap3A_641, %swap3A_642, %swap3A_643, %swap3A_644] {strides = array<i32>} : memref<2x4x80x128xf32, #tpu.memory_space<vmem>>, vector<1x1x1x16xf32>,
        %swap3A_646 = vector.shape_cast %swap3A_645 : vector<1x1x1x16xf32> to vector<16xf32>
        %swap3A_647 = vector.shape_cast %add3A_638 : vector<16xf32> to vector<1x1x1x16xf32>
        tpu.vector_store %arg7[%swap3A_641, %swap3A_642, %swap3A_643, %swap3A_644], %swap3A_647 {strides = array<i32>} : memref<2x4x80x128xf32, #tpu.memory_space<vmem>>, vector<1x1x1x16xf32>,
        %add3A_648 = arith.addf %get3A_498, %get3A_79 : vector<16xf32>
        %swap3A_649 = arith.constant 0 : i32
        %swap3A_650 = arith.constant 1 : i32
        %swap3A_651 = arith.index_cast %swap3A_649 : i32 to index
        %swap3A_652 = arith.index_cast %swap3A_650 : i32 to index
        %swap3A_653 = arith.index_cast %scan3A_450 : i32 to index
        %swap3A_654 = arith.constant 112 : index
        %swap3A_655 = tpu.vector_load %arg7[%swap3A_651, %swap3A_652, %swap3A_653, %swap3A_654] {strides = array<i32>} : memref<2x4x80x128xf32, #tpu.memory_space<vmem>>, vector<1x1x1x16xf32>,
        %swap3A_656 = vector.shape_cast %swap3A_655 : vector<1x1x1x16xf32> to vector<16xf32>
        %swap3A_657 = vector.shape_cast %add3A_648 : vector<16xf32> to vector<1x1x1x16xf32>
        tpu.vector_store %arg7[%swap3A_651, %swap3A_652, %swap3A_653, %swap3A_654], %swap3A_657 {strides = array<i32>} : memref<2x4x80x128xf32, #tpu.memory_space<vmem>>, vector<1x1x1x16xf32>,
        %add3A_658 = arith.addf %get3A_456, %get3A_84 : vector<16xf32>
        %swap3A_659 = arith.constant 0 : i32
        %swap3A_660 = arith.constant 2 : i32
        %swap3A_661 = arith.index_cast %swap3A_659 : i32 to index
        %swap3A_662 = arith.index_cast %swap3A_660 : i32 to index
        %swap3A_663 = arith.index_cast %scan3A_450 : i32 to index
        %swap3A_664 = arith.constant 0 : index
        %swap3A_665 = tpu.vector_load %arg7[%swap3A_661, %swap3A_662, %swap3A_663, %swap3A_664] {strides = array<i32>} : memref<2x4x80x128xf32, #tpu.memory_space<vmem>>, vector<1x1x1x16xf32>,
        %swap3A_666 = vector.shape_cast %swap3A_665 : vector<1x1x1x16xf32> to vector<16xf32>
        %swap3A_667 = vector.shape_cast %add3A_658 : vector<16xf32> to vector<1x1x1x16xf32>
        tpu.vector_store %arg7[%swap3A_661, %swap3A_662, %swap3A_663, %swap3A_664], %swap3A_667 {strides = array<i32>} : memref<2x4x80x128xf32, #tpu.memory_space<vmem>>, vector<1x1x1x16xf32>,
        %add3A_668 = arith.addf %get3A_462, %get3A_89 : vector<16xf32>
        %swap3A_669 = arith.constant 0 : i32
        %swap3A_670 = arith.constant 2 : i32
        %swap3A_671 = arith.index_cast %swap3A_669 : i32 to index
        %swap3A_672 = arith.index_cast %swap3A_670 : i32 to index
        %swap3A_673 = arith.index_cast %scan3A_450 : i32 to index
        %swap3A_674 = arith.constant 16 : index
        %swap3A_675 = tpu.vector_load %arg7[%swap3A_671, %swap3A_672, %swap3A_673, %swap3A_674] {strides = array<i32>} : memref<2x4x80x128xf32, #tpu.memory_space<vmem>>, vector<1x1x1x16xf32>,
        %swap3A_676 = vector.shape_cast %swap3A_675 : vector<1x1x1x16xf32> to vector<16xf32>
        %swap3A_677 = vector.shape_cast %add3A_668 : vector<16xf32> to vector<1x1x1x16xf32>
        tpu.vector_store %arg7[%swap3A_671, %swap3A_672, %swap3A_673, %swap3A_674], %swap3A_677 {strides = array<i32>} : memref<2x4x80x128xf32, #tpu.memory_space<vmem>>, vector<1x1x1x16xf32>,
        %add3A_678 = arith.addf %get3A_468, %get3A_94 : vector<16xf32>
        %swap3A_679 = arith.constant 0 : i32
        %swap3A_680 = arith.constant 2 : i32
        %swap3A_681 = arith.index_cast %swap3A_679 : i32 to index
        %swap3A_682 = arith.index_cast %swap3A_680 : i32 to index
        %swap3A_683 = arith.index_cast %scan3A_450 : i32 to index
        %swap3A_684 = arith.constant 32 : index
        %swap3A_685 = tpu.vector_load %arg7[%swap3A_681, %swap3A_682, %swap3A_683, %swap3A_684] {strides = array<i32>} : memref<2x4x80x128xf32, #tpu.memory_space<vmem>>, vector<1x1x1x16xf32>,
        %swap3A_686 = vector.shape_cast %swap3A_685 : vector<1x1x1x16xf32> to vector<16xf32>
        %swap3A_687 = vector.shape_cast %add3A_678 : vector<16xf32> to vector<1x1x1x16xf32>
        tpu.vector_store %arg7[%swap3A_681, %swap3A_682, %swap3A_683, %swap3A_684], %swap3A_687 {strides = array<i32>} : memref<2x4x80x128xf32, #tpu.memory_space<vmem>>, vector<1x1x1x16xf32>,
        %add3A_688 = arith.addf %get3A_474, %get3A_99 : vector<16xf32>
        %swap3A_689 = arith.constant 0 : i32
        %swap3A_690 = arith.constant 2 : i32
        %swap3A_691 = arith.index_cast %swap3A_689 : i32 to index
        %swap3A_692 = arith.index_cast %swap3A_690 : i32 to index
        %swap3A_693 = arith.index_cast %scan3A_450 : i32 to index
        %swap3A_694 = arith.constant 48 : index
        %swap3A_695 = tpu.vector_load %arg7[%swap3A_691, %swap3A_692, %swap3A_693, %swap3A_694] {strides = array<i32>} : memref<2x4x80x128xf32, #tpu.memory_space<vmem>>, vector<1x1x1x16xf32>,
        %swap3A_696 = vector.shape_cast %swap3A_695 : vector<1x1x1x16xf32> to vector<16xf32>
        %swap3A_697 = vector.shape_cast %add3A_688 : vector<16xf32> to vector<1x1x1x16xf32>
        tpu.vector_store %arg7[%swap3A_691, %swap3A_692, %swap3A_693, %swap3A_694], %swap3A_697 {strides = array<i32>} : memref<2x4x80x128xf32, #tpu.memory_space<vmem>>, vector<1x1x1x16xf32>,
        %add3A_698 = arith.addf %get3A_480, %get3A_104 : vector<16xf32>
        %swap3A_699 = arith.constant 0 : i32
        %swap3A_700 = arith.constant 2 : i32
        %swap3A_701 = arith.index_cast %swap3A_699 : i32 to index
        %swap3A_702 = arith.index_cast %swap3A_700 : i32 to index
        %swap3A_703 = arith.index_cast %scan3A_450 : i32 to index
        %swap3A_704 = arith.constant 64 : index
        %swap3A_705 = tpu.vector_load %arg7[%swap3A_701, %swap3A_702, %swap3A_703, %swap3A_704] {strides = array<i32>} : memref<2x4x80x128xf32, #tpu.memory_space<vmem>>, vector<1x1x1x16xf32>,
        %swap3A_706 = vector.shape_cast %swap3A_705 : vector<1x1x1x16xf32> to vector<16xf32>
        %swap3A_707 = vector.shape_cast %add3A_698 : vector<16xf32> to vector<1x1x1x16xf32>
        tpu.vector_store %arg7[%swap3A_701, %swap3A_702, %swap3A_703, %swap3A_704], %swap3A_707 {strides = array<i32>} : memref<2x4x80x128xf32, #tpu.memory_space<vmem>>, vector<1x1x1x16xf32>,
        %add3A_708 = arith.addf %get3A_486, %get3A_109 : vector<16xf32>
        %swap3A_709 = arith.constant 0 : i32
        %swap3A_710 = arith.constant 2 : i32
        %swap3A_711 = arith.index_cast %swap3A_709 : i32 to index
        %swap3A_712 = arith.index_cast %swap3A_710 : i32 to index
        %swap3A_713 = arith.index_cast %scan3A_450 : i32 to index
        %swap3A_714 = arith.constant 80 : index
        %swap3A_715 = tpu.vector_load %arg7[%swap3A_711, %swap3A_712, %swap3A_713, %swap3A_714] {strides = array<i32>} : memref<2x4x80x128xf32, #tpu.memory_space<vmem>>, vector<1x1x1x16xf32>,
        %swap3A_716 = vector.shape_cast %swap3A_715 : vector<1x1x1x16xf32> to vector<16xf32>
        %swap3A_717 = vector.shape_cast %add3A_708 : vector<16xf32> to vector<1x1x1x16xf32>
        tpu.vector_store %arg7[%swap3A_711, %swap3A_712, %swap3A_713, %swap3A_714], %swap3A_717 {strides = array<i32>} : memref<2x4x80x128xf32, #tpu.memory_space<vmem>>, vector<1x1x1x16xf32>,
        %add3A_718 = arith.addf %get3A_492, %get3A_114 : vector<16xf32>
        %swap3A_719 = arith.constant 0 : i32
        %swap3A_720 = arith.constant 2 : i32
        %swap3A_721 = arith.index_cast %swap3A_719 : i32 to index
        %swap3A_722 = arith.index_cast %swap3A_720 : i32 to index
        %swap3A_723 = arith.index_cast %scan3A_450 : i32 to index
        %swap3A_724 = arith.constant 96 : index
        %swap3A_725 = tpu.vector_load %arg7[%swap3A_721, %swap3A_722, %swap3A_723, %swap3A_724] {strides = array<i32>} : memref<2x4x80x128xf32, #tpu.memory_space<vmem>>, vector<1x1x1x16xf32>,
        %swap3A_726 = vector.shape_cast %swap3A_725 : vector<1x1x1x16xf32> to vector<16xf32>
        %swap3A_727 = vector.shape_cast %add3A_718 : vector<16xf32> to vector<1x1x1x16xf32>
        tpu.vector_store %arg7[%swap3A_721, %swap3A_722, %swap3A_723, %swap3A_724], %swap3A_727 {strides = array<i32>} : memref<2x4x80x128xf32, #tpu.memory_space<vmem>>, vector<1x1x1x16xf32>,
        %add3A_728 = arith.addf %get3A_498, %get3A_119 : vector<16xf32>
        %swap3A_729 = arith.constant 0 : i32
        %swap3A_730 = arith.constant 2 : i32
        %swap3A_731 = arith.index_cast %swap3A_729 : i32 to index
        %swap3A_732 = arith.index_cast %swap3A_730 : i32 to index
        %swap3A_733 = arith.index_cast %scan3A_450 : i32 to index
        %swap3A_734 = arith.constant 112 : index
        %swap3A_735 = tpu.vector_load %arg7[%swap3A_731, %swap3A_732, %swap3A_733, %swap3A_734] {strides = array<i32>} : memref<2x4x80x128xf32, #tpu.memory_space<vmem>>, vector<1x1x1x16xf32>,
        %swap3A_736 = vector.shape_cast %swap3A_735 : vector<1x1x1x16xf32> to vector<16xf32>
        %swap3A_737 = vector.shape_cast %add3A_728 : vector<16xf32> to vector<1x1x1x16xf32>
        tpu.vector_store %arg7[%swap3A_731, %swap3A_732, %swap3A_733, %swap3A_734], %swap3A_737 {strides = array<i32>} : memref<2x4x80x128xf32, #tpu.memory_space<vmem>>, vector<1x1x1x16xf32>,
        %add3A_738 = arith.addf %get3A_456, %get3A_124 : vector<16xf32>
        %swap3A_739 = arith.constant 0 : i32
        %swap3A_740 = arith.constant 3 : i32
        %swap3A_741 = arith.index_cast %swap3A_739 : i32 to index
        %swap3A_742 = arith.index_cast %swap3A_740 : i32 to index
        %swap3A_743 = arith.index_cast %scan3A_450 : i32 to index
        %swap3A_744 = arith.constant 0 : index
        %swap3A_745 = tpu.vector_load %arg7[%swap3A_741, %swap3A_742, %swap3A_743, %swap3A_744] {strides = array<i32>} : memref<2x4x80x128xf32, #tpu.memory_space<vmem>>, vector<1x1x1x16xf32>,
        %swap3A_746 = vector.shape_cast %swap3A_745 : vector<1x1x1x16xf32> to vector<16xf32>
        %swap3A_747 = vector.shape_cast %add3A_738 : vector<16xf32> to vector<1x1x1x16xf32>
        tpu.vector_store %arg7[%swap3A_741, %swap3A_742, %swap3A_743, %swap3A_744], %swap3A_747 {strides = array<i32>} : memref<2x4x80x128xf32, #tpu.memory_space<vmem>>, vector<1x1x1x16xf32>,
        %add3A_748 = arith.addf %get3A_462, %get3A_129 : vector<16xf32>
        %swap3A_749 = arith.constant 0 : i32
        %swap3A_750 = arith.constant 3 : i32
        %swap3A_751 = arith.index_cast %swap3A_749 : i32 to index
        %swap3A_752 = arith.index_cast %swap3A_750 : i32 to index
        %swap3A_753 = arith.index_cast %scan3A_450 : i32 to index
        %swap3A_754 = arith.constant 16 : index
        %swap3A_755 = tpu.vector_load %arg7[%swap3A_751, %swap3A_752, %swap3A_753, %swap3A_754] {strides = array<i32>} : memref<2x4x80x128xf32, #tpu.memory_space<vmem>>, vector<1x1x1x16xf32>,
        %swap3A_756 = vector.shape_cast %swap3A_755 : vector<1x1x1x16xf32> to vector<16xf32>
        %swap3A_757 = vector.shape_cast %add3A_748 : vector<16xf32> to vector<1x1x1x16xf32>
        tpu.vector_store %arg7[%swap3A_751, %swap3A_752, %swap3A_753, %swap3A_754], %swap3A_757 {strides = array<i32>} : memref<2x4x80x128xf32, #tpu.memory_space<vmem>>, vector<1x1x1x16xf32>,
        %add3A_758 = arith.addf %get3A_468, %get3A_134 : vector<16xf32>
        %swap3A_759 = arith.constant 0 : i32
        %swap3A_760 = arith.constant 3 : i32
        %swap3A_761 = arith.index_cast %swap3A_759 : i32 to index
        %swap3A_762 = arith.index_cast %swap3A_760 : i32 to index
        %swap3A_763 = arith.index_cast %scan3A_450 : i32 to index
        %swap3A_764 = arith.constant 32 : index
        %swap3A_765 = tpu.vector_load %arg7[%swap3A_761, %swap3A_762, %swap3A_763, %swap3A_764] {strides = array<i32>} : memref<2x4x80x128xf32, #tpu.memory_space<vmem>>, vector<1x1x1x16xf32>,
        %swap3A_766 = vector.shape_cast %swap3A_765 : vector<1x1x1x16xf32> to vector<16xf32>
        %swap3A_767 = vector.shape_cast %add3A_758 : vector<16xf32> to vector<1x1x1x16xf32>
        tpu.vector_store %arg7[%swap3A_761, %swap3A_762, %swap3A_763, %swap3A_764], %swap3A_767 {strides = array<i32>} : memref<2x4x80x128xf32, #tpu.memory_space<vmem>>, vector<1x1x1x16xf32>,
        %add3A_768 = arith.addf %get3A_474, %get3A_139 : vector<16xf32>
        %swap3A_769 = arith.constant 0 : i32
        %swap3A_770 = arith.constant 3 : i32
        %swap3A_771 = arith.index_cast %swap3A_769 : i32 to index
        %swap3A_772 = arith.index_cast %swap3A_770 : i32 to index
        %swap3A_773 = arith.index_cast %scan3A_450 : i32 to index
        %swap3A_774 = arith.constant 48 : index
        %swap3A_775 = tpu.vector_load %arg7[%swap3A_771, %swap3A_772, %swap3A_773, %swap3A_774] {strides = array<i32>} : memref<2x4x80x128xf32, #tpu.memory_space<vmem>>, vector<1x1x1x16xf32>,
        %swap3A_776 = vector.shape_cast %swap3A_775 : vector<1x1x1x16xf32> to vector<16xf32>
        %swap3A_777 = vector.shape_cast %add3A_768 : vector<16xf32> to vector<1x1x1x16xf32>
        tpu.vector_store %arg7[%swap3A_771, %swap3A_772, %swap3A_773, %swap3A_774], %swap3A_777 {strides = array<i32>} : memref<2x4x80x128xf32, #tpu.memory_space<vmem>>, vector<1x1x1x16xf32>,
        %add3A_778 = arith.addf %get3A_480, %get3A_144 : vector<16xf32>
        %swap3A_779 = arith.constant 0 : i32
        %swap3A_780 = arith.constant 3 : i32
        %swap3A_781 = arith.index_cast %swap3A_779 : i32 to index
        %swap3A_782 = arith.index_cast %swap3A_780 : i32 to index
        %swap3A_783 = arith.index_cast %scan3A_450 : i32 to index
        %swap3A_784 = arith.constant 64 : index
        %swap3A_785 = tpu.vector_load %arg7[%swap3A_781, %swap3A_782, %swap3A_783, %swap3A_784] {strides = array<i32>} : memref<2x4x80x128xf32, #tpu.memory_space<vmem>>, vector<1x1x1x16xf32>,
        %swap3A_786 = vector.shape_cast %swap3A_785 : vector<1x1x1x16xf32> to vector<16xf32>
        %swap3A_787 = vector.shape_cast %add3A_778 : vector<16xf32> to vector<1x1x1x16xf32>
        tpu.vector_store %arg7[%swap3A_781, %swap3A_782, %swap3A_783, %swap3A_784], %swap3A_787 {strides = array<i32>} : memref<2x4x80x128xf32, #tpu.memory_space<vmem>>, vector<1x1x1x16xf32>,
        %add3A_788 = arith.addf %get3A_486, %get3A_149 : vector<16xf32>
        %swap3A_789 = arith.constant 0 : i32
        %swap3A_790 = arith.constant 3 : i32
        %swap3A_791 = arith.index_cast %swap3A_789 : i32 to index
        %swap3A_792 = arith.index_cast %swap3A_790 : i32 to index
        %swap3A_793 = arith.index_cast %scan3A_450 : i32 to index
        %swap3A_794 = arith.constant 80 : index
        %swap3A_795 = tpu.vector_load %arg7[%swap3A_791, %swap3A_792, %swap3A_793, %swap3A_794] {strides = array<i32>} : memref<2x4x80x128xf32, #tpu.memory_space<vmem>>, vector<1x1x1x16xf32>,
        %swap3A_796 = vector.shape_cast %swap3A_795 : vector<1x1x1x16xf32> to vector<16xf32>
        %swap3A_797 = vector.shape_cast %add3A_788 : vector<16xf32> to vector<1x1x1x16xf32>
        tpu.vector_store %arg7[%swap3A_791, %swap3A_792, %swap3A_793, %swap3A_794], %swap3A_797 {strides = array<i32>} : memref<2x4x80x128xf32, #tpu.memory_space<vmem>>, vector<1x1x1x16xf32>,
        %add3A_798 = arith.addf %get3A_492, %get3A_154 : vector<16xf32>
        %swap3A_799 = arith.constant 0 : i32
        %swap3A_800 = arith.constant 3 : i32
        %swap3A_801 = arith.index_cast %swap3A_799 : i32 to index
        %swap3A_802 = arith.index_cast %swap3A_800 : i32 to index
        %swap3A_803 = arith.index_cast %scan3A_450 : i32 to index
        %swap3A_804 = arith.constant 96 : index
        %swap3A_805 = tpu.vector_load %arg7[%swap3A_801, %swap3A_802, %swap3A_803, %swap3A_804] {strides = array<i32>} : memref<2x4x80x128xf32, #tpu.memory_space<vmem>>, vector<1x1x1x16xf32>,
        %swap3A_806 = vector.shape_cast %swap3A_805 : vector<1x1x1x16xf32> to vector<16xf32>
        %swap3A_807 = vector.shape_cast %add3A_798 : vector<16xf32> to vector<1x1x1x16xf32>
        tpu.vector_store %arg7[%swap3A_801, %swap3A_802, %swap3A_803, %swap3A_804], %swap3A_807 {strides = array<i32>} : memref<2x4x80x128xf32, #tpu.memory_space<vmem>>, vector<1x1x1x16xf32>,
        %add3A_808 = arith.addf %get3A_498, %get3A_159 : vector<16xf32>
        %swap3A_809 = arith.constant 0 : i32
        %swap3A_810 = arith.constant 3 : i32
        %swap3A_811 = arith.index_cast %swap3A_809 : i32 to index
        %swap3A_812 = arith.index_cast %swap3A_810 : i32 to index
        %swap3A_813 = arith.index_cast %scan3A_450 : i32 to index
        %swap3A_814 = arith.constant 112 : index
        %swap3A_815 = tpu.vector_load %arg7[%swap3A_811, %swap3A_812, %swap3A_813, %swap3A_814] {strides = array<i32>} : memref<2x4x80x128xf32, #tpu.memory_space<vmem>>, vector<1x1x1x16xf32>,
        %swap3A_816 = vector.shape_cast %swap3A_815 : vector<1x1x1x16xf32> to vector<16xf32>
        %swap3A_817 = vector.shape_cast %add3A_808 : vector<16xf32> to vector<1x1x1x16xf32>
        tpu.vector_store %arg7[%swap3A_811, %swap3A_812, %swap3A_813, %swap3A_814], %swap3A_817 {strides = array<i32>} : memref<2x4x80x128xf32, #tpu.memory_space<vmem>>, vector<1x1x1x16xf32>,
      }
      %scan3A_437 = arith.constant 8 : i32
      %run_scoped3A_438 = arith.constant 0 : i32
      %run_scoped3A_439 = arith.constant 0 : i32
      %run_scoped3A_440 = arith.constant 0 : i32
      "tpu.region"() ({
        %run_scoped3A_450 = tpu.sem_alloc : memref<!tpu.dma_semaphore, #tpu.memory_space<semaphore_mem>>
        %dma_start3A_451 = arith.constant 0 : i32
        %dma_start3A_452 = arith.constant 0 : i32
        %dma_start3A_453 = tpu.memref_slice %arg7[%run_scoped3A_438, %run_scoped3A_439, %dma_start3A_451, %dma_start3A_452] : memref<2x4x80x128xf32, #tpu.memory_space<vmem>> -> memref<1x1x8x128xf32, #tpu.memory_space<vmem>>
        %dma_start3A_454 = tpu.memref_squeeze %dma_start3A_453 : memref<1x1x8x128xf32, #tpu.memory_space<vmem>> -> memref<8x128xf32, #tpu.memory_space<vmem>>
        %dma_start3A_455 = arith.constant 0 : i32
        %dma_start3A_456 = tpu.memref_slice %arg4[%run_scoped3A_440, %add3A_431, %dma_start3A_455] : memref<4x100000x128xf32, #tpu.memory_space<hbm>> -> memref<1x8x128xf32, #tpu.memory_space<hbm>>
        %dma_start3A_457 = tpu.memref_squeeze %dma_start3A_456 : memref<1x8x128xf32, #tpu.memory_space<hbm>> -> memref<8x128xf32, #tpu.memory_space<hbm>>
        %dma_start3A_458 = arith.constant 0 : i32
        %dma_start3A_459 = tpu.memref_slice %arg4[%run_scoped3A_440, %add3A_431, %dma_start3A_458] : memref<4x100000x128xf32, #tpu.memory_space<hbm>> -> memref<1x8x128xf32, #tpu.memory_space<hbm>>
        %dma_start3A_460 = tpu.memref_squeeze %dma_start3A_459 : memref<1x8x128xf32, #tpu.memory_space<hbm>> -> memref<8x128xf32, #tpu.memory_space<hbm>>
        %dma_start3A_461 = arith.constant 0 : i32
        %dma_start3A_462 = arith.constant 0 : i32
        %dma_start3A_463 = tpu.memref_slice %arg7[%run_scoped3A_438, %run_scoped3A_439, %dma_start3A_461, %dma_start3A_462] : memref<2x4x80x128xf32, #tpu.memory_space<vmem>> -> memref<1x1x8x128xf32, #tpu.memory_space<vmem>>
        %dma_start3A_464 = tpu.memref_squeeze %dma_start3A_463 : memref<1x1x8x128xf32, #tpu.memory_space<vmem>> -> memref<8x128xf32, #tpu.memory_space<vmem>>
        tpu.enqueue_dma source(%dma_start3A_464 : memref<8x128xf32, #tpu.memory_space<vmem>>) target(%dma_start3A_460 : memref<8x128xf32, #tpu.memory_space<hbm>>) target_semaphore(%run_scoped3A_450 : memref<!tpu.dma_semaphore, #tpu.memory_space<semaphore_mem>>)
        %dma_wait3A_465 = arith.constant 0 : i32
        %dma_wait3A_466 = arith.constant 0 : i32
        %dma_wait3A_467 = tpu.memref_slice %arg7[%run_scoped3A_438, %run_scoped3A_439, %dma_wait3A_465, %dma_wait3A_466] : memref<2x4x80x128xf32, #tpu.memory_space<vmem>> -> memref<1x1x8x128xf32, #tpu.memory_space<vmem>>
        %dma_wait3A_468 = tpu.memref_squeeze %dma_wait3A_467 : memref<1x1x8x128xf32, #tpu.memory_space<vmem>> -> memref<8x128xf32, #tpu.memory_space<vmem>>
        %dma_wait3A_469 = arith.constant 0 : i32
        %dma_wait3A_470 = tpu.memref_slice %arg4[%run_scoped3A_440, %add3A_431, %dma_wait3A_469] : memref<4x100000x128xf32, #tpu.memory_space<hbm>> -> memref<1x8x128xf32, #tpu.memory_space<hbm>>
        %dma_wait3A_471 = tpu.memref_squeeze %dma_wait3A_470 : memref<1x8x128xf32, #tpu.memory_space<hbm>> -> memref<8x128xf32, #tpu.memory_space<hbm>>
        %dma_wait3A_472 = arith.constant 0 : i32
        %dma_wait3A_473 = tpu.memref_slice %arg4[%run_scoped3A_440, %add3A_431, %dma_wait3A_472] : memref<4x100000x128xf32, #tpu.memory_space<hbm>> -> memref<1x8x128xf32, #tpu.memory_space<hbm>>
        %dma_wait3A_474 = tpu.memref_squeeze %dma_wait3A_473 : memref<1x8x128xf32, #tpu.memory_space<hbm>> -> memref<8x128xf32, #tpu.memory_space<hbm>>
        %dma_wait3A_475 = arith.constant 0 : i32
        %dma_wait3A_476 = arith.constant 0 : i32
        %dma_wait3A_477 = tpu.memref_slice %arg7[%run_scoped3A_438, %run_scoped3A_439, %dma_wait3A_475, %dma_wait3A_476] : memref<2x4x80x128xf32, #tpu.memory_space<vmem>> -> memref<1x1x8x128xf32, #tpu.memory_space<vmem>>
        %dma_wait3A_478 = tpu.memref_squeeze %dma_wait3A_477 : memref<1x1x8x128xf32, #tpu.memory_space<vmem>> -> memref<8x128xf32, #tpu.memory_space<vmem>>
        tpu.wait_dma2 semaphore(%run_scoped3A_450 : memref<!tpu.dma_semaphore, #tpu.memory_space<semaphore_mem>>) src(%dma_wait3A_478 : memref<8x128xf32, #tpu.memory_space<vmem>>) dst(%dma_wait3A_474 : memref<8x128xf32, #tpu.memory_space<hbm>>)
        tpu.yield
      }) : () -> ()
      %run_scoped3A_441 = arith.constant 0 : i32
      %run_scoped3A_442 = arith.constant 1 : i32
      %run_scoped3A_443 = arith.constant 1 : i32
      "tpu.region"() ({
        %run_scoped3A_450 = tpu.sem_alloc : memref<!tpu.dma_semaphore, #tpu.memory_space<semaphore_mem>>
        %dma_start3A_451 = arith.constant 0 : i32
        %dma_start3A_452 = arith.constant 0 : i32
        %dma_start3A_453 = tpu.memref_slice %arg7[%run_scoped3A_441, %run_scoped3A_442, %dma_start3A_451, %dma_start3A_452] : memref<2x4x80x128xf32, #tpu.memory_space<vmem>> -> memref<1x1x8x128xf32, #tpu.memory_space<vmem>>
        %dma_start3A_454 = tpu.memref_squeeze %dma_start3A_453 : memref<1x1x8x128xf32, #tpu.memory_space<vmem>> -> memref<8x128xf32, #tpu.memory_space<vmem>>
        %dma_start3A_455 = arith.constant 0 : i32
        %dma_start3A_456 = tpu.memref_slice %arg4[%run_scoped3A_443, %add3A_431, %dma_start3A_455] : memref<4x100000x128xf32, #tpu.memory_space<hbm>> -> memref<1x8x128xf32, #tpu.memory_space<hbm>>
        %dma_start3A_457 = tpu.memref_squeeze %dma_start3A_456 : memref<1x8x128xf32, #tpu.memory_space<hbm>> -> memref<8x128xf32, #tpu.memory_space<hbm>>
        %dma_start3A_458 = arith.constant 0 : i32
        %dma_start3A_459 = tpu.memref_slice %arg4[%run_scoped3A_443, %add3A_431, %dma_start3A_458] : memref<4x100000x128xf32, #tpu.memory_space<hbm>> -> memref<1x8x128xf32, #tpu.memory_space<hbm>>
        %dma_start3A_460 = tpu.memref_squeeze %dma_start3A_459 : memref<1x8x128xf32, #tpu.memory_space<hbm>> -> memref<8x128xf32, #tpu.memory_space<hbm>>
        %dma_start3A_461 = arith.constant 0 : i32
        %dma_start3A_462 = arith.constant 0 : i32
        %dma_start3A_463 = tpu.memref_slice %arg7[%run_scoped3A_441, %run_scoped3A_442, %dma_start3A_461, %dma_start3A_462] : memref<2x4x80x128xf32, #tpu.memory_space<vmem>> -> memref<1x1x8x128xf32, #tpu.memory_space<vmem>>
        %dma_start3A_464 = tpu.memref_squeeze %dma_start3A_463 : memref<1x1x8x128xf32, #tpu.memory_space<vmem>> -> memref<8x128xf32, #tpu.memory_space<vmem>>
        tpu.enqueue_dma source(%dma_start3A_464 : memref<8x128xf32, #tpu.memory_space<vmem>>) target(%dma_start3A_460 : memref<8x128xf32, #tpu.memory_space<hbm>>) target_semaphore(%run_scoped3A_450 : memref<!tpu.dma_semaphore, #tpu.memory_space<semaphore_mem>>)
        %dma_wait3A_465 = arith.constant 0 : i32
        %dma_wait3A_466 = arith.constant 0 : i32
        %dma_wait3A_467 = tpu.memref_slice %arg7[%run_scoped3A_441, %run_scoped3A_442, %dma_wait3A_465, %dma_wait3A_466] : memref<2x4x80x128xf32, #tpu.memory_space<vmem>> -> memref<1x1x8x128xf32, #tpu.memory_space<vmem>>
        %dma_wait3A_468 = tpu.memref_squeeze %dma_wait3A_467 : memref<1x1x8x128xf32, #tpu.memory_space<vmem>> -> memref<8x128xf32, #tpu.memory_space<vmem>>
        %dma_wait3A_469 = arith.constant 0 : i32
        %dma_wait3A_470 = tpu.memref_slice %arg4[%run_scoped3A_443, %add3A_431, %dma_wait3A_469] : memref<4x100000x128xf32, #tpu.memory_space<hbm>> -> memref<1x8x128xf32, #tpu.memory_space<hbm>>
        %dma_wait3A_471 = tpu.memref_squeeze %dma_wait3A_470 : memref<1x8x128xf32, #tpu.memory_space<hbm>> -> memref<8x128xf32, #tpu.memory_space<hbm>>
        %dma_wait3A_472 = arith.constant 0 : i32
        %dma_wait3A_473 = tpu.memref_slice %arg4[%run_scoped3A_443, %add3A_431, %dma_wait3A_472] : memref<4x100000x128xf32, #tpu.memory_space<hbm>> -> memref<1x8x128xf32, #tpu.memory_space<hbm>>
        %dma_wait3A_474 = tpu.memref_squeeze %dma_wait3A_473 : memref<1x8x128xf32, #tpu.memory_space<hbm>> -> memref<8x128xf32, #tpu.memory_space<hbm>>
        %dma_wait3A_475 = arith.constant 0 : i32
        %dma_wait3A_476 = arith.constant 0 : i32
        %dma_wait3A_477 = tpu.memref_slice %arg7[%run_scoped3A_441, %run_scoped3A_442, %dma_wait3A_475, %dma_wait3A_476] : memref<2x4x80x128xf32, #tpu.memory_space<vmem>> -> memref<1x1x8x128xf32, #tpu.memory_space<vmem>>
        %dma_wait3A_478 = tpu.memref_squeeze %dma_wait3A_477 : memref<1x1x8x128xf32, #tpu.memory_space<vmem>> -> memref<8x128xf32, #tpu.memory_space<vmem>>
        tpu.wait_dma2 semaphore(%run_scoped3A_450 : memref<!tpu.dma_semaphore, #tpu.memory_space<semaphore_mem>>) src(%dma_wait3A_478 : memref<8x128xf32, #tpu.memory_space<vmem>>) dst(%dma_wait3A_474 : memref<8x128xf32, #tpu.memory_space<hbm>>)
        tpu.yield
      }) : () -> ()
      %run_scoped3A_444 = arith.constant 0 : i32
      %run_scoped3A_445 = arith.constant 2 : i32
      %run_scoped3A_446 = arith.constant 2 : i32
      "tpu.region"() ({
        %run_scoped3A_450 = tpu.sem_alloc : memref<!tpu.dma_semaphore, #tpu.memory_space<semaphore_mem>>
        %dma_start3A_451 = arith.constant 0 : i32
        %dma_start3A_452 = arith.constant 0 : i32
        %dma_start3A_453 = tpu.memref_slice %arg7[%run_scoped3A_444, %run_scoped3A_445, %dma_start3A_451, %dma_start3A_452] : memref<2x4x80x128xf32, #tpu.memory_space<vmem>> -> memref<1x1x8x128xf32, #tpu.memory_space<vmem>>
        %dma_start3A_454 = tpu.memref_squeeze %dma_start3A_453 : memref<1x1x8x128xf32, #tpu.memory_space<vmem>> -> memref<8x128xf32, #tpu.memory_space<vmem>>
        %dma_start3A_455 = arith.constant 0 : i32
        %dma_start3A_456 = tpu.memref_slice %arg4[%run_scoped3A_446, %add3A_431, %dma_start3A_455] : memref<4x100000x128xf32, #tpu.memory_space<hbm>> -> memref<1x8x128xf32, #tpu.memory_space<hbm>>
        %dma_start3A_457 = tpu.memref_squeeze %dma_start3A_456 : memref<1x8x128xf32, #tpu.memory_space<hbm>> -> memref<8x128xf32, #tpu.memory_space<hbm>>
        %dma_start3A_458 = arith.constant 0 : i32
        %dma_start3A_459 = tpu.memref_slice %arg4[%run_scoped3A_446, %add3A_431, %dma_start3A_458] : memref<4x100000x128xf32, #tpu.memory_space<hbm>> -> memref<1x8x128xf32, #tpu.memory_space<hbm>>
        %dma_start3A_460 = tpu.memref_squeeze %dma_start3A_459 : memref<1x8x128xf32, #tpu.memory_space<hbm>> -> memref<8x128xf32, #tpu.memory_space<hbm>>
        %dma_start3A_461 = arith.constant 0 : i32
        %dma_start3A_462 = arith.constant 0 : i32
        %dma_start3A_463 = tpu.memref_slice %arg7[%run_scoped3A_444, %run_scoped3A_445, %dma_start3A_461, %dma_start3A_462] : memref<2x4x80x128xf32, #tpu.memory_space<vmem>> -> memref<1x1x8x128xf32, #tpu.memory_space<vmem>>
        %dma_start3A_464 = tpu.memref_squeeze %dma_start3A_463 : memref<1x1x8x128xf32, #tpu.memory_space<vmem>> -> memref<8x128xf32, #tpu.memory_space<vmem>>
        tpu.enqueue_dma source(%dma_start3A_464 : memref<8x128xf32, #tpu.memory_space<vmem>>) target(%dma_start3A_460 : memref<8x128xf32, #tpu.memory_space<hbm>>) target_semaphore(%run_scoped3A_450 : memref<!tpu.dma_semaphore, #tpu.memory_space<semaphore_mem>>)
        %dma_wait3A_465 = arith.constant 0 : i32
        %dma_wait3A_466 = arith.constant 0 : i32
        %dma_wait3A_467 = tpu.memref_slice %arg7[%run_scoped3A_444, %run_scoped3A_445, %dma_wait3A_465, %dma_wait3A_466] : memref<2x4x80x128xf32, #tpu.memory_space<vmem>> -> memref<1x1x8x128xf32, #tpu.memory_space<vmem>>
        %dma_wait3A_468 = tpu.memref_squeeze %dma_wait3A_467 : memref<1x1x8x128xf32, #tpu.memory_space<vmem>> -> memref<8x128xf32, #tpu.memory_space<vmem>>
        %dma_wait3A_469 = arith.constant 0 : i32
        %dma_wait3A_470 = tpu.memref_slice %arg4[%run_scoped3A_446, %add3A_431, %dma_wait3A_469] : memref<4x100000x128xf32, #tpu.memory_space<hbm>> -> memref<1x8x128xf32, #tpu.memory_space<hbm>>
        %dma_wait3A_471 = tpu.memref_squeeze %dma_wait3A_470 : memref<1x8x128xf32, #tpu.memory_space<hbm>> -> memref<8x128xf32, #tpu.memory_space<hbm>>
        %dma_wait3A_472 = arith.constant 0 : i32
        %dma_wait3A_473 = tpu.memref_slice %arg4[%run_scoped3A_446, %add3A_431, %dma_wait3A_472] : memref<4x100000x128xf32, #tpu.memory_space<hbm>> -> memref<1x8x128xf32, #tpu.memory_space<hbm>>
        %dma_wait3A_474 = tpu.memref_squeeze %dma_wait3A_473 : memref<1x8x128xf32, #tpu.memory_space<hbm>> -> memref<8x128xf32, #tpu.memory_space<hbm>>
        %dma_wait3A_475 = arith.constant 0 : i32
        %dma_wait3A_476 = arith.constant 0 : i32
        %dma_wait3A_477 = tpu.memref_slice %arg7[%run_scoped3A_444, %run_scoped3A_445, %dma_wait3A_475, %dma_wait3A_476] : memref<2x4x80x128xf32, #tpu.memory_space<vmem>> -> memref<1x1x8x128xf32, #tpu.memory_space<vmem>>
        %dma_wait3A_478 = tpu.memref_squeeze %dma_wait3A_477 : memref<1x1x8x128xf32, #tpu.memory_space<vmem>> -> memref<8x128xf32, #tpu.memory_space<vmem>>
        tpu.wait_dma2 semaphore(%run_scoped3A_450 : memref<!tpu.dma_semaphore, #tpu.memory_space<semaphore_mem>>) src(%dma_wait3A_478 : memref<8x128xf32, #tpu.memory_space<vmem>>) dst(%dma_wait3A_474 : memref<8x128xf32, #tpu.memory_space<hbm>>)
        tpu.yield
      }) : () -> ()
      %run_scoped3A_447 = arith.constant 0 : i32
      %run_scoped3A_448 = arith.constant 3 : i32
      %run_scoped3A_449 = arith.constant 3 : i32
      "tpu.region"() ({
        %run_scoped3A_450 = tpu.sem_alloc : memref<!tpu.dma_semaphore, #tpu.memory_space<semaphore_mem>>
        %dma_start3A_451 = arith.constant 0 : i32
        %dma_start3A_452 = arith.constant 0 : i32
        %dma_start3A_453 = tpu.memref_slice %arg7[%run_scoped3A_447, %run_scoped3A_448, %dma_start3A_451, %dma_start3A_452] : memref<2x4x80x128xf32, #tpu.memory_space<vmem>> -> memref<1x1x8x128xf32, #tpu.memory_space<vmem>>
        %dma_start3A_454 = tpu.memref_squeeze %dma_start3A_453 : memref<1x1x8x128xf32, #tpu.memory_space<vmem>> -> memref<8x128xf32, #tpu.memory_space<vmem>>
        %dma_start3A_455 = arith.constant 0 : i32
        %dma_start3A_456 = tpu.memref_slice %arg4[%run_scoped3A_449, %add3A_431, %dma_start3A_455] : memref<4x100000x128xf32, #tpu.memory_space<hbm>> -> memref<1x8x128xf32, #tpu.memory_space<hbm>>
        %dma_start3A_457 = tpu.memref_squeeze %dma_start3A_456 : memref<1x8x128xf32, #tpu.memory_space<hbm>> -> memref<8x128xf32, #tpu.memory_space<hbm>>
        %dma_start3A_458 = arith.constant 0 : i32
        %dma_start3A_459 = tpu.memref_slice %arg4[%run_scoped3A_449, %add3A_431, %dma_start3A_458] : memref<4x100000x128xf32, #tpu.memory_space<hbm>> -> memref<1x8x128xf32, #tpu.memory_space<hbm>>
        %dma_start3A_460 = tpu.memref_squeeze %dma_start3A_459 : memref<1x8x128xf32, #tpu.memory_space<hbm>> -> memref<8x128xf32, #tpu.memory_space<hbm>>
        %dma_start3A_461 = arith.constant 0 : i32
        %dma_start3A_462 = arith.constant 0 : i32
        %dma_start3A_463 = tpu.memref_slice %arg7[%run_scoped3A_447, %run_scoped3A_448, %dma_start3A_461, %dma_start3A_462] : memref<2x4x80x128xf32, #tpu.memory_space<vmem>> -> memref<1x1x8x128xf32, #tpu.memory_space<vmem>>
        %dma_start3A_464 = tpu.memref_squeeze %dma_start3A_463 : memref<1x1x8x128xf32, #tpu.memory_space<vmem>> -> memref<8x128xf32, #tpu.memory_space<vmem>>
        tpu.enqueue_dma source(%dma_start3A_464 : memref<8x128xf32, #tpu.memory_space<vmem>>) target(%dma_start3A_460 : memref<8x128xf32, #tpu.memory_space<hbm>>) target_semaphore(%run_scoped3A_450 : memref<!tpu.dma_semaphore, #tpu.memory_space<semaphore_mem>>)
        %dma_wait3A_465 = arith.constant 0 : i32
        %dma_wait3A_466 = arith.constant 0 : i32
        %dma_wait3A_467 = tpu.memref_slice %arg7[%run_scoped3A_447, %run_scoped3A_448, %dma_wait3A_465, %dma_wait3A_466] : memref<2x4x80x128xf32, #tpu.memory_space<vmem>> -> memref<1x1x8x128xf32, #tpu.memory_space<vmem>>
        %dma_wait3A_468 = tpu.memref_squeeze %dma_wait3A_467 : memref<1x1x8x128xf32, #tpu.memory_space<vmem>> -> memref<8x128xf32, #tpu.memory_space<vmem>>
        %dma_wait3A_469 = arith.constant 0 : i32
        %dma_wait3A_470 = tpu.memref_slice %arg4[%run_scoped3A_449, %add3A_431, %dma_wait3A_469] : memref<4x100000x128xf32, #tpu.memory_space<hbm>> -> memref<1x8x128xf32, #tpu.memory_space<hbm>>
        %dma_wait3A_471 = tpu.memref_squeeze %dma_wait3A_470 : memref<1x8x128xf32, #tpu.memory_space<hbm>> -> memref<8x128xf32, #tpu.memory_space<hbm>>
        %dma_wait3A_472 = arith.constant 0 : i32
        %dma_wait3A_473 = tpu.memref_slice %arg4[%run_scoped3A_449, %add3A_431, %dma_wait3A_472] : memref<4x100000x128xf32, #tpu.memory_space<hbm>> -> memref<1x8x128xf32, #tpu.memory_space<hbm>>
        %dma_wait3A_474 = tpu.memref_squeeze %dma_wait3A_473 : memref<1x8x128xf32, #tpu.memory_space<hbm>> -> memref<8x128xf32, #tpu.memory_space<hbm>>
        %dma_wait3A_475 = arith.constant 0 : i32
        %dma_wait3A_476 = arith.constant 0 : i32
        %dma_wait3A_477 = tpu.memref_slice %arg7[%run_scoped3A_447, %run_scoped3A_448, %dma_wait3A_475, %dma_wait3A_476] : memref<2x4x80x128xf32, #tpu.memory_space<vmem>> -> memref<1x1x8x128xf32, #tpu.memory_space<vmem>>
        %dma_wait3A_478 = tpu.memref_squeeze %dma_wait3A_477 : memref<1x1x8x128xf32, #tpu.memory_space<vmem>> -> memref<8x128xf32, #tpu.memory_space<vmem>>
        tpu.wait_dma2 semaphore(%run_scoped3A_450 : memref<!tpu.dma_semaphore, #tpu.memory_space<semaphore_mem>>) src(%dma_wait3A_478 : memref<8x128xf32, #tpu.memory_space<vmem>>) dst(%dma_wait3A_474 : memref<8x128xf32, #tpu.memory_space<hbm>>)
        tpu.yield
      }) : () -> ()
    } else {
    }
    return
  }
}

module attributes {stable_mosaic.version = 14 : i64} {
  func.func @_g_body(%arg0: memref<4x1024x128xf32, #tpu.memory_space<vmem>>, %arg1: memref<128x128xf32, #tpu.memory_space<vmem>>, %arg2: memref<1x128xf32, #tpu.memory_space<vmem>>, %arg3: memref<4x128xf32, #tpu.memory_space<vmem>>) attributes {dimension_semantics = [], scalar_prefetch = 0 : i64, scratch_operands = 0 : i64, tpu.core_type = #tpu.core_type<tc>} {
    %get3A = arith.constant 0 : index
    %get3A_0 = arith.constant 0 : index
    %get3A_1 = arith.constant 0 : index
    %get3A_2 = vector.load %arg0[%get3A, %get3A_0, %get3A_1] : memref<4x1024x128xf32, #tpu.memory_space<vmem>>, vector<4x1024x128xf32>
    %reduce_sum3A = arith.constant dense<0.000000e+00> : vector<4x128xf32>
    %reduce_sum3A_3 = vector.multi_reduction <add>, %get3A_2, %reduce_sum3A [1] : vector<4x1024x128xf32> to vector<4x128xf32>
    %div3A = arith.constant 1.024000e+03 : f32
    %div3A_4 = vector.broadcast %div3A : f32 to vector<4x128xf32>
    %div3A_5 = arith.divf %reduce_sum3A_3, %div3A_4 : vector<4x128xf32>
    %get3A_6 = arith.constant 0 : index
    %get3A_7 = arith.constant 0 : index
    %get3A_8 = vector.load %arg1[%get3A_6, %get3A_7] : memref<128x128xf32, #tpu.memory_space<vmem>>, vector<128x128xf32>
    %dot_general3A = arith.constant dense<0.000000e+00> : vector<4x128xf32>
    %dot_general3A_9 = tpu.matmul %div3A_5, %get3A_8, %dot_general3A {dimension_numbers = #tpu.dot_dimension_numbers<[1], [1], [0], [0], [0, 0, 1, 0], [], []>, precision = #tpu.contract_precision<fp32>, transpose_lhs_hint = false} : vector<4x128xf32>, vector<128x128xf32>, vector<4x128xf32> -> vector<4x128xf32>
    %get3A_10 = arith.constant 0 : index
    %get3A_11 = arith.constant 0 : index
    %get3A_12 = vector.load %arg2[%get3A_10, %get3A_11] : memref<1x128xf32, #tpu.memory_space<vmem>>, vector<1x128xf32>
    %add3A = vector.broadcast %get3A_12 : vector<1x128xf32> to vector<4x128xf32>
    %add3A_13 = arith.addf %dot_general3A_9, %add3A : vector<4x128xf32>
    %swap3A = arith.constant 0 : index
    %swap3A_14 = arith.constant 0 : index
    %swap3A_15 = vector.load %arg3[%swap3A, %swap3A_14] : memref<4x128xf32, #tpu.memory_space<vmem>>, vector<4x128xf32>
    tpu.vector_store %arg3[%swap3A, %swap3A_14], %add3A_13 {strides = array<i32>} : memref<4x128xf32, #tpu.memory_space<vmem>>, vector<4x128xf32>,
    return
  }
}

</mosaic_0001>

<sc_bundles>
// kernel: kernel.4.cloned.1.call-start
scs
__scs_entry_jumppad:
0x0: {  	(pc) =	sbr.rel $0x88, $3  }
0x1: {  	(tag) =	ssettag $0x0;
	lr =	simm.s32 $0x1  }
0x2: {  	[smem:$0x3F9D] =	sst lr;
	_ =	strace $0xD0000000  }
0x3: {  	_ = 	snop  }
0x4: {  	_ = 	snop  }
0x5: {  	_ = 	snop  }
0x6: {  	_ = 	snop  }
0x7: {  	_ = 	snop  }
__scs_overlays_trampoline_lowered:
0x8: {  	[smem:$0x3FAC] =	sst s0  }
0x9: {  	[smem:$0x3FAD] =	sst s1  }
0xa: {  	[smem:$0x3FAE] =	sst s2  }
0xb: {  	[smem:$0x3FAF] =	sst s3  }
0xc: {  	[smem:$0x3FB0] =	sst s4  }
0xd: {  	[smem:$0x3FB1] =	sst s5  }
0xe: {  	[smem:$0x3FB2] =	sst s6  }
0xf: {  	[smem:$0x3FB3] =	sst s7  }
0x10: {  	[smem:$0x3FB4] =	sst s8  }
0x11: {  	[smem:$0x3FB5] =	sst s9;
	s0 =	simm.s32 @!p0 $0x0  }
0x12: {  	s1 =	sld [smem:$0x3F9B];
	s0 =	simm.s32 @p0 $0x1  }
0x13: {  	[smem:$0x3FB6] =	sst s0;
	s0 =	simm.s32 @!p1 $0x0  }
0x14: {  	s2 =	sld [smem:$0x3F9A];
	s0 =	simm.s32 @p1 $0x1  }
0x15: {  	[smem:$0x3FB7] =	sst s0;
	s0 =	simm.s32 @!p2 $0x0  }
0x16: {  	s3 =	sld [smem:$0x3FDB];
	s0 =	simm.s32 @p2 $0x1  }
0x17: {  	s4 =	simm.s32 $0x1BF5;
	[smem:$0x3FB9] =	sst s0  }
0x18: {  	s0 =	sld [smem:$0x3F9C];
	_ =	swait.ge [sflag:s4], $0x0  }
0x19: {  	s7 =	sld [smem:$0x3F9D]  }
0x1a: {  	s8 =	sadd.s32 $0xFFFFE003, lr  }
0x1b: {  	s9 =	sadd.s32 $0xFFFFFEF7, lr;
	s5 =	simm.s32 $0xFFFFFFFF;
	p2 =	slt.u32 s8, $0xFFFFF086  }
0x1c: {  	p1 =	slt.u32 s9, $0xF7A;
	s5 =	simm.s32 @!p2 $0x0  }
0x1d: {  	s5 =	simm.s32 @p1 $0x1;
	p0 =	seq.s32 s7, s2  }
0x1e: {  	s7 =	smul.u32 @!p0 $0xF7A, s2;
	p2 =	seq.s32 @!p0 s5, $0x0  }
0x1f: {  	s9 =	smul.u32 $0xF7A, s1;
	s8 =	simm.s32 @!p0 $0x1BF5;
	p2 =	por !p2, p0  }
0x20: {  	[sflag:s8] =	ssyncset.s32 @!p0 $0xFFFFF086;
	s6 =	sadd.s32 @!p0 s3, s7;
	s7 =	simm.s32 @!p0 $0x108  }
0x21: {  	s3 =	sadd.s32 s3, s9;
	s6 =	sadd.s32 @!p0 $0x88, s6;
	s7 =	simm.s32 @p2 $0x1082  }
0x22: {  	[simem:s7], [sflag:s8] =	dma.local @!p0 [hbm:s6], $0xF7A  }
0x23: {  	s9 =	sor.u32 $0xD0000000, s2;
	s6 =	simm.s32 $0x108;
	_ =	swait.ge @!p0 [sflag:s8], $0x0  }
0x24: {  	s3 =	sadd.s32 $0x88, s3;
	s6 =	simm.s32 @!p1 $0x1082;
	[sflag:s4] =	ssyncset.s32 $0xFFFFF086  }
0x25: {  	[simem:s6], [sflag:s4] =	dma.local [hbm:s3], $0xF7A  }
0x26: {  	[smem:$0x3F9D] =	sst s1;
	(tag) =	ssettag s2;
	_ =	strace s9  }
0x27: {  	s1 =	sld [smem:$0x3FAD]  }
0x28: {  	s2 =	sld [smem:$0x3FAE]  }
0x29: {  	s4 =	sld [smem:$0x3FB0]  }
0x2a: {  	p0 =	seq.s32 s5, $0x0;
	s5 =	sld [smem:$0x3FB1]  }
0x2b: {  	s6 =	sld [smem:$0x3FB2]  }
0x2c: {  	s7 =	sld [smem:$0x3FB3]  }
0x2d: {  	s3 =	simm.s32 $0x108;
	s8 =	sld [smem:$0x3FB4]  }
0x2e: {  	s3 =	simm.s32 @!p0 $0x1082;
	s9 =	sld [smem:$0x3FB5]  }
0x2f: {  	lr =	sadd.s32 s0, s3;
	s0 =	sld [smem:$0x3FAC]  }
0x30: {  	s3 =	sld [smem:$0x3FAF]  }
0x31: {  	[smem:$0x3FB8] =	sst s10  }
0x32: {  	s10 =	sld [smem:$0x3FB6];
	_ =	sdelay $0x3  }
0x33: {  	p0 =	seq.s32 s10, $0x1;
	s10 =	sld [smem:$0x3FB8];
	_ =	sdelay $0x3  }
0x34: {  	[smem:$0x3FB8] =	sst s10  }
0x35: {  	s10 =	sld [smem:$0x3FB7];
	_ =	sdelay $0x3  }
0x36: {  	p1 =	seq.s32 s10, $0x1;
	s10 =	sld [smem:$0x3FB8];
	_ =	sdelay $0x3  }
0x37: {  	[smem:$0x3FB8] =	sst s10  }
0x38: {  	s10 =	sld [smem:$0x3FB9]  }
0x39: {  	_ = 	snop;
	(pc) =	sbr.ind lr, $3  }
0x3a: {  	_ = 	snop  }
0x3b: {  	_ = 	snop  }
0x3c: {  	p2 =	seq.s32 s10, $0x1;
	s10 =	sld [smem:$0x3FB8]  }
0x3d: {  	_ =	shalt  }
0x3e: {  	_ =	shalt  }
0x3f: {  	_ =	shalt  }
0x40: {  	_ =	shalt  }
0x41: {  	_ =	shalt  }
0x42: {  	_ =	shalt  }
0x43: {  	_ =	shalt  }
0x44: {  	_ =	shalt  }
0x45: {  	_ =	shalt  }
0x46: {  	_ =	shalt  }
0x47: {  	_ =	shalt  }
0x48: {  	_ =	shalt  }
0x49: {  	_ =	shalt  }
0x4a: {  	_ =	shalt  }
0x4b: {  	_ =	shalt  }
0x4c: {  	_ =	shalt  }
0x4d: {  	_ =	shalt  }
0x4e: {  	_ =	shalt  }
0x4f: {  	_ =	shalt  }
0x50: {  	_ =	shalt  }
0x51: {  	_ =	shalt  }
0x52: {  	_ =	shalt  }
0x53: {  	_ =	shalt  }
0x54: {  	_ =	shalt  }
0x55: {  	_ =	shalt  }
0x56: {  	_ =	shalt  }
0x57: {  	_ =	shalt  }
0x58: {  	_ =	shalt  }
0x59: {  	_ =	shalt  }
0x5a: {  	_ =	shalt  }
0x5b: {  	_ =	shalt  }
0x5c: {  	_ =	shalt  }
0x5d: {  	_ =	shalt  }
0x5e: {  	_ =	shalt  }
0x5f: {  	_ =	shalt  }
0x60: {  	_ =	shalt  }
0x61: {  	_ =	shalt  }
0x62: {  	_ =	shalt  }
0x63: {  	_ =	shalt  }
0x64: {  	_ =	shalt  }
0x65: {  	_ =	shalt  }
0x66: {  	_ =	shalt  }
0x67: {  	_ =	shalt  }
0x68: {  	_ =	shalt  }
0x69: {  	_ =	shalt  }
0x6a: {  	_ =	shalt  }
0x6b: {  	_ =	shalt  }
0x6c: {  	_ =	shalt  }
0x6d: {  	_ =	shalt  }
0x6e: {  	_ =	shalt  }
0x6f: {  	_ =	shalt  }
0x70: {  	_ =	shalt  }
0x71: {  	_ =	shalt  }
0x72: {  	_ =	shalt  }
0x73: {  	_ =	shalt  }
0x74: {  	_ =	shalt  }
0x75: {  	_ =	shalt  }
0x76: {  	_ =	shalt  }
0x77: {  	_ =	shalt  }
0x78: {  	_ =	shalt  }
0x79: {  	_ =	shalt  }
0x7a: {  	_ =	shalt  }
0x7b: {  	_ =	shalt  }
0x7c: {  	_ =	shalt  }
0x7d: {  	_ =	shalt  }
0x7e: {  	_ =	shalt  }
0x7f: {  	_ =	shalt  }
0x80: {  	_ =	shalt  }
0x81: {  	_ =	shalt  }
0x82: {  	_ =	shalt  }
0x83: {  	_ =	shalt  }
0x84: {  	_ =	shalt  }
0x85: {  	_ =	shalt  }
0x86: {  	_ =	shalt  }
0x87: {  	_ =	shalt  }
.Lfunc_end0:
.L_simem_size_0:
called_computation_lowered:
.L_overlay_start_0:
0x88: {  	s2 =	sld [smem:$0x3FD9]  }
0x89: {  	s3 =	sld [smem:$0x3FFE];
	_ =	sdelay $0x1  }
0x8a: {  	s1 =	srdreg.scid  }
0x8b: {  	s0 =	sand.u32 $0x1, s1  }
0x8c: {  	s17 =	sshll.u32 s0, $0xA;
	s2 =	sadd.s32 s3, s2  }
0x8d: {  	s2 =	sadd.s32 s2, s17  }
0x8e: {  	[smem:$0x3FC4] =	sst s2  }
0x8f: {  	_ = 	snop  }
0x90: {  	s2 =	sld [smem:$0x3FC8]  }
0x91: {  	s18 =	sld [smem:$0x3FD0];
	(tm) =	ssettm $0x1  }
0x92: {  	s4 =	sld [smem:$0x3FFB];
	_ =	sdelay $0x3  }
0x93: {  	_ =	strace s4  }
0x94: {  	s4 =	sld [smem:$0x3FFC];
	_ =	sdelay $0x3  }
0x95: {  	_ =	strace s4  }
0x96: {  	s4 =	sld [smem:$0x3FFD];
	_ =	sdelay $0x3  }
0x97: {  	_ =	strace s4  }
0x98: {  	_ =	strace $0x8FFFFFFF  }
0x99: {  	s19 =	sld [smem:$0x3FDB];
	_ =	sdelay $0x1  }
0x9a: {  	s5 =	simm.s32 $_scs_section_size  }
0x9b: {  	s6 =	simm.s32 $_size__tile_overlayer_lowered;
	s7 =	simm.s32 $_tile_overlayer_lowered  }
0x9c: {  	s22 =	simm.s32 $0x1BFF;
	s21 =	sshll.u32 s7, $0x1;
	s4 =	sadd.s32 s5, s19  }
0x9d: {  	s8 =	simm.s32 $0x0;
	s20 =	sshll.u32 s6, $0x1;
	s6 =	sadd.s32 s21, s4  }
0x9e: {  	[timem:s8], [sflag:s22] =	dma.local [hbm:s6], s20  }
0x9f: {  	_ =	swait.ge [sflag:s22], s20  }
0xa0: {  	s5 =	ssub.s32 $0x0, s20;
	[sflag:s22] =	ssyncset.done $0x0  }
0xa1: {  	[sflag:s22] =	ssyncadd.s32 s5;
	_ =	sdelay $0x1  }
0xa2: {  	s23 =	simm.s32 $0x1B8B  }
0xa3: {  	_ =	swait.ge [sflag:s23], $0x1  }
0xa4: {  	[sflag:s23] =	ssyncset.done $0x0  }
0xa5: {  	s25 =	simm.s32 $0x1B8E;
	s24 =	sld [smem:$0x3FFE];
	[sflag:s23] =	ssyncadd.s32 $0xFFFFFFFF  }
0xa6: {  	s26 =	simm.s32 $execute0_lowered;
	[smem:$0x3FD2] =	sst s25  }
0xa7: {  	s6 =	sshll.u32 s26, $0x1;
	_ =	strace $0x80000046;
	[dreg:$0x1] =	wrdreg $0xFFFFFFFF  }
0xa8: {  	s28 =	simm.s32 $_size_execute0_lowered;
	s4 =	sadd.s32 s4, s6;
	[dreg:$0x0] =	wrdreg $0x0  }
0xa9: {  	s6 =	sshll.u32 s28, $0x1;
	[dreg:$0x2] =	wrdreg s4  }
0xaa: {  	[dreg:$0x3] =	wrdreg s6  }
0xab: {  	[dreg:$0x4] =	wrdreg $0xC0  }
0xac: {  	_ =	task [dreg:s8], $0x5FFFF  }
0xad: {  	[dreg:$0x1] =	wrdreg $0xFFFFFFFF  }
0xae: {  	[dreg:$0x0] =	wrdreg $0x60  }
0xaf: {  	[dreg:$0x2] =	wrdreg s2  }
0xb0: {  	[dreg:$0x3] =	wrdreg s24  }
0xb1: {  	[dreg:$0x4] =	wrdreg s18  }
0xb2: {  	[dreg:$0x5] =	wrdreg $0x9  }
0xb3: {  	_ =	task.clear_ibuf [dreg:s8], $0x6FFFF;
	_ =	strace $0x90000046  }
0xb4: {  	s29 =	simm.s32 $0x9;
	_ =	strace $0x80000048  }
0xb5: {  	_ =	swait.ge [sflag:s29], $0x1  }
0xb6: {  	[sflag:s29] =	ssyncadd.s32 $0xFFFFFFFF  }
0xb7: {  	_ =	strace $0x90000048  }
0xb8: {  	_ =	sfence  }
0xb9: {  	s30 =	sld [smem:$0x0];
	_ =	sdelay $0x2  }
0xba: {  	s31 =	sshll.u32 s1, $0xD;
	s1 =	sshrl.u32 s1, $0x2  }
0xbb: {  	s3 =	sand.u32 $0x4000, s31;
	s1 =	sadd.s32 s1, s30  }
0xbc: {  	s0 =	sor.u32 s3, s0;
	s1 =	sshll.u32 s1, $0x11  }
0xbd: {  	s0 =	sor.u32 s1, s0  }
0xbe: {  	s0 =	sadd.s32 $0x8F2B, s0  }
0xbf: {  	[sflag:s0] =	ssyncadd.remote.s32 $0x1  }
0xc0: {  	_ =	sfence.sel $0xFFFF  }
0xc1: {  	[dreg:$0x0] =	wrdreg $0xFFFFFFFF;
	(pc) =	sbr.abs _section_cstart, $3  }
0xc2: {  	[dreg:$0x1] =	wrdreg $0xFFFFFFFF  }
0xc3: {  	_ =	task.clear_ibuf [dreg:s8], $0x2FFFF;
	_ =	strace $0x9FFFFFFF  }
0xc4: {  	(tm) =	ssettm $0x7FFFFFFF  }
0xc5: {  	_ =	shalt  }
tec
execute0_lowered:
.L_overlay_start_1:
0x0: {  	(tag) =	ssettag $0x1  }
0x1: {  	s1 =	rddreg [dreg:$0x0]  }
0x2: {  	s0 =	rddreg [dreg:$0x1];
	s2 =	srdreg.scid  }
0x3: {  	s8 =	stileid.u32;
	s3 =	rddreg [dreg:$0x2]  }
0x4: {  	s4 =	simm.s32 $0x0;
	s28 =	simm.s32 $0x2800;
	s29 =	simm.s32 $0xC35000  }
0x5: {  	s30 =	simm.s32 $0x5200;
	s31 =	simm.s32 $0x2;
	s16 =	simm.s32 $0x4  }
0x6: {  	s2 =	sand.u32 $0x1, s2;
	s5 =	sshll.u32 s8, $0x1;
	[smem:$0x7FF] =	sst s4  }
0x7: {  	s0 =	sadd.s32 $0xC00, s0;
	p0 =	sgt.u32 s8, $0x9;
	s5 =	sor.u32 s2, s5  }
0x8: {  	_ =	strace $0x80000047;
	s2 =	ssub.s32 $0x2, s2;
	s6 =	smul.u32 $0x2800, s5  }
0x9: {  	[dreg:$0x4] =	wrdreg s0;
	s7 =	smul.u32 $0x500, s5;
	s17 =	sshrl.u32 s2, $0x1  }
0xa: {  	s13 =	sor.u32 $0x40, s5;
	s14 =	sor.u32 $0x60, s5;
	s21 =	sshll.u32 s5, $0x7  }
0xb: {  	s0 =	ssub.s32 s2, s17;
	s22 =	sor.u32 $0x186000, s21;
	s2 =	sadd.s32 s3, s21  }
0xc: {  	s17 =	simm.s32 $0x0;
	s6 =	sshrl.u32 s6, $0x3;
	s18 =	sadd.s32 s1, s7  }
0xd: {  	s23 =	sadd.s32 s1, s22;
	s24 =	sadd.s32 $0x30CA00, s2;
	[dreg:$0x5] =	wrdreg s18  }
0xe: {  	s25 =	sadd.s32 s3, s22;
	s26 =	sadd.s32 $0x493400, s2;
	[dreg:$0x7] =	wrdreg s23  }
0xf: {  	s2 =	sadd.s32 $0x619E00, s2;
	s21 =	smax.u32 s0, $0x1;
	[dreg:$0x8] =	wrdreg s24  }
0x10: {  	s22 =	sadd.s32 $0xA000, s3;
	s0 =	simm.s32 $0x3;
	[dreg:$0x9] =	wrdreg s25  }
0x11: {  	s19 =	sadd.s32 $0xA000, s6;
	s20 =	sadd.s32 s1, s6;
	[dreg:$0xa] =	wrdreg s26  }
.Ltmp0:
0x12: {  	s6 =	sadd.s32 s3, s6;
	[dreg:$0xb] =	wrdreg s2;
	(pc) =	sbr.rel .LBB2_1-.Ltmp0, $4  }
0x13: {  	s23 =	simm.s32 $0x5;
	s24 =	simm.s32 $0x200;
	s25 =	simm.s32 $0x2A00  }
0x14: {  	s26 =	simm.s32 $0x1;
	s2 =	simm.s32 $0xF200;
	s9 =	sadd.s32 s1, s19  }
0x15: {  	s10 =	sadd.s32 $0x14000, s20;
	s11 =	sadd.s32 s3, s19;
	s12 =	sadd.s32 $0x1E000, s20  }
0x16: {  	s15 =	sadd.s32 $0x17C000, s6;
	[dreg:$0x6] =	wrdreg s9;
	s9 =	sadd.s32 s3, s7  }
.LBB2_18:
0x17: {  	s17 =	sadd.s32 $0x1, s17  }
0x18: {  	p1 =	sne.s32 s17, s21  }
.Ltmp1:
0x19: {  	_ = 	snop;
	(pc) =	sbr.rel @!p1 .LBB2_19-.Ltmp1, $1  }
0x1a: {  	_ =	sdelay $0x3  }
.LBB2_1:
0x1b: {  	s6 =	rddreg [dreg:$0x4]  }
0x1c: {  	[tilespmem:s4], [sflag:$0x5] =	stream.linear.gather [hbm4b:s6+s4], $0x200, $0x38;
	[tilespmem:$0x19200] =	vst v63  }
0x1d: {  	_ =	swait.ge [sflag:s23], $0x200  }
0x1e: {  	[sflag:s23] =	ssyncset.done $0x0  }
0x1f: {  	[sflag:s23] =	ssyncadd.s32 $0xFFFFFE00  }
0x20: {  	v30 =	vld [tilespmem:$0x0]  }
0x21: {  	v29 =	vld [tilespmem:$0x10]  }
0x22: {  	v28 =	vld [tilespmem:$0x20]  }
0x23: {  	v27 =	vld [tilespmem:$0x30]  }
0x24: {  	v26 =	vld [tilespmem:$0x40]  }
0x25: {  	v25 =	vld [tilespmem:$0x50]  }
0x26: {  	v23 =	vld [tilespmem:$0x60]  }
0x27: {  	v24 =	vld [tilespmem:$0x70]  }
0x28: {  	v22 =	vld [tilespmem:$0x80]  }
0x29: {  	v21 =	vld [tilespmem:$0x90]  }
0x2a: {  	v20 =	vld [tilespmem:$0xA0]  }
0x2b: {  	v19 =	vld [tilespmem:$0xB0]  }
0x2c: {  	v18 =	vld [tilespmem:$0xC0]  }
0x2d: {  	v17 =	vld [tilespmem:$0xD0]  }
0x2e: {  	v16 =	vld [tilespmem:$0xE0]  }
0x2f: {  	v15 =	vld [tilespmem:$0xF0]  }
0x30: {  	v14 =	vld [tilespmem:$0x100]  }
0x31: {  	v13 =	vld [tilespmem:$0x110]  }
0x32: {  	v12 =	vld [tilespmem:$0x120]  }
0x33: {  	v11 =	vld [tilespmem:$0x130]  }
0x34: {  	v10 =	vld [tilespmem:$0x140]  }
0x35: {  	v9 =	vld [tilespmem:$0x150]  }
0x36: {  	v8 =	vld [tilespmem:$0x160]  }
0x37: {  	v7 =	vld [tilespmem:$0x170]  }
0x38: {  	v6 =	vld [tilespmem:$0x180]  }
0x39: {  	v5 =	vld [tilespmem:$0x190]  }
0x3a: {  	v4 =	vld [tilespmem:$0x1A0]  }
0x3b: {  	v3 =	vld [tilespmem:$0x1B0]  }
0x3c: {  	v2 =	vld [tilespmem:$0x1C0]  }
0x3d: {  	v1 =	vld [tilespmem:$0x1D0]  }
0x3e: {  	s19 =	rddreg [dreg:$0x5];
	v0 =	vld [tilespmem:$0x1E0]  }
0x3f: {  	v31 =	vld [tilespmem:$0x1F0];
	[tilespmem:s24], [sflag:$0x1] =	stream.linear.gather [hbm4b:s19+s4], $0x2800, $0x38  }
0x40: {  	s20 =	rddreg [dreg:$0x6]  }
0x41: {  	[tilespmem:s25], [sflag:$0x2] =	stream.linear.gather [hbm4b:s20+s4], $0x2800, $0x38;
	[tilespmem:$0x19200] =	vst v63  }
0x42: {  	_ =	swait.ge [sflag:s26], $0x2800  }
0x43: {  	[sflag:s26] =	ssyncset.done $0x0  }
0x44: {  	s18 =	simm.s32 $0x0;
	[sflag:s26] =	ssyncadd.s32 $0xFFFFD800  }
0x45: {  	v32 =	vld [tilespmem:s18+$0x270]  }
0x46: {  	v33 =	vld [tilespmem:s18+$0x200]  }
0x47: {  	v34 =	vld [tilespmem:s18+$0x210]  }
0x48: {  	v35 =	vld [tilespmem:s18+$0x220]  }
0x49: {  	v36 =	vld [tilespmem:s18+$0x230]  }
0x4a: {  	v39 =	vld [tilespmem:s18+$0x240];
	v37 =	vadd.f32 v32, v31  }
0x4b: {  	v40 =	vld [tilespmem:s18+$0x250];
	v38 =	vadd.f32 v33, v30  }
0x4c: {  	v41 =	vld [tilespmem:s18+$0x260];
	v42 =	vadd.f32 v34, v29;
	[tilespmem:s18+$0xCA70] =	vst v37  }
0x4d: {  	v44 =	vadd.f32 v35, v28;
	[tilespmem:s18+$0x5200] =	vst v38  }
0x4e: {  	v45 =	vadd.f32 v36, v27;
	[tilespmem:s18+$0x5210] =	vst v42  }
0x4f: {  	v46 =	vadd.f32 v39, v26;
	[tilespmem:s18+$0x5220] =	vst v44  }
0x50: {  	v47 =	vadd.f32 v40, v25;
	[tilespmem:s18+$0x5230] =	vst v45  }
0x51: {  	v48 =	vadd.f32 v41, v23;
	[tilespmem:s18+$0x5240] =	vst v46  }
0x52: {  	v49 =	vadd.f32 v32, v24;
	[tilespmem:s18+$0x5250] =	vst v47  }
0x53: {  	v50 =	vadd.f32 v33, v22;
	[tilespmem:s18+$0x5260] =	vst v48  }
0x54: {  	v51 =	vadd.f32 v34, v21;
	[tilespmem:s18+$0x5270] =	vst v49  }
0x55: {  	v52 =	vadd.f32 v35, v20;
	[tilespmem:s18+$0x7A00] =	vst v50  }
0x56: {  	v53 =	vadd.f32 v36, v19;
	[tilespmem:s18+$0x7A10] =	vst v51  }
0x57: {  	v54 =	vadd.f32 v39, v18;
	[tilespmem:s18+$0x7A20] =	vst v52  }
0x58: {  	v55 =	vadd.f32 v40, v17;
	[tilespmem:s18+$0x7A30] =	vst v53  }
0x59: {  	v56 =	vadd.f32 v41, v16;
	[tilespmem:s18+$0x7A40] =	vst v54  }
0x5a: {  	v57 =	vadd.f32 v32, v15;
	[tilespmem:s18+$0x7A50] =	vst v55  }
0x5b: {  	v58 =	vadd.f32 v33, v14;
	[tilespmem:s18+$0x7A60] =	vst v56  }
0x5c: {  	v59 =	vadd.f32 v34, v13;
	[tilespmem:s18+$0x7A70] =	vst v57  }
0x5d: {  	v60 =	vadd.f32 v35, v12;
	[tilespmem:s18+$0xA200] =	vst v58  }
0x5e: {  	v61 =	vadd.f32 v36, v11;
	[tilespmem:s18+$0xA210] =	vst v59  }
0x5f: {  	v62 =	vadd.f32 v39, v10;
	[tilespmem:s18+$0xA220] =	vst v60  }
0x60: {  	v43 =	vadd.f32 v40, v9;
	v63 =	vadd.f32 v32, v7;
	[tilespmem:s18+$0xA230] =	vst v61  }
0x61: {  	v35 =	vadd.f32 v35, v4;
	v36 =	vadd.f32 v36, v3;
	[tilespmem:s18+$0xA240] =	vst v62  }
0x62: {  	v32 =	vadd.f32 v41, v0;
	v44 =	vadd.f32 v41, v8;
	[tilespmem:s18+$0xA250] =	vst v43  }
0x63: {  	v37 =	vadd.f32 v33, v6;
	v38 =	vadd.f32 v34, v5;
	[tilespmem:s18+$0xA270] =	vst v63  }
0x64: {  	s7 =	simm.s32 $0x400;
	s6 =	simm.s32 $0x80;
	v34 =	vadd.f32 v39, v2;
	v33 =	vadd.f32 v40, v1;
	[tilespmem:s18+$0xA260] =	vst v44  }
.LBB2_2:
0x65: {  	p1 =	sne.s32 s7, $0x9E00;
	v39 =	vld [tilespmem:s6+$0x270];
	[tilespmem:s18+$0xCA00] =	vst v37  }
0x66: {  	v37 =	vld [tilespmem:s6+$0x200];
	[tilespmem:s18+$0xCA10] =	vst v38  }
0x67: {  	v38 =	vld [tilespmem:s6+$0x210];
	[tilespmem:s18+$0xCA20] =	vst v35  }
0x68: {  	v35 =	vld [tilespmem:s6+$0x220];
	[tilespmem:s18+$0xCA30] =	vst v36  }
0x69: {  	v36 =	vld [tilespmem:s6+$0x230];
	[tilespmem:s18+$0xCA40] =	vst v34  }
0x6a: {  	v34 =	vld [tilespmem:s6+$0x240];
	v40 =	vadd.f32 v39, v24;
	v41 =	vadd.f32 v39, v31;
	[tilespmem:s18+$0xCA50] =	vst v33  }
0x6b: {  	v33 =	vld [tilespmem:s6+$0x250];
	v42 =	vadd.f32 v37, v30;
	v43 =	vadd.f32 v37, v22;
	[tilespmem:s18+$0xCA60] =	vst v32;
	s18 =	smov.u32 s6  }
0x6c: {  	v32 =	vld [tilespmem:s18+$0x260];
	v44 =	vadd.f32 v38, v29;
	v45 =	vadd.f32 v38, v21;
	[tilespmem:s18+$0xCA70] =	vst v41  }
0x6d: {  	[tilespmem:s18+$0x5200] =	vst v42;
	v41 =	vadd.f32 v35, v28;
	v42 =	vadd.f32 v35, v20  }
0x6e: {  	[tilespmem:s18+$0x5210] =	vst v44;
	v44 =	vadd.f32 v36, v27;
	v46 =	vadd.f32 v36, v19  }
0x6f: {  	[tilespmem:s18+$0x5220] =	vst v41;
	v41 =	vadd.f32 v34, v26;
	v47 =	vadd.f32 v34, v18  }
0x70: {  	[tilespmem:s18+$0x5230] =	vst v44;
	v44 =	vadd.f32 v33, v25;
	v48 =	vadd.f32 v33, v17  }
0x71: {  	[tilespmem:s18+$0x5240] =	vst v41;
	v41 =	vadd.f32 v32, v23;
	v49 =	vadd.f32 v32, v16  }
0x72: {  	v50 =	vadd.f32 v37, v14;
	[tilespmem:s18+$0x5250] =	vst v44;
	v44 =	vadd.f32 v39, v15  }
0x73: {  	v51 =	vadd.f32 v35, v12;
	[tilespmem:s18+$0x5260] =	vst v41;
	v41 =	vadd.f32 v38, v13  }
0x74: {  	v52 =	vadd.f32 v34, v10;
	[tilespmem:s18+$0x5270] =	vst v40;
	v40 =	vadd.f32 v36, v11  }
0x75: {  	v53 =	vadd.f32 v32, v8;
	[tilespmem:s18+$0x7A00] =	vst v43;
	v43 =	vadd.f32 v33, v9  }
0x76: {  	v37 =	vadd.f32 v37, v6;
	v39 =	vadd.f32 v39, v7;
	[tilespmem:s18+$0x7A10] =	vst v45  }
0x77: {  	v35 =	vadd.f32 v35, v4;
	v38 =	vadd.f32 v38, v5;
	[tilespmem:s18+$0x7A20] =	vst v42  }
0x78: {  	v34 =	vadd.f32 v34, v2;
	v36 =	vadd.f32 v36, v3;
	[tilespmem:s18+$0x7A30] =	vst v46  }
0x79: {  	v32 =	vadd.f32 v32, v0;
	v33 =	vadd.f32 v33, v1;
	[tilespmem:s18+$0x7A40] =	vst v47  }
0x7a: {  	[tilespmem:s18+$0x7A50] =	vst v48  }
0x7b: {  	[tilespmem:s18+$0x7A60] =	vst v49  }
0x7c: {  	[tilespmem:s18+$0x7A70] =	vst v44  }
0x7d: {  	[tilespmem:s18+$0xA200] =	vst v50  }
0x7e: {  	[tilespmem:s18+$0xA210] =	vst v41  }
0x7f: {  	[tilespmem:s18+$0xA220] =	vst v51  }
.Ltmp2:
0x80: {  	[tilespmem:s18+$0xA230] =	vst v40;
	(pc) =	sbr.rel @p1 .LBB2_2-.Ltmp2, $4  }
0x81: {  	[tilespmem:s18+$0xA240] =	vst v52  }
0x82: {  	[tilespmem:s18+$0xA250] =	vst v43  }
0x83: {  	[tilespmem:s18+$0xA260] =	vst v53  }
0x84: {  	s6 =	sshra.s32 s7, $0x2;
	s7 =	sadd.s32 $0x200, s7;
	[tilespmem:s18+$0xA270] =	vst v39  }
0x85: {  	v39 =	vld [tilespmem:s6+$0x270];
	[tilespmem:s18+$0xCA00] =	vst v37  }
0x86: {  	v37 =	vld [tilespmem:s6+$0x200];
	[tilespmem:s18+$0xCA10] =	vst v38  }
0x87: {  	v38 =	vld [tilespmem:s6+$0x210];
	[tilespmem:s18+$0xCA20] =	vst v35  }
0x88: {  	v35 =	vld [tilespmem:s6+$0x220];
	[tilespmem:s18+$0xCA30] =	vst v36  }
0x89: {  	v36 =	vld [tilespmem:s6+$0x230];
	[tilespmem:s18+$0xCA40] =	vst v34  }
0x8a: {  	v34 =	vld [tilespmem:s6+$0x240];
	[tilespmem:s18+$0xCA50] =	vst v33;
	v40 =	vadd.f32 v39, v31  }
0x8b: {  	v60 =	vadd.f32 v39, v24;
	v33 =	vld [tilespmem:s6+$0x250];
	[tilespmem:s18+$0xCA60] =	vst v32  }
0x8c: {  	v49 =	vadd.f32 v39, v15;
	[tilespmem:s6+$0xCA70] =	vst v40  }
0x8d: {  	v39 =	vadd.f32 v39, v7;
	[tilespmem:s6+$0x5270] =	vst v60  }
0x8e: {  	v54 =	vadd.f32 v37, v30;
	[tilespmem:s6+$0x7A70] =	vst v49  }
0x8f: {  	v61 =	vadd.f32 v37, v22;
	[tilespmem:s6+$0xA270] =	vst v39  }
0x90: {  	v50 =	vadd.f32 v37, v14;
	[tilespmem:s6+$0x5200] =	vst v54  }
0x91: {  	v42 =	vadd.f32 v38, v29;
	[tilespmem:s6+$0x7A00] =	vst v61  }
0x92: {  	v62 =	vadd.f32 v38, v21;
	[tilespmem:s6+$0xA200] =	vst v50  }
0x93: {  	v51 =	vadd.f32 v38, v13;
	[tilespmem:s6+$0x5210] =	vst v42  }
0x94: {  	v55 =	vadd.f32 v35, v28;
	[tilespmem:s6+$0x7A10] =	vst v62  }
0x95: {  	v63 =	vadd.f32 v35, v20;
	[tilespmem:s6+$0xA210] =	vst v51  }
0x96: {  	v52 =	vadd.f32 v35, v12;
	[tilespmem:s6+$0x5220] =	vst v55  }
0x97: {  	v35 =	vadd.f32 v35, v4;
	[tilespmem:s6+$0x7A20] =	vst v63  }
0x98: {  	v56 =	vadd.f32 v36, v27;
	[tilespmem:s6+$0xA220] =	vst v52  }
0x99: {  	v45 =	vadd.f32 v36, v19;
	[tilespmem:s6+$0xCA20] =	vst v35  }
0x9a: {  	v53 =	vadd.f32 v36, v11;
	[tilespmem:s6+$0x5230] =	vst v56  }
0x9b: {  	v57 =	vadd.f32 v34, v26;
	[tilespmem:s6+$0x7A30] =	vst v45  }
0x9c: {  	v46 =	vadd.f32 v34, v18;
	[tilespmem:s6+$0xA230] =	vst v53  }
0x9d: {  	v54 =	vadd.f32 v34, v10;
	[tilespmem:s6+$0x5240] =	vst v57  }
0x9e: {  	v41 =	vld [tilespmem:s6+$0x260];
	v34 =	vadd.f32 v34, v2;
	[tilespmem:s6+$0x7A40] =	vst v46  }
0x9f: {  	v58 =	vadd.f32 v33, v25;
	[tilespmem:s6+$0xA240] =	vst v54  }
0xa0: {  	v47 =	vadd.f32 v33, v17;
	[tilespmem:s6+$0xCA40] =	vst v34  }
0xa1: {  	v55 =	vadd.f32 v33, v9;
	[tilespmem:s6+$0x5250] =	vst v58  }
0xa2: {  	v33 =	vadd.f32 v33, v1;
	[tilespmem:s6+$0x7A50] =	vst v47  }
0xa3: {  	v59 =	vadd.f32 v41, v23;
	[tilespmem:s6+$0xA250] =	vst v55  }
0xa4: {  	v48 =	vadd.f32 v41, v16;
	[tilespmem:s6+$0xCA50] =	vst v33  }
0xa5: {  	v56 =	vadd.f32 v41, v8;
	[tilespmem:s6+$0x5260] =	vst v59  }
0xa6: {  	v57 =	vadd.f32 v37, v6;
	[tilespmem:s6+$0x7A60] =	vst v48  }
0xa7: {  	v60 =	vadd.f32 v41, v0;
	[tilespmem:s6+$0xA260] =	vst v56  }
0xa8: {  	v58 =	vadd.f32 v38, v5;
	[tilespmem:s6+$0xCA00] =	vst v57  }
0xa9: {  	v59 =	vadd.f32 v36, v3;
	[tilespmem:s6+$0xCA60] =	vst v60  }
0xaa: {  	[tilespmem:s6+$0xCA10] =	vst v58  }
0xab: {  	[tilespmem:s6+$0xCA30] =	vst v59  }
0xac: {  	[hbm4b:s9+s28] =	stream.strided.scatter [tilespmem:s30], [sflag:$0x3], $0xA000, s29, s28, $0x38;
	[tilespmem:$0x19200] =	vst v63  }
0xad: {  	s20 =	simm.s32 $0x0  }
0xae: {  	[tilespmem:s24], [sflag:$0x1] =	stream.linear.gather [hbm4b:s10+s20], $0x2800, $0x38;
	[tilespmem:$0x19200] =	vst v63  }
0xaf: {  	_ =	swait.ge [sflag:s31], $0x2800  }
0xb0: {  	[sflag:s31] =	ssyncset.done $0x0  }
0xb1: {  	s18 =	simm.s32 $0x0;
	[sflag:s31] =	ssyncadd.s32 $0xFFFFD800  }
0xb2: {  	v32 =	vld [tilespmem:s18+$0x2A70]  }
0xb3: {  	v33 =	vld [tilespmem:s18+$0x2A00]  }
0xb4: {  	v34 =	vld [tilespmem:s18+$0x2A10]  }
0xb5: {  	v35 =	vld [tilespmem:s18+$0x2A20]  }
0xb6: {  	v36 =	vld [tilespmem:s18+$0x2A30]  }
0xb7: {  	v39 =	vld [tilespmem:s18+$0x2A40];
	v61 =	vadd.f32 v32, v31  }
0xb8: {  	v40 =	vld [tilespmem:s18+$0x2A50];
	v62 =	vadd.f32 v33, v30  }
0xb9: {  	v41 =	vld [tilespmem:s18+$0x2A60];
	v63 =	vadd.f32 v34, v29;
	[tilespmem:s18+$0x16A70] =	vst v61  }
0xba: {  	v44 =	vadd.f32 v35, v28;
	[tilespmem:s18+$0xF200] =	vst v62  }
0xbb: {  	v45 =	vadd.f32 v36, v27;
	[tilespmem:s18+$0xF210] =	vst v63  }
0xbc: {  	v46 =	vadd.f32 v39, v26;
	[tilespmem:s18+$0xF220] =	vst v44  }
0xbd: {  	v47 =	vadd.f32 v40, v25;
	[tilespmem:s18+$0xF230] =	vst v45  }
0xbe: {  	v48 =	vadd.f32 v41, v23;
	[tilespmem:s18+$0xF240] =	vst v46  }
0xbf: {  	v49 =	vadd.f32 v32, v24;
	[tilespmem:s18+$0xF250] =	vst v47  }
0xc0: {  	v50 =	vadd.f32 v33, v22;
	[tilespmem:s18+$0xF260] =	vst v48  }
0xc1: {  	v51 =	vadd.f32 v34, v21;
	[tilespmem:s18+$0xF270] =	vst v49  }
0xc2: {  	v52 =	vadd.f32 v35, v20;
	[tilespmem:s18+$0x11A00] =	vst v50  }
0xc3: {  	v53 =	vadd.f32 v36, v19;
	[tilespmem:s18+$0x11A10] =	vst v51  }
0xc4: {  	v54 =	vadd.f32 v39, v18;
	[tilespmem:s18+$0x11A20] =	vst v52  }
0xc5: {  	v55 =	vadd.f32 v40, v17;
	[tilespmem:s18+$0x11A30] =	vst v53  }
0xc6: {  	v56 =	vadd.f32 v41, v16;
	[tilespmem:s18+$0x11A40] =	vst v54  }
0xc7: {  	v57 =	vadd.f32 v32, v15;
	[tilespmem:s18+$0x11A50] =	vst v55  }
0xc8: {  	v58 =	vadd.f32 v33, v14;
	[tilespmem:s18+$0x11A60] =	vst v56  }
0xc9: {  	v59 =	vadd.f32 v34, v13;
	[tilespmem:s18+$0x11A70] =	vst v57  }
0xca: {  	v60 =	vadd.f32 v35, v12;
	[tilespmem:s18+$0x14200] =	vst v58  }
0xcb: {  	v43 =	vadd.f32 v40, v9;
	[tilespmem:s18+$0x14210] =	vst v59  }
0xcc: {  	v61 =	vadd.f32 v36, v11;
	[tilespmem:s18+$0x14220] =	vst v60  }
0xcd: {  	v37 =	vadd.f32 v33, v6;
	v62 =	vadd.f32 v39, v10;
	[tilespmem:s18+$0x14250] =	vst v43  }
0xce: {  	v38 =	vadd.f32 v34, v5;
	v44 =	vadd.f32 v41, v8;
	[tilespmem:s18+$0x14230] =	vst v61  }
0xcf: {  	v35 =	vadd.f32 v35, v4;
	v63 =	vadd.f32 v32, v7;
	[tilespmem:s18+$0x14240] =	vst v62  }
0xd0: {  	v34 =	vadd.f32 v39, v2;
	v33 =	vadd.f32 v40, v1;
	[tilespmem:s18+$0x14260] =	vst v44  }
0xd1: {  	s7 =	simm.s32 $0x400;
	s6 =	simm.s32 $0x80;
	v36 =	vadd.f32 v36, v3;
	v32 =	vadd.f32 v41, v0;
	[tilespmem:s18+$0x14270] =	vst v63  }
.LBB2_4:
0xd2: {  	p1 =	sne.s32 s7, $0x9E00;
	v39 =	vld [tilespmem:s6+$0x2A70];
	[tilespmem:s18+$0x16A00] =	vst v37  }
0xd3: {  	v37 =	vld [tilespmem:s6+$0x2A00];
	[tilespmem:s18+$0x16A10] =	vst v38  }
0xd4: {  	v38 =	vld [tilespmem:s6+$0x2A10];
	[tilespmem:s18+$0x16A20] =	vst v35  }
0xd5: {  	v35 =	vld [tilespmem:s6+$0x2A20];
	[tilespmem:s18+$0x16A30] =	vst v36  }
0xd6: {  	v36 =	vld [tilespmem:s6+$0x2A30];
	[tilespmem:s18+$0x16A40] =	vst v34  }
0xd7: {  	v34 =	vld [tilespmem:s6+$0x2A40];
	v40 =	vadd.f32 v39, v24;
	v41 =	vadd.f32 v39, v31;
	[tilespmem:s18+$0x16A50] =	vst v33  }
0xd8: {  	v33 =	vld [tilespmem:s6+$0x2A50];
	v42 =	vadd.f32 v37, v30;
	v43 =	vadd.f32 v37, v22;
	[tilespmem:s18+$0x16A60] =	vst v32;
	s18 =	smov.u32 s6  }
0xd9: {  	v32 =	vld [tilespmem:s18+$0x2A60];
	v44 =	vadd.f32 v38, v29;
	v45 =	vadd.f32 v38, v21;
	[tilespmem:s18+$0x16A70] =	vst v41  }
0xda: {  	[tilespmem:s18+$0xF200] =	vst v42;
	v41 =	vadd.f32 v35, v28;
	v42 =	vadd.f32 v35, v20  }
0xdb: {  	[tilespmem:s18+$0xF210] =	vst v44;
	v44 =	vadd.f32 v36, v27;
	v46 =	vadd.f32 v36, v19  }
0xdc: {  	[tilespmem:s18+$0xF220] =	vst v41;
	v41 =	vadd.f32 v34, v26;
	v47 =	vadd.f32 v34, v18  }
0xdd: {  	[tilespmem:s18+$0xF230] =	vst v44;
	v44 =	vadd.f32 v33, v25;
	v48 =	vadd.f32 v33, v17  }
0xde: {  	[tilespmem:s18+$0xF240] =	vst v41;
	v41 =	vadd.f32 v32, v23;
	v49 =	vadd.f32 v32, v16  }
0xdf: {  	v50 =	vadd.f32 v37, v14;
	[tilespmem:s18+$0xF250] =	vst v44;
	v44 =	vadd.f32 v39, v15  }
0xe0: {  	v51 =	vadd.f32 v35, v12;
	[tilespmem:s18+$0xF260] =	vst v41;
	v41 =	vadd.f32 v38, v13  }
0xe1: {  	v52 =	vadd.f32 v34, v10;
	[tilespmem:s18+$0xF270] =	vst v40;
	v40 =	vadd.f32 v36, v11  }
0xe2: {  	v53 =	vadd.f32 v32, v8;
	[tilespmem:s18+$0x11A00] =	vst v43;
	v43 =	vadd.f32 v33, v9  }
0xe3: {  	v37 =	vadd.f32 v37, v6;
	v39 =	vadd.f32 v39, v7;
	[tilespmem:s18+$0x11A10] =	vst v45  }
0xe4: {  	v35 =	vadd.f32 v35, v4;
	v38 =	vadd.f32 v38, v5;
	[tilespmem:s18+$0x11A20] =	vst v42  }
0xe5: {  	v34 =	vadd.f32 v34, v2;
	v36 =	vadd.f32 v36, v3;
	[tilespmem:s18+$0x11A30] =	vst v46  }
0xe6: {  	v32 =	vadd.f32 v32, v0;
	v33 =	vadd.f32 v33, v1;
	[tilespmem:s18+$0x11A40] =	vst v47  }
0xe7: {  	[tilespmem:s18+$0x11A50] =	vst v48  }
0xe8: {  	[tilespmem:s18+$0x11A60] =	vst v49  }
0xe9: {  	[tilespmem:s18+$0x11A70] =	vst v44  }
0xea: {  	[tilespmem:s18+$0x14200] =	vst v50  }
0xeb: {  	[tilespmem:s18+$0x14210] =	vst v41  }
0xec: {  	[tilespmem:s18+$0x14220] =	vst v51  }
.Ltmp3:
0xed: {  	[tilespmem:s18+$0x14230] =	vst v40;
	(pc) =	sbr.rel @p1 .LBB2_4-.Ltmp3, $4  }
0xee: {  	[tilespmem:s18+$0x14240] =	vst v52  }
0xef: {  	[tilespmem:s18+$0x14250] =	vst v43  }
0xf0: {  	[tilespmem:s18+$0x14260] =	vst v53  }
0xf1: {  	s6 =	sshra.s32 s7, $0x2;
	s7 =	sadd.s32 $0x200, s7;
	[tilespmem:s18+$0x14270] =	vst v39  }
0xf2: {  	v39 =	vld [tilespmem:s6+$0x2A70];
	[tilespmem:s18+$0x16A00] =	vst v37  }
0xf3: {  	v37 =	vld [tilespmem:s6+$0x2A00];
	[tilespmem:s18+$0x16A10] =	vst v38  }
0xf4: {  	v38 =	vld [tilespmem:s6+$0x2A10];
	[tilespmem:s18+$0x16A20] =	vst v35  }
0xf5: {  	v35 =	vld [tilespmem:s6+$0x2A20];
	[tilespmem:s18+$0x16A30] =	vst v36  }
0xf6: {  	v36 =	vld [tilespmem:s6+$0x2A30];
	[tilespmem:s18+$0x16A40] =	vst v34  }
0xf7: {  	v34 =	vld [tilespmem:s6+$0x2A40];
	[tilespmem:s18+$0x16A50] =	vst v33;
	v40 =	vadd.f32 v39, v31  }
0xf8: {  	v63 =	vadd.f32 v39, v24;
	v33 =	vld [tilespmem:s6+$0x2A50];
	[tilespmem:s18+$0x16A60] =	vst v32  }
0xf9: {  	v52 =	vadd.f32 v39, v15;
	[tilespmem:s6+$0x16A70] =	vst v40  }
0xfa: {  	v39 =	vadd.f32 v39, v7;
	[tilespmem:s6+$0xF270] =	vst v63  }
0xfb: {  	v57 =	vadd.f32 v37, v30;
	[tilespmem:s6+$0x11A70] =	vst v52  }
0xfc: {  	v45 =	vadd.f32 v37, v22;
	[tilespmem:s6+$0x14270] =	vst v39  }
0xfd: {  	v53 =	vadd.f32 v37, v14;
	[tilespmem:s6+$0xF200] =	vst v57  }
0xfe: {  	v42 =	vadd.f32 v38, v29;
	[tilespmem:s6+$0x11A00] =	vst v45  }
0xff: {  	v46 =	vadd.f32 v38, v21;
	[tilespmem:s6+$0x14200] =	vst v53  }
0x100: {  	v54 =	vadd.f32 v38, v13;
	[tilespmem:s6+$0xF210] =	vst v42  }
0x101: {  	v58 =	vadd.f32 v35, v28;
	[tilespmem:s6+$0x11A10] =	vst v46  }
0x102: {  	v47 =	vadd.f32 v35, v20;
	[tilespmem:s6+$0x14210] =	vst v54  }
0x103: {  	v55 =	vadd.f32 v35, v12;
	[tilespmem:s6+$0xF220] =	vst v58  }
0x104: {  	v35 =	vadd.f32 v35, v4;
	[tilespmem:s6+$0x11A20] =	vst v47  }
0x105: {  	v59 =	vadd.f32 v36, v27;
	[tilespmem:s6+$0x14220] =	vst v55  }
0x106: {  	v48 =	vadd.f32 v36, v19;
	[tilespmem:s6+$0x16A20] =	vst v35  }
0x107: {  	v56 =	vadd.f32 v36, v11;
	[tilespmem:s6+$0xF230] =	vst v59  }
0x108: {  	v60 =	vadd.f32 v34, v26;
	[tilespmem:s6+$0x11A30] =	vst v48  }
0x109: {  	v49 =	vadd.f32 v34, v18;
	[tilespmem:s6+$0x14230] =	vst v56  }
0x10a: {  	v57 =	vadd.f32 v34, v10;
	[tilespmem:s6+$0xF240] =	vst v60  }
0x10b: {  	v41 =	vld [tilespmem:s6+$0x2A60];
	v34 =	vadd.f32 v34, v2;
	[tilespmem:s6+$0x11A40] =	vst v49  }
0x10c: {  	v61 =	vadd.f32 v33, v25;
	[tilespmem:s6+$0x14240] =	vst v57  }
0x10d: {  	v50 =	vadd.f32 v33, v17;
	[tilespmem:s6+$0x16A40] =	vst v34  }
0x10e: {  	v58 =	vadd.f32 v33, v9;
	[tilespmem:s6+$0xF250] =	vst v61  }
0x10f: {  	v33 =	vadd.f32 v33, v1;
	[tilespmem:s6+$0x11A50] =	vst v50  }
0x110: {  	v62 =	vadd.f32 v41, v23;
	[tilespmem:s6+$0x14250] =	vst v58  }
0x111: {  	v51 =	vadd.f32 v41, v16;
	[tilespmem:s6+$0x16A50] =	vst v33  }
0x112: {  	v59 =	vadd.f32 v41, v8;
	[tilespmem:s6+$0xF260] =	vst v62  }
0x113: {  	v60 =	vadd.f32 v37, v6;
	[tilespmem:s6+$0x11A60] =	vst v51  }
0x114: {  	v63 =	vadd.f32 v41, v0;
	[tilespmem:s6+$0x14260] =	vst v59  }
0x115: {  	v61 =	vadd.f32 v38, v5;
	[tilespmem:s6+$0x16A00] =	vst v60  }
0x116: {  	v62 =	vadd.f32 v36, v3;
	[tilespmem:s6+$0x16A60] =	vst v63  }
0x117: {  	[tilespmem:s6+$0x16A10] =	vst v61  }
0x118: {  	[tilespmem:s6+$0x16A30] =	vst v62  }
0x119: {  	[hbm4b:s11+s28] =	stream.strided.scatter [tilespmem:s2], [sflag:$0x4], $0xA000, s29, s28, $0x38;
	[tilespmem:$0x19200] =	vst v63  }
0x11a: {  	s18 =	simm.s32 $0x1  }
0x11b: {  	[tilespmem:s25], [sflag:$0x2] =	stream.linear.gather [hbm4b:s12+s4], $0x2800, $0x38;
	[tilespmem:$0x19200] =	vst v63  }
.LBB2_6:
0x11c: {  	_ =	swait.ge [sflag:s26], $0x2800  }
0x11d: {  	[sflag:s26] =	ssyncset.done $0x0  }
0x11e: {  	[sflag:s26] =	ssyncadd.s32 $0xFFFFD800  }
0x11f: {  	_ =	swait.ge [sflag:s0], $0xA000  }
0x120: {  	[sflag:s0] =	ssyncset.done $0x0  }
0x121: {  	s19 =	simm.s32 $0x0;
	[sflag:s0] =	ssyncadd.s32 $0xFFFF6000  }
0x122: {  	v32 =	vld [tilespmem:s19+$0x270]  }
0x123: {  	v33 =	vld [tilespmem:s19+$0x200]  }
0x124: {  	v34 =	vld [tilespmem:s19+$0x210]  }
0x125: {  	v35 =	vld [tilespmem:s19+$0x220]  }
0x126: {  	v36 =	vld [tilespmem:s19+$0x230]  }
0x127: {  	v39 =	vld [tilespmem:s19+$0x240];
	v37 =	vadd.f32 v32, v31  }
0x128: {  	v40 =	vld [tilespmem:s19+$0x250];
	v38 =	vadd.f32 v33, v30  }
0x129: {  	v41 =	vld [tilespmem:s19+$0x260];
	v42 =	vadd.f32 v34, v29;
	[tilespmem:s19+$0xCA70] =	vst v37  }
0x12a: {  	v44 =	vadd.f32 v35, v28;
	[tilespmem:s19+$0x5200] =	vst v38  }
0x12b: {  	v45 =	vadd.f32 v36, v27;
	[tilespmem:s19+$0x5210] =	vst v42  }
0x12c: {  	v46 =	vadd.f32 v39, v26;
	[tilespmem:s19+$0x5220] =	vst v44  }
0x12d: {  	v47 =	vadd.f32 v40, v25;
	[tilespmem:s19+$0x5230] =	vst v45  }
0x12e: {  	v48 =	vadd.f32 v41, v23;
	[tilespmem:s19+$0x5240] =	vst v46  }
0x12f: {  	v49 =	vadd.f32 v32, v24;
	[tilespmem:s19+$0x5250] =	vst v47  }
0x130: {  	v50 =	vadd.f32 v33, v22;
	[tilespmem:s19+$0x5260] =	vst v48  }
0x131: {  	v51 =	vadd.f32 v34, v21;
	[tilespmem:s19+$0x5270] =	vst v49  }
0x132: {  	v52 =	vadd.f32 v35, v20;
	[tilespmem:s19+$0x7A00] =	vst v50  }
0x133: {  	v53 =	vadd.f32 v36, v19;
	[tilespmem:s19+$0x7A10] =	vst v51  }
0x134: {  	v54 =	vadd.f32 v39, v18;
	[tilespmem:s19+$0x7A20] =	vst v52  }
0x135: {  	v55 =	vadd.f32 v40, v17;
	[tilespmem:s19+$0x7A30] =	vst v53  }
0x136: {  	v56 =	vadd.f32 v41, v16;
	[tilespmem:s19+$0x7A40] =	vst v54  }
0x137: {  	v57 =	vadd.f32 v32, v15;
	[tilespmem:s19+$0x7A50] =	vst v55  }
0x138: {  	v58 =	vadd.f32 v33, v14;
	[tilespmem:s19+$0x7A60] =	vst v56  }
0x139: {  	v59 =	vadd.f32 v34, v13;
	[tilespmem:s19+$0x7A70] =	vst v57  }
0x13a: {  	v60 =	vadd.f32 v35, v12;
	[tilespmem:s19+$0xA200] =	vst v58  }
0x13b: {  	v61 =	vadd.f32 v36, v11;
	[tilespmem:s19+$0xA210] =	vst v59  }
0x13c: {  	v62 =	vadd.f32 v39, v10;
	[tilespmem:s19+$0xA220] =	vst v60  }
0x13d: {  	v43 =	vadd.f32 v40, v9;
	v63 =	vadd.f32 v32, v7;
	[tilespmem:s19+$0xA230] =	vst v61  }
0x13e: {  	v35 =	vadd.f32 v35, v4;
	v36 =	vadd.f32 v36, v3;
	[tilespmem:s19+$0xA240] =	vst v62  }
0x13f: {  	v32 =	vadd.f32 v41, v0;
	v44 =	vadd.f32 v41, v8;
	[tilespmem:s19+$0xA250] =	vst v43  }
0x140: {  	v37 =	vadd.f32 v33, v6;
	v38 =	vadd.f32 v34, v5;
	[tilespmem:s19+$0xA270] =	vst v63  }
0x141: {  	s6 =	simm.s32 $0x80;
	s7 =	simm.s32 $0x400;
	v34 =	vadd.f32 v39, v2;
	v33 =	vadd.f32 v40, v1;
	[tilespmem:s19+$0xA260] =	vst v44  }
.LBB2_7:
0x142: {  	p1 =	sne.s32 s7, $0x9E00;
	v39 =	vld [tilespmem:s6+$0x270];
	[tilespmem:s19+$0xCA00] =	vst v37  }
0x143: {  	v37 =	vld [tilespmem:s6+$0x200];
	[tilespmem:s19+$0xCA10] =	vst v38  }
0x144: {  	v38 =	vld [tilespmem:s6+$0x210];
	[tilespmem:s19+$0xCA20] =	vst v35  }
0x145: {  	v35 =	vld [tilespmem:s6+$0x220];
	[tilespmem:s19+$0xCA30] =	vst v36  }
0x146: {  	v36 =	vld [tilespmem:s6+$0x230];
	[tilespmem:s19+$0xCA40] =	vst v34  }
0x147: {  	v34 =	vld [tilespmem:s6+$0x240];
	v40 =	vadd.f32 v39, v24;
	v41 =	vadd.f32 v39, v31;
	[tilespmem:s19+$0xCA50] =	vst v33  }
0x148: {  	v33 =	vld [tilespmem:s6+$0x250];
	v42 =	vadd.f32 v37, v30;
	v43 =	vadd.f32 v37, v22;
	[tilespmem:s19+$0xCA60] =	vst v32;
	s19 =	smov.u32 s6  }
0x149: {  	v32 =	vld [tilespmem:s19+$0x260];
	v44 =	vadd.f32 v38, v29;
	v45 =	vadd.f32 v38, v21;
	[tilespmem:s19+$0xCA70] =	vst v41  }
0x14a: {  	[tilespmem:s19+$0x5200] =	vst v42;
	v41 =	vadd.f32 v35, v28;
	v42 =	vadd.f32 v35, v20  }
0x14b: {  	[tilespmem:s19+$0x5210] =	vst v44;
	v44 =	vadd.f32 v36, v27;
	v46 =	vadd.f32 v36, v19  }
0x14c: {  	[tilespmem:s19+$0x5220] =	vst v41;
	v41 =	vadd.f32 v34, v26;
	v47 =	vadd.f32 v34, v18  }
0x14d: {  	[tilespmem:s19+$0x5230] =	vst v44;
	v44 =	vadd.f32 v33, v25;
	v48 =	vadd.f32 v33, v17  }
0x14e: {  	[tilespmem:s19+$0x5240] =	vst v41;
	v41 =	vadd.f32 v32, v23;
	v49 =	vadd.f32 v32, v16  }
0x14f: {  	v50 =	vadd.f32 v37, v14;
	[tilespmem:s19+$0x5250] =	vst v44;
	v44 =	vadd.f32 v39, v15  }
0x150: {  	v51 =	vadd.f32 v35, v12;
	[tilespmem:s19+$0x5260] =	vst v41;
	v41 =	vadd.f32 v38, v13  }
0x151: {  	v52 =	vadd.f32 v34, v10;
	[tilespmem:s19+$0x5270] =	vst v40;
	v40 =	vadd.f32 v36, v11  }
0x152: {  	v53 =	vadd.f32 v32, v8;
	[tilespmem:s19+$0x7A00] =	vst v43;
	v43 =	vadd.f32 v33, v9  }
0x153: {  	v37 =	vadd.f32 v37, v6;
	v39 =	vadd.f32 v39, v7;
	[tilespmem:s19+$0x7A10] =	vst v45  }
0x154: {  	v35 =	vadd.f32 v35, v4;
	v38 =	vadd.f32 v38, v5;
	[tilespmem:s19+$0x7A20] =	vst v42  }
0x155: {  	v34 =	vadd.f32 v34, v2;
	v36 =	vadd.f32 v36, v3;
	[tilespmem:s19+$0x7A30] =	vst v46  }
0x156: {  	v32 =	vadd.f32 v32, v0;
	v33 =	vadd.f32 v33, v1;
	[tilespmem:s19+$0x7A40] =	vst v47  }
0x157: {  	[tilespmem:s19+$0x7A50] =	vst v48  }
0x158: {  	[tilespmem:s19+$0x7A60] =	vst v49  }
0x159: {  	[tilespmem:s19+$0x7A70] =	vst v44  }
0x15a: {  	[tilespmem:s19+$0xA200] =	vst v50  }
0x15b: {  	[tilespmem:s19+$0xA210] =	vst v41  }
0x15c: {  	[tilespmem:s19+$0xA220] =	vst v51  }
.Ltmp4:
0x15d: {  	[tilespmem:s19+$0xA230] =	vst v40;
	(pc) =	sbr.rel @p1 .LBB2_7-.Ltmp4, $4  }
0x15e: {  	[tilespmem:s19+$0xA240] =	vst v52  }
0x15f: {  	[tilespmem:s19+$0xA250] =	vst v43  }
0x160: {  	[tilespmem:s19+$0xA260] =	vst v53  }
0x161: {  	s6 =	sshra.s32 s7, $0x2;
	s7 =	sadd.s32 $0x200, s7;
	[tilespmem:s19+$0xA270] =	vst v39  }
0x162: {  	v39 =	vld [tilespmem:s6+$0x270];
	[tilespmem:s19+$0xCA00] =	vst v37  }
0x163: {  	v37 =	vld [tilespmem:s6+$0x200];
	[tilespmem:s19+$0xCA10] =	vst v38  }
0x164: {  	v38 =	vld [tilespmem:s6+$0x210];
	[tilespmem:s19+$0xCA20] =	vst v35  }
0x165: {  	v35 =	vld [tilespmem:s6+$0x220];
	[tilespmem:s19+$0xCA30] =	vst v36  }
0x166: {  	v36 =	vld [tilespmem:s6+$0x230];
	[tilespmem:s19+$0xCA40] =	vst v34  }
0x167: {  	v34 =	vld [tilespmem:s6+$0x240];
	[tilespmem:s19+$0xCA50] =	vst v33;
	v40 =	vadd.f32 v39, v31  }
0x168: {  	v60 =	vadd.f32 v39, v24;
	v33 =	vld [tilespmem:s6+$0x250];
	[tilespmem:s19+$0xCA60] =	vst v32  }
0x169: {  	v49 =	vadd.f32 v39, v15;
	[tilespmem:s6+$0xCA70] =	vst v40  }
0x16a: {  	v39 =	vadd.f32 v39, v7;
	[tilespmem:s6+$0x5270] =	vst v60  }
0x16b: {  	v54 =	vadd.f32 v37, v30;
	[tilespmem:s6+$0x7A70] =	vst v49  }
0x16c: {  	v61 =	vadd.f32 v37, v22;
	[tilespmem:s6+$0xA270] =	vst v39  }
0x16d: {  	v50 =	vadd.f32 v37, v14;
	[tilespmem:s6+$0x5200] =	vst v54  }
0x16e: {  	v42 =	vadd.f32 v38, v29;
	[tilespmem:s6+$0x7A00] =	vst v61  }
0x16f: {  	v62 =	vadd.f32 v38, v21;
	[tilespmem:s6+$0xA200] =	vst v50  }
0x170: {  	v51 =	vadd.f32 v38, v13;
	[tilespmem:s6+$0x5210] =	vst v42  }
0x171: {  	v55 =	vadd.f32 v35, v28;
	[tilespmem:s6+$0x7A10] =	vst v62  }
0x172: {  	v63 =	vadd.f32 v35, v20;
	[tilespmem:s6+$0xA210] =	vst v51  }
0x173: {  	v52 =	vadd.f32 v35, v12;
	[tilespmem:s6+$0x5220] =	vst v55  }
0x174: {  	v35 =	vadd.f32 v35, v4;
	[tilespmem:s6+$0x7A20] =	vst v63  }
0x175: {  	v56 =	vadd.f32 v36, v27;
	[tilespmem:s6+$0xA220] =	vst v52  }
0x176: {  	v45 =	vadd.f32 v36, v19;
	[tilespmem:s6+$0xCA20] =	vst v35  }
0x177: {  	v53 =	vadd.f32 v36, v11;
	[tilespmem:s6+$0x5230] =	vst v56  }
0x178: {  	v57 =	vadd.f32 v34, v26;
	[tilespmem:s6+$0x7A30] =	vst v45  }
0x179: {  	v46 =	vadd.f32 v34, v18;
	[tilespmem:s6+$0xA230] =	vst v53  }
0x17a: {  	v54 =	vadd.f32 v34, v10;
	[tilespmem:s6+$0x5240] =	vst v57  }
0x17b: {  	v41 =	vld [tilespmem:s6+$0x260];
	v34 =	vadd.f32 v34, v2;
	[tilespmem:s6+$0x7A40] =	vst v46  }
0x17c: {  	v58 =	vadd.f32 v33, v25;
	[tilespmem:s6+$0xA240] =	vst v54  }
0x17d: {  	v47 =	vadd.f32 v33, v17;
	[tilespmem:s6+$0xCA40] =	vst v34  }
0x17e: {  	v55 =	vadd.f32 v33, v9;
	[tilespmem:s6+$0x5250] =	vst v58  }
0x17f: {  	v33 =	vadd.f32 v33, v1;
	[tilespmem:s6+$0x7A50] =	vst v47  }
0x180: {  	v59 =	vadd.f32 v41, v23;
	[tilespmem:s6+$0xA250] =	vst v55  }
0x181: {  	v48 =	vadd.f32 v41, v16;
	[tilespmem:s6+$0xCA50] =	vst v33  }
0x182: {  	v56 =	vadd.f32 v41, v8;
	[tilespmem:s6+$0x5260] =	vst v59  }
0x183: {  	v57 =	vadd.f32 v37, v6;
	[tilespmem:s6+$0x7A60] =	vst v48  }
0x184: {  	s19 =	sshll.u32 s18, $0x6;
	v60 =	vadd.f32 v41, v0;
	[tilespmem:s6+$0xA260] =	vst v56  }
0x185: {  	s7 =	sor.u32 s5, s19;
	v58 =	vadd.f32 v38, v5;
	[tilespmem:s6+$0xCA00] =	vst v57  }
0x186: {  	s20 =	smul.u32 $0x500, s7;
	v59 =	vadd.f32 v36, v3;
	[tilespmem:s6+$0xCA60] =	vst v60  }
0x187: {  	s7 =	sadd.s32 s13, s19;
	[tilespmem:s6+$0xCA10] =	vst v58  }
0x188: {  	s7 =	smul.u32 $0x500, s7;
	s8 =	sadd.s32 s3, s20;
	[tilespmem:s6+$0xCA30] =	vst v59  }
0x189: {  	[hbm4b:s8+s28] =	stream.strided.scatter [tilespmem:s30], [sflag:$0x3], $0xA000, s29, s28, $0x38;
	[tilespmem:$0x19200] =	vst v63  }
0x18a: {  	s7 =	sadd.s32 s1, s7;
	s8 =	simm.s32 $0x0  }
0x18b: {  	[tilespmem:s24], [sflag:$0x1] =	stream.linear.gather [hbm4b:s7+s8], $0x2800, $0x38;
	[tilespmem:$0x19200] =	vst v63  }
0x18c: {  	_ =	swait.ge [sflag:s31], $0x2800  }
0x18d: {  	[sflag:s31] =	ssyncset.done $0x0  }
0x18e: {  	[sflag:s31] =	ssyncadd.s32 $0xFFFFD800  }
0x18f: {  	_ =	swait.ge [sflag:s16], $0xA000  }
0x190: {  	[sflag:s16] =	ssyncset.done $0x0  }
0x191: {  	s6 =	simm.s32 $0x0;
	[sflag:s16] =	ssyncadd.s32 $0xFFFF6000  }
0x192: {  	v32 =	vld [tilespmem:s6+$0x2A70]  }
0x193: {  	v33 =	vld [tilespmem:s6+$0x2A00]  }
0x194: {  	v34 =	vld [tilespmem:s6+$0x2A10]  }
0x195: {  	v35 =	vld [tilespmem:s6+$0x2A20]  }
0x196: {  	v36 =	vld [tilespmem:s6+$0x2A30]  }
0x197: {  	v39 =	vld [tilespmem:s6+$0x2A40];
	v61 =	vadd.f32 v32, v31  }
0x198: {  	v40 =	vld [tilespmem:s6+$0x2A50];
	v62 =	vadd.f32 v33, v30  }
0x199: {  	v41 =	vld [tilespmem:s6+$0x2A60];
	v63 =	vadd.f32 v34, v29;
	[tilespmem:s6+$0x16A70] =	vst v61  }
0x19a: {  	v44 =	vadd.f32 v35, v28;
	[tilespmem:s6+$0xF200] =	vst v62  }
0x19b: {  	v45 =	vadd.f32 v36, v27;
	[tilespmem:s6+$0xF210] =	vst v63  }
0x19c: {  	v46 =	vadd.f32 v39, v26;
	[tilespmem:s6+$0xF220] =	vst v44  }
0x19d: {  	v47 =	vadd.f32 v40, v25;
	[tilespmem:s6+$0xF230] =	vst v45  }
0x19e: {  	v48 =	vadd.f32 v41, v23;
	[tilespmem:s6+$0xF240] =	vst v46  }
0x19f: {  	v49 =	vadd.f32 v32, v24;
	[tilespmem:s6+$0xF250] =	vst v47  }
0x1a0: {  	v50 =	vadd.f32 v33, v22;
	[tilespmem:s6+$0xF260] =	vst v48  }
0x1a1: {  	v51 =	vadd.f32 v34, v21;
	[tilespmem:s6+$0xF270] =	vst v49  }
0x1a2: {  	v52 =	vadd.f32 v35, v20;
	[tilespmem:s6+$0x11A00] =	vst v50  }
0x1a3: {  	v53 =	vadd.f32 v36, v19;
	[tilespmem:s6+$0x11A10] =	vst v51  }
0x1a4: {  	v54 =	vadd.f32 v39, v18;
	[tilespmem:s6+$0x11A20] =	vst v52  }
0x1a5: {  	v55 =	vadd.f32 v40, v17;
	[tilespmem:s6+$0x11A30] =	vst v53  }
0x1a6: {  	v56 =	vadd.f32 v41, v16;
	[tilespmem:s6+$0x11A40] =	vst v54  }
0x1a7: {  	v57 =	vadd.f32 v32, v15;
	[tilespmem:s6+$0x11A50] =	vst v55  }
0x1a8: {  	v58 =	vadd.f32 v33, v14;
	[tilespmem:s6+$0x11A60] =	vst v56  }
0x1a9: {  	v59 =	vadd.f32 v34, v13;
	[tilespmem:s6+$0x11A70] =	vst v57  }
0x1aa: {  	v60 =	vadd.f32 v35, v12;
	[tilespmem:s6+$0x14200] =	vst v58  }
0x1ab: {  	v43 =	vadd.f32 v40, v9;
	[tilespmem:s6+$0x14210] =	vst v59  }
0x1ac: {  	v61 =	vadd.f32 v36, v11;
	[tilespmem:s6+$0x14220] =	vst v60  }
0x1ad: {  	v37 =	vadd.f32 v33, v6;
	v62 =	vadd.f32 v39, v10;
	[tilespmem:s6+$0x14250] =	vst v43  }
0x1ae: {  	v38 =	vadd.f32 v34, v5;
	v44 =	vadd.f32 v41, v8;
	[tilespmem:s6+$0x14230] =	vst v61  }
0x1af: {  	v35 =	vadd.f32 v35, v4;
	v63 =	vadd.f32 v32, v7;
	[tilespmem:s6+$0x14240] =	vst v62  }
0x1b0: {  	v34 =	vadd.f32 v39, v2;
	v33 =	vadd.f32 v40, v1;
	[tilespmem:s6+$0x14260] =	vst v44  }
0x1b1: {  	s7 =	simm.s32 $0x80;
	s8 =	simm.s32 $0x400;
	v36 =	vadd.f32 v36, v3;
	v32 =	vadd.f32 v41, v0;
	[tilespmem:s6+$0x14270] =	vst v63  }
.LBB2_9:
0x1b2: {  	p1 =	sne.s32 s8, $0x9E00;
	v39 =	vld [tilespmem:s7+$0x2A70];
	[tilespmem:s6+$0x16A00] =	vst v37  }
0x1b3: {  	v37 =	vld [tilespmem:s7+$0x2A00];
	[tilespmem:s6+$0x16A10] =	vst v38  }
0x1b4: {  	v38 =	vld [tilespmem:s7+$0x2A10];
	[tilespmem:s6+$0x16A20] =	vst v35  }
0x1b5: {  	v35 =	vld [tilespmem:s7+$0x2A20];
	[tilespmem:s6+$0x16A30] =	vst v36  }
0x1b6: {  	v36 =	vld [tilespmem:s7+$0x2A30];
	[tilespmem:s6+$0x16A40] =	vst v34  }
0x1b7: {  	v34 =	vld [tilespmem:s7+$0x2A40];
	v40 =	vadd.f32 v39, v24;
	v41 =	vadd.f32 v39, v31;
	[tilespmem:s6+$0x16A50] =	vst v33  }
0x1b8: {  	v33 =	vld [tilespmem:s7+$0x2A50];
	v42 =	vadd.f32 v37, v30;
	v43 =	vadd.f32 v37, v22;
	[tilespmem:s6+$0x16A60] =	vst v32;
	s6 =	smov.u32 s7  }
0x1b9: {  	v32 =	vld [tilespmem:s6+$0x2A60];
	v44 =	vadd.f32 v38, v29;
	v45 =	vadd.f32 v38, v21;
	[tilespmem:s6+$0x16A70] =	vst v41  }
0x1ba: {  	[tilespmem:s6+$0xF200] =	vst v42;
	v41 =	vadd.f32 v35, v28;
	v42 =	vadd.f32 v35, v20  }
0x1bb: {  	[tilespmem:s6+$0xF210] =	vst v44;
	v44 =	vadd.f32 v36, v27;
	v46 =	vadd.f32 v36, v19  }
0x1bc: {  	[tilespmem:s6+$0xF220] =	vst v41;
	v41 =	vadd.f32 v34, v26;
	v47 =	vadd.f32 v34, v18  }
0x1bd: {  	[tilespmem:s6+$0xF230] =	vst v44;
	v44 =	vadd.f32 v33, v25;
	v48 =	vadd.f32 v33, v17  }
0x1be: {  	[tilespmem:s6+$0xF240] =	vst v41;
	v41 =	vadd.f32 v32, v23;
	v49 =	vadd.f32 v32, v16  }
0x1bf: {  	v50 =	vadd.f32 v37, v14;
	[tilespmem:s6+$0xF250] =	vst v44;
	v44 =	vadd.f32 v39, v15  }
0x1c0: {  	v51 =	vadd.f32 v35, v12;
	[tilespmem:s6+$0xF260] =	vst v41;
	v41 =	vadd.f32 v38, v13  }
0x1c1: {  	v52 =	vadd.f32 v34, v10;
	[tilespmem:s6+$0xF270] =	vst v40;
	v40 =	vadd.f32 v36, v11  }
0x1c2: {  	v53 =	vadd.f32 v32, v8;
	[tilespmem:s6+$0x11A00] =	vst v43;
	v43 =	vadd.f32 v33, v9  }
0x1c3: {  	v37 =	vadd.f32 v37, v6;
	v39 =	vadd.f32 v39, v7;
	[tilespmem:s6+$0x11A10] =	vst v45  }
0x1c4: {  	v35 =	vadd.f32 v35, v4;
	v38 =	vadd.f32 v38, v5;
	[tilespmem:s6+$0x11A20] =	vst v42  }
0x1c5: {  	v34 =	vadd.f32 v34, v2;
	v36 =	vadd.f32 v36, v3;
	[tilespmem:s6+$0x11A30] =	vst v46  }
0x1c6: {  	v32 =	vadd.f32 v32, v0;
	v33 =	vadd.f32 v33, v1;
	[tilespmem:s6+$0x11A40] =	vst v47  }
0x1c7: {  	[tilespmem:s6+$0x11A50] =	vst v48  }
0x1c8: {  	[tilespmem:s6+$0x11A60] =	vst v49  }
0x1c9: {  	[tilespmem:s6+$0x11A70] =	vst v44  }
0x1ca: {  	[tilespmem:s6+$0x14200] =	vst v50  }
0x1cb: {  	[tilespmem:s6+$0x14210] =	vst v41  }
0x1cc: {  	[tilespmem:s6+$0x14220] =	vst v51  }
.Ltmp5:
0x1cd: {  	[tilespmem:s6+$0x14230] =	vst v40;
	(pc) =	sbr.rel @p1 .LBB2_9-.Ltmp5, $4  }
0x1ce: {  	[tilespmem:s6+$0x14240] =	vst v52  }
0x1cf: {  	[tilespmem:s6+$0x14250] =	vst v43  }
0x1d0: {  	[tilespmem:s6+$0x14260] =	vst v53  }
0x1d1: {  	s7 =	sshra.s32 s8, $0x2;
	s8 =	sadd.s32 $0x200, s8;
	[tilespmem:s6+$0x14270] =	vst v39  }
0x1d2: {  	v39 =	vld [tilespmem:s7+$0x2A70];
	[tilespmem:s6+$0x16A00] =	vst v37  }
0x1d3: {  	v37 =	vld [tilespmem:s7+$0x2A00];
	[tilespmem:s6+$0x16A10] =	vst v38  }
0x1d4: {  	v38 =	vld [tilespmem:s7+$0x2A10];
	[tilespmem:s6+$0x16A20] =	vst v35  }
0x1d5: {  	v35 =	vld [tilespmem:s7+$0x2A20];
	[tilespmem:s6+$0x16A30] =	vst v36  }
0x1d6: {  	v36 =	vld [tilespmem:s7+$0x2A30];
	[tilespmem:s6+$0x16A40] =	vst v34  }
0x1d7: {  	v34 =	vld [tilespmem:s7+$0x2A40];
	[tilespmem:s6+$0x16A50] =	vst v33;
	v40 =	vadd.f32 v39, v31  }
0x1d8: {  	v63 =	vadd.f32 v39, v24;
	v33 =	vld [tilespmem:s7+$0x2A50];
	[tilespmem:s6+$0x16A60] =	vst v32  }
0x1d9: {  	v52 =	vadd.f32 v39, v15;
	[tilespmem:s7+$0x16A70] =	vst v40  }
0x1da: {  	v39 =	vadd.f32 v39, v7;
	[tilespmem:s7+$0xF270] =	vst v63  }
0x1db: {  	v57 =	vadd.f32 v37, v30;
	[tilespmem:s7+$0x11A70] =	vst v52  }
0x1dc: {  	v45 =	vadd.f32 v37, v22;
	[tilespmem:s7+$0x14270] =	vst v39  }
0x1dd: {  	v53 =	vadd.f32 v37, v14;
	[tilespmem:s7+$0xF200] =	vst v57  }
0x1de: {  	v42 =	vadd.f32 v38, v29;
	[tilespmem:s7+$0x11A00] =	vst v45  }
0x1df: {  	v46 =	vadd.f32 v38, v21;
	[tilespmem:s7+$0x14200] =	vst v53  }
0x1e0: {  	v54 =	vadd.f32 v38, v13;
	[tilespmem:s7+$0xF210] =	vst v42  }
0x1e1: {  	v58 =	vadd.f32 v35, v28;
	[tilespmem:s7+$0x11A10] =	vst v46  }
0x1e2: {  	v47 =	vadd.f32 v35, v20;
	[tilespmem:s7+$0x14210] =	vst v54  }
0x1e3: {  	v55 =	vadd.f32 v35, v12;
	[tilespmem:s7+$0xF220] =	vst v58  }
0x1e4: {  	v35 =	vadd.f32 v35, v4;
	[tilespmem:s7+$0x11A20] =	vst v47  }
0x1e5: {  	v59 =	vadd.f32 v36, v27;
	[tilespmem:s7+$0x14220] =	vst v55  }
0x1e6: {  	v48 =	vadd.f32 v36, v19;
	[tilespmem:s7+$0x16A20] =	vst v35  }
0x1e7: {  	v56 =	vadd.f32 v36, v11;
	[tilespmem:s7+$0xF230] =	vst v59  }
0x1e8: {  	v60 =	vadd.f32 v34, v26;
	[tilespmem:s7+$0x11A30] =	vst v48  }
0x1e9: {  	v49 =	vadd.f32 v34, v18;
	[tilespmem:s7+$0x14230] =	vst v56  }
0x1ea: {  	v57 =	vadd.f32 v34, v10;
	[tilespmem:s7+$0xF240] =	vst v60  }
0x1eb: {  	v41 =	vld [tilespmem:s7+$0x2A60];
	v34 =	vadd.f32 v34, v2;
	[tilespmem:s7+$0x11A40] =	vst v49  }
0x1ec: {  	v61 =	vadd.f32 v33, v25;
	[tilespmem:s7+$0x14240] =	vst v57  }
0x1ed: {  	v50 =	vadd.f32 v33, v17;
	[tilespmem:s7+$0x16A40] =	vst v34  }
0x1ee: {  	v58 =	vadd.f32 v33, v9;
	[tilespmem:s7+$0xF250] =	vst v61  }
0x1ef: {  	v33 =	vadd.f32 v33, v1;
	[tilespmem:s7+$0x11A50] =	vst v50  }
0x1f0: {  	v62 =	vadd.f32 v41, v23;
	[tilespmem:s7+$0x14250] =	vst v58  }
0x1f1: {  	v51 =	vadd.f32 v41, v16;
	[tilespmem:s7+$0x16A50] =	vst v33  }
0x1f2: {  	v59 =	vadd.f32 v41, v8;
	[tilespmem:s7+$0xF260] =	vst v62  }
0x1f3: {  	v60 =	vadd.f32 v37, v6;
	[tilespmem:s7+$0x11A60] =	vst v51  }
0x1f4: {  	p1 =	seq.s32 s18, $0x12;
	v63 =	vadd.f32 v41, v0;
	[tilespmem:s7+$0x14260] =	vst v59  }
.Ltmp6:
0x1f5: {  	v61 =	vadd.f32 v38, v5;
	[tilespmem:s7+$0x16A00] =	vst v60;
	(pc) =	sbr.rel @p1 .LBB2_12-.Ltmp6, $4  }
0x1f6: {  	v62 =	vadd.f32 v36, v3;
	[tilespmem:s7+$0x16A60] =	vst v63  }
0x1f7: {  	[tilespmem:s7+$0x16A10] =	vst v61  }
0x1f8: {  	s20 =	sadd.s32 s22, s20;
	[tilespmem:s7+$0x16A30] =	vst v62  }
0x1f9: {  	[hbm4b:s20+s28] =	stream.strided.scatter [tilespmem:s2], [sflag:$0x4], $0xA000, s29, s28, $0x38;
	[tilespmem:$0x19200] =	vst v63  }
.Ltmp7:
0x1fa: {  	s6 =	sadd.s32 s14, s19;
	(pc) =	sbr.rel .LBB2_6-.Ltmp7, $3  }
0x1fb: {  	s6 =	smul.u32 $0x500, s6;
	_ =	sdelay $0x1  }
0x1fc: {  	s18 =	sadd.s32 $0x1, s18;
	s6 =	sadd.s32 s1, s6  }
0x1fd: {  	[tilespmem:s25], [sflag:$0x2] =	stream.linear.gather [hbm4b:s6+s4], $0x2800, $0x38;
	[tilespmem:$0x19200] =	vst v63  }
.LBB2_12:
0x1fe: {  	_ =	swait.ge [sflag:s26], $0x2800  }
0x1ff: {  	[sflag:s26] =	ssyncset.done $0x0  }
0x200: {  	[sflag:s26] =	ssyncadd.s32 $0xFFFFD800  }
0x201: {  	_ =	swait.ge [sflag:s0], $0xA000  }
0x202: {  	[sflag:s0] =	ssyncset.done $0x0  }
0x203: {  	s6 =	simm.s32 $0x0;
	[sflag:s0] =	ssyncadd.s32 $0xFFFF6000  }
0x204: {  	v32 =	vld [tilespmem:s6+$0x270]  }
0x205: {  	v33 =	vld [tilespmem:s6+$0x200]  }
0x206: {  	v34 =	vld [tilespmem:s6+$0x210]  }
0x207: {  	v35 =	vld [tilespmem:s6+$0x220]  }
0x208: {  	v36 =	vld [tilespmem:s6+$0x230]  }
0x209: {  	v39 =	vld [tilespmem:s6+$0x240];
	v37 =	vadd.f32 v32, v31  }
0x20a: {  	v40 =	vld [tilespmem:s6+$0x250];
	v38 =	vadd.f32 v33, v30  }
0x20b: {  	v41 =	vld [tilespmem:s6+$0x260];
	v42 =	vadd.f32 v34, v29;
	[tilespmem:s6+$0xCA70] =	vst v37  }
0x20c: {  	v44 =	vadd.f32 v35, v28;
	[tilespmem:s6+$0x5200] =	vst v38  }
0x20d: {  	v45 =	vadd.f32 v36, v27;
	[tilespmem:s6+$0x5210] =	vst v42  }
0x20e: {  	v46 =	vadd.f32 v39, v26;
	[tilespmem:s6+$0x5220] =	vst v44  }
0x20f: {  	v47 =	vadd.f32 v40, v25;
	[tilespmem:s6+$0x5230] =	vst v45  }
0x210: {  	v48 =	vadd.f32 v41, v23;
	[tilespmem:s6+$0x5240] =	vst v46  }
0x211: {  	v49 =	vadd.f32 v32, v24;
	[tilespmem:s6+$0x5250] =	vst v47  }
0x212: {  	v50 =	vadd.f32 v33, v22;
	[tilespmem:s6+$0x5260] =	vst v48  }
0x213: {  	v51 =	vadd.f32 v34, v21;
	[tilespmem:s6+$0x5270] =	vst v49  }
0x214: {  	v52 =	vadd.f32 v35, v20;
	[tilespmem:s6+$0x7A00] =	vst v50  }
0x215: {  	v53 =	vadd.f32 v36, v19;
	[tilespmem:s6+$0x7A10] =	vst v51  }
0x216: {  	v54 =	vadd.f32 v39, v18;
	[tilespmem:s6+$0x7A20] =	vst v52  }
0x217: {  	v55 =	vadd.f32 v40, v17;
	[tilespmem:s6+$0x7A30] =	vst v53  }
0x218: {  	v56 =	vadd.f32 v41, v16;
	[tilespmem:s6+$0x7A40] =	vst v54  }
0x219: {  	v57 =	vadd.f32 v32, v15;
	[tilespmem:s6+$0x7A50] =	vst v55  }
0x21a: {  	v58 =	vadd.f32 v33, v14;
	[tilespmem:s6+$0x7A60] =	vst v56  }
0x21b: {  	v59 =	vadd.f32 v34, v13;
	[tilespmem:s6+$0x7A70] =	vst v57  }
0x21c: {  	v60 =	vadd.f32 v35, v12;
	[tilespmem:s6+$0xA200] =	vst v58  }
0x21d: {  	v61 =	vadd.f32 v36, v11;
	[tilespmem:s6+$0xA210] =	vst v59  }
0x21e: {  	v62 =	vadd.f32 v39, v10;
	[tilespmem:s6+$0xA220] =	vst v60  }
0x21f: {  	v43 =	vadd.f32 v40, v9;
	v63 =	vadd.f32 v32, v7;
	[tilespmem:s6+$0xA230] =	vst v61  }
0x220: {  	v35 =	vadd.f32 v35, v4;
	v36 =	vadd.f32 v36, v3;
	[tilespmem:s6+$0xA240] =	vst v62  }
0x221: {  	v32 =	vadd.f32 v41, v0;
	v44 =	vadd.f32 v41, v8;
	[tilespmem:s6+$0xA250] =	vst v43  }
0x222: {  	v37 =	vadd.f32 v33, v6;
	v38 =	vadd.f32 v34, v5;
	[tilespmem:s6+$0xA270] =	vst v63  }
0x223: {  	s7 =	simm.s32 $0x80;
	s8 =	simm.s32 $0x400;
	v34 =	vadd.f32 v39, v2;
	v33 =	vadd.f32 v40, v1;
	[tilespmem:s6+$0xA260] =	vst v44  }
.LBB2_13:
0x224: {  	p1 =	sne.s32 s8, $0x9E00;
	v39 =	vld [tilespmem:s7+$0x270];
	[tilespmem:s6+$0xCA00] =	vst v37  }
0x225: {  	v37 =	vld [tilespmem:s7+$0x200];
	[tilespmem:s6+$0xCA10] =	vst v38  }
0x226: {  	v38 =	vld [tilespmem:s7+$0x210];
	[tilespmem:s6+$0xCA20] =	vst v35  }
0x227: {  	v35 =	vld [tilespmem:s7+$0x220];
	[tilespmem:s6+$0xCA30] =	vst v36  }
0x228: {  	v36 =	vld [tilespmem:s7+$0x230];
	[tilespmem:s6+$0xCA40] =	vst v34  }
0x229: {  	v34 =	vld [tilespmem:s7+$0x240];
	v40 =	vadd.f32 v39, v24;
	v41 =	vadd.f32 v39, v31;
	[tilespmem:s6+$0xCA50] =	vst v33  }
0x22a: {  	v33 =	vld [tilespmem:s7+$0x250];
	v42 =	vadd.f32 v37, v30;
	v43 =	vadd.f32 v37, v22;
	[tilespmem:s6+$0xCA60] =	vst v32;
	s6 =	smov.u32 s7  }
0x22b: {  	v32 =	vld [tilespmem:s6+$0x260];
	v44 =	vadd.f32 v38, v29;
	v45 =	vadd.f32 v38, v21;
	[tilespmem:s6+$0xCA70] =	vst v41  }
0x22c: {  	[tilespmem:s6+$0x5200] =	vst v42;
	v41 =	vadd.f32 v35, v28;
	v42 =	vadd.f32 v35, v20  }
0x22d: {  	[tilespmem:s6+$0x5210] =	vst v44;
	v44 =	vadd.f32 v36, v27;
	v46 =	vadd.f32 v36, v19  }
0x22e: {  	[tilespmem:s6+$0x5220] =	vst v41;
	v41 =	vadd.f32 v34, v26;
	v47 =	vadd.f32 v34, v18  }
0x22f: {  	[tilespmem:s6+$0x5230] =	vst v44;
	v44 =	vadd.f32 v33, v25;
	v48 =	vadd.f32 v33, v17  }
0x230: {  	[tilespmem:s6+$0x5240] =	vst v41;
	v41 =	vadd.f32 v32, v23;
	v49 =	vadd.f32 v32, v16  }
0x231: {  	v50 =	vadd.f32 v37, v14;
	[tilespmem:s6+$0x5250] =	vst v44;
	v44 =	vadd.f32 v39, v15  }
0x232: {  	v51 =	vadd.f32 v35, v12;
	[tilespmem:s6+$0x5260] =	vst v41;
	v41 =	vadd.f32 v38, v13  }
0x233: {  	v52 =	vadd.f32 v34, v10;
	[tilespmem:s6+$0x5270] =	vst v40;
	v40 =	vadd.f32 v36, v11  }
0x234: {  	v53 =	vadd.f32 v32, v8;
	[tilespmem:s6+$0x7A00] =	vst v43;
	v43 =	vadd.f32 v33, v9  }
0x235: {  	v37 =	vadd.f32 v37, v6;
	v39 =	vadd.f32 v39, v7;
	[tilespmem:s6+$0x7A10] =	vst v45  }
0x236: {  	v35 =	vadd.f32 v35, v4;
	v38 =	vadd.f32 v38, v5;
	[tilespmem:s6+$0x7A20] =	vst v42  }
0x237: {  	v34 =	vadd.f32 v34, v2;
	v36 =	vadd.f32 v36, v3;
	[tilespmem:s6+$0x7A30] =	vst v46  }
0x238: {  	v32 =	vadd.f32 v32, v0;
	v33 =	vadd.f32 v33, v1;
	[tilespmem:s6+$0x7A40] =	vst v47  }
0x239: {  	[tilespmem:s6+$0x7A50] =	vst v48  }
0x23a: {  	[tilespmem:s6+$0x7A60] =	vst v49  }
0x23b: {  	[tilespmem:s6+$0x7A70] =	vst v44  }
0x23c: {  	[tilespmem:s6+$0xA200] =	vst v50  }
0x23d: {  	[tilespmem:s6+$0xA210] =	vst v41  }
0x23e: {  	[tilespmem:s6+$0xA220] =	vst v51  }
.Ltmp8:
0x23f: {  	[tilespmem:s6+$0xA230] =	vst v40;
	(pc) =	sbr.rel @p1 .LBB2_13-.Ltmp8, $4  }
0x240: {  	[tilespmem:s6+$0xA240] =	vst v52  }
0x241: {  	[tilespmem:s6+$0xA250] =	vst v43  }
0x242: {  	[tilespmem:s6+$0xA260] =	vst v53  }
0x243: {  	s7 =	sshra.s32 s8, $0x2;
	s8 =	sadd.s32 $0x200, s8;
	[tilespmem:s6+$0xA270] =	vst v39  }
0x244: {  	v39 =	vld [tilespmem:s7+$0x270];
	[tilespmem:s6+$0xCA00] =	vst v37  }
0x245: {  	v37 =	vld [tilespmem:s7+$0x200];
	[tilespmem:s6+$0xCA10] =	vst v38  }
0x246: {  	v38 =	vld [tilespmem:s7+$0x210];
	[tilespmem:s6+$0xCA20] =	vst v35  }
0x247: {  	v35 =	vld [tilespmem:s7+$0x220];
	[tilespmem:s6+$0xCA30] =	vst v36  }
0x248: {  	v36 =	vld [tilespmem:s7+$0x230];
	[tilespmem:s6+$0xCA40] =	vst v34  }
0x249: {  	v34 =	vld [tilespmem:s7+$0x240];
	[tilespmem:s6+$0xCA50] =	vst v33;
	v40 =	vadd.f32 v39, v31  }
0x24a: {  	v63 =	vadd.f32 v39, v24;
	v33 =	vld [tilespmem:s7+$0x250];
	[tilespmem:s6+$0xCA60] =	vst v32  }
0x24b: {  	v52 =	vadd.f32 v39, v15;
	[tilespmem:s7+$0xCA70] =	vst v40  }
0x24c: {  	v39 =	vadd.f32 v39, v7;
	[tilespmem:s7+$0x5270] =	vst v63  }
0x24d: {  	v57 =	vadd.f32 v37, v30;
	[tilespmem:s7+$0x7A70] =	vst v52  }
0x24e: {  	v45 =	vadd.f32 v37, v22;
	[tilespmem:s7+$0xA270] =	vst v39  }
0x24f: {  	v53 =	vadd.f32 v37, v14;
	[tilespmem:s7+$0x5200] =	vst v57  }
0x250: {  	v42 =	vadd.f32 v38, v29;
	[tilespmem:s7+$0x7A00] =	vst v45  }
0x251: {  	v46 =	vadd.f32 v38, v21;
	[tilespmem:s7+$0xA200] =	vst v53  }
0x252: {  	v54 =	vadd.f32 v38, v13;
	[tilespmem:s7+$0x5210] =	vst v42  }
0x253: {  	v58 =	vadd.f32 v35, v28;
	[tilespmem:s7+$0x7A10] =	vst v46  }
0x254: {  	v47 =	vadd.f32 v35, v20;
	[tilespmem:s7+$0xA210] =	vst v54  }
0x255: {  	v55 =	vadd.f32 v35, v12;
	[tilespmem:s7+$0x5220] =	vst v58  }
0x256: {  	v35 =	vadd.f32 v35, v4;
	[tilespmem:s7+$0x7A20] =	vst v47  }
0x257: {  	v59 =	vadd.f32 v36, v27;
	[tilespmem:s7+$0xA220] =	vst v55  }
0x258: {  	v48 =	vadd.f32 v36, v19;
	[tilespmem:s7+$0xCA20] =	vst v35  }
0x259: {  	v56 =	vadd.f32 v36, v11;
	[tilespmem:s7+$0x5230] =	vst v59  }
0x25a: {  	v60 =	vadd.f32 v34, v26;
	[tilespmem:s7+$0x7A30] =	vst v48  }
0x25b: {  	v49 =	vadd.f32 v34, v18;
	[tilespmem:s7+$0xA230] =	vst v56  }
0x25c: {  	v57 =	vadd.f32 v34, v10;
	[tilespmem:s7+$0x5240] =	vst v60  }
0x25d: {  	v41 =	vld [tilespmem:s7+$0x260];
	v34 =	vadd.f32 v34, v2;
	[tilespmem:s7+$0x7A40] =	vst v49  }
0x25e: {  	v61 =	vadd.f32 v33, v25;
	[tilespmem:s7+$0xA240] =	vst v57  }
0x25f: {  	v50 =	vadd.f32 v33, v17;
	[tilespmem:s7+$0xCA40] =	vst v34  }
0x260: {  	v58 =	vadd.f32 v33, v9;
	[tilespmem:s7+$0x5250] =	vst v61  }
0x261: {  	v33 =	vadd.f32 v33, v1;
	[tilespmem:s7+$0x7A50] =	vst v50  }
0x262: {  	v62 =	vadd.f32 v41, v23;
	[tilespmem:s7+$0xA250] =	vst v58  }
0x263: {  	v51 =	vadd.f32 v41, v16;
	[tilespmem:s7+$0xCA50] =	vst v33  }
0x264: {  	v59 =	vadd.f32 v41, v8;
	[tilespmem:s7+$0x5260] =	vst v62  }
0x265: {  	v60 =	vadd.f32 v37, v6;
	[tilespmem:s7+$0x7A60] =	vst v51  }
0x266: {  	v63 =	vadd.f32 v41, v0;
	[tilespmem:s7+$0xA260] =	vst v59  }
0x267: {  	v61 =	vadd.f32 v38, v5;
	[tilespmem:s7+$0xCA00] =	vst v60  }
0x268: {  	v62 =	vadd.f32 v36, v3;
	[tilespmem:s7+$0xCA60] =	vst v63  }
0x269: {  	[tilespmem:s7+$0xCA10] =	vst v61  }
0x26a: {  	[tilespmem:s7+$0xCA30] =	vst v62  }
0x26b: {  	[hbm4b:s15+s28] =	stream.strided.scatter [tilespmem:s30], [sflag:$0x3], $0xA000, s29, s28, $0x38;
	[tilespmem:$0x19200] =	vst v63  }
0x26c: {  	_ =	swait.ge [sflag:s0], $0xA000  }
.Ltmp9:
0x26d: {  	[sflag:s0] =	ssyncset.done $0x0;
	(pc) =	sbr.rel @p0 .LBB2_18-.Ltmp9, $4  }
0x26e: {  	[sflag:s0] =	ssyncadd.s32 $0xFFFF6000  }
0x26f: {  	_ =	swait.ge [sflag:s16], $0xA000  }
0x270: {  	[sflag:s16] =	ssyncset.done $0x0  }
0x271: {  	[sflag:s16] =	ssyncadd.s32 $0xFFFF6000  }
0x272: {  	s6 =	simm.s32 $0x0;
	s7 =	rddreg [dreg:$0x7]  }
0x273: {  	[tilespmem:s24], [sflag:$0x5] =	stream.linear.gather [hbm4b:s7+s6], $0x400, $0x38;
	[tilespmem:$0x19200] =	vst v63  }
0x274: {  	_ =	swait.ge [sflag:s23], $0x400  }
0x275: {  	[sflag:s23] =	ssyncset.done $0x0  }
0x276: {  	s6 =	simm.s32 $0x0;
	[sflag:s23] =	ssyncadd.s32 $0xFFFFFC00  }
0x277: {  	v32 =	vld [tilespmem:s6+$0x270]  }
0x278: {  	v33 =	vld [tilespmem:s6+$0x200]  }
0x279: {  	v34 =	vld [tilespmem:s6+$0x210]  }
0x27a: {  	v35 =	vld [tilespmem:s6+$0x220]  }
0x27b: {  	v36 =	vld [tilespmem:s6+$0x230]  }
0x27c: {  	v39 =	vld [tilespmem:s6+$0x240];
	v37 =	vadd.f32 v32, v31  }
0x27d: {  	v40 =	vld [tilespmem:s6+$0x250];
	v38 =	vadd.f32 v33, v30  }
0x27e: {  	v41 =	vld [tilespmem:s6+$0x260];
	v42 =	vadd.f32 v34, v29;
	[tilespmem:s6+$0xCA70] =	vst v37  }
0x27f: {  	v44 =	vadd.f32 v35, v28;
	[tilespmem:s6+$0x5200] =	vst v38  }
0x280: {  	v45 =	vadd.f32 v36, v27;
	[tilespmem:s6+$0x5210] =	vst v42  }
0x281: {  	v46 =	vadd.f32 v39, v26;
	[tilespmem:s6+$0x5220] =	vst v44  }
0x282: {  	v47 =	vadd.f32 v40, v25;
	[tilespmem:s6+$0x5230] =	vst v45  }
0x283: {  	v48 =	vadd.f32 v41, v23;
	[tilespmem:s6+$0x5240] =	vst v46  }
0x284: {  	v49 =	vadd.f32 v32, v24;
	[tilespmem:s6+$0x5250] =	vst v47  }
0x285: {  	v50 =	vadd.f32 v33, v22;
	[tilespmem:s6+$0x5260] =	vst v48  }
0x286: {  	v51 =	vadd.f32 v34, v21;
	[tilespmem:s6+$0x5270] =	vst v49  }
0x287: {  	v52 =	vadd.f32 v35, v20;
	[tilespmem:s6+$0x7A00] =	vst v50  }
0x288: {  	v53 =	vadd.f32 v36, v19;
	[tilespmem:s6+$0x7A10] =	vst v51  }
0x289: {  	v54 =	vadd.f32 v39, v18;
	[tilespmem:s6+$0x7A20] =	vst v52  }
0x28a: {  	v55 =	vadd.f32 v40, v17;
	[tilespmem:s6+$0x7A30] =	vst v53  }
0x28b: {  	v56 =	vadd.f32 v41, v16;
	[tilespmem:s6+$0x7A40] =	vst v54  }
0x28c: {  	v57 =	vadd.f32 v32, v15;
	[tilespmem:s6+$0x7A50] =	vst v55  }
0x28d: {  	v58 =	vadd.f32 v33, v14;
	[tilespmem:s6+$0x7A60] =	vst v56  }
0x28e: {  	v59 =	vadd.f32 v34, v13;
	[tilespmem:s6+$0x7A70] =	vst v57  }
0x28f: {  	v60 =	vadd.f32 v35, v12;
	[tilespmem:s6+$0xA200] =	vst v58  }
0x290: {  	v61 =	vadd.f32 v36, v11;
	[tilespmem:s6+$0xA210] =	vst v59  }
0x291: {  	v62 =	vadd.f32 v39, v10;
	[tilespmem:s6+$0xA220] =	vst v60  }
0x292: {  	v43 =	vadd.f32 v40, v9;
	v63 =	vadd.f32 v32, v7;
	[tilespmem:s6+$0xA230] =	vst v61  }
0x293: {  	v35 =	vadd.f32 v35, v4;
	v36 =	vadd.f32 v36, v3;
	[tilespmem:s6+$0xA240] =	vst v62  }
0x294: {  	v32 =	vadd.f32 v41, v0;
	v44 =	vadd.f32 v41, v8;
	[tilespmem:s6+$0xA250] =	vst v43  }
0x295: {  	v37 =	vadd.f32 v33, v6;
	v38 =	vadd.f32 v34, v5;
	[tilespmem:s6+$0xA270] =	vst v63  }
0x296: {  	s8 =	simm.s32 $0x400;
	s7 =	simm.s32 $0x80;
	v34 =	vadd.f32 v39, v2;
	v33 =	vadd.f32 v40, v1;
	[tilespmem:s6+$0xA260] =	vst v44  }
.LBB2_16:
0x297: {  	p1 =	sne.s32 s8, $0xE00;
	v39 =	vld [tilespmem:s7+$0x270];
	[tilespmem:s6+$0xCA00] =	vst v37  }
0x298: {  	v37 =	vld [tilespmem:s7+$0x200];
	[tilespmem:s6+$0xCA10] =	vst v38  }
0x299: {  	v38 =	vld [tilespmem:s7+$0x210];
	[tilespmem:s6+$0xCA20] =	vst v35  }
0x29a: {  	v35 =	vld [tilespmem:s7+$0x220];
	[tilespmem:s6+$0xCA30] =	vst v36  }
0x29b: {  	v36 =	vld [tilespmem:s7+$0x230];
	[tilespmem:s6+$0xCA40] =	vst v34  }
0x29c: {  	v34 =	vld [tilespmem:s7+$0x240];
	v40 =	vadd.f32 v39, v24;
	v41 =	vadd.f32 v39, v31;
	[tilespmem:s6+$0xCA50] =	vst v33  }
0x29d: {  	v33 =	vld [tilespmem:s7+$0x250];
	v42 =	vadd.f32 v37, v30;
	v43 =	vadd.f32 v37, v22;
	[tilespmem:s6+$0xCA60] =	vst v32;
	s6 =	smov.u32 s7  }
0x29e: {  	v32 =	vld [tilespmem:s6+$0x260];
	v44 =	vadd.f32 v38, v29;
	v45 =	vadd.f32 v38, v21;
	[tilespmem:s6+$0xCA70] =	vst v41  }
0x29f: {  	[tilespmem:s6+$0x5200] =	vst v42;
	v41 =	vadd.f32 v35, v28;
	v42 =	vadd.f32 v35, v20  }
0x2a0: {  	[tilespmem:s6+$0x5210] =	vst v44;
	v44 =	vadd.f32 v36, v27;
	v46 =	vadd.f32 v36, v19  }
0x2a1: {  	[tilespmem:s6+$0x5220] =	vst v41;
	v41 =	vadd.f32 v34, v26;
	v47 =	vadd.f32 v34, v18  }
0x2a2: {  	[tilespmem:s6+$0x5230] =	vst v44;
	v44 =	vadd.f32 v33, v25;
	v48 =	vadd.f32 v33, v17  }
0x2a3: {  	[tilespmem:s6+$0x5240] =	vst v41;
	v41 =	vadd.f32 v32, v23;
	v49 =	vadd.f32 v32, v16  }
0x2a4: {  	v50 =	vadd.f32 v37, v14;
	[tilespmem:s6+$0x5250] =	vst v44;
	v44 =	vadd.f32 v39, v15  }
0x2a5: {  	v51 =	vadd.f32 v35, v12;
	[tilespmem:s6+$0x5260] =	vst v41;
	v41 =	vadd.f32 v38, v13  }
0x2a6: {  	v52 =	vadd.f32 v34, v10;
	[tilespmem:s6+$0x5270] =	vst v40;
	v40 =	vadd.f32 v36, v11  }
0x2a7: {  	v53 =	vadd.f32 v32, v8;
	[tilespmem:s6+$0x7A00] =	vst v43;
	v43 =	vadd.f32 v33, v9  }
0x2a8: {  	v37 =	vadd.f32 v37, v6;
	v39 =	vadd.f32 v39, v7;
	[tilespmem:s6+$0x7A10] =	vst v45  }
0x2a9: {  	v35 =	vadd.f32 v35, v4;
	v38 =	vadd.f32 v38, v5;
	[tilespmem:s6+$0x7A20] =	vst v42  }
0x2aa: {  	v34 =	vadd.f32 v34, v2;
	v36 =	vadd.f32 v36, v3;
	[tilespmem:s6+$0x7A30] =	vst v46  }
0x2ab: {  	v32 =	vadd.f32 v32, v0;
	v33 =	vadd.f32 v33, v1;
	[tilespmem:s6+$0x7A40] =	vst v47  }
0x2ac: {  	[tilespmem:s6+$0x7A50] =	vst v48  }
0x2ad: {  	[tilespmem:s6+$0x7A60] =	vst v49  }
0x2ae: {  	[tilespmem:s6+$0x7A70] =	vst v44  }
0x2af: {  	[tilespmem:s6+$0xA200] =	vst v50  }
0x2b0: {  	[tilespmem:s6+$0xA210] =	vst v41  }
0x2b1: {  	[tilespmem:s6+$0xA220] =	vst v51  }
.Ltmp10:
0x2b2: {  	[tilespmem:s6+$0xA230] =	vst v40;
	(pc) =	sbr.rel @p1 .LBB2_16-.Ltmp10, $4  }
0x2b3: {  	[tilespmem:s6+$0xA240] =	vst v52  }
0x2b4: {  	[tilespmem:s6+$0xA250] =	vst v43  }
0x2b5: {  	[tilespmem:s6+$0xA260] =	vst v53  }
0x2b6: {  	s7 =	sshra.s32 s8, $0x2;
	s8 =	sadd.s32 $0x200, s8;
	[tilespmem:s6+$0xA270] =	vst v39  }
0x2b7: {  	v39 =	vld [tilespmem:s7+$0x270];
	[tilespmem:s6+$0xCA00] =	vst v37  }
0x2b8: {  	v37 =	vld [tilespmem:s7+$0x200];
	[tilespmem:s6+$0xCA10] =	vst v38  }
0x2b9: {  	v38 =	vld [tilespmem:s7+$0x210];
	[tilespmem:s6+$0xCA20] =	vst v35  }
0x2ba: {  	v35 =	vld [tilespmem:s7+$0x220];
	[tilespmem:s6+$0xCA30] =	vst v36  }
0x2bb: {  	v36 =	vld [tilespmem:s7+$0x230];
	[tilespmem:s6+$0xCA40] =	vst v34  }
0x2bc: {  	v34 =	vld [tilespmem:s7+$0x240];
	[tilespmem:s6+$0xCA50] =	vst v33;
	v31 =	vadd.f32 v39, v31  }
0x2bd: {  	v24 =	vadd.f32 v39, v24;
	v33 =	vld [tilespmem:s7+$0x250];
	[tilespmem:s6+$0xCA60] =	vst v32  }
0x2be: {  	v15 =	vadd.f32 v39, v15;
	[tilespmem:s7+$0xCA70] =	vst v31  }
0x2bf: {  	v7 =	vadd.f32 v39, v7;
	[tilespmem:s7+$0x5270] =	vst v24  }
0x2c0: {  	v30 =	vadd.f32 v37, v30;
	[tilespmem:s7+$0x7A70] =	vst v15  }
0x2c1: {  	v22 =	vadd.f32 v37, v22;
	[tilespmem:s7+$0xA270] =	vst v7  }
0x2c2: {  	v14 =	vadd.f32 v37, v14;
	[tilespmem:s7+$0x5200] =	vst v30  }
0x2c3: {  	v6 =	vadd.f32 v37, v6;
	[tilespmem:s7+$0x7A00] =	vst v22  }
0x2c4: {  	v29 =	vadd.f32 v38, v29;
	[tilespmem:s7+$0xA200] =	vst v14  }
0x2c5: {  	v21 =	vadd.f32 v38, v21;
	[tilespmem:s7+$0xCA00] =	vst v6  }
0x2c6: {  	v13 =	vadd.f32 v38, v13;
	[tilespmem:s7+$0x5210] =	vst v29  }
0x2c7: {  	v5 =	vadd.f32 v38, v5;
	[tilespmem:s7+$0x7A10] =	vst v21  }
0x2c8: {  	v28 =	vadd.f32 v35, v28;
	[tilespmem:s7+$0xA210] =	vst v13  }
0x2c9: {  	v20 =	vadd.f32 v35, v20;
	[tilespmem:s7+$0xCA10] =	vst v5  }
0x2ca: {  	v12 =	vadd.f32 v35, v12;
	[tilespmem:s7+$0x5220] =	vst v28  }
0x2cb: {  	v4 =	vadd.f32 v35, v4;
	[tilespmem:s7+$0x7A20] =	vst v20  }
0x2cc: {  	v27 =	vadd.f32 v36, v27;
	[tilespmem:s7+$0xA220] =	vst v12  }
0x2cd: {  	v19 =	vadd.f32 v36, v19;
	[tilespmem:s7+$0xCA20] =	vst v4  }
0x2ce: {  	v11 =	vadd.f32 v36, v11;
	[tilespmem:s7+$0x5230] =	vst v27  }
0x2cf: {  	v3 =	vadd.f32 v36, v3;
	[tilespmem:s7+$0x7A30] =	vst v19  }
0x2d0: {  	v26 =	vadd.f32 v34, v26;
	[tilespmem:s7+$0xA230] =	vst v11  }
0x2d1: {  	v18 =	vadd.f32 v34, v18;
	[tilespmem:s7+$0xCA30] =	vst v3  }
0x2d2: {  	v10 =	vadd.f32 v34, v10;
	[tilespmem:s7+$0x5240] =	vst v26  }
0x2d3: {  	v32 =	vld [tilespmem:s7+$0x260];
	v2 =	vadd.f32 v34, v2;
	[tilespmem:s7+$0x7A40] =	vst v18  }
0x2d4: {  	v25 =	vadd.f32 v33, v25;
	[tilespmem:s7+$0xA240] =	vst v10  }
0x2d5: {  	v17 =	vadd.f32 v33, v17;
	[tilespmem:s7+$0xCA40] =	vst v2  }
0x2d6: {  	v9 =	vadd.f32 v33, v9;
	[tilespmem:s7+$0x5250] =	vst v25  }
0x2d7: {  	v1 =	vadd.f32 v33, v1;
	[tilespmem:s7+$0x7A50] =	vst v17  }
0x2d8: {  	v23 =	vadd.f32 v32, v23;
	[tilespmem:s7+$0xA250] =	vst v9  }
0x2d9: {  	v16 =	vadd.f32 v32, v16;
	[tilespmem:s7+$0xCA50] =	vst v1  }
0x2da: {  	v8 =	vadd.f32 v32, v8;
	[tilespmem:s7+$0x5260] =	vst v23  }
0x2db: {  	v0 =	vadd.f32 v32, v0;
	[tilespmem:s7+$0x7A60] =	vst v16  }
0x2dc: {  	[tilespmem:s7+$0xA260] =	vst v8  }
0x2dd: {  	s18 =	rddreg [dreg:$0x9];
	[tilespmem:s7+$0xCA60] =	vst v0  }
0x2de: {  	[hbm4b:s18+s4] =	stream.linear.scatter [tilespmem:s30], [sflag:$0x5], $0x400, $0x38;
	[tilespmem:$0x19200] =	vst v63  }
0x2df: {  	_ =	swait.ge [sflag:s23], $0x400  }
0x2e0: {  	[sflag:s23] =	ssyncset.done $0x0  }
0x2e1: {  	s20 =	simm.s32 $0x7A00;
	s19 =	rddreg [dreg:$0x8];
	[sflag:s23] =	ssyncadd.s32 $0xFFFFFC00  }
0x2e2: {  	[hbm4b:s19+s4] =	stream.linear.scatter [tilespmem:s20], [sflag:$0x5], $0x400, $0x38;
	[tilespmem:$0x19200] =	vst v63  }
0x2e3: {  	_ =	swait.ge [sflag:s23], $0x400  }
0x2e4: {  	[sflag:s23] =	ssyncset.done $0x0  }
0x2e5: {  	s18 =	simm.s32 $0xA200;
	s8 =	rddreg [dreg:$0xa];
	[sflag:s23] =	ssyncadd.s32 $0xFFFFFC00  }
0x2e6: {  	[hbm4b:s8+s4] =	stream.linear.scatter [tilespmem:s18], [sflag:$0x5], $0x400, $0x38;
	[tilespmem:$0x19200] =	vst v63  }
0x2e7: {  	_ =	swait.ge [sflag:s23], $0x400  }
0x2e8: {  	s20 =	simm.s32 $0xCA00;
	[sflag:s23] =	ssyncset.done $0x0  }
.Ltmp11:
0x2e9: {  	s19 =	rddreg [dreg:$0xb];
	[sflag:s23] =	ssyncadd.s32 $0xFFFFFC00;
	(pc) =	sbr.rel .LBB2_18-.Ltmp11, $4  }
0x2ea: {  	[hbm4b:s19+s4] =	stream.linear.scatter [tilespmem:s20], [sflag:$0x5], $0x400, $0x38;
	[tilespmem:$0x19200] =	vst v63  }
0x2eb: {  	_ =	swait.ge [sflag:s23], $0x400  }
0x2ec: {  	[sflag:s23] =	ssyncset.done $0x0  }
0x2ed: {  	[sflag:s23] =	ssyncadd.s32 $0xFFFFFC00  }
.LBB2_19:
0x2ee: {  	_ =	sfence.sel $0x180000  }
0x2ef: {  	[bflag:$0x0] =	sbarrier.arrive $0xFFFF  }
0x2f0: {  	_ =	strace $0x90000047  }
0x2f1: {  	s0 =	stileid.u32;
	[bflag:$0x2] =	sbarrier.arrive $0xFFFF  }
0x2f2: {  	p0 =	sne.s32 s0, $0x0;
	s0 =	rddreg [dreg:$0x3]  }
0x2f3: {  	s0 =	sadd.s32 @!p0 $0x100000, s0  }
0x2f4: {  	[sflag:s0] =	ssyncadd.tile.s32 @!p0 $0x1;
	_ =	shalt  }
.Lfunc_end2:
_tile_overlayer_lowered:
.L_overlay_start_2:
0x2f5: {  	(tag) =	ssettag $0x2  }
0x2f6: {  	s0 =	rddreg [dreg:$0x0];
	s2 =	stileid.u32  }
0x2f7: {  	s1 =	rddreg [dreg:$0x1];
	p0 =	sne.s32 s2, $0x0  }
0x2f8: {  	s3 =	rddreg [dreg:$0x2];
	[bflag:$0x3] =	sbarrier.arrive $0xFFFF;
	s2 =	simm.s32 @!p0 $0x1C05  }
0x2f9: {  	[timem:s3], [sflag:s2] =	dma.local @!p0 [hbm:s0], s1  }
0x2fa: {  	s0 =	simm.s32 @!p0 $0x5  }
0x2fb: {  	_ =	swait.ge @!p0 [sflag:s0], s1  }
0x2fc: {  	s1 =	ssub.s32 @!p0 $0x0, s1;
	[sflag:s0] =	ssyncset.done @!p0 $0x0  }
0x2fd: {  	[sflag:s0] =	ssyncadd.s32 @!p0 s1  }
0x2fe: {  	[bflag:$0x3] =	sbarrier.arrive $0xFFFF  }
0x2ff: {  	_ =	shalt  }

</sc_bundles>
